<compile_context>
chip_gen: v7x
topology: tpu7x:2x2x1
jax: 0.10.2.dev20260603
libtpu: 0.0.44.dev20260713+nightly
codegen_flags: <defaults>
</compile_context>

<pallas_src>
import functools

import jax
import jax.numpy as jnp
from jax import lax
from jax.experimental import pallas as pl
from jax.experimental.pallas import tpu as pltpu
from jax.experimental.pallas import tpu_sc as plsc

NE = 10000
NR = 32
D = 128
E = 320000
NPA = 10000

NC = 2
NS = 16
NW = NC * NS
K = 128
NB = E // K
ROWS_HOP = 632

_f32 = jnp.float32
_i32 = jnp.int32


_GATHER_DNUMS = lax.GatherDimensionNumbers(
    offset_dims=(), collapsed_slice_dims=(0,), start_index_map=(0,))


def _dyn_gather(v, idx):
    return lax.gather(v, idx[:, None], _GATHER_DNUMS, (1,),
                      mode=lax.GatherScatterMode.PROMISE_IN_BOUNDS)


def _lane_allsum(v):
    for sh in (1, 2, 4, 8):
        idx = lax.iota(_i32, 16) ^ sh
        v = v + _dyn_gather(v, idx)
    return v


def _compute_rel_idx(etbuf, ridx):
    for m in range(K // 16):
        sl = pl.ds(16 * m, 16)
        ridx[sl] = (etbuf[sl] + 31) & 31


@functools.partial(
    pl.kernel,
    mesh=plsc.VectorSubcoreMesh(core_axis_name="c", subcore_axis_name="s"),
    out_type=jax.ShapeDtypeStruct((E, 16), _f32),
    scratch_types=(
        [pltpu.VMEM((K,), _i32)] * 3
        + [pltpu.VMEM((K, D), _f32)] * 3
        + [pltpu.VMEM((K, 16), _f32)]
        + [pltpu.SemaphoreType.DMA] * 3
    ),
)
def _sc_score(emb_hbm, rel_hbm, eidx_hbm, et_hbm,
              ex_out,
              hidx, tidx, etbuf, hrows, trows, rrows, exbuf,
              s0, s1, s2):
    cid = lax.axis_index("c")
    sid = lax.axis_index("s")
    wid = sid * NC + cid
    count = (NB - wid + NW - 1) // NW

    def batch(gi, _):
        off = (wid + gi * NW) * K
        pltpu.sync_copy(eidx_hbm.at[0, pl.ds(off, K)], hidx)
        pltpu.sync_copy(eidx_hbm.at[1, pl.ds(off, K)], tidx)
        pltpu.sync_copy(et_hbm.at[pl.ds(off, K)], etbuf)
        _compute_rel_idx(etbuf, etbuf)
        c0 = pltpu.async_copy(emb_hbm.at[hidx], hrows, s0)
        c1 = pltpu.async_copy(emb_hbm.at[tidx], trows, s1)
        c2 = pltpu.async_copy(rel_hbm.at[etbuf], rrows, s2)
        c0.wait()
        c1.wait()
        c2.wait()

        def edge(e, _c):
            acc = jnp.zeros((16,), _f32)
            for j in range(D // 16):
                sl = pl.ds(16 * j, 16)
                acc = acc + hrows[e, sl] * (rrows[e, sl] * trows[e, sl])
            ss = _lane_allsum(acc)
            ss = jnp.minimum(jnp.maximum(ss, -75.0), 75.0)
            exbuf[e, :] = jnp.exp(ss)
            return _c
        lax.fori_loop(0, K, edge, 0)

        pltpu.sync_copy(exbuf, ex_out.at[pl.ds(off, K)])
        return _
    lax.fori_loop(0, count, batch, 0)


@functools.partial(
    pl.kernel,
    mesh=plsc.VectorSubcoreMesh(core_axis_name="c", subcore_axis_name="s",
                                num_cores=1),
    out_type=jax.ShapeDtypeStruct((NPA, D), _f32),
    scratch_types=(
        [pltpu.VMEM((K,), _i32)] * 6
        + [pltpu.VMEM((K, D), _f32)] * 2
        + [pltpu.VMEM((K, 16), _f32)]
        + [pltpu.VMEM_SHARED((NPA, D), _f32)]
        + [pltpu.SemaphoreType.DMA] * 3
    ),
)
def _sc_hop(cur_hbm, rel_hbm, eidx_hbm, et_hbm, ex_hbm,
            acc_out,
            hA, tA, eA, hB, tB, eB,
            trows, rrows, exbuf,
            acc_sh, s0, s1, s2):
    sid = lax.axis_index("s")

    def zrow(r, _):
        for j in range(D // 16):
            trows[r, pl.ds(16 * j, 16)] = jnp.zeros((16,), _f32)
        return 0
    lax.fori_loop(0, K, zrow, 0)
    base = sid * ROWS_HOP
    for i in range(4):
        pltpu.sync_copy(trows, acc_sh.at[pl.ds(base + i * K, K)])

    @pl.when(sid < NS - 1)
    def _z_full():
        pltpu.sync_copy(trows.at[pl.ds(0, 120)],
                        acc_sh.at[pl.ds(base + 4 * K, 120)])

    @pl.when(sid == NS - 1)
    def _z_last():
        pltpu.sync_copy(trows.at[pl.ds(0, 8)],
                        acc_sh.at[pl.ds(base + 4 * K, 8)])
    plsc.subcore_barrier()

    def fire_idx(off, idxbuf):
        hidx, tidx, etbuf = idxbuf[0], idxbuf[1], idxbuf[2]
        pltpu.sync_copy(eidx_hbm.at[0, pl.ds(off, K)], hidx)
        pltpu.sync_copy(eidx_hbm.at[1, pl.ds(off, K)], tidx)
        pltpu.sync_copy(et_hbm.at[pl.ds(off, K)], etbuf)

    def run_batch(off, idxbuf):
        hidx, tidx, etbuf = idxbuf
        _compute_rel_idx(etbuf, etbuf)
        c0 = pltpu.async_copy(ex_hbm.at[pl.ds(off, K)], exbuf, s0)
        c1 = pltpu.async_copy(cur_hbm.at[tidx], trows, s1)
        c2 = pltpu.async_copy(rel_hbm.at[etbuf], rrows, s2)
        c0.wait()
        c1.wait()
        c2.wait()

        def edge(e, _c):
            w = exbuf[e, :]
            for j in range(D // 16):
                sl = pl.ds(16 * j, 16)
                trows[e, sl] = w * (rrows[e, sl] * trows[e, sl])
            return _c
        lax.fori_loop(0, K, edge, 0)

        pltpu.sync_copy(trows, acc_sh.at[hidx], add=True)

    idxA = (hA, tA, eA)

    def one(i, carry):
        off = (sid + i * NS) * K
        fire_idx(off, idxA)
        run_batch(off, idxA)
        return carry
    nb_w = (NB - sid + NS - 1) // NS
    lax.fori_loop(0, nb_w, one, 0)

    plsc.subcore_barrier()
    for i in range(4):
        pltpu.sync_copy(acc_sh.at[pl.ds(base + i * K, K)], trows)
        pltpu.sync_copy(trows, acc_out.at[pl.ds(base + i * K, K)])

    @pl.when(sid < NS - 1)
    def _r_full():
        pltpu.sync_copy(acc_sh.at[pl.ds(base + 4 * K, 120)],
                        trows.at[pl.ds(0, 120)])
        pltpu.sync_copy(trows.at[pl.ds(0, 120)],
                        acc_out.at[pl.ds(base + 4 * K, 120)])

    @pl.when(sid == NS - 1)
    def _r_last():
        pltpu.sync_copy(acc_sh.at[pl.ds(base + 4 * K, 8)],
                        trows.at[pl.ds(0, 8)])
        pltpu.sync_copy(trows.at[pl.ds(0, 8)],
                        acc_out.at[pl.ds(base + 4 * K, 8)])


def _tc_norm_body(a_ref, base_ref, cur_ref, res_ref):
    a = a_ref[...]
    m = jnp.max(jnp.abs(a), axis=1, keepdims=True)
    y = a / jnp.maximum(m, 1e-30)
    n = jnp.sqrt(jnp.sum(y * y, axis=1, keepdims=True))
    c = y / jnp.maximum(n, 1e-12)
    cur_ref[...] = c
    res_ref[...] = base_ref[...] + c


def _tc_norm(acc, base):
    BR = 2000
    spec = pl.BlockSpec((BR, D), lambda i: (i, 0))
    return pl.pallas_call(
        _tc_norm_body,
        grid=(5,),
        in_specs=[spec, spec],
        out_specs=[spec, spec],
        out_shape=[jax.ShapeDtypeStruct((NPA, D), _f32)] * 2,
    )(acc, base)


def kernel(entity_emb, relation_emb, edge_index, edge_type):
    ex16 = _sc_score(entity_emb, relation_emb, edge_index, edge_type)
    acc1 = _sc_hop(entity_emb, relation_emb, edge_index, edge_type, ex16)
    cur1, res1 = _tc_norm(acc1, entity_emb)
    acc2 = _sc_hop(cur1, relation_emb, edge_index, edge_type, ex16)
    _, res = _tc_norm(acc2, res1)
    return res

# --- scband reference (transcript-rebuilt; emitter-appended) ---
"""Pipeline reference for scband-graph-conv-79216376807728 (READ-ONLY COPY).

The authoritative reference and input builder live on the scoring server;
editing this copy changes nothing except your own understanding.
"""

import jax, jax.numpy as jnp
import numpy as np

N_ENTITIES = 10000
N_RELATIONS = 32
D_FEAT = 128
N_EDGES = 320000
N_HOPS = 2


def setup_inputs(seed: int = 0) -> dict:
    key = jax.random.key(seed)
    k1, k2, k3, k4 = jax.random.split(key, 4)
    entity_emb = jax.random.normal(k1, (N_ENTITIES, D_FEAT), dtype=jnp.float32)
    relation_emb = jax.random.normal(k2, (N_RELATIONS, D_FEAT), dtype=jnp.float32)
    edge_index = jax.random.randint(k3, (2, N_EDGES), 0, N_ENTITIES, dtype=jnp.int32)
    edge_type = jax.random.randint(k4, (N_EDGES,), 0, N_RELATIONS, dtype=jnp.int32)
    return {"entity_emb": entity_emb, "relation_emb": relation_emb, "edge_index": edge_index, "edge_type": edge_type}


def _scatter_softmax(scores, index, num_segments):
    seg_max = jax.ops.segment_max(scores, index, num_segments=num_segments)
    seg_max = jnp.where(jnp.isfinite(seg_max), seg_max, 0.0)
    seg_max = jax.lax.stop_gradient(seg_max)
    ex = jnp.exp(scores - seg_max[index])
    seg_sum = jax.ops.segment_sum(ex, index, num_segments=num_segments)
    return ex / seg_sum[index]


def _normalize(x):
    n = jnp.linalg.norm(x, axis=-1, keepdims=True)
    return x / jnp.maximum(n, 1e-12)


def reference(entity_emb, relation_emb, edge_index, edge_type):
    # GraphConv.forward with mess_dropout acting as eval-mode identity, node_dropout=False
    n_entities = entity_emb.shape[0]
    n_relations = relation_emb.shape[0]
    head = edge_index[0]
    tail = edge_index[1]
    # torch's relation_emb[edge_type - 1] wraps negatives; (edge_type - 1) % n_relations is equivalent
    rel_idx = (edge_type - 1) % n_relations
    rel_e = relation_emb[rel_idx]
    kg_score = jnp.sum(entity_emb[head] * rel_e * entity_emb[tail], axis=-1)
    kg_score = _scatter_softmax(kg_score, head, n_entities)
    entity_res_emb = entity_emb
    cur = entity_emb
    for _ in range(N_HOPS):
        neigh_emb = kg_score[:, None] * (rel_e * cur[tail])
        entity_agg = jax.ops.segment_sum(neigh_emb, head, num_segments=n_entities)
        # mess_dropout -> identity in eval mode
        cur = _normalize(entity_agg)
        entity_res_emb = entity_res_emb + cur
    return entity_res_emb

if __name__ == "__main__":
    import jax
    _d = setup_inputs()
    print(jax.jit(kernel)(*tuple(_d.values())))

</pallas_src>

<mosaic_0001>
#map = affine_map<(d0, d1) -> (0, 0)>
#map1 = affine_map<(d0, d1) -> (0)>
module attributes {stable_mosaic.version = 14 : i64} {
  func.func @_sc_hop(%arg0: i32, %arg1: i32, %arg2: memref<10000x128xf32, #tpu.memory_space<hbm>>, %arg3: memref<32x128xf32, #tpu.memory_space<hbm>>, %arg4: memref<2x320000xi32, #tpu.memory_space<hbm>>, %arg5: memref<320000xi32, #tpu.memory_space<hbm>>, %arg6: memref<320000x16xf32, #tpu.memory_space<hbm>>, %arg7: memref<10000x128xf32, #tpu.memory_space<hbm>>, %arg8: memref<128xi32, #tpu.memory_space<vmem>>, %arg9: memref<128xi32, #tpu.memory_space<vmem>>, %arg10: memref<128xi32, #tpu.memory_space<vmem>>, %arg11: memref<128xi32, #tpu.memory_space<vmem>>, %arg12: memref<128xi32, #tpu.memory_space<vmem>>, %arg13: memref<128xi32, #tpu.memory_space<vmem>>, %arg14: memref<128x128xf32, #tpu.memory_space<vmem>>, %arg15: memref<128x128xf32, #tpu.memory_space<vmem>>, %arg16: memref<128x16xf32, #tpu.memory_space<vmem>>, %arg17: memref<10000x128xf32, #tpu.memory_space<vmem_shared>>, %arg18: memref<!tpu.dma_semaphore, #tpu.memory_space<semaphore_mem>>, %arg19: memref<!tpu.dma_semaphore, #tpu.memory_space<semaphore_mem>>, %arg20: memref<!tpu.dma_semaphore, #tpu.memory_space<semaphore_mem>>) attributes {dimension_semantics = [#tpu.dimension_semantics<core_parallel>, #tpu.dimension_semantics<subcore_parallel>], iteration_bounds = array<i64: 1, 16>, scalar_prefetch = 0 : i64, scratch_operands = 13 : i64, tpu.core_type = #tpu.core_type<sc_vector_subcore>, window_params = [{transform_indices = #map}, {transform_indices = #map}, {transform_indices = #map}, {transform_indices = #map1}, {transform_indices = #map}, {transform_indices = #map}]} {
    %scan3A = arith.constant 0 : i32
    %scan3A_0 = arith.constant 0 : i32
    %scan3A_1 = arith.constant 128 : i32
    %scan3A_2 = arith.addi %scan3A_0, %scan3A_1 : i32
    %scan3A_3 = arith.constant 1 : i32
    %scan3A_4 = scf.for %scan3A_78 = %scan3A_0 to %scan3A_2 step %scan3A_3 iter_args(%scan3A_79 = %scan3A) -> (i32)  : i32 {
      %broadcast_in_dim3A = arith.constant 0.000000e+00 : f32
      %broadcast_in_dim3A_80 = vector.broadcast %broadcast_in_dim3A : f32 to vector<16xf32>
      %swap3A = arith.index_cast %scan3A_78 : i32 to index
      %swap3A_81 = arith.constant 0 : index
      %swap3A_82 = tpu.vector_load %arg14[%swap3A, %swap3A_81] {strides = array<i32>} : memref<128x128xf32, #tpu.memory_space<vmem>>, vector<1x16xf32>,
      %swap3A_83 = vector.shape_cast %swap3A_82 : vector<1x16xf32> to vector<16xf32>
      %swap3A_84 = vector.shape_cast %broadcast_in_dim3A_80 : vector<16xf32> to vector<1x16xf32>
      tpu.vector_store %arg14[%swap3A, %swap3A_81], %swap3A_84 {strides = array<i32>} : memref<128x128xf32, #tpu.memory_space<vmem>>, vector<1x16xf32>,
      %broadcast_in_dim3A_85 = arith.constant 0.000000e+00 : f32
      %broadcast_in_dim3A_86 = vector.broadcast %broadcast_in_dim3A_85 : f32 to vector<16xf32>
      %swap3A_87 = arith.index_cast %scan3A_78 : i32 to index
      %swap3A_88 = arith.constant 16 : index
      %swap3A_89 = tpu.vector_load %arg14[%swap3A_87, %swap3A_88] {strides = array<i32>} : memref<128x128xf32, #tpu.memory_space<vmem>>, vector<1x16xf32>,
      %swap3A_90 = vector.shape_cast %swap3A_89 : vector<1x16xf32> to vector<16xf32>
      %swap3A_91 = vector.shape_cast %broadcast_in_dim3A_86 : vector<16xf32> to vector<1x16xf32>
      tpu.vector_store %arg14[%swap3A_87, %swap3A_88], %swap3A_91 {strides = array<i32>} : memref<128x128xf32, #tpu.memory_space<vmem>>, vector<1x16xf32>,
      %broadcast_in_dim3A_92 = arith.constant 0.000000e+00 : f32
      %broadcast_in_dim3A_93 = vector.broadcast %broadcast_in_dim3A_92 : f32 to vector<16xf32>
      %swap3A_94 = arith.index_cast %scan3A_78 : i32 to index
      %swap3A_95 = arith.constant 32 : index
      %swap3A_96 = tpu.vector_load %arg14[%swap3A_94, %swap3A_95] {strides = array<i32>} : memref<128x128xf32, #tpu.memory_space<vmem>>, vector<1x16xf32>,
      %swap3A_97 = vector.shape_cast %swap3A_96 : vector<1x16xf32> to vector<16xf32>
      %swap3A_98 = vector.shape_cast %broadcast_in_dim3A_93 : vector<16xf32> to vector<1x16xf32>
      tpu.vector_store %arg14[%swap3A_94, %swap3A_95], %swap3A_98 {strides = array<i32>} : memref<128x128xf32, #tpu.memory_space<vmem>>, vector<1x16xf32>,
      %broadcast_in_dim3A_99 = arith.constant 0.000000e+00 : f32
      %broadcast_in_dim3A_100 = vector.broadcast %broadcast_in_dim3A_99 : f32 to vector<16xf32>
      %swap3A_101 = arith.index_cast %scan3A_78 : i32 to index
      %swap3A_102 = arith.constant 48 : index
      %swap3A_103 = tpu.vector_load %arg14[%swap3A_101, %swap3A_102] {strides = array<i32>} : memref<128x128xf32, #tpu.memory_space<vmem>>, vector<1x16xf32>,
      %swap3A_104 = vector.shape_cast %swap3A_103 : vector<1x16xf32> to vector<16xf32>
      %swap3A_105 = vector.shape_cast %broadcast_in_dim3A_100 : vector<16xf32> to vector<1x16xf32>
      tpu.vector_store %arg14[%swap3A_101, %swap3A_102], %swap3A_105 {strides = array<i32>} : memref<128x128xf32, #tpu.memory_space<vmem>>, vector<1x16xf32>,
      %broadcast_in_dim3A_106 = arith.constant 0.000000e+00 : f32
      %broadcast_in_dim3A_107 = vector.broadcast %broadcast_in_dim3A_106 : f32 to vector<16xf32>
      %swap3A_108 = arith.index_cast %scan3A_78 : i32 to index
      %swap3A_109 = arith.constant 64 : index
      %swap3A_110 = tpu.vector_load %arg14[%swap3A_108, %swap3A_109] {strides = array<i32>} : memref<128x128xf32, #tpu.memory_space<vmem>>, vector<1x16xf32>,
      %swap3A_111 = vector.shape_cast %swap3A_110 : vector<1x16xf32> to vector<16xf32>
      %swap3A_112 = vector.shape_cast %broadcast_in_dim3A_107 : vector<16xf32> to vector<1x16xf32>
      tpu.vector_store %arg14[%swap3A_108, %swap3A_109], %swap3A_112 {strides = array<i32>} : memref<128x128xf32, #tpu.memory_space<vmem>>, vector<1x16xf32>,
      %broadcast_in_dim3A_113 = arith.constant 0.000000e+00 : f32
      %broadcast_in_dim3A_114 = vector.broadcast %broadcast_in_dim3A_113 : f32 to vector<16xf32>
      %swap3A_115 = arith.index_cast %scan3A_78 : i32 to index
      %swap3A_116 = arith.constant 80 : index
      %swap3A_117 = tpu.vector_load %arg14[%swap3A_115, %swap3A_116] {strides = array<i32>} : memref<128x128xf32, #tpu.memory_space<vmem>>, vector<1x16xf32>,
      %swap3A_118 = vector.shape_cast %swap3A_117 : vector<1x16xf32> to vector<16xf32>
      %swap3A_119 = vector.shape_cast %broadcast_in_dim3A_114 : vector<16xf32> to vector<1x16xf32>
      tpu.vector_store %arg14[%swap3A_115, %swap3A_116], %swap3A_119 {strides = array<i32>} : memref<128x128xf32, #tpu.memory_space<vmem>>, vector<1x16xf32>,
      %broadcast_in_dim3A_120 = arith.constant 0.000000e+00 : f32
      %broadcast_in_dim3A_121 = vector.broadcast %broadcast_in_dim3A_120 : f32 to vector<16xf32>
      %swap3A_122 = arith.index_cast %scan3A_78 : i32 to index
      %swap3A_123 = arith.constant 96 : index
      %swap3A_124 = tpu.vector_load %arg14[%swap3A_122, %swap3A_123] {strides = array<i32>} : memref<128x128xf32, #tpu.memory_space<vmem>>, vector<1x16xf32>,
      %swap3A_125 = vector.shape_cast %swap3A_124 : vector<1x16xf32> to vector<16xf32>
      %swap3A_126 = vector.shape_cast %broadcast_in_dim3A_121 : vector<16xf32> to vector<1x16xf32>
      tpu.vector_store %arg14[%swap3A_122, %swap3A_123], %swap3A_126 {strides = array<i32>} : memref<128x128xf32, #tpu.memory_space<vmem>>, vector<1x16xf32>,
      %broadcast_in_dim3A_127 = arith.constant 0.000000e+00 : f32
      %broadcast_in_dim3A_128 = vector.broadcast %broadcast_in_dim3A_127 : f32 to vector<16xf32>
      %swap3A_129 = arith.index_cast %scan3A_78 : i32 to index
      %swap3A_130 = arith.constant 112 : index
      %swap3A_131 = tpu.vector_load %arg14[%swap3A_129, %swap3A_130] {strides = array<i32>} : memref<128x128xf32, #tpu.memory_space<vmem>>, vector<1x16xf32>,
      %swap3A_132 = vector.shape_cast %swap3A_131 : vector<1x16xf32> to vector<16xf32>
      %swap3A_133 = vector.shape_cast %broadcast_in_dim3A_128 : vector<16xf32> to vector<1x16xf32>
      tpu.vector_store %arg14[%swap3A_129, %swap3A_130], %swap3A_133 {strides = array<i32>} : memref<128x128xf32, #tpu.memory_space<vmem>>, vector<1x16xf32>,
      %scan3A_134 = arith.constant 0 : i32
      scf.yield %scan3A_134 : i32
    }
    %scan3A_5 = arith.constant 128 : i32
    %mul3A = arith.constant 632 : i32
    %mul3A_6 = arith.muli %arg1, %mul3A : i32
    %add3A = arith.constant 0 : i32
    %add3A_7 = arith.addi %mul3A_6, %add3A : i32
    "tpu.region"() ({
      %run_scoped3A = tpu.sem_alloc : memref<!tpu.dma_semaphore, #tpu.memory_space<semaphore_mem>>
      %dma_start3A = arith.constant 0 : i32
      %dma_start3A_78 = tpu.memref_slice %arg17[%add3A_7, %dma_start3A] : memref<10000x128xf32, #tpu.memory_space<vmem_shared>> -> memref<128x128xf32, #tpu.memory_space<vmem_shared>>
      %dma_start3A_79 = arith.constant 0 : i32
      %dma_start3A_80 = tpu.memref_slice %arg17[%add3A_7, %dma_start3A_79] : memref<10000x128xf32, #tpu.memory_space<vmem_shared>> -> memref<128x128xf32, #tpu.memory_space<vmem_shared>>
      tpu.enqueue_dma source(%arg14 : memref<128x128xf32, #tpu.memory_space<vmem>>) target(%dma_start3A_80 : memref<128x128xf32, #tpu.memory_space<vmem_shared>>) target_semaphore(%run_scoped3A : memref<!tpu.dma_semaphore, #tpu.memory_space<semaphore_mem>>)
      %dma_wait3A = arith.constant 0 : i32
      %dma_wait3A_81 = tpu.memref_slice %arg17[%add3A_7, %dma_wait3A] : memref<10000x128xf32, #tpu.memory_space<vmem_shared>> -> memref<128x128xf32, #tpu.memory_space<vmem_shared>>
      %dma_wait3A_82 = arith.constant 0 : i32
      %dma_wait3A_83 = tpu.memref_slice %arg17[%add3A_7, %dma_wait3A_82] : memref<10000x128xf32, #tpu.memory_space<vmem_shared>> -> memref<128x128xf32, #tpu.memory_space<vmem_shared>>
      tpu.wait_dma2 semaphore(%run_scoped3A : memref<!tpu.dma_semaphore, #tpu.memory_space<semaphore_mem>>) src(%arg14 : memref<128x128xf32, #tpu.memory_space<vmem>>) dst(%dma_wait3A_83 : memref<128x128xf32, #tpu.memory_space<vmem_shared>>)
      tpu.yield
    }) : () -> ()
    %add3A_8 = arith.constant 128 : i32
    %add3A_9 = arith.addi %mul3A_6, %add3A_8 : i32
    "tpu.region"() ({
      %run_scoped3A = tpu.sem_alloc : memref<!tpu.dma_semaphore, #tpu.memory_space<semaphore_mem>>
      %dma_start3A = arith.constant 0 : i32
      %dma_start3A_78 = tpu.memref_slice %arg17[%add3A_9, %dma_start3A] : memref<10000x128xf32, #tpu.memory_space<vmem_shared>> -> memref<128x128xf32, #tpu.memory_space<vmem_shared>>
      %dma_start3A_79 = arith.constant 0 : i32
      %dma_start3A_80 = tpu.memref_slice %arg17[%add3A_9, %dma_start3A_79] : memref<10000x128xf32, #tpu.memory_space<vmem_shared>> -> memref<128x128xf32, #tpu.memory_space<vmem_shared>>
      tpu.enqueue_dma source(%arg14 : memref<128x128xf32, #tpu.memory_space<vmem>>) target(%dma_start3A_80 : memref<128x128xf32, #tpu.memory_space<vmem_shared>>) target_semaphore(%run_scoped3A : memref<!tpu.dma_semaphore, #tpu.memory_space<semaphore_mem>>)
      %dma_wait3A = arith.constant 0 : i32
      %dma_wait3A_81 = tpu.memref_slice %arg17[%add3A_9, %dma_wait3A] : memref<10000x128xf32, #tpu.memory_space<vmem_shared>> -> memref<128x128xf32, #tpu.memory_space<vmem_shared>>
      %dma_wait3A_82 = arith.constant 0 : i32
      %dma_wait3A_83 = tpu.memref_slice %arg17[%add3A_9, %dma_wait3A_82] : memref<10000x128xf32, #tpu.memory_space<vmem_shared>> -> memref<128x128xf32, #tpu.memory_space<vmem_shared>>
      tpu.wait_dma2 semaphore(%run_scoped3A : memref<!tpu.dma_semaphore, #tpu.memory_space<semaphore_mem>>) src(%arg14 : memref<128x128xf32, #tpu.memory_space<vmem>>) dst(%dma_wait3A_83 : memref<128x128xf32, #tpu.memory_space<vmem_shared>>)
      tpu.yield
    }) : () -> ()
    %add3A_10 = arith.constant 256 : i32
    %add3A_11 = arith.addi %mul3A_6, %add3A_10 : i32
    "tpu.region"() ({
      %run_scoped3A = tpu.sem_alloc : memref<!tpu.dma_semaphore, #tpu.memory_space<semaphore_mem>>
      %dma_start3A = arith.constant 0 : i32
      %dma_start3A_78 = tpu.memref_slice %arg17[%add3A_11, %dma_start3A] : memref<10000x128xf32, #tpu.memory_space<vmem_shared>> -> memref<128x128xf32, #tpu.memory_space<vmem_shared>>
      %dma_start3A_79 = arith.constant 0 : i32
      %dma_start3A_80 = tpu.memref_slice %arg17[%add3A_11, %dma_start3A_79] : memref<10000x128xf32, #tpu.memory_space<vmem_shared>> -> memref<128x128xf32, #tpu.memory_space<vmem_shared>>
      tpu.enqueue_dma source(%arg14 : memref<128x128xf32, #tpu.memory_space<vmem>>) target(%dma_start3A_80 : memref<128x128xf32, #tpu.memory_space<vmem_shared>>) target_semaphore(%run_scoped3A : memref<!tpu.dma_semaphore, #tpu.memory_space<semaphore_mem>>)
      %dma_wait3A = arith.constant 0 : i32
      %dma_wait3A_81 = tpu.memref_slice %arg17[%add3A_11, %dma_wait3A] : memref<10000x128xf32, #tpu.memory_space<vmem_shared>> -> memref<128x128xf32, #tpu.memory_space<vmem_shared>>
      %dma_wait3A_82 = arith.constant 0 : i32
      %dma_wait3A_83 = tpu.memref_slice %arg17[%add3A_11, %dma_wait3A_82] : memref<10000x128xf32, #tpu.memory_space<vmem_shared>> -> memref<128x128xf32, #tpu.memory_space<vmem_shared>>
      tpu.wait_dma2 semaphore(%run_scoped3A : memref<!tpu.dma_semaphore, #tpu.memory_space<semaphore_mem>>) src(%arg14 : memref<128x128xf32, #tpu.memory_space<vmem>>) dst(%dma_wait3A_83 : memref<128x128xf32, #tpu.memory_space<vmem_shared>>)
      tpu.yield
    }) : () -> ()
    %add3A_12 = arith.constant 384 : i32
    %add3A_13 = arith.addi %mul3A_6, %add3A_12 : i32
    "tpu.region"() ({
      %run_scoped3A = tpu.sem_alloc : memref<!tpu.dma_semaphore, #tpu.memory_space<semaphore_mem>>
      %dma_start3A = arith.constant 0 : i32
      %dma_start3A_78 = tpu.memref_slice %arg17[%add3A_13, %dma_start3A] : memref<10000x128xf32, #tpu.memory_space<vmem_shared>> -> memref<128x128xf32, #tpu.memory_space<vmem_shared>>
      %dma_start3A_79 = arith.constant 0 : i32
      %dma_start3A_80 = tpu.memref_slice %arg17[%add3A_13, %dma_start3A_79] : memref<10000x128xf32, #tpu.memory_space<vmem_shared>> -> memref<128x128xf32, #tpu.memory_space<vmem_shared>>
      tpu.enqueue_dma source(%arg14 : memref<128x128xf32, #tpu.memory_space<vmem>>) target(%dma_start3A_80 : memref<128x128xf32, #tpu.memory_space<vmem_shared>>) target_semaphore(%run_scoped3A : memref<!tpu.dma_semaphore, #tpu.memory_space<semaphore_mem>>)
      %dma_wait3A = arith.constant 0 : i32
      %dma_wait3A_81 = tpu.memref_slice %arg17[%add3A_13, %dma_wait3A] : memref<10000x128xf32, #tpu.memory_space<vmem_shared>> -> memref<128x128xf32, #tpu.memory_space<vmem_shared>>
      %dma_wait3A_82 = arith.constant 0 : i32
      %dma_wait3A_83 = tpu.memref_slice %arg17[%add3A_13, %dma_wait3A_82] : memref<10000x128xf32, #tpu.memory_space<vmem_shared>> -> memref<128x128xf32, #tpu.memory_space<vmem_shared>>
      tpu.wait_dma2 semaphore(%run_scoped3A : memref<!tpu.dma_semaphore, #tpu.memory_space<semaphore_mem>>) src(%arg14 : memref<128x128xf32, #tpu.memory_space<vmem>>) dst(%dma_wait3A_83 : memref<128x128xf32, #tpu.memory_space<vmem_shared>>)
      tpu.yield
    }) : () -> ()
    %lt3A = arith.constant 15 : i32
    %lt3A_14 = arith.cmpi slt, %arg1, %lt3A : i32
    %convert_element_type3A = arith.extui %lt3A_14 : i1 to i32
    %cond3A = arith.constant 0 : i32
    %cond3A_15 = arith.cmpi ne, %convert_element_type3A, %cond3A : i32
    scf.if %cond3A_15 {
      %add3A_78 = arith.constant 512 : i32
      %add3A_79 = arith.addi %mul3A_6, %add3A_78 : i32
      "tpu.region"() ({
        %run_scoped3A = tpu.sem_alloc : memref<!tpu.dma_semaphore, #tpu.memory_space<semaphore_mem>>
        %dma_start3A = arith.constant 0 : i32
        %dma_start3A_80 = arith.constant 0 : i32
        %dma_start3A_81 = tpu.memref_slice %arg14[%dma_start3A, %dma_start3A_80] : memref<128x128xf32, #tpu.memory_space<vmem>> -> memref<120x128xf32, #tpu.memory_space<vmem>>
        %dma_start3A_82 = arith.constant 0 : i32
        %dma_start3A_83 = tpu.memref_slice %arg17[%add3A_79, %dma_start3A_82] : memref<10000x128xf32, #tpu.memory_space<vmem_shared>> -> memref<120x128xf32, #tpu.memory_space<vmem_shared>>
        %dma_start3A_84 = arith.constant 0 : i32
        %dma_start3A_85 = tpu.memref_slice %arg17[%add3A_79, %dma_start3A_84] : memref<10000x128xf32, #tpu.memory_space<vmem_shared>> -> memref<120x128xf32, #tpu.memory_space<vmem_shared>>
        %dma_start3A_86 = arith.constant 0 : i32
        %dma_start3A_87 = arith.constant 0 : i32
        %dma_start3A_88 = tpu.memref_slice %arg14[%dma_start3A_86, %dma_start3A_87] : memref<128x128xf32, #tpu.memory_space<vmem>> -> memref<120x128xf32, #tpu.memory_space<vmem>>
        tpu.enqueue_dma source(%dma_start3A_88 : memref<120x128xf32, #tpu.memory_space<vmem>>) target(%dma_start3A_85 : memref<120x128xf32, #tpu.memory_space<vmem_shared>>) target_semaphore(%run_scoped3A : memref<!tpu.dma_semaphore, #tpu.memory_space<semaphore_mem>>)
        %dma_wait3A = arith.constant 0 : i32
        %dma_wait3A_89 = arith.constant 0 : i32
        %dma_wait3A_90 = tpu.memref_slice %arg14[%dma_wait3A, %dma_wait3A_89] : memref<128x128xf32, #tpu.memory_space<vmem>> -> memref<120x128xf32, #tpu.memory_space<vmem>>
        %dma_wait3A_91 = arith.constant 0 : i32
        %dma_wait3A_92 = tpu.memref_slice %arg17[%add3A_79, %dma_wait3A_91] : memref<10000x128xf32, #tpu.memory_space<vmem_shared>> -> memref<120x128xf32, #tpu.memory_space<vmem_shared>>
        %dma_wait3A_93 = arith.constant 0 : i32
        %dma_wait3A_94 = tpu.memref_slice %arg17[%add3A_79, %dma_wait3A_93] : memref<10000x128xf32, #tpu.memory_space<vmem_shared>> -> memref<120x128xf32, #tpu.memory_space<vmem_shared>>
        %dma_wait3A_95 = arith.constant 0 : i32
        %dma_wait3A_96 = arith.constant 0 : i32
        %dma_wait3A_97 = tpu.memref_slice %arg14[%dma_wait3A_95, %dma_wait3A_96] : memref<128x128xf32, #tpu.memory_space<vmem>> -> memref<120x128xf32, #tpu.memory_space<vmem>>
        tpu.wait_dma2 semaphore(%run_scoped3A : memref<!tpu.dma_semaphore, #tpu.memory_space<semaphore_mem>>) src(%dma_wait3A_97 : memref<120x128xf32, #tpu.memory_space<vmem>>) dst(%dma_wait3A_94 : memref<120x128xf32, #tpu.memory_space<vmem_shared>>)
        tpu.yield
      }) : () -> ()
    } else {
    }
    %eq3A = arith.constant 15 : i32
    %eq3A_16 = arith.cmpi eq, %arg1, %eq3A : i32
    %convert_element_type3A_17 = arith.extui %eq3A_16 : i1 to i32
    %cond3A_18 = arith.constant 0 : i32
    %cond3A_19 = arith.cmpi ne, %convert_element_type3A_17, %cond3A_18 : i32
    scf.if %cond3A_19 {
      %add3A_78 = arith.constant 512 : i32
      %add3A_79 = arith.addi %mul3A_6, %add3A_78 : i32
      "tpu.region"() ({
        %run_scoped3A = tpu.sem_alloc : memref<!tpu.dma_semaphore, #tpu.memory_space<semaphore_mem>>
        %dma_start3A = arith.constant 0 : i32
        %dma_start3A_80 = arith.constant 0 : i32
        %dma_start3A_81 = tpu.memref_slice %arg14[%dma_start3A, %dma_start3A_80] : memref<128x128xf32, #tpu.memory_space<vmem>> -> memref<8x128xf32, #tpu.memory_space<vmem>>
        %dma_start3A_82 = arith.constant 0 : i32
        %dma_start3A_83 = tpu.memref_slice %arg17[%add3A_79, %dma_start3A_82] : memref<10000x128xf32, #tpu.memory_space<vmem_shared>> -> memref<8x128xf32, #tpu.memory_space<vmem_shared>>
        %dma_start3A_84 = arith.constant 0 : i32
        %dma_start3A_85 = tpu.memref_slice %arg17[%add3A_79, %dma_start3A_84] : memref<10000x128xf32, #tpu.memory_space<vmem_shared>> -> memref<8x128xf32, #tpu.memory_space<vmem_shared>>
        %dma_start3A_86 = arith.constant 0 : i32
        %dma_start3A_87 = arith.constant 0 : i32
        %dma_start3A_88 = tpu.memref_slice %arg14[%dma_start3A_86, %dma_start3A_87] : memref<128x128xf32, #tpu.memory_space<vmem>> -> memref<8x128xf32, #tpu.memory_space<vmem>>
        tpu.enqueue_dma source(%dma_start3A_88 : memref<8x128xf32, #tpu.memory_space<vmem>>) target(%dma_start3A_85 : memref<8x128xf32, #tpu.memory_space<vmem_shared>>) target_semaphore(%run_scoped3A : memref<!tpu.dma_semaphore, #tpu.memory_space<semaphore_mem>>)
        %dma_wait3A = arith.constant 0 : i32
        %dma_wait3A_89 = arith.constant 0 : i32
        %dma_wait3A_90 = tpu.memref_slice %arg14[%dma_wait3A, %dma_wait3A_89] : memref<128x128xf32, #tpu.memory_space<vmem>> -> memref<8x128xf32, #tpu.memory_space<vmem>>
        %dma_wait3A_91 = arith.constant 0 : i32
        %dma_wait3A_92 = tpu.memref_slice %arg17[%add3A_79, %dma_wait3A_91] : memref<10000x128xf32, #tpu.memory_space<vmem_shared>> -> memref<8x128xf32, #tpu.memory_space<vmem_shared>>
        %dma_wait3A_93 = arith.constant 0 : i32
        %dma_wait3A_94 = tpu.memref_slice %arg17[%add3A_79, %dma_wait3A_93] : memref<10000x128xf32, #tpu.memory_space<vmem_shared>> -> memref<8x128xf32, #tpu.memory_space<vmem_shared>>
        %dma_wait3A_95 = arith.constant 0 : i32
        %dma_wait3A_96 = arith.constant 0 : i32
        %dma_wait3A_97 = tpu.memref_slice %arg14[%dma_wait3A_95, %dma_wait3A_96] : memref<128x128xf32, #tpu.memory_space<vmem>> -> memref<8x128xf32, #tpu.memory_space<vmem>>
        tpu.wait_dma2 semaphore(%run_scoped3A : memref<!tpu.dma_semaphore, #tpu.memory_space<semaphore_mem>>) src(%dma_wait3A_97 : memref<8x128xf32, #tpu.memory_space<vmem>>) dst(%dma_wait3A_94 : memref<8x128xf32, #tpu.memory_space<vmem_shared>>)
        tpu.yield
      }) : () -> ()
    } else {
    }
    %barrier3A = arith.constant 0 : index
    tpu.barrier barrier_id(%barrier3A)
    %sub3A = arith.constant 2500 : i32
    %sub3A_20 = arith.subi %sub3A, %arg1 : i32
    %add3A_21 = arith.constant 16 : i32
    %add3A_22 = arith.addi %sub3A_20, %add3A_21 : i32
    %sub3A_23 = arith.constant 1 : i32
    %sub3A_24 = arith.subi %add3A_22, %sub3A_23 : i32
    %jit3A = arith.constant 16 : i32
    %div3A = arith.divsi %sub3A_24, %jit3A : i32
    %sign3A = arith.constant 0 : i32
    %sign3A_25 = arith.cmpi sgt, %sub3A_24, %sign3A : i32
    %sign3A_26 = arith.extui %sign3A_25 : i1 to i32
    %sign3A_27 = arith.constant 0 : i32
    %sign3A_28 = arith.cmpi slt, %sub3A_24, %sign3A_27 : i32
    %sign3A_29 = arith.extui %sign3A_28 : i1 to i32
    %sign3A_30 = arith.subi %sign3A_26, %sign3A_29 : i32
    %sign3A_31 = arith.constant 0 : i32
    %sign3A_32 = arith.cmpi sgt, %jit3A, %sign3A_31 : i32
    %sign3A_33 = arith.extui %sign3A_32 : i1 to i32
    %sign3A_34 = arith.constant 0 : i32
    %sign3A_35 = arith.cmpi slt, %jit3A, %sign3A_34 : i32
    %sign3A_36 = arith.extui %sign3A_35 : i1 to i32
    %sign3A_37 = arith.subi %sign3A_33, %sign3A_36 : i32
    %ne3A = arith.cmpi ne, %sign3A_30, %sign3A_37 : i32
    %rem3A = arith.remsi %sub3A_24, %jit3A : i32
    %ne3A_38 = arith.constant 0 : i32
    %ne3A_39 = arith.cmpi ne, %rem3A, %ne3A_38 : i32
    %and3A = arith.andi %ne3A, %ne3A_39 : i1
    %sub3A_40 = arith.constant 1 : i32
    %sub3A_41 = arith.subi %div3A, %sub3A_40 : i32
    %select_n3A = arith.select %and3A, %sub3A_41, %div3A : i32
    %while3A = arith.constant 0 : i32
    %while3A_42 = arith.constant 0 : i32
    %while3A_43 = arith.subi %select_n3A, %while3A_42 : i32
    %while3A_44 = arith.addi %while3A_42, %while3A_43 : i32
    %while3A_45 = arith.constant 1 : i32
    %while3A_46 = arith.divsi %while3A_43, %while3A_45 : i32
    %while3A_47 = arith.muli %while3A_46, %while3A_45 : i32
    %while3A_48 = arith.addi %while3A_42, %while3A_47 : i32
    %while3A_49 = arith.constant 1 : i32
    scf.for %while3A_78 = %while3A_42 to %while3A_48 step %while3A_49  : i32 {
      %mul3A_79 = arith.constant 16 : i32
      %mul3A_80 = arith.muli %while3A_78, %mul3A_79 : i32
      %add3A_81 = arith.addi %arg1, %mul3A_80 : i32
      %mul3A_82 = arith.constant 128 : i32
      %mul3A_83 = arith.muli %add3A_81, %mul3A_82 : i32
      %run_scoped3A = arith.constant 0 : i32
      "tpu.region"() ({
        %run_scoped3A_211 = tpu.sem_alloc : memref<!tpu.dma_semaphore, #tpu.memory_space<semaphore_mem>>
        %dma_start3A_212 = tpu.memref_slice %arg4[%run_scoped3A, %mul3A_83] : memref<2x320000xi32, #tpu.memory_space<hbm>> -> memref<1x128xi32, #tpu.memory_space<hbm>>
        %dma_start3A_213 = tpu.memref_squeeze %dma_start3A_212 : memref<1x128xi32, #tpu.memory_space<hbm>> -> memref<128xi32, #tpu.memory_space<hbm>>
        %dma_start3A_214 = tpu.memref_slice %arg4[%run_scoped3A, %mul3A_83] : memref<2x320000xi32, #tpu.memory_space<hbm>> -> memref<1x128xi32, #tpu.memory_space<hbm>>
        %dma_start3A_215 = tpu.memref_squeeze %dma_start3A_214 : memref<1x128xi32, #tpu.memory_space<hbm>> -> memref<128xi32, #tpu.memory_space<hbm>>
        tpu.enqueue_dma source(%dma_start3A_215 : memref<128xi32, #tpu.memory_space<hbm>>) target(%arg8 : memref<128xi32, #tpu.memory_space<vmem>>) target_semaphore(%run_scoped3A_211 : memref<!tpu.dma_semaphore, #tpu.memory_space<semaphore_mem>>)
        %dma_wait3A_216 = tpu.memref_slice %arg4[%run_scoped3A, %mul3A_83] : memref<2x320000xi32, #tpu.memory_space<hbm>> -> memref<1x128xi32, #tpu.memory_space<hbm>>
        %dma_wait3A_217 = tpu.memref_squeeze %dma_wait3A_216 : memref<1x128xi32, #tpu.memory_space<hbm>> -> memref<128xi32, #tpu.memory_space<hbm>>
        %dma_wait3A_218 = tpu.memref_slice %arg4[%run_scoped3A, %mul3A_83] : memref<2x320000xi32, #tpu.memory_space<hbm>> -> memref<1x128xi32, #tpu.memory_space<hbm>>
        %dma_wait3A_219 = tpu.memref_squeeze %dma_wait3A_218 : memref<1x128xi32, #tpu.memory_space<hbm>> -> memref<128xi32, #tpu.memory_space<hbm>>
        tpu.wait_dma2 semaphore(%run_scoped3A_211 : memref<!tpu.dma_semaphore, #tpu.memory_space<semaphore_mem>>) src(%dma_wait3A_219 : memref<128xi32, #tpu.memory_space<hbm>>) dst(%arg8 : memref<128xi32, #tpu.memory_space<vmem>>)
        tpu.yield
      }) : () -> ()
      %run_scoped3A_84 = arith.constant 1 : i32
      "tpu.region"() ({
        %run_scoped3A_211 = tpu.sem_alloc : memref<!tpu.dma_semaphore, #tpu.memory_space<semaphore_mem>>
        %dma_start3A_212 = tpu.memref_slice %arg4[%run_scoped3A_84, %mul3A_83] : memref<2x320000xi32, #tpu.memory_space<hbm>> -> memref<1x128xi32, #tpu.memory_space<hbm>>
        %dma_start3A_213 = tpu.memref_squeeze %dma_start3A_212 : memref<1x128xi32, #tpu.memory_space<hbm>> -> memref<128xi32, #tpu.memory_space<hbm>>
        %dma_start3A_214 = tpu.memref_slice %arg4[%run_scoped3A_84, %mul3A_83] : memref<2x320000xi32, #tpu.memory_space<hbm>> -> memref<1x128xi32, #tpu.memory_space<hbm>>
        %dma_start3A_215 = tpu.memref_squeeze %dma_start3A_214 : memref<1x128xi32, #tpu.memory_space<hbm>> -> memref<128xi32, #tpu.memory_space<hbm>>
        tpu.enqueue_dma source(%dma_start3A_215 : memref<128xi32, #tpu.memory_space<hbm>>) target(%arg9 : memref<128xi32, #tpu.memory_space<vmem>>) target_semaphore(%run_scoped3A_211 : memref<!tpu.dma_semaphore, #tpu.memory_space<semaphore_mem>>)
        %dma_wait3A_216 = tpu.memref_slice %arg4[%run_scoped3A_84, %mul3A_83] : memref<2x320000xi32, #tpu.memory_space<hbm>> -> memref<1x128xi32, #tpu.memory_space<hbm>>
        %dma_wait3A_217 = tpu.memref_squeeze %dma_wait3A_216 : memref<1x128xi32, #tpu.memory_space<hbm>> -> memref<128xi32, #tpu.memory_space<hbm>>
        %dma_wait3A_218 = tpu.memref_slice %arg4[%run_scoped3A_84, %mul3A_83] : memref<2x320000xi32, #tpu.memory_space<hbm>> -> memref<1x128xi32, #tpu.memory_space<hbm>>
        %dma_wait3A_219 = tpu.memref_squeeze %dma_wait3A_218 : memref<1x128xi32, #tpu.memory_space<hbm>> -> memref<128xi32, #tpu.memory_space<hbm>>
        tpu.wait_dma2 semaphore(%run_scoped3A_211 : memref<!tpu.dma_semaphore, #tpu.memory_space<semaphore_mem>>) src(%dma_wait3A_219 : memref<128xi32, #tpu.memory_space<hbm>>) dst(%arg9 : memref<128xi32, #tpu.memory_space<vmem>>)
        tpu.yield
      }) : () -> ()
      "tpu.region"() ({
        %run_scoped3A_211 = tpu.sem_alloc : memref<!tpu.dma_semaphore, #tpu.memory_space<semaphore_mem>>
        %dma_start3A_212 = tpu.memref_slice %arg5[%mul3A_83] : memref<320000xi32, #tpu.memory_space<hbm>> -> memref<128xi32, #tpu.memory_space<hbm>>
        %dma_start3A_213 = tpu.memref_slice %arg5[%mul3A_83] : memref<320000xi32, #tpu.memory_space<hbm>> -> memref<128xi32, #tpu.memory_space<hbm>>
        tpu.enqueue_dma source(%dma_start3A_213 : memref<128xi32, #tpu.memory_space<hbm>>) target(%arg10 : memref<128xi32, #tpu.memory_space<vmem>>) target_semaphore(%run_scoped3A_211 : memref<!tpu.dma_semaphore, #tpu.memory_space<semaphore_mem>>)
        %dma_wait3A_214 = tpu.memref_slice %arg5[%mul3A_83] : memref<320000xi32, #tpu.memory_space<hbm>> -> memref<128xi32, #tpu.memory_space<hbm>>
        %dma_wait3A_215 = tpu.memref_slice %arg5[%mul3A_83] : memref<320000xi32, #tpu.memory_space<hbm>> -> memref<128xi32, #tpu.memory_space<hbm>>
        tpu.wait_dma2 semaphore(%run_scoped3A_211 : memref<!tpu.dma_semaphore, #tpu.memory_space<semaphore_mem>>) src(%dma_wait3A_215 : memref<128xi32, #tpu.memory_space<hbm>>) dst(%arg10 : memref<128xi32, #tpu.memory_space<vmem>>)
        tpu.yield
      }) : () -> ()
      %get3A = arith.constant 0 : index
      %get3A_85 = tpu.vector_load %arg10[%get3A] {strides = array<i32>} : memref<128xi32, #tpu.memory_space<vmem>>, vector<16xi32>,
      %get3A_86 = vector.shape_cast %get3A_85 : vector<16xi32> to vector<16xi32>
      %add3A_87 = arith.constant 31 : i32
      %add3A_88 = vector.broadcast %add3A_87 : i32 to vector<16xi32>
      %add3A_89 = arith.addi %get3A_86, %add3A_88 : vector<16xi32>
      %and3A_90 = arith.constant 31 : i32
      %and3A_91 = vector.broadcast %and3A_90 : i32 to vector<16xi32>
      %and3A_92 = arith.andi %add3A_89, %and3A_91 : vector<16xi32>
      %swap3A = arith.constant 0 : index
      %swap3A_93 = tpu.vector_load %arg10[%swap3A] {strides = array<i32>} : memref<128xi32, #tpu.memory_space<vmem>>, vector<16xi32>,
      %swap3A_94 = vector.shape_cast %swap3A_93 : vector<16xi32> to vector<16xi32>
      %swap3A_95 = vector.shape_cast %and3A_92 : vector<16xi32> to vector<16xi32>
      tpu.vector_store %arg10[%swap3A], %swap3A_95 {strides = array<i32>} : memref<128xi32, #tpu.memory_space<vmem>>, vector<16xi32>,
      %get3A_96 = arith.constant 16 : index
      %get3A_97 = tpu.vector_load %arg10[%get3A_96] {strides = array<i32>} : memref<128xi32, #tpu.memory_space<vmem>>, vector<16xi32>,
      %get3A_98 = vector.shape_cast %get3A_97 : vector<16xi32> to vector<16xi32>
      %add3A_99 = arith.constant 31 : i32
      %add3A_100 = vector.broadcast %add3A_99 : i32 to vector<16xi32>
      %add3A_101 = arith.addi %get3A_98, %add3A_100 : vector<16xi32>
      %and3A_102 = arith.constant 31 : i32
      %and3A_103 = vector.broadcast %and3A_102 : i32 to vector<16xi32>
      %and3A_104 = arith.andi %add3A_101, %and3A_103 : vector<16xi32>
      %swap3A_105 = arith.constant 16 : index
      %swap3A_106 = tpu.vector_load %arg10[%swap3A_105] {strides = array<i32>} : memref<128xi32, #tpu.memory_space<vmem>>, vector<16xi32>,
      %swap3A_107 = vector.shape_cast %swap3A_106 : vector<16xi32> to vector<16xi32>
      %swap3A_108 = vector.shape_cast %and3A_104 : vector<16xi32> to vector<16xi32>
      tpu.vector_store %arg10[%swap3A_105], %swap3A_108 {strides = array<i32>} : memref<128xi32, #tpu.memory_space<vmem>>, vector<16xi32>,
      %get3A_109 = arith.constant 32 : index
      %get3A_110 = tpu.vector_load %arg10[%get3A_109] {strides = array<i32>} : memref<128xi32, #tpu.memory_space<vmem>>, vector<16xi32>,
      %get3A_111 = vector.shape_cast %get3A_110 : vector<16xi32> to vector<16xi32>
      %add3A_112 = arith.constant 31 : i32
      %add3A_113 = vector.broadcast %add3A_112 : i32 to vector<16xi32>
      %add3A_114 = arith.addi %get3A_111, %add3A_113 : vector<16xi32>
      %and3A_115 = arith.constant 31 : i32
      %and3A_116 = vector.broadcast %and3A_115 : i32 to vector<16xi32>
      %and3A_117 = arith.andi %add3A_114, %and3A_116 : vector<16xi32>
      %swap3A_118 = arith.constant 32 : index
      %swap3A_119 = tpu.vector_load %arg10[%swap3A_118] {strides = array<i32>} : memref<128xi32, #tpu.memory_space<vmem>>, vector<16xi32>,
      %swap3A_120 = vector.shape_cast %swap3A_119 : vector<16xi32> to vector<16xi32>
      %swap3A_121 = vector.shape_cast %and3A_117 : vector<16xi32> to vector<16xi32>
      tpu.vector_store %arg10[%swap3A_118], %swap3A_121 {strides = array<i32>} : memref<128xi32, #tpu.memory_space<vmem>>, vector<16xi32>,
      %get3A_122 = arith.constant 48 : index
      %get3A_123 = tpu.vector_load %arg10[%get3A_122] {strides = array<i32>} : memref<128xi32, #tpu.memory_space<vmem>>, vector<16xi32>,
      %get3A_124 = vector.shape_cast %get3A_123 : vector<16xi32> to vector<16xi32>
      %add3A_125 = arith.constant 31 : i32
      %add3A_126 = vector.broadcast %add3A_125 : i32 to vector<16xi32>
      %add3A_127 = arith.addi %get3A_124, %add3A_126 : vector<16xi32>
      %and3A_128 = arith.constant 31 : i32
      %and3A_129 = vector.broadcast %and3A_128 : i32 to vector<16xi32>
      %and3A_130 = arith.andi %add3A_127, %and3A_129 : vector<16xi32>
      %swap3A_131 = arith.constant 48 : index
      %swap3A_132 = tpu.vector_load %arg10[%swap3A_131] {strides = array<i32>} : memref<128xi32, #tpu.memory_space<vmem>>, vector<16xi32>,
      %swap3A_133 = vector.shape_cast %swap3A_132 : vector<16xi32> to vector<16xi32>
      %swap3A_134 = vector.shape_cast %and3A_130 : vector<16xi32> to vector<16xi32>
      tpu.vector_store %arg10[%swap3A_131], %swap3A_134 {strides = array<i32>} : memref<128xi32, #tpu.memory_space<vmem>>, vector<16xi32>,
      %get3A_135 = arith.constant 64 : index
      %get3A_136 = tpu.vector_load %arg10[%get3A_135] {strides = array<i32>} : memref<128xi32, #tpu.memory_space<vmem>>, vector<16xi32>,
      %get3A_137 = vector.shape_cast %get3A_136 : vector<16xi32> to vector<16xi32>
      %add3A_138 = arith.constant 31 : i32
      %add3A_139 = vector.broadcast %add3A_138 : i32 to vector<16xi32>
      %add3A_140 = arith.addi %get3A_137, %add3A_139 : vector<16xi32>
      %and3A_141 = arith.constant 31 : i32
      %and3A_142 = vector.broadcast %and3A_141 : i32 to vector<16xi32>
      %and3A_143 = arith.andi %add3A_140, %and3A_142 : vector<16xi32>
      %swap3A_144 = arith.constant 64 : index
      %swap3A_145 = tpu.vector_load %arg10[%swap3A_144] {strides = array<i32>} : memref<128xi32, #tpu.memory_space<vmem>>, vector<16xi32>,
      %swap3A_146 = vector.shape_cast %swap3A_145 : vector<16xi32> to vector<16xi32>
      %swap3A_147 = vector.shape_cast %and3A_143 : vector<16xi32> to vector<16xi32>
      tpu.vector_store %arg10[%swap3A_144], %swap3A_147 {strides = array<i32>} : memref<128xi32, #tpu.memory_space<vmem>>, vector<16xi32>,
      %get3A_148 = arith.constant 80 : index
      %get3A_149 = tpu.vector_load %arg10[%get3A_148] {strides = array<i32>} : memref<128xi32, #tpu.memory_space<vmem>>, vector<16xi32>,
      %get3A_150 = vector.shape_cast %get3A_149 : vector<16xi32> to vector<16xi32>
      %add3A_151 = arith.constant 31 : i32
      %add3A_152 = vector.broadcast %add3A_151 : i32 to vector<16xi32>
      %add3A_153 = arith.addi %get3A_150, %add3A_152 : vector<16xi32>
      %and3A_154 = arith.constant 31 : i32
      %and3A_155 = vector.broadcast %and3A_154 : i32 to vector<16xi32>
      %and3A_156 = arith.andi %add3A_153, %and3A_155 : vector<16xi32>
      %swap3A_157 = arith.constant 80 : index
      %swap3A_158 = tpu.vector_load %arg10[%swap3A_157] {strides = array<i32>} : memref<128xi32, #tpu.memory_space<vmem>>, vector<16xi32>,
      %swap3A_159 = vector.shape_cast %swap3A_158 : vector<16xi32> to vector<16xi32>
      %swap3A_160 = vector.shape_cast %and3A_156 : vector<16xi32> to vector<16xi32>
      tpu.vector_store %arg10[%swap3A_157], %swap3A_160 {strides = array<i32>} : memref<128xi32, #tpu.memory_space<vmem>>, vector<16xi32>,
      %get3A_161 = arith.constant 96 : index
      %get3A_162 = tpu.vector_load %arg10[%get3A_161] {strides = array<i32>} : memref<128xi32, #tpu.memory_space<vmem>>, vector<16xi32>,
      %get3A_163 = vector.shape_cast %get3A_162 : vector<16xi32> to vector<16xi32>
      %add3A_164 = arith.constant 31 : i32
      %add3A_165 = vector.broadcast %add3A_164 : i32 to vector<16xi32>
      %add3A_166 = arith.addi %get3A_163, %add3A_165 : vector<16xi32>
      %and3A_167 = arith.constant 31 : i32
      %and3A_168 = vector.broadcast %and3A_167 : i32 to vector<16xi32>
      %and3A_169 = arith.andi %add3A_166, %and3A_168 : vector<16xi32>
      %swap3A_170 = arith.constant 96 : index
      %swap3A_171 = tpu.vector_load %arg10[%swap3A_170] {strides = array<i32>} : memref<128xi32, #tpu.memory_space<vmem>>, vector<16xi32>,
      %swap3A_172 = vector.shape_cast %swap3A_171 : vector<16xi32> to vector<16xi32>
      %swap3A_173 = vector.shape_cast %and3A_169 : vector<16xi32> to vector<16xi32>
      tpu.vector_store %arg10[%swap3A_170], %swap3A_173 {strides = array<i32>} : memref<128xi32, #tpu.memory_space<vmem>>, vector<16xi32>,
      %get3A_174 = arith.constant 112 : index
      %get3A_175 = tpu.vector_load %arg10[%get3A_174] {strides = array<i32>} : memref<128xi32, #tpu.memory_space<vmem>>, vector<16xi32>,
      %get3A_176 = vector.shape_cast %get3A_175 : vector<16xi32> to vector<16xi32>
      %add3A_177 = arith.constant 31 : i32
      %add3A_178 = vector.broadcast %add3A_177 : i32 to vector<16xi32>
      %add3A_179 = arith.addi %get3A_176, %add3A_178 : vector<16xi32>
      %and3A_180 = arith.constant 31 : i32
      %and3A_181 = vector.broadcast %and3A_180 : i32 to vector<16xi32>
      %and3A_182 = arith.andi %add3A_179, %and3A_181 : vector<16xi32>
      %swap3A_183 = arith.constant 112 : index
      %swap3A_184 = tpu.vector_load %arg10[%swap3A_183] {strides = array<i32>} : memref<128xi32, #tpu.memory_space<vmem>>, vector<16xi32>,
      %swap3A_185 = vector.shape_cast %swap3A_184 : vector<16xi32> to vector<16xi32>
      %swap3A_186 = vector.shape_cast %and3A_182 : vector<16xi32> to vector<16xi32>
      tpu.vector_store %arg10[%swap3A_183], %swap3A_186 {strides = array<i32>} : memref<128xi32, #tpu.memory_space<vmem>>, vector<16xi32>,
      %dma_start3A = arith.constant 0 : i32
      %dma_start3A_187 = tpu.memref_slice %arg6[%mul3A_83, %dma_start3A] : memref<320000x16xf32, #tpu.memory_space<hbm>> -> memref<128x16xf32, #tpu.memory_space<hbm>>
      %dma_start3A_188 = arith.constant 0 : i32
      %dma_start3A_189 = tpu.memref_slice %arg6[%mul3A_83, %dma_start3A_188] : memref<320000x16xf32, #tpu.memory_space<hbm>> -> memref<128x16xf32, #tpu.memory_space<hbm>>
      tpu.enqueue_dma source(%dma_start3A_189 : memref<128x16xf32, #tpu.memory_space<hbm>>) target(%arg16 : memref<128x16xf32, #tpu.memory_space<vmem>>) target_semaphore(%arg18 : memref<!tpu.dma_semaphore, #tpu.memory_space<semaphore_mem>>)
      %dma_start3A_190 = arith.constant 0 : i32
      %dma_start3A_191 = arith.constant 0 : i32
      %dma_start3A_192 = tpu.memref_slice %arg2[%dma_start3A_190, %dma_start3A_191] : memref<10000x128xf32, #tpu.memory_space<hbm>> -> memref<10000x128xf32, #tpu.memory_space<hbm>>
      tpu.enqueue_indirect_dma source(%dma_start3A_192 : memref<10000x128xf32, #tpu.memory_space<hbm>>) target(%arg14 : memref<128x128xf32, #tpu.memory_space<vmem>>) offsets(%arg9 : memref<128xi32, #tpu.memory_space<vmem>>) semaphore(%arg19 : memref<!tpu.dma_semaphore, #tpu.memory_space<semaphore_mem>>)
      %dma_start3A_193 = arith.constant 0 : i32
      %dma_start3A_194 = arith.constant 0 : i32
      %dma_start3A_195 = tpu.memref_slice %arg3[%dma_start3A_193, %dma_start3A_194] : memref<32x128xf32, #tpu.memory_space<hbm>> -> memref<32x128xf32, #tpu.memory_space<hbm>>
      tpu.enqueue_indirect_dma source(%dma_start3A_195 : memref<32x128xf32, #tpu.memory_space<hbm>>) target(%arg15 : memref<128x128xf32, #tpu.memory_space<vmem>>) offsets(%arg10 : memref<128xi32, #tpu.memory_space<vmem>>) semaphore(%arg20 : memref<!tpu.dma_semaphore, #tpu.memory_space<semaphore_mem>>)
      %dma_wait3A = arith.constant 0 : i32
      %dma_wait3A_196 = tpu.memref_slice %arg6[%mul3A_83, %dma_wait3A] : memref<320000x16xf32, #tpu.memory_space<hbm>> -> memref<128x16xf32, #tpu.memory_space<hbm>>
      %dma_wait3A_197 = arith.constant 0 : i32
      %dma_wait3A_198 = tpu.memref_slice %arg6[%mul3A_83, %dma_wait3A_197] : memref<320000x16xf32, #tpu.memory_space<hbm>> -> memref<128x16xf32, #tpu.memory_space<hbm>>
      tpu.wait_dma2 semaphore(%arg18 : memref<!tpu.dma_semaphore, #tpu.memory_space<semaphore_mem>>) src(%dma_wait3A_198 : memref<128x16xf32, #tpu.memory_space<hbm>>) dst(%arg16 : memref<128x16xf32, #tpu.memory_space<vmem>>)
      %dma_wait3A_199 = arith.constant 0 : i32
      %dma_wait3A_200 = arith.constant 0 : i32
      %dma_wait3A_201 = tpu.memref_slice %arg2[%dma_wait3A_199, %dma_wait3A_200] : memref<10000x128xf32, #tpu.memory_space<hbm>> -> memref<10000x128xf32, #tpu.memory_space<hbm>>
      tpu.wait_indirect_dma semaphore(%arg19 : memref<!tpu.dma_semaphore, #tpu.memory_space<semaphore_mem>>) src(%dma_wait3A_201 : memref<10000x128xf32, #tpu.memory_space<hbm>>) dst(%arg14 : memref<128x128xf32, #tpu.memory_space<vmem>>)
      %dma_wait3A_202 = arith.constant 0 : i32
      %dma_wait3A_203 = arith.constant 0 : i32
      %dma_wait3A_204 = tpu.memref_slice %arg3[%dma_wait3A_202, %dma_wait3A_203] : memref<32x128xf32, #tpu.memory_space<hbm>> -> memref<32x128xf32, #tpu.memory_space<hbm>>
      tpu.wait_indirect_dma semaphore(%arg20 : memref<!tpu.dma_semaphore, #tpu.memory_space<semaphore_mem>>) src(%dma_wait3A_204 : memref<32x128xf32, #tpu.memory_space<hbm>>) dst(%arg15 : memref<128x128xf32, #tpu.memory_space<vmem>>)
      %scan3A_205 = arith.constant 0 : i32
      %scan3A_206 = arith.constant 0 : i32
      %scan3A_207 = arith.constant 128 : i32
      %scan3A_208 = arith.addi %scan3A_206, %scan3A_207 : i32
      %scan3A_209 = arith.constant 1 : i32
      scf.for %scan3A_211 = %scan3A_206 to %scan3A_208 step %scan3A_209  : i32 {
        %get3A_212 = arith.index_cast %scan3A_211 : i32 to index
        %get3A_213 = arith.constant 0 : index
        %get3A_214 = tpu.vector_load %arg16[%get3A_212, %get3A_213] {strides = array<i32>} : memref<128x16xf32, #tpu.memory_space<vmem>>, vector<1x16xf32>,
        %get3A_215 = vector.shape_cast %get3A_214 : vector<1x16xf32> to vector<16xf32>
        %get3A_216 = arith.index_cast %scan3A_211 : i32 to index
        %get3A_217 = arith.constant 0 : index
        %get3A_218 = tpu.vector_load %arg15[%get3A_216, %get3A_217] {strides = array<i32>} : memref<128x128xf32, #tpu.memory_space<vmem>>, vector<1x16xf32>,
        %get3A_219 = vector.shape_cast %get3A_218 : vector<1x16xf32> to vector<16xf32>
        %get3A_220 = arith.index_cast %scan3A_211 : i32 to index
        %get3A_221 = arith.constant 0 : index
        %get3A_222 = tpu.vector_load %arg14[%get3A_220, %get3A_221] {strides = array<i32>} : memref<128x128xf32, #tpu.memory_space<vmem>>, vector<1x16xf32>,
        %get3A_223 = vector.shape_cast %get3A_222 : vector<1x16xf32> to vector<16xf32>
        %mul3A_224 = arith.mulf %get3A_219, %get3A_223 : vector<16xf32>
        %mul3A_225 = arith.mulf %get3A_215, %mul3A_224 : vector<16xf32>
        %swap3A_226 = arith.index_cast %scan3A_211 : i32 to index
        %swap3A_227 = arith.constant 0 : index
        %swap3A_228 = tpu.vector_load %arg14[%swap3A_226, %swap3A_227] {strides = array<i32>} : memref<128x128xf32, #tpu.memory_space<vmem>>, vector<1x16xf32>,
        %swap3A_229 = vector.shape_cast %swap3A_228 : vector<1x16xf32> to vector<16xf32>
        %swap3A_230 = vector.shape_cast %mul3A_225 : vector<16xf32> to vector<1x16xf32>
        tpu.vector_store %arg14[%swap3A_226, %swap3A_227], %swap3A_230 {strides = array<i32>} : memref<128x128xf32, #tpu.memory_space<vmem>>, vector<1x16xf32>,
        %get3A_231 = arith.index_cast %scan3A_211 : i32 to index
        %get3A_232 = arith.constant 16 : index
        %get3A_233 = tpu.vector_load %arg15[%get3A_231, %get3A_232] {strides = array<i32>} : memref<128x128xf32, #tpu.memory_space<vmem>>, vector<1x16xf32>,
        %get3A_234 = vector.shape_cast %get3A_233 : vector<1x16xf32> to vector<16xf32>
        %get3A_235 = arith.index_cast %scan3A_211 : i32 to index
        %get3A_236 = arith.constant 16 : index
        %get3A_237 = tpu.vector_load %arg14[%get3A_235, %get3A_236] {strides = array<i32>} : memref<128x128xf32, #tpu.memory_space<vmem>>, vector<1x16xf32>,
        %get3A_238 = vector.shape_cast %get3A_237 : vector<1x16xf32> to vector<16xf32>
        %mul3A_239 = arith.mulf %get3A_234, %get3A_238 : vector<16xf32>
        %mul3A_240 = arith.mulf %get3A_215, %mul3A_239 : vector<16xf32>
        %swap3A_241 = arith.index_cast %scan3A_211 : i32 to index
        %swap3A_242 = arith.constant 16 : index
        %swap3A_243 = tpu.vector_load %arg14[%swap3A_241, %swap3A_242] {strides = array<i32>} : memref<128x128xf32, #tpu.memory_space<vmem>>, vector<1x16xf32>,
        %swap3A_244 = vector.shape_cast %swap3A_243 : vector<1x16xf32> to vector<16xf32>
        %swap3A_245 = vector.shape_cast %mul3A_240 : vector<16xf32> to vector<1x16xf32>
        tpu.vector_store %arg14[%swap3A_241, %swap3A_242], %swap3A_245 {strides = array<i32>} : memref<128x128xf32, #tpu.memory_space<vmem>>, vector<1x16xf32>,
        %get3A_246 = arith.index_cast %scan3A_211 : i32 to index
        %get3A_247 = arith.constant 32 : index
        %get3A_248 = tpu.vector_load %arg15[%get3A_246, %get3A_247] {strides = array<i32>} : memref<128x128xf32, #tpu.memory_space<vmem>>, vector<1x16xf32>,
        %get3A_249 = vector.shape_cast %get3A_248 : vector<1x16xf32> to vector<16xf32>
        %get3A_250 = arith.index_cast %scan3A_211 : i32 to index
        %get3A_251 = arith.constant 32 : index
        %get3A_252 = tpu.vector_load %arg14[%get3A_250, %get3A_251] {strides = array<i32>} : memref<128x128xf32, #tpu.memory_space<vmem>>, vector<1x16xf32>,
        %get3A_253 = vector.shape_cast %get3A_252 : vector<1x16xf32> to vector<16xf32>
        %mul3A_254 = arith.mulf %get3A_249, %get3A_253 : vector<16xf32>
        %mul3A_255 = arith.mulf %get3A_215, %mul3A_254 : vector<16xf32>
        %swap3A_256 = arith.index_cast %scan3A_211 : i32 to index
        %swap3A_257 = arith.constant 32 : index
        %swap3A_258 = tpu.vector_load %arg14[%swap3A_256, %swap3A_257] {strides = array<i32>} : memref<128x128xf32, #tpu.memory_space<vmem>>, vector<1x16xf32>,
        %swap3A_259 = vector.shape_cast %swap3A_258 : vector<1x16xf32> to vector<16xf32>
        %swap3A_260 = vector.shape_cast %mul3A_255 : vector<16xf32> to vector<1x16xf32>
        tpu.vector_store %arg14[%swap3A_256, %swap3A_257], %swap3A_260 {strides = array<i32>} : memref<128x128xf32, #tpu.memory_space<vmem>>, vector<1x16xf32>,
        %get3A_261 = arith.index_cast %scan3A_211 : i32 to index
        %get3A_262 = arith.constant 48 : index
        %get3A_263 = tpu.vector_load %arg15[%get3A_261, %get3A_262] {strides = array<i32>} : memref<128x128xf32, #tpu.memory_space<vmem>>, vector<1x16xf32>,
        %get3A_264 = vector.shape_cast %get3A_263 : vector<1x16xf32> to vector<16xf32>
        %get3A_265 = arith.index_cast %scan3A_211 : i32 to index
        %get3A_266 = arith.constant 48 : index
        %get3A_267 = tpu.vector_load %arg14[%get3A_265, %get3A_266] {strides = array<i32>} : memref<128x128xf32, #tpu.memory_space<vmem>>, vector<1x16xf32>,
        %get3A_268 = vector.shape_cast %get3A_267 : vector<1x16xf32> to vector<16xf32>
        %mul3A_269 = arith.mulf %get3A_264, %get3A_268 : vector<16xf32>
        %mul3A_270 = arith.mulf %get3A_215, %mul3A_269 : vector<16xf32>
        %swap3A_271 = arith.index_cast %scan3A_211 : i32 to index
        %swap3A_272 = arith.constant 48 : index
        %swap3A_273 = tpu.vector_load %arg14[%swap3A_271, %swap3A_272] {strides = array<i32>} : memref<128x128xf32, #tpu.memory_space<vmem>>, vector<1x16xf32>,
        %swap3A_274 = vector.shape_cast %swap3A_273 : vector<1x16xf32> to vector<16xf32>
        %swap3A_275 = vector.shape_cast %mul3A_270 : vector<16xf32> to vector<1x16xf32>
        tpu.vector_store %arg14[%swap3A_271, %swap3A_272], %swap3A_275 {strides = array<i32>} : memref<128x128xf32, #tpu.memory_space<vmem>>, vector<1x16xf32>,
        %get3A_276 = arith.index_cast %scan3A_211 : i32 to index
        %get3A_277 = arith.constant 64 : index
        %get3A_278 = tpu.vector_load %arg15[%get3A_276, %get3A_277] {strides = array<i32>} : memref<128x128xf32, #tpu.memory_space<vmem>>, vector<1x16xf32>,
        %get3A_279 = vector.shape_cast %get3A_278 : vector<1x16xf32> to vector<16xf32>
        %get3A_280 = arith.index_cast %scan3A_211 : i32 to index
        %get3A_281 = arith.constant 64 : index
        %get3A_282 = tpu.vector_load %arg14[%get3A_280, %get3A_281] {strides = array<i32>} : memref<128x128xf32, #tpu.memory_space<vmem>>, vector<1x16xf32>,
        %get3A_283 = vector.shape_cast %get3A_282 : vector<1x16xf32> to vector<16xf32>
        %mul3A_284 = arith.mulf %get3A_279, %get3A_283 : vector<16xf32>
        %mul3A_285 = arith.mulf %get3A_215, %mul3A_284 : vector<16xf32>
        %swap3A_286 = arith.index_cast %scan3A_211 : i32 to index
        %swap3A_287 = arith.constant 64 : index
        %swap3A_288 = tpu.vector_load %arg14[%swap3A_286, %swap3A_287] {strides = array<i32>} : memref<128x128xf32, #tpu.memory_space<vmem>>, vector<1x16xf32>,
        %swap3A_289 = vector.shape_cast %swap3A_288 : vector<1x16xf32> to vector<16xf32>
        %swap3A_290 = vector.shape_cast %mul3A_285 : vector<16xf32> to vector<1x16xf32>
        tpu.vector_store %arg14[%swap3A_286, %swap3A_287], %swap3A_290 {strides = array<i32>} : memref<128x128xf32, #tpu.memory_space<vmem>>, vector<1x16xf32>,
        %get3A_291 = arith.index_cast %scan3A_211 : i32 to index
        %get3A_292 = arith.constant 80 : index
        %get3A_293 = tpu.vector_load %arg15[%get3A_291, %get3A_292] {strides = array<i32>} : memref<128x128xf32, #tpu.memory_space<vmem>>, vector<1x16xf32>,
        %get3A_294 = vector.shape_cast %get3A_293 : vector<1x16xf32> to vector<16xf32>
        %get3A_295 = arith.index_cast %scan3A_211 : i32 to index
        %get3A_296 = arith.constant 80 : index
        %get3A_297 = tpu.vector_load %arg14[%get3A_295, %get3A_296] {strides = array<i32>} : memref<128x128xf32, #tpu.memory_space<vmem>>, vector<1x16xf32>,
        %get3A_298 = vector.shape_cast %get3A_297 : vector<1x16xf32> to vector<16xf32>
        %mul3A_299 = arith.mulf %get3A_294, %get3A_298 : vector<16xf32>
        %mul3A_300 = arith.mulf %get3A_215, %mul3A_299 : vector<16xf32>
        %swap3A_301 = arith.index_cast %scan3A_211 : i32 to index
        %swap3A_302 = arith.constant 80 : index
        %swap3A_303 = tpu.vector_load %arg14[%swap3A_301, %swap3A_302] {strides = array<i32>} : memref<128x128xf32, #tpu.memory_space<vmem>>, vector<1x16xf32>,
        %swap3A_304 = vector.shape_cast %swap3A_303 : vector<1x16xf32> to vector<16xf32>
        %swap3A_305 = vector.shape_cast %mul3A_300 : vector<16xf32> to vector<1x16xf32>
        tpu.vector_store %arg14[%swap3A_301, %swap3A_302], %swap3A_305 {strides = array<i32>} : memref<128x128xf32, #tpu.memory_space<vmem>>, vector<1x16xf32>,
        %get3A_306 = arith.index_cast %scan3A_211 : i32 to index
        %get3A_307 = arith.constant 96 : index
        %get3A_308 = tpu.vector_load %arg15[%get3A_306, %get3A_307] {strides = array<i32>} : memref<128x128xf32, #tpu.memory_space<vmem>>, vector<1x16xf32>,
        %get3A_309 = vector.shape_cast %get3A_308 : vector<1x16xf32> to vector<16xf32>
        %get3A_310 = arith.index_cast %scan3A_211 : i32 to index
        %get3A_311 = arith.constant 96 : index
        %get3A_312 = tpu.vector_load %arg14[%get3A_310, %get3A_311] {strides = array<i32>} : memref<128x128xf32, #tpu.memory_space<vmem>>, vector<1x16xf32>,
        %get3A_313 = vector.shape_cast %get3A_312 : vector<1x16xf32> to vector<16xf32>
        %mul3A_314 = arith.mulf %get3A_309, %get3A_313 : vector<16xf32>
        %mul3A_315 = arith.mulf %get3A_215, %mul3A_314 : vector<16xf32>
        %swap3A_316 = arith.index_cast %scan3A_211 : i32 to index
        %swap3A_317 = arith.constant 96 : index
        %swap3A_318 = tpu.vector_load %arg14[%swap3A_316, %swap3A_317] {strides = array<i32>} : memref<128x128xf32, #tpu.memory_space<vmem>>, vector<1x16xf32>,
        %swap3A_319 = vector.shape_cast %swap3A_318 : vector<1x16xf32> to vector<16xf32>
        %swap3A_320 = vector.shape_cast %mul3A_315 : vector<16xf32> to vector<1x16xf32>
        tpu.vector_store %arg14[%swap3A_316, %swap3A_317], %swap3A_320 {strides = array<i32>} : memref<128x128xf32, #tpu.memory_space<vmem>>, vector<1x16xf32>,
        %get3A_321 = arith.index_cast %scan3A_211 : i32 to index
        %get3A_322 = arith.constant 112 : index
        %get3A_323 = tpu.vector_load %arg15[%get3A_321, %get3A_322] {strides = array<i32>} : memref<128x128xf32, #tpu.memory_space<vmem>>, vector<1x16xf32>,
        %get3A_324 = vector.shape_cast %get3A_323 : vector<1x16xf32> to vector<16xf32>
        %get3A_325 = arith.index_cast %scan3A_211 : i32 to index
        %get3A_326 = arith.constant 112 : index
        %get3A_327 = tpu.vector_load %arg14[%get3A_325, %get3A_326] {strides = array<i32>} : memref<128x128xf32, #tpu.memory_space<vmem>>, vector<1x16xf32>,
        %get3A_328 = vector.shape_cast %get3A_327 : vector<1x16xf32> to vector<16xf32>
        %mul3A_329 = arith.mulf %get3A_324, %get3A_328 : vector<16xf32>
        %mul3A_330 = arith.mulf %get3A_215, %mul3A_329 : vector<16xf32>
        %swap3A_331 = arith.index_cast %scan3A_211 : i32 to index
        %swap3A_332 = arith.constant 112 : index
        %swap3A_333 = tpu.vector_load %arg14[%swap3A_331, %swap3A_332] {strides = array<i32>} : memref<128x128xf32, #tpu.memory_space<vmem>>, vector<1x16xf32>,
        %swap3A_334 = vector.shape_cast %swap3A_333 : vector<1x16xf32> to vector<16xf32>
        %swap3A_335 = vector.shape_cast %mul3A_330 : vector<16xf32> to vector<1x16xf32>
        tpu.vector_store %arg14[%swap3A_331, %swap3A_332], %swap3A_335 {strides = array<i32>} : memref<128x128xf32, #tpu.memory_space<vmem>>, vector<1x16xf32>,
      }
      %scan3A_210 = arith.constant 128 : i32
      "tpu.region"() ({
        %run_scoped3A_211 = tpu.sem_alloc : memref<!tpu.dma_semaphore, #tpu.memory_space<semaphore_mem>>
        %dma_start3A_212 = arith.constant 0 : i32
        %dma_start3A_213 = arith.constant 0 : i32
        %dma_start3A_214 = tpu.memref_slice %arg17[%dma_start3A_212, %dma_start3A_213] : memref<10000x128xf32, #tpu.memory_space<vmem_shared>> -> memref<10000x128xf32, #tpu.memory_space<vmem_shared>>
        tpu.enqueue_indirect_dma source(%arg14 : memref<128x128xf32, #tpu.memory_space<vmem>>) target(%dma_start3A_214 : memref<10000x128xf32, #tpu.memory_space<vmem_shared>>) offsets(%arg8 : memref<128xi32, #tpu.memory_space<vmem>>) semaphore(%run_scoped3A_211 : memref<!tpu.dma_semaphore, #tpu.memory_space<semaphore_mem>>) {add = true}
        %dma_wait3A_215 = arith.constant 0 : i32
        %dma_wait3A_216 = arith.constant 0 : i32
        %dma_wait3A_217 = tpu.memref_slice %arg17[%dma_wait3A_215, %dma_wait3A_216] : memref<10000x128xf32, #tpu.memory_space<vmem_shared>> -> memref<10000x128xf32, #tpu.memory_space<vmem_shared>>
        tpu.wait_indirect_dma semaphore(%run_scoped3A_211 : memref<!tpu.dma_semaphore, #tpu.memory_space<semaphore_mem>>) src(%arg14 : memref<128x128xf32, #tpu.memory_space<vmem>>) dst(%dma_wait3A_217 : memref<10000x128xf32, #tpu.memory_space<vmem_shared>>)
        tpu.yield
      }) : () -> ()
    }
    %while3A_50 = arith.constant 1 : i32
    scf.for %while3A_78 = %while3A_48 to %while3A_44 step %while3A_50  : i32 {
      %mul3A_79 = arith.constant 16 : i32
      %mul3A_80 = arith.muli %while3A_78, %mul3A_79 : i32
      %add3A_81 = arith.addi %arg1, %mul3A_80 : i32
      %mul3A_82 = arith.constant 128 : i32
      %mul3A_83 = arith.muli %add3A_81, %mul3A_82 : i32
      %run_scoped3A = arith.constant 0 : i32
      "tpu.region"() ({
        %run_scoped3A_211 = tpu.sem_alloc : memref<!tpu.dma_semaphore, #tpu.memory_space<semaphore_mem>>
        %dma_start3A_212 = tpu.memref_slice %arg4[%run_scoped3A, %mul3A_83] : memref<2x320000xi32, #tpu.memory_space<hbm>> -> memref<1x128xi32, #tpu.memory_space<hbm>>
        %dma_start3A_213 = tpu.memref_squeeze %dma_start3A_212 : memref<1x128xi32, #tpu.memory_space<hbm>> -> memref<128xi32, #tpu.memory_space<hbm>>
        %dma_start3A_214 = tpu.memref_slice %arg4[%run_scoped3A, %mul3A_83] : memref<2x320000xi32, #tpu.memory_space<hbm>> -> memref<1x128xi32, #tpu.memory_space<hbm>>
        %dma_start3A_215 = tpu.memref_squeeze %dma_start3A_214 : memref<1x128xi32, #tpu.memory_space<hbm>> -> memref<128xi32, #tpu.memory_space<hbm>>
        tpu.enqueue_dma source(%dma_start3A_215 : memref<128xi32, #tpu.memory_space<hbm>>) target(%arg8 : memref<128xi32, #tpu.memory_space<vmem>>) target_semaphore(%run_scoped3A_211 : memref<!tpu.dma_semaphore, #tpu.memory_space<semaphore_mem>>)
        %dma_wait3A_216 = tpu.memref_slice %arg4[%run_scoped3A, %mul3A_83] : memref<2x320000xi32, #tpu.memory_space<hbm>> -> memref<1x128xi32, #tpu.memory_space<hbm>>
        %dma_wait3A_217 = tpu.memref_squeeze %dma_wait3A_216 : memref<1x128xi32, #tpu.memory_space<hbm>> -> memref<128xi32, #tpu.memory_space<hbm>>
        %dma_wait3A_218 = tpu.memref_slice %arg4[%run_scoped3A, %mul3A_83] : memref<2x320000xi32, #tpu.memory_space<hbm>> -> memref<1x128xi32, #tpu.memory_space<hbm>>
        %dma_wait3A_219 = tpu.memref_squeeze %dma_wait3A_218 : memref<1x128xi32, #tpu.memory_space<hbm>> -> memref<128xi32, #tpu.memory_space<hbm>>
        tpu.wait_dma2 semaphore(%run_scoped3A_211 : memref<!tpu.dma_semaphore, #tpu.memory_space<semaphore_mem>>) src(%dma_wait3A_219 : memref<128xi32, #tpu.memory_space<hbm>>) dst(%arg8 : memref<128xi32, #tpu.memory_space<vmem>>)
        tpu.yield
      }) : () -> ()
      %run_scoped3A_84 = arith.constant 1 : i32
      "tpu.region"() ({
        %run_scoped3A_211 = tpu.sem_alloc : memref<!tpu.dma_semaphore, #tpu.memory_space<semaphore_mem>>
        %dma_start3A_212 = tpu.memref_slice %arg4[%run_scoped3A_84, %mul3A_83] : memref<2x320000xi32, #tpu.memory_space<hbm>> -> memref<1x128xi32, #tpu.memory_space<hbm>>
        %dma_start3A_213 = tpu.memref_squeeze %dma_start3A_212 : memref<1x128xi32, #tpu.memory_space<hbm>> -> memref<128xi32, #tpu.memory_space<hbm>>
        %dma_start3A_214 = tpu.memref_slice %arg4[%run_scoped3A_84, %mul3A_83] : memref<2x320000xi32, #tpu.memory_space<hbm>> -> memref<1x128xi32, #tpu.memory_space<hbm>>
        %dma_start3A_215 = tpu.memref_squeeze %dma_start3A_214 : memref<1x128xi32, #tpu.memory_space<hbm>> -> memref<128xi32, #tpu.memory_space<hbm>>
        tpu.enqueue_dma source(%dma_start3A_215 : memref<128xi32, #tpu.memory_space<hbm>>) target(%arg9 : memref<128xi32, #tpu.memory_space<vmem>>) target_semaphore(%run_scoped3A_211 : memref<!tpu.dma_semaphore, #tpu.memory_space<semaphore_mem>>)
        %dma_wait3A_216 = tpu.memref_slice %arg4[%run_scoped3A_84, %mul3A_83] : memref<2x320000xi32, #tpu.memory_space<hbm>> -> memref<1x128xi32, #tpu.memory_space<hbm>>
        %dma_wait3A_217 = tpu.memref_squeeze %dma_wait3A_216 : memref<1x128xi32, #tpu.memory_space<hbm>> -> memref<128xi32, #tpu.memory_space<hbm>>
        %dma_wait3A_218 = tpu.memref_slice %arg4[%run_scoped3A_84, %mul3A_83] : memref<2x320000xi32, #tpu.memory_space<hbm>> -> memref<1x128xi32, #tpu.memory_space<hbm>>
        %dma_wait3A_219 = tpu.memref_squeeze %dma_wait3A_218 : memref<1x128xi32, #tpu.memory_space<hbm>> -> memref<128xi32, #tpu.memory_space<hbm>>
        tpu.wait_dma2 semaphore(%run_scoped3A_211 : memref<!tpu.dma_semaphore, #tpu.memory_space<semaphore_mem>>) src(%dma_wait3A_219 : memref<128xi32, #tpu.memory_space<hbm>>) dst(%arg9 : memref<128xi32, #tpu.memory_space<vmem>>)
        tpu.yield
      }) : () -> ()
      "tpu.region"() ({
        %run_scoped3A_211 = tpu.sem_alloc : memref<!tpu.dma_semaphore, #tpu.memory_space<semaphore_mem>>
        %dma_start3A_212 = tpu.memref_slice %arg5[%mul3A_83] : memref<320000xi32, #tpu.memory_space<hbm>> -> memref<128xi32, #tpu.memory_space<hbm>>
        %dma_start3A_213 = tpu.memref_slice %arg5[%mul3A_83] : memref<320000xi32, #tpu.memory_space<hbm>> -> memref<128xi32, #tpu.memory_space<hbm>>
        tpu.enqueue_dma source(%dma_start3A_213 : memref<128xi32, #tpu.memory_space<hbm>>) target(%arg10 : memref<128xi32, #tpu.memory_space<vmem>>) target_semaphore(%run_scoped3A_211 : memref<!tpu.dma_semaphore, #tpu.memory_space<semaphore_mem>>)
        %dma_wait3A_214 = tpu.memref_slice %arg5[%mul3A_83] : memref<320000xi32, #tpu.memory_space<hbm>> -> memref<128xi32, #tpu.memory_space<hbm>>
        %dma_wait3A_215 = tpu.memref_slice %arg5[%mul3A_83] : memref<320000xi32, #tpu.memory_space<hbm>> -> memref<128xi32, #tpu.memory_space<hbm>>
        tpu.wait_dma2 semaphore(%run_scoped3A_211 : memref<!tpu.dma_semaphore, #tpu.memory_space<semaphore_mem>>) src(%dma_wait3A_215 : memref<128xi32, #tpu.memory_space<hbm>>) dst(%arg10 : memref<128xi32, #tpu.memory_space<vmem>>)
        tpu.yield
      }) : () -> ()
      %get3A = arith.constant 0 : index
      %get3A_85 = tpu.vector_load %arg10[%get3A] {strides = array<i32>} : memref<128xi32, #tpu.memory_space<vmem>>, vector<16xi32>,
      %get3A_86 = vector.shape_cast %get3A_85 : vector<16xi32> to vector<16xi32>
      %add3A_87 = arith.constant 31 : i32
      %add3A_88 = vector.broadcast %add3A_87 : i32 to vector<16xi32>
      %add3A_89 = arith.addi %get3A_86, %add3A_88 : vector<16xi32>
      %and3A_90 = arith.constant 31 : i32
      %and3A_91 = vector.broadcast %and3A_90 : i32 to vector<16xi32>
      %and3A_92 = arith.andi %add3A_89, %and3A_91 : vector<16xi32>
      %swap3A = arith.constant 0 : index
      %swap3A_93 = tpu.vector_load %arg10[%swap3A] {strides = array<i32>} : memref<128xi32, #tpu.memory_space<vmem>>, vector<16xi32>,
      %swap3A_94 = vector.shape_cast %swap3A_93 : vector<16xi32> to vector<16xi32>
      %swap3A_95 = vector.shape_cast %and3A_92 : vector<16xi32> to vector<16xi32>
      tpu.vector_store %arg10[%swap3A], %swap3A_95 {strides = array<i32>} : memref<128xi32, #tpu.memory_space<vmem>>, vector<16xi32>,
      %get3A_96 = arith.constant 16 : index
      %get3A_97 = tpu.vector_load %arg10[%get3A_96] {strides = array<i32>} : memref<128xi32, #tpu.memory_space<vmem>>, vector<16xi32>,
      %get3A_98 = vector.shape_cast %get3A_97 : vector<16xi32> to vector<16xi32>
      %add3A_99 = arith.constant 31 : i32
      %add3A_100 = vector.broadcast %add3A_99 : i32 to vector<16xi32>
      %add3A_101 = arith.addi %get3A_98, %add3A_100 : vector<16xi32>
      %and3A_102 = arith.constant 31 : i32
      %and3A_103 = vector.broadcast %and3A_102 : i32 to vector<16xi32>
      %and3A_104 = arith.andi %add3A_101, %and3A_103 : vector<16xi32>
      %swap3A_105 = arith.constant 16 : index
      %swap3A_106 = tpu.vector_load %arg10[%swap3A_105] {strides = array<i32>} : memref<128xi32, #tpu.memory_space<vmem>>, vector<16xi32>,
      %swap3A_107 = vector.shape_cast %swap3A_106 : vector<16xi32> to vector<16xi32>
      %swap3A_108 = vector.shape_cast %and3A_104 : vector<16xi32> to vector<16xi32>
      tpu.vector_store %arg10[%swap3A_105], %swap3A_108 {strides = array<i32>} : memref<128xi32, #tpu.memory_space<vmem>>, vector<16xi32>,
      %get3A_109 = arith.constant 32 : index
      %get3A_110 = tpu.vector_load %arg10[%get3A_109] {strides = array<i32>} : memref<128xi32, #tpu.memory_space<vmem>>, vector<16xi32>,
      %get3A_111 = vector.shape_cast %get3A_110 : vector<16xi32> to vector<16xi32>
      %add3A_112 = arith.constant 31 : i32
      %add3A_113 = vector.broadcast %add3A_112 : i32 to vector<16xi32>
      %add3A_114 = arith.addi %get3A_111, %add3A_113 : vector<16xi32>
      %and3A_115 = arith.constant 31 : i32
      %and3A_116 = vector.broadcast %and3A_115 : i32 to vector<16xi32>
      %and3A_117 = arith.andi %add3A_114, %and3A_116 : vector<16xi32>
      %swap3A_118 = arith.constant 32 : index
      %swap3A_119 = tpu.vector_load %arg10[%swap3A_118] {strides = array<i32>} : memref<128xi32, #tpu.memory_space<vmem>>, vector<16xi32>,
      %swap3A_120 = vector.shape_cast %swap3A_119 : vector<16xi32> to vector<16xi32>
      %swap3A_121 = vector.shape_cast %and3A_117 : vector<16xi32> to vector<16xi32>
      tpu.vector_store %arg10[%swap3A_118], %swap3A_121 {strides = array<i32>} : memref<128xi32, #tpu.memory_space<vmem>>, vector<16xi32>,
      %get3A_122 = arith.constant 48 : index
      %get3A_123 = tpu.vector_load %arg10[%get3A_122] {strides = array<i32>} : memref<128xi32, #tpu.memory_space<vmem>>, vector<16xi32>,
      %get3A_124 = vector.shape_cast %get3A_123 : vector<16xi32> to vector<16xi32>
      %add3A_125 = arith.constant 31 : i32
      %add3A_126 = vector.broadcast %add3A_125 : i32 to vector<16xi32>
      %add3A_127 = arith.addi %get3A_124, %add3A_126 : vector<16xi32>
      %and3A_128 = arith.constant 31 : i32
      %and3A_129 = vector.broadcast %and3A_128 : i32 to vector<16xi32>
      %and3A_130 = arith.andi %add3A_127, %and3A_129 : vector<16xi32>
      %swap3A_131 = arith.constant 48 : index
      %swap3A_132 = tpu.vector_load %arg10[%swap3A_131] {strides = array<i32>} : memref<128xi32, #tpu.memory_space<vmem>>, vector<16xi32>,
      %swap3A_133 = vector.shape_cast %swap3A_132 : vector<16xi32> to vector<16xi32>
      %swap3A_134 = vector.shape_cast %and3A_130 : vector<16xi32> to vector<16xi32>
      tpu.vector_store %arg10[%swap3A_131], %swap3A_134 {strides = array<i32>} : memref<128xi32, #tpu.memory_space<vmem>>, vector<16xi32>,
      %get3A_135 = arith.constant 64 : index
      %get3A_136 = tpu.vector_load %arg10[%get3A_135] {strides = array<i32>} : memref<128xi32, #tpu.memory_space<vmem>>, vector<16xi32>,
      %get3A_137 = vector.shape_cast %get3A_136 : vector<16xi32> to vector<16xi32>
      %add3A_138 = arith.constant 31 : i32
      %add3A_139 = vector.broadcast %add3A_138 : i32 to vector<16xi32>
      %add3A_140 = arith.addi %get3A_137, %add3A_139 : vector<16xi32>
      %and3A_141 = arith.constant 31 : i32
      %and3A_142 = vector.broadcast %and3A_141 : i32 to vector<16xi32>
      %and3A_143 = arith.andi %add3A_140, %and3A_142 : vector<16xi32>
      %swap3A_144 = arith.constant 64 : index
      %swap3A_145 = tpu.vector_load %arg10[%swap3A_144] {strides = array<i32>} : memref<128xi32, #tpu.memory_space<vmem>>, vector<16xi32>,
      %swap3A_146 = vector.shape_cast %swap3A_145 : vector<16xi32> to vector<16xi32>
      %swap3A_147 = vector.shape_cast %and3A_143 : vector<16xi32> to vector<16xi32>
      tpu.vector_store %arg10[%swap3A_144], %swap3A_147 {strides = array<i32>} : memref<128xi32, #tpu.memory_space<vmem>>, vector<16xi32>,
      %get3A_148 = arith.constant 80 : index
      %get3A_149 = tpu.vector_load %arg10[%get3A_148] {strides = array<i32>} : memref<128xi32, #tpu.memory_space<vmem>>, vector<16xi32>,
      %get3A_150 = vector.shape_cast %get3A_149 : vector<16xi32> to vector<16xi32>
      %add3A_151 = arith.constant 31 : i32
      %add3A_152 = vector.broadcast %add3A_151 : i32 to vector<16xi32>
      %add3A_153 = arith.addi %get3A_150, %add3A_152 : vector<16xi32>
      %and3A_154 = arith.constant 31 : i32
      %and3A_155 = vector.broadcast %and3A_154 : i32 to vector<16xi32>
      %and3A_156 = arith.andi %add3A_153, %and3A_155 : vector<16xi32>
      %swap3A_157 = arith.constant 80 : index
      %swap3A_158 = tpu.vector_load %arg10[%swap3A_157] {strides = array<i32>} : memref<128xi32, #tpu.memory_space<vmem>>, vector<16xi32>,
      %swap3A_159 = vector.shape_cast %swap3A_158 : vector<16xi32> to vector<16xi32>
      %swap3A_160 = vector.shape_cast %and3A_156 : vector<16xi32> to vector<16xi32>
      tpu.vector_store %arg10[%swap3A_157], %swap3A_160 {strides = array<i32>} : memref<128xi32, #tpu.memory_space<vmem>>, vector<16xi32>,
      %get3A_161 = arith.constant 96 : index
      %get3A_162 = tpu.vector_load %arg10[%get3A_161] {strides = array<i32>} : memref<128xi32, #tpu.memory_space<vmem>>, vector<16xi32>,
      %get3A_163 = vector.shape_cast %get3A_162 : vector<16xi32> to vector<16xi32>
      %add3A_164 = arith.constant 31 : i32
      %add3A_165 = vector.broadcast %add3A_164 : i32 to vector<16xi32>
      %add3A_166 = arith.addi %get3A_163, %add3A_165 : vector<16xi32>
      %and3A_167 = arith.constant 31 : i32
      %and3A_168 = vector.broadcast %and3A_167 : i32 to vector<16xi32>
      %and3A_169 = arith.andi %add3A_166, %and3A_168 : vector<16xi32>
      %swap3A_170 = arith.constant 96 : index
      %swap3A_171 = tpu.vector_load %arg10[%swap3A_170] {strides = array<i32>} : memref<128xi32, #tpu.memory_space<vmem>>, vector<16xi32>,
      %swap3A_172 = vector.shape_cast %swap3A_171 : vector<16xi32> to vector<16xi32>
      %swap3A_173 = vector.shape_cast %and3A_169 : vector<16xi32> to vector<16xi32>
      tpu.vector_store %arg10[%swap3A_170], %swap3A_173 {strides = array<i32>} : memref<128xi32, #tpu.memory_space<vmem>>, vector<16xi32>,
      %get3A_174 = arith.constant 112 : index
      %get3A_175 = tpu.vector_load %arg10[%get3A_174] {strides = array<i32>} : memref<128xi32, #tpu.memory_space<vmem>>, vector<16xi32>,
      %get3A_176 = vector.shape_cast %get3A_175 : vector<16xi32> to vector<16xi32>
      %add3A_177 = arith.constant 31 : i32
      %add3A_178 = vector.broadcast %add3A_177 : i32 to vector<16xi32>
      %add3A_179 = arith.addi %get3A_176, %add3A_178 : vector<16xi32>
      %and3A_180 = arith.constant 31 : i32
      %and3A_181 = vector.broadcast %and3A_180 : i32 to vector<16xi32>
      %and3A_182 = arith.andi %add3A_179, %and3A_181 : vector<16xi32>
      %swap3A_183 = arith.constant 112 : index
      %swap3A_184 = tpu.vector_load %arg10[%swap3A_183] {strides = array<i32>} : memref<128xi32, #tpu.memory_space<vmem>>, vector<16xi32>,
      %swap3A_185 = vector.shape_cast %swap3A_184 : vector<16xi32> to vector<16xi32>
      %swap3A_186 = vector.shape_cast %and3A_182 : vector<16xi32> to vector<16xi32>
      tpu.vector_store %arg10[%swap3A_183], %swap3A_186 {strides = array<i32>} : memref<128xi32, #tpu.memory_space<vmem>>, vector<16xi32>,
      %dma_start3A = arith.constant 0 : i32
      %dma_start3A_187 = tpu.memref_slice %arg6[%mul3A_83, %dma_start3A] : memref<320000x16xf32, #tpu.memory_space<hbm>> -> memref<128x16xf32, #tpu.memory_space<hbm>>
      %dma_start3A_188 = arith.constant 0 : i32
      %dma_start3A_189 = tpu.memref_slice %arg6[%mul3A_83, %dma_start3A_188] : memref<320000x16xf32, #tpu.memory_space<hbm>> -> memref<128x16xf32, #tpu.memory_space<hbm>>
      tpu.enqueue_dma source(%dma_start3A_189 : memref<128x16xf32, #tpu.memory_space<hbm>>) target(%arg16 : memref<128x16xf32, #tpu.memory_space<vmem>>) target_semaphore(%arg18 : memref<!tpu.dma_semaphore, #tpu.memory_space<semaphore_mem>>)
      %dma_start3A_190 = arith.constant 0 : i32
      %dma_start3A_191 = arith.constant 0 : i32
      %dma_start3A_192 = tpu.memref_slice %arg2[%dma_start3A_190, %dma_start3A_191] : memref<10000x128xf32, #tpu.memory_space<hbm>> -> memref<10000x128xf32, #tpu.memory_space<hbm>>
      tpu.enqueue_indirect_dma source(%dma_start3A_192 : memref<10000x128xf32, #tpu.memory_space<hbm>>) target(%arg14 : memref<128x128xf32, #tpu.memory_space<vmem>>) offsets(%arg9 : memref<128xi32, #tpu.memory_space<vmem>>) semaphore(%arg19 : memref<!tpu.dma_semaphore, #tpu.memory_space<semaphore_mem>>)
      %dma_start3A_193 = arith.constant 0 : i32
      %dma_start3A_194 = arith.constant 0 : i32
      %dma_start3A_195 = tpu.memref_slice %arg3[%dma_start3A_193, %dma_start3A_194] : memref<32x128xf32, #tpu.memory_space<hbm>> -> memref<32x128xf32, #tpu.memory_space<hbm>>
      tpu.enqueue_indirect_dma source(%dma_start3A_195 : memref<32x128xf32, #tpu.memory_space<hbm>>) target(%arg15 : memref<128x128xf32, #tpu.memory_space<vmem>>) offsets(%arg10 : memref<128xi32, #tpu.memory_space<vmem>>) semaphore(%arg20 : memref<!tpu.dma_semaphore, #tpu.memory_space<semaphore_mem>>)
      %dma_wait3A = arith.constant 0 : i32
      %dma_wait3A_196 = tpu.memref_slice %arg6[%mul3A_83, %dma_wait3A] : memref<320000x16xf32, #tpu.memory_space<hbm>> -> memref<128x16xf32, #tpu.memory_space<hbm>>
      %dma_wait3A_197 = arith.constant 0 : i32
      %dma_wait3A_198 = tpu.memref_slice %arg6[%mul3A_83, %dma_wait3A_197] : memref<320000x16xf32, #tpu.memory_space<hbm>> -> memref<128x16xf32, #tpu.memory_space<hbm>>
      tpu.wait_dma2 semaphore(%arg18 : memref<!tpu.dma_semaphore, #tpu.memory_space<semaphore_mem>>) src(%dma_wait3A_198 : memref<128x16xf32, #tpu.memory_space<hbm>>) dst(%arg16 : memref<128x16xf32, #tpu.memory_space<vmem>>)
      %dma_wait3A_199 = arith.constant 0 : i32
      %dma_wait3A_200 = arith.constant 0 : i32
      %dma_wait3A_201 = tpu.memref_slice %arg2[%dma_wait3A_199, %dma_wait3A_200] : memref<10000x128xf32, #tpu.memory_space<hbm>> -> memref<10000x128xf32, #tpu.memory_space<hbm>>
      tpu.wait_indirect_dma semaphore(%arg19 : memref<!tpu.dma_semaphore, #tpu.memory_space<semaphore_mem>>) src(%dma_wait3A_201 : memref<10000x128xf32, #tpu.memory_space<hbm>>) dst(%arg14 : memref<128x128xf32, #tpu.memory_space<vmem>>)
      %dma_wait3A_202 = arith.constant 0 : i32
      %dma_wait3A_203 = arith.constant 0 : i32
      %dma_wait3A_204 = tpu.memref_slice %arg3[%dma_wait3A_202, %dma_wait3A_203] : memref<32x128xf32, #tpu.memory_space<hbm>> -> memref<32x128xf32, #tpu.memory_space<hbm>>
      tpu.wait_indirect_dma semaphore(%arg20 : memref<!tpu.dma_semaphore, #tpu.memory_space<semaphore_mem>>) src(%dma_wait3A_204 : memref<32x128xf32, #tpu.memory_space<hbm>>) dst(%arg15 : memref<128x128xf32, #tpu.memory_space<vmem>>)
      %scan3A_205 = arith.constant 0 : i32
      %scan3A_206 = arith.constant 0 : i32
      %scan3A_207 = arith.constant 128 : i32
      %scan3A_208 = arith.addi %scan3A_206, %scan3A_207 : i32
      %scan3A_209 = arith.constant 1 : i32
      scf.for %scan3A_211 = %scan3A_206 to %scan3A_208 step %scan3A_209  : i32 {
        %get3A_212 = arith.index_cast %scan3A_211 : i32 to index
        %get3A_213 = arith.constant 0 : index
        %get3A_214 = tpu.vector_load %arg16[%get3A_212, %get3A_213] {strides = array<i32>} : memref<128x16xf32, #tpu.memory_space<vmem>>, vector<1x16xf32>,
        %get3A_215 = vector.shape_cast %get3A_214 : vector<1x16xf32> to vector<16xf32>
        %get3A_216 = arith.index_cast %scan3A_211 : i32 to index
        %get3A_217 = arith.constant 0 : index
        %get3A_218 = tpu.vector_load %arg15[%get3A_216, %get3A_217] {strides = array<i32>} : memref<128x128xf32, #tpu.memory_space<vmem>>, vector<1x16xf32>,
        %get3A_219 = vector.shape_cast %get3A_218 : vector<1x16xf32> to vector<16xf32>
        %get3A_220 = arith.index_cast %scan3A_211 : i32 to index
        %get3A_221 = arith.constant 0 : index
        %get3A_222 = tpu.vector_load %arg14[%get3A_220, %get3A_221] {strides = array<i32>} : memref<128x128xf32, #tpu.memory_space<vmem>>, vector<1x16xf32>,
        %get3A_223 = vector.shape_cast %get3A_222 : vector<1x16xf32> to vector<16xf32>
        %mul3A_224 = arith.mulf %get3A_219, %get3A_223 : vector<16xf32>
        %mul3A_225 = arith.mulf %get3A_215, %mul3A_224 : vector<16xf32>
        %swap3A_226 = arith.index_cast %scan3A_211 : i32 to index
        %swap3A_227 = arith.constant 0 : index
        %swap3A_228 = tpu.vector_load %arg14[%swap3A_226, %swap3A_227] {strides = array<i32>} : memref<128x128xf32, #tpu.memory_space<vmem>>, vector<1x16xf32>,
        %swap3A_229 = vector.shape_cast %swap3A_228 : vector<1x16xf32> to vector<16xf32>
        %swap3A_230 = vector.shape_cast %mul3A_225 : vector<16xf32> to vector<1x16xf32>
        tpu.vector_store %arg14[%swap3A_226, %swap3A_227], %swap3A_230 {strides = array<i32>} : memref<128x128xf32, #tpu.memory_space<vmem>>, vector<1x16xf32>,
        %get3A_231 = arith.index_cast %scan3A_211 : i32 to index
        %get3A_232 = arith.constant 16 : index
        %get3A_233 = tpu.vector_load %arg15[%get3A_231, %get3A_232] {strides = array<i32>} : memref<128x128xf32, #tpu.memory_space<vmem>>, vector<1x16xf32>,
        %get3A_234 = vector.shape_cast %get3A_233 : vector<1x16xf32> to vector<16xf32>
        %get3A_235 = arith.index_cast %scan3A_211 : i32 to index
        %get3A_236 = arith.constant 16 : index
        %get3A_237 = tpu.vector_load %arg14[%get3A_235, %get3A_236] {strides = array<i32>} : memref<128x128xf32, #tpu.memory_space<vmem>>, vector<1x16xf32>,
        %get3A_238 = vector.shape_cast %get3A_237 : vector<1x16xf32> to vector<16xf32>
        %mul3A_239 = arith.mulf %get3A_234, %get3A_238 : vector<16xf32>
        %mul3A_240 = arith.mulf %get3A_215, %mul3A_239 : vector<16xf32>
        %swap3A_241 = arith.index_cast %scan3A_211 : i32 to index
        %swap3A_242 = arith.constant 16 : index
        %swap3A_243 = tpu.vector_load %arg14[%swap3A_241, %swap3A_242] {strides = array<i32>} : memref<128x128xf32, #tpu.memory_space<vmem>>, vector<1x16xf32>,
        %swap3A_244 = vector.shape_cast %swap3A_243 : vector<1x16xf32> to vector<16xf32>
        %swap3A_245 = vector.shape_cast %mul3A_240 : vector<16xf32> to vector<1x16xf32>
        tpu.vector_store %arg14[%swap3A_241, %swap3A_242], %swap3A_245 {strides = array<i32>} : memref<128x128xf32, #tpu.memory_space<vmem>>, vector<1x16xf32>,
        %get3A_246 = arith.index_cast %scan3A_211 : i32 to index
        %get3A_247 = arith.constant 32 : index
        %get3A_248 = tpu.vector_load %arg15[%get3A_246, %get3A_247] {strides = array<i32>} : memref<128x128xf32, #tpu.memory_space<vmem>>, vector<1x16xf32>,
        %get3A_249 = vector.shape_cast %get3A_248 : vector<1x16xf32> to vector<16xf32>
        %get3A_250 = arith.index_cast %scan3A_211 : i32 to index
        %get3A_251 = arith.constant 32 : index
        %get3A_252 = tpu.vector_load %arg14[%get3A_250, %get3A_251] {strides = array<i32>} : memref<128x128xf32, #tpu.memory_space<vmem>>, vector<1x16xf32>,
        %get3A_253 = vector.shape_cast %get3A_252 : vector<1x16xf32> to vector<16xf32>
        %mul3A_254 = arith.mulf %get3A_249, %get3A_253 : vector<16xf32>
        %mul3A_255 = arith.mulf %get3A_215, %mul3A_254 : vector<16xf32>
        %swap3A_256 = arith.index_cast %scan3A_211 : i32 to index
        %swap3A_257 = arith.constant 32 : index
        %swap3A_258 = tpu.vector_load %arg14[%swap3A_256, %swap3A_257] {strides = array<i32>} : memref<128x128xf32, #tpu.memory_space<vmem>>, vector<1x16xf32>,
        %swap3A_259 = vector.shape_cast %swap3A_258 : vector<1x16xf32> to vector<16xf32>
        %swap3A_260 = vector.shape_cast %mul3A_255 : vector<16xf32> to vector<1x16xf32>
        tpu.vector_store %arg14[%swap3A_256, %swap3A_257], %swap3A_260 {strides = array<i32>} : memref<128x128xf32, #tpu.memory_space<vmem>>, vector<1x16xf32>,
        %get3A_261 = arith.index_cast %scan3A_211 : i32 to index
        %get3A_262 = arith.constant 48 : index
        %get3A_263 = tpu.vector_load %arg15[%get3A_261, %get3A_262] {strides = array<i32>} : memref<128x128xf32, #tpu.memory_space<vmem>>, vector<1x16xf32>,
        %get3A_264 = vector.shape_cast %get3A_263 : vector<1x16xf32> to vector<16xf32>
        %get3A_265 = arith.index_cast %scan3A_211 : i32 to index
        %get3A_266 = arith.constant 48 : index
        %get3A_267 = tpu.vector_load %arg14[%get3A_265, %get3A_266] {strides = array<i32>} : memref<128x128xf32, #tpu.memory_space<vmem>>, vector<1x16xf32>,
        %get3A_268 = vector.shape_cast %get3A_267 : vector<1x16xf32> to vector<16xf32>
        %mul3A_269 = arith.mulf %get3A_264, %get3A_268 : vector<16xf32>
        %mul3A_270 = arith.mulf %get3A_215, %mul3A_269 : vector<16xf32>
        %swap3A_271 = arith.index_cast %scan3A_211 : i32 to index
        %swap3A_272 = arith.constant 48 : index
        %swap3A_273 = tpu.vector_load %arg14[%swap3A_271, %swap3A_272] {strides = array<i32>} : memref<128x128xf32, #tpu.memory_space<vmem>>, vector<1x16xf32>,
        %swap3A_274 = vector.shape_cast %swap3A_273 : vector<1x16xf32> to vector<16xf32>
        %swap3A_275 = vector.shape_cast %mul3A_270 : vector<16xf32> to vector<1x16xf32>
        tpu.vector_store %arg14[%swap3A_271, %swap3A_272], %swap3A_275 {strides = array<i32>} : memref<128x128xf32, #tpu.memory_space<vmem>>, vector<1x16xf32>,
        %get3A_276 = arith.index_cast %scan3A_211 : i32 to index
        %get3A_277 = arith.constant 64 : index
        %get3A_278 = tpu.vector_load %arg15[%get3A_276, %get3A_277] {strides = array<i32>} : memref<128x128xf32, #tpu.memory_space<vmem>>, vector<1x16xf32>,
        %get3A_279 = vector.shape_cast %get3A_278 : vector<1x16xf32> to vector<16xf32>
        %get3A_280 = arith.index_cast %scan3A_211 : i32 to index
        %get3A_281 = arith.constant 64 : index
        %get3A_282 = tpu.vector_load %arg14[%get3A_280, %get3A_281] {strides = array<i32>} : memref<128x128xf32, #tpu.memory_space<vmem>>, vector<1x16xf32>,
        %get3A_283 = vector.shape_cast %get3A_282 : vector<1x16xf32> to vector<16xf32>
        %mul3A_284 = arith.mulf %get3A_279, %get3A_283 : vector<16xf32>
        %mul3A_285 = arith.mulf %get3A_215, %mul3A_284 : vector<16xf32>
        %swap3A_286 = arith.index_cast %scan3A_211 : i32 to index
        %swap3A_287 = arith.constant 64 : index
        %swap3A_288 = tpu.vector_load %arg14[%swap3A_286, %swap3A_287] {strides = array<i32>} : memref<128x128xf32, #tpu.memory_space<vmem>>, vector<1x16xf32>,
        %swap3A_289 = vector.shape_cast %swap3A_288 : vector<1x16xf32> to vector<16xf32>
        %swap3A_290 = vector.shape_cast %mul3A_285 : vector<16xf32> to vector<1x16xf32>
        tpu.vector_store %arg14[%swap3A_286, %swap3A_287], %swap3A_290 {strides = array<i32>} : memref<128x128xf32, #tpu.memory_space<vmem>>, vector<1x16xf32>,
        %get3A_291 = arith.index_cast %scan3A_211 : i32 to index
        %get3A_292 = arith.constant 80 : index
        %get3A_293 = tpu.vector_load %arg15[%get3A_291, %get3A_292] {strides = array<i32>} : memref<128x128xf32, #tpu.memory_space<vmem>>, vector<1x16xf32>,
        %get3A_294 = vector.shape_cast %get3A_293 : vector<1x16xf32> to vector<16xf32>
        %get3A_295 = arith.index_cast %scan3A_211 : i32 to index
        %get3A_296 = arith.constant 80 : index
        %get3A_297 = tpu.vector_load %arg14[%get3A_295, %get3A_296] {strides = array<i32>} : memref<128x128xf32, #tpu.memory_space<vmem>>, vector<1x16xf32>,
        %get3A_298 = vector.shape_cast %get3A_297 : vector<1x16xf32> to vector<16xf32>
        %mul3A_299 = arith.mulf %get3A_294, %get3A_298 : vector<16xf32>
        %mul3A_300 = arith.mulf %get3A_215, %mul3A_299 : vector<16xf32>
        %swap3A_301 = arith.index_cast %scan3A_211 : i32 to index
        %swap3A_302 = arith.constant 80 : index
        %swap3A_303 = tpu.vector_load %arg14[%swap3A_301, %swap3A_302] {strides = array<i32>} : memref<128x128xf32, #tpu.memory_space<vmem>>, vector<1x16xf32>,
        %swap3A_304 = vector.shape_cast %swap3A_303 : vector<1x16xf32> to vector<16xf32>
        %swap3A_305 = vector.shape_cast %mul3A_300 : vector<16xf32> to vector<1x16xf32>
        tpu.vector_store %arg14[%swap3A_301, %swap3A_302], %swap3A_305 {strides = array<i32>} : memref<128x128xf32, #tpu.memory_space<vmem>>, vector<1x16xf32>,
        %get3A_306 = arith.index_cast %scan3A_211 : i32 to index
        %get3A_307 = arith.constant 96 : index
        %get3A_308 = tpu.vector_load %arg15[%get3A_306, %get3A_307] {strides = array<i32>} : memref<128x128xf32, #tpu.memory_space<vmem>>, vector<1x16xf32>,
        %get3A_309 = vector.shape_cast %get3A_308 : vector<1x16xf32> to vector<16xf32>
        %get3A_310 = arith.index_cast %scan3A_211 : i32 to index
        %get3A_311 = arith.constant 96 : index
        %get3A_312 = tpu.vector_load %arg14[%get3A_310, %get3A_311] {strides = array<i32>} : memref<128x128xf32, #tpu.memory_space<vmem>>, vector<1x16xf32>,
        %get3A_313 = vector.shape_cast %get3A_312 : vector<1x16xf32> to vector<16xf32>
        %mul3A_314 = arith.mulf %get3A_309, %get3A_313 : vector<16xf32>
        %mul3A_315 = arith.mulf %get3A_215, %mul3A_314 : vector<16xf32>
        %swap3A_316 = arith.index_cast %scan3A_211 : i32 to index
        %swap3A_317 = arith.constant 96 : index
        %swap3A_318 = tpu.vector_load %arg14[%swap3A_316, %swap3A_317] {strides = array<i32>} : memref<128x128xf32, #tpu.memory_space<vmem>>, vector<1x16xf32>,
        %swap3A_319 = vector.shape_cast %swap3A_318 : vector<1x16xf32> to vector<16xf32>
        %swap3A_320 = vector.shape_cast %mul3A_315 : vector<16xf32> to vector<1x16xf32>
        tpu.vector_store %arg14[%swap3A_316, %swap3A_317], %swap3A_320 {strides = array<i32>} : memref<128x128xf32, #tpu.memory_space<vmem>>, vector<1x16xf32>,
        %get3A_321 = arith.index_cast %scan3A_211 : i32 to index
        %get3A_322 = arith.constant 112 : index
        %get3A_323 = tpu.vector_load %arg15[%get3A_321, %get3A_322] {strides = array<i32>} : memref<128x128xf32, #tpu.memory_space<vmem>>, vector<1x16xf32>,
        %get3A_324 = vector.shape_cast %get3A_323 : vector<1x16xf32> to vector<16xf32>
        %get3A_325 = arith.index_cast %scan3A_211 : i32 to index
        %get3A_326 = arith.constant 112 : index
        %get3A_327 = tpu.vector_load %arg14[%get3A_325, %get3A_326] {strides = array<i32>} : memref<128x128xf32, #tpu.memory_space<vmem>>, vector<1x16xf32>,
        %get3A_328 = vector.shape_cast %get3A_327 : vector<1x16xf32> to vector<16xf32>
        %mul3A_329 = arith.mulf %get3A_324, %get3A_328 : vector<16xf32>
        %mul3A_330 = arith.mulf %get3A_215, %mul3A_329 : vector<16xf32>
        %swap3A_331 = arith.index_cast %scan3A_211 : i32 to index
        %swap3A_332 = arith.constant 112 : index
        %swap3A_333 = tpu.vector_load %arg14[%swap3A_331, %swap3A_332] {strides = array<i32>} : memref<128x128xf32, #tpu.memory_space<vmem>>, vector<1x16xf32>,
        %swap3A_334 = vector.shape_cast %swap3A_333 : vector<1x16xf32> to vector<16xf32>
        %swap3A_335 = vector.shape_cast %mul3A_330 : vector<16xf32> to vector<1x16xf32>
        tpu.vector_store %arg14[%swap3A_331, %swap3A_332], %swap3A_335 {strides = array<i32>} : memref<128x128xf32, #tpu.memory_space<vmem>>, vector<1x16xf32>,
      }
      %scan3A_210 = arith.constant 128 : i32
      "tpu.region"() ({
        %run_scoped3A_211 = tpu.sem_alloc : memref<!tpu.dma_semaphore, #tpu.memory_space<semaphore_mem>>
        %dma_start3A_212 = arith.constant 0 : i32
        %dma_start3A_213 = arith.constant 0 : i32
        %dma_start3A_214 = tpu.memref_slice %arg17[%dma_start3A_212, %dma_start3A_213] : memref<10000x128xf32, #tpu.memory_space<vmem_shared>> -> memref<10000x128xf32, #tpu.memory_space<vmem_shared>>
        tpu.enqueue_indirect_dma source(%arg14 : memref<128x128xf32, #tpu.memory_space<vmem>>) target(%dma_start3A_214 : memref<10000x128xf32, #tpu.memory_space<vmem_shared>>) offsets(%arg8 : memref<128xi32, #tpu.memory_space<vmem>>) semaphore(%run_scoped3A_211 : memref<!tpu.dma_semaphore, #tpu.memory_space<semaphore_mem>>) {add = true}
        %dma_wait3A_215 = arith.constant 0 : i32
        %dma_wait3A_216 = arith.constant 0 : i32
        %dma_wait3A_217 = tpu.memref_slice %arg17[%dma_wait3A_215, %dma_wait3A_216] : memref<10000x128xf32, #tpu.memory_space<vmem_shared>> -> memref<10000x128xf32, #tpu.memory_space<vmem_shared>>
        tpu.wait_indirect_dma semaphore(%run_scoped3A_211 : memref<!tpu.dma_semaphore, #tpu.memory_space<semaphore_mem>>) src(%arg14 : memref<128x128xf32, #tpu.memory_space<vmem>>) dst(%dma_wait3A_217 : memref<10000x128xf32, #tpu.memory_space<vmem_shared>>)
        tpu.yield
      }) : () -> ()
    }
    %barrier3A_51 = arith.constant 0 : index
    tpu.barrier barrier_id(%barrier3A_51)
    %add3A_52 = arith.constant 0 : i32
    %add3A_53 = arith.addi %mul3A_6, %add3A_52 : i32
    "tpu.region"() ({
      %run_scoped3A = tpu.sem_alloc : memref<!tpu.dma_semaphore, #tpu.memory_space<semaphore_mem>>
      %dma_start3A = arith.constant 0 : i32
      %dma_start3A_78 = tpu.memref_slice %arg17[%add3A_53, %dma_start3A] : memref<10000x128xf32, #tpu.memory_space<vmem_shared>> -> memref<128x128xf32, #tpu.memory_space<vmem_shared>>
      %dma_start3A_79 = arith.constant 0 : i32
      %dma_start3A_80 = tpu.memref_slice %arg17[%add3A_53, %dma_start3A_79] : memref<10000x128xf32, #tpu.memory_space<vmem_shared>> -> memref<128x128xf32, #tpu.memory_space<vmem_shared>>
      tpu.enqueue_dma source(%dma_start3A_80 : memref<128x128xf32, #tpu.memory_space<vmem_shared>>) target(%arg14 : memref<128x128xf32, #tpu.memory_space<vmem>>) target_semaphore(%run_scoped3A : memref<!tpu.dma_semaphore, #tpu.memory_space<semaphore_mem>>)
      %dma_wait3A = arith.constant 0 : i32
      %dma_wait3A_81 = tpu.memref_slice %arg17[%add3A_53, %dma_wait3A] : memref<10000x128xf32, #tpu.memory_space<vmem_shared>> -> memref<128x128xf32, #tpu.memory_space<vmem_shared>>
      %dma_wait3A_82 = arith.constant 0 : i32
      %dma_wait3A_83 = tpu.memref_slice %arg17[%add3A_53, %dma_wait3A_82] : memref<10000x128xf32, #tpu.memory_space<vmem_shared>> -> memref<128x128xf32, #tpu.memory_space<vmem_shared>>
      tpu.wait_dma2 semaphore(%run_scoped3A : memref<!tpu.dma_semaphore, #tpu.memory_space<semaphore_mem>>) src(%dma_wait3A_83 : memref<128x128xf32, #tpu.memory_space<vmem_shared>>) dst(%arg14 : memref<128x128xf32, #tpu.memory_space<vmem>>)
      tpu.yield
    }) : () -> ()
    %add3A_54 = arith.constant 0 : i32
    %add3A_55 = arith.addi %mul3A_6, %add3A_54 : i32
    "tpu.region"() ({
      %run_scoped3A = tpu.sem_alloc : memref<!tpu.dma_semaphore, #tpu.memory_space<semaphore_mem>>
      %dma_start3A = arith.constant 0 : i32
      %dma_start3A_78 = tpu.memref_slice %arg7[%add3A_55, %dma_start3A] : memref<10000x128xf32, #tpu.memory_space<hbm>> -> memref<128x128xf32, #tpu.memory_space<hbm>>
      %dma_start3A_79 = arith.constant 0 : i32
      %dma_start3A_80 = tpu.memref_slice %arg7[%add3A_55, %dma_start3A_79] : memref<10000x128xf32, #tpu.memory_space<hbm>> -> memref<128x128xf32, #tpu.memory_space<hbm>>
      tpu.enqueue_dma source(%arg14 : memref<128x128xf32, #tpu.memory_space<vmem>>) target(%dma_start3A_80 : memref<128x128xf32, #tpu.memory_space<hbm>>) target_semaphore(%run_scoped3A : memref<!tpu.dma_semaphore, #tpu.memory_space<semaphore_mem>>)
      %dma_wait3A = arith.constant 0 : i32
      %dma_wait3A_81 = tpu.memref_slice %arg7[%add3A_55, %dma_wait3A] : memref<10000x128xf32, #tpu.memory_space<hbm>> -> memref<128x128xf32, #tpu.memory_space<hbm>>
      %dma_wait3A_82 = arith.constant 0 : i32
      %dma_wait3A_83 = tpu.memref_slice %arg7[%add3A_55, %dma_wait3A_82] : memref<10000x128xf32, #tpu.memory_space<hbm>> -> memref<128x128xf32, #tpu.memory_space<hbm>>
      tpu.wait_dma2 semaphore(%run_scoped3A : memref<!tpu.dma_semaphore, #tpu.memory_space<semaphore_mem>>) src(%arg14 : memref<128x128xf32, #tpu.memory_space<vmem>>) dst(%dma_wait3A_83 : memref<128x128xf32, #tpu.memory_space<hbm>>)
      tpu.yield
    }) : () -> ()
    %add3A_56 = arith.constant 128 : i32
    %add3A_57 = arith.addi %mul3A_6, %add3A_56 : i32
    "tpu.region"() ({
      %run_scoped3A = tpu.sem_alloc : memref<!tpu.dma_semaphore, #tpu.memory_space<semaphore_mem>>
      %dma_start3A = arith.constant 0 : i32
      %dma_start3A_78 = tpu.memref_slice %arg17[%add3A_57, %dma_start3A] : memref<10000x128xf32, #tpu.memory_space<vmem_shared>> -> memref<128x128xf32, #tpu.memory_space<vmem_shared>>
      %dma_start3A_79 = arith.constant 0 : i32
      %dma_start3A_80 = tpu.memref_slice %arg17[%add3A_57, %dma_start3A_79] : memref<10000x128xf32, #tpu.memory_space<vmem_shared>> -> memref<128x128xf32, #tpu.memory_space<vmem_shared>>
      tpu.enqueue_dma source(%dma_start3A_80 : memref<128x128xf32, #tpu.memory_space<vmem_shared>>) target(%arg14 : memref<128x128xf32, #tpu.memory_space<vmem>>) target_semaphore(%run_scoped3A : memref<!tpu.dma_semaphore, #tpu.memory_space<semaphore_mem>>)
      %dma_wait3A = arith.constant 0 : i32
      %dma_wait3A_81 = tpu.memref_slice %arg17[%add3A_57, %dma_wait3A] : memref<10000x128xf32, #tpu.memory_space<vmem_shared>> -> memref<128x128xf32, #tpu.memory_space<vmem_shared>>
      %dma_wait3A_82 = arith.constant 0 : i32
      %dma_wait3A_83 = tpu.memref_slice %arg17[%add3A_57, %dma_wait3A_82] : memref<10000x128xf32, #tpu.memory_space<vmem_shared>> -> memref<128x128xf32, #tpu.memory_space<vmem_shared>>
      tpu.wait_dma2 semaphore(%run_scoped3A : memref<!tpu.dma_semaphore, #tpu.memory_space<semaphore_mem>>) src(%dma_wait3A_83 : memref<128x128xf32, #tpu.memory_space<vmem_shared>>) dst(%arg14 : memref<128x128xf32, #tpu.memory_space<vmem>>)
      tpu.yield
    }) : () -> ()
    %add3A_58 = arith.constant 128 : i32
    %add3A_59 = arith.addi %mul3A_6, %add3A_58 : i32
    "tpu.region"() ({
      %run_scoped3A = tpu.sem_alloc : memref<!tpu.dma_semaphore, #tpu.memory_space<semaphore_mem>>
      %dma_start3A = arith.constant 0 : i32
      %dma_start3A_78 = tpu.memref_slice %arg7[%add3A_59, %dma_start3A] : memref<10000x128xf32, #tpu.memory_space<hbm>> -> memref<128x128xf32, #tpu.memory_space<hbm>>
      %dma_start3A_79 = arith.constant 0 : i32
      %dma_start3A_80 = tpu.memref_slice %arg7[%add3A_59, %dma_start3A_79] : memref<10000x128xf32, #tpu.memory_space<hbm>> -> memref<128x128xf32, #tpu.memory_space<hbm>>
      tpu.enqueue_dma source(%arg14 : memref<128x128xf32, #tpu.memory_space<vmem>>) target(%dma_start3A_80 : memref<128x128xf32, #tpu.memory_space<hbm>>) target_semaphore(%run_scoped3A : memref<!tpu.dma_semaphore, #tpu.memory_space<semaphore_mem>>)
      %dma_wait3A = arith.constant 0 : i32
      %dma_wait3A_81 = tpu.memref_slice %arg7[%add3A_59, %dma_wait3A] : memref<10000x128xf32, #tpu.memory_space<hbm>> -> memref<128x128xf32, #tpu.memory_space<hbm>>
      %dma_wait3A_82 = arith.constant 0 : i32
      %dma_wait3A_83 = tpu.memref_slice %arg7[%add3A_59, %dma_wait3A_82] : memref<10000x128xf32, #tpu.memory_space<hbm>> -> memref<128x128xf32, #tpu.memory_space<hbm>>
      tpu.wait_dma2 semaphore(%run_scoped3A : memref<!tpu.dma_semaphore, #tpu.memory_space<semaphore_mem>>) src(%arg14 : memref<128x128xf32, #tpu.memory_space<vmem>>) dst(%dma_wait3A_83 : memref<128x128xf32, #tpu.memory_space<hbm>>)
      tpu.yield
    }) : () -> ()
    %add3A_60 = arith.constant 256 : i32
    %add3A_61 = arith.addi %mul3A_6, %add3A_60 : i32
    "tpu.region"() ({
      %run_scoped3A = tpu.sem_alloc : memref<!tpu.dma_semaphore, #tpu.memory_space<semaphore_mem>>
      %dma_start3A = arith.constant 0 : i32
      %dma_start3A_78 = tpu.memref_slice %arg17[%add3A_61, %dma_start3A] : memref<10000x128xf32, #tpu.memory_space<vmem_shared>> -> memref<128x128xf32, #tpu.memory_space<vmem_shared>>
      %dma_start3A_79 = arith.constant 0 : i32
      %dma_start3A_80 = tpu.memref_slice %arg17[%add3A_61, %dma_start3A_79] : memref<10000x128xf32, #tpu.memory_space<vmem_shared>> -> memref<128x128xf32, #tpu.memory_space<vmem_shared>>
      tpu.enqueue_dma source(%dma_start3A_80 : memref<128x128xf32, #tpu.memory_space<vmem_shared>>) target(%arg14 : memref<128x128xf32, #tpu.memory_space<vmem>>) target_semaphore(%run_scoped3A : memref<!tpu.dma_semaphore, #tpu.memory_space<semaphore_mem>>)
      %dma_wait3A = arith.constant 0 : i32
      %dma_wait3A_81 = tpu.memref_slice %arg17[%add3A_61, %dma_wait3A] : memref<10000x128xf32, #tpu.memory_space<vmem_shared>> -> memref<128x128xf32, #tpu.memory_space<vmem_shared>>
      %dma_wait3A_82 = arith.constant 0 : i32
      %dma_wait3A_83 = tpu.memref_slice %arg17[%add3A_61, %dma_wait3A_82] : memref<10000x128xf32, #tpu.memory_space<vmem_shared>> -> memref<128x128xf32, #tpu.memory_space<vmem_shared>>
      tpu.wait_dma2 semaphore(%run_scoped3A : memref<!tpu.dma_semaphore, #tpu.memory_space<semaphore_mem>>) src(%dma_wait3A_83 : memref<128x128xf32, #tpu.memory_space<vmem_shared>>) dst(%arg14 : memref<128x128xf32, #tpu.memory_space<vmem>>)
      tpu.yield
    }) : () -> ()
    %add3A_62 = arith.constant 256 : i32
    %add3A_63 = arith.addi %mul3A_6, %add3A_62 : i32
    "tpu.region"() ({
      %run_scoped3A = tpu.sem_alloc : memref<!tpu.dma_semaphore, #tpu.memory_space<semaphore_mem>>
      %dma_start3A = arith.constant 0 : i32
      %dma_start3A_78 = tpu.memref_slice %arg7[%add3A_63, %dma_start3A] : memref<10000x128xf32, #tpu.memory_space<hbm>> -> memref<128x128xf32, #tpu.memory_space<hbm>>
      %dma_start3A_79 = arith.constant 0 : i32
      %dma_start3A_80 = tpu.memref_slice %arg7[%add3A_63, %dma_start3A_79] : memref<10000x128xf32, #tpu.memory_space<hbm>> -> memref<128x128xf32, #tpu.memory_space<hbm>>
      tpu.enqueue_dma source(%arg14 : memref<128x128xf32, #tpu.memory_space<vmem>>) target(%dma_start3A_80 : memref<128x128xf32, #tpu.memory_space<hbm>>) target_semaphore(%run_scoped3A : memref<!tpu.dma_semaphore, #tpu.memory_space<semaphore_mem>>)
      %dma_wait3A = arith.constant 0 : i32
      %dma_wait3A_81 = tpu.memref_slice %arg7[%add3A_63, %dma_wait3A] : memref<10000x128xf32, #tpu.memory_space<hbm>> -> memref<128x128xf32, #tpu.memory_space<hbm>>
      %dma_wait3A_82 = arith.constant 0 : i32
      %dma_wait3A_83 = tpu.memref_slice %arg7[%add3A_63, %dma_wait3A_82] : memref<10000x128xf32, #tpu.memory_space<hbm>> -> memref<128x128xf32, #tpu.memory_space<hbm>>
      tpu.wait_dma2 semaphore(%run_scoped3A : memref<!tpu.dma_semaphore, #tpu.memory_space<semaphore_mem>>) src(%arg14 : memref<128x128xf32, #tpu.memory_space<vmem>>) dst(%dma_wait3A_83 : memref<128x128xf32, #tpu.memory_space<hbm>>)
      tpu.yield
    }) : () -> ()
    %add3A_64 = arith.constant 384 : i32
    %add3A_65 = arith.addi %mul3A_6, %add3A_64 : i32
    "tpu.region"() ({
      %run_scoped3A = tpu.sem_alloc : memref<!tpu.dma_semaphore, #tpu.memory_space<semaphore_mem>>
      %dma_start3A = arith.constant 0 : i32
      %dma_start3A_78 = tpu.memref_slice %arg17[%add3A_65, %dma_start3A] : memref<10000x128xf32, #tpu.memory_space<vmem_shared>> -> memref<128x128xf32, #tpu.memory_space<vmem_shared>>
      %dma_start3A_79 = arith.constant 0 : i32
      %dma_start3A_80 = tpu.memref_slice %arg17[%add3A_65, %dma_start3A_79] : memref<10000x128xf32, #tpu.memory_space<vmem_shared>> -> memref<128x128xf32, #tpu.memory_space<vmem_shared>>
      tpu.enqueue_dma source(%dma_start3A_80 : memref<128x128xf32, #tpu.memory_space<vmem_shared>>) target(%arg14 : memref<128x128xf32, #tpu.memory_space<vmem>>) target_semaphore(%run_scoped3A : memref<!tpu.dma_semaphore, #tpu.memory_space<semaphore_mem>>)
      %dma_wait3A = arith.constant 0 : i32
      %dma_wait3A_81 = tpu.memref_slice %arg17[%add3A_65, %dma_wait3A] : memref<10000x128xf32, #tpu.memory_space<vmem_shared>> -> memref<128x128xf32, #tpu.memory_space<vmem_shared>>
      %dma_wait3A_82 = arith.constant 0 : i32
      %dma_wait3A_83 = tpu.memref_slice %arg17[%add3A_65, %dma_wait3A_82] : memref<10000x128xf32, #tpu.memory_space<vmem_shared>> -> memref<128x128xf32, #tpu.memory_space<vmem_shared>>
      tpu.wait_dma2 semaphore(%run_scoped3A : memref<!tpu.dma_semaphore, #tpu.memory_space<semaphore_mem>>) src(%dma_wait3A_83 : memref<128x128xf32, #tpu.memory_space<vmem_shared>>) dst(%arg14 : memref<128x128xf32, #tpu.memory_space<vmem>>)
      tpu.yield
    }) : () -> ()
    %add3A_66 = arith.constant 384 : i32
    %add3A_67 = arith.addi %mul3A_6, %add3A_66 : i32
    "tpu.region"() ({
      %run_scoped3A = tpu.sem_alloc : memref<!tpu.dma_semaphore, #tpu.memory_space<semaphore_mem>>
      %dma_start3A = arith.constant 0 : i32
      %dma_start3A_78 = tpu.memref_slice %arg7[%add3A_67, %dma_start3A] : memref<10000x128xf32, #tpu.memory_space<hbm>> -> memref<128x128xf32, #tpu.memory_space<hbm>>
      %dma_start3A_79 = arith.constant 0 : i32
      %dma_start3A_80 = tpu.memref_slice %arg7[%add3A_67, %dma_start3A_79] : memref<10000x128xf32, #tpu.memory_space<hbm>> -> memref<128x128xf32, #tpu.memory_space<hbm>>
      tpu.enqueue_dma source(%arg14 : memref<128x128xf32, #tpu.memory_space<vmem>>) target(%dma_start3A_80 : memref<128x128xf32, #tpu.memory_space<hbm>>) target_semaphore(%run_scoped3A : memref<!tpu.dma_semaphore, #tpu.memory_space<semaphore_mem>>)
      %dma_wait3A = arith.constant 0 : i32
      %dma_wait3A_81 = tpu.memref_slice %arg7[%add3A_67, %dma_wait3A] : memref<10000x128xf32, #tpu.memory_space<hbm>> -> memref<128x128xf32, #tpu.memory_space<hbm>>
      %dma_wait3A_82 = arith.constant 0 : i32
      %dma_wait3A_83 = tpu.memref_slice %arg7[%add3A_67, %dma_wait3A_82] : memref<10000x128xf32, #tpu.memory_space<hbm>> -> memref<128x128xf32, #tpu.memory_space<hbm>>
      tpu.wait_dma2 semaphore(%run_scoped3A : memref<!tpu.dma_semaphore, #tpu.memory_space<semaphore_mem>>) src(%arg14 : memref<128x128xf32, #tpu.memory_space<vmem>>) dst(%dma_wait3A_83 : memref<128x128xf32, #tpu.memory_space<hbm>>)
      tpu.yield
    }) : () -> ()
    %lt3A_68 = arith.constant 15 : i32
    %lt3A_69 = arith.cmpi slt, %arg1, %lt3A_68 : i32
    %convert_element_type3A_70 = arith.extui %lt3A_69 : i1 to i32
    %cond3A_71 = arith.constant 0 : i32
    %cond3A_72 = arith.cmpi ne, %convert_element_type3A_70, %cond3A_71 : i32
    scf.if %cond3A_72 {
      %add3A_78 = arith.constant 512 : i32
      %add3A_79 = arith.addi %mul3A_6, %add3A_78 : i32
      "tpu.region"() ({
        %run_scoped3A = tpu.sem_alloc : memref<!tpu.dma_semaphore, #tpu.memory_space<semaphore_mem>>
        %dma_start3A = arith.constant 0 : i32
        %dma_start3A_82 = arith.constant 0 : i32
        %dma_start3A_83 = tpu.memref_slice %arg14[%dma_start3A, %dma_start3A_82] : memref<128x128xf32, #tpu.memory_space<vmem>> -> memref<120x128xf32, #tpu.memory_space<vmem>>
        %dma_start3A_84 = arith.constant 0 : i32
        %dma_start3A_85 = tpu.memref_slice %arg17[%add3A_79, %dma_start3A_84] : memref<10000x128xf32, #tpu.memory_space<vmem_shared>> -> memref<120x128xf32, #tpu.memory_space<vmem_shared>>
        %dma_start3A_86 = arith.constant 0 : i32
        %dma_start3A_87 = arith.constant 0 : i32
        %dma_start3A_88 = tpu.memref_slice %arg14[%dma_start3A_86, %dma_start3A_87] : memref<128x128xf32, #tpu.memory_space<vmem>> -> memref<120x128xf32, #tpu.memory_space<vmem>>
        %dma_start3A_89 = arith.constant 0 : i32
        %dma_start3A_90 = tpu.memref_slice %arg17[%add3A_79, %dma_start3A_89] : memref<10000x128xf32, #tpu.memory_space<vmem_shared>> -> memref<120x128xf32, #tpu.memory_space<vmem_shared>>
        tpu.enqueue_dma source(%dma_start3A_90 : memref<120x128xf32, #tpu.memory_space<vmem_shared>>) target(%dma_start3A_88 : memref<120x128xf32, #tpu.memory_space<vmem>>) target_semaphore(%run_scoped3A : memref<!tpu.dma_semaphore, #tpu.memory_space<semaphore_mem>>)
        %dma_wait3A = arith.constant 0 : i32
        %dma_wait3A_91 = arith.constant 0 : i32
        %dma_wait3A_92 = tpu.memref_slice %arg14[%dma_wait3A, %dma_wait3A_91] : memref<128x128xf32, #tpu.memory_space<vmem>> -> memref<120x128xf32, #tpu.memory_space<vmem>>
        %dma_wait3A_93 = arith.constant 0 : i32
        %dma_wait3A_94 = tpu.memref_slice %arg17[%add3A_79, %dma_wait3A_93] : memref<10000x128xf32, #tpu.memory_space<vmem_shared>> -> memref<120x128xf32, #tpu.memory_space<vmem_shared>>
        %dma_wait3A_95 = arith.constant 0 : i32
        %dma_wait3A_96 = arith.constant 0 : i32
        %dma_wait3A_97 = tpu.memref_slice %arg14[%dma_wait3A_95, %dma_wait3A_96] : memref<128x128xf32, #tpu.memory_space<vmem>> -> memref<120x128xf32, #tpu.memory_space<vmem>>
        %dma_wait3A_98 = arith.constant 0 : i32
        %dma_wait3A_99 = tpu.memref_slice %arg17[%add3A_79, %dma_wait3A_98] : memref<10000x128xf32, #tpu.memory_space<vmem_shared>> -> memref<120x128xf32, #tpu.memory_space<vmem_shared>>
        tpu.wait_dma2 semaphore(%run_scoped3A : memref<!tpu.dma_semaphore, #tpu.memory_space<semaphore_mem>>) src(%dma_wait3A_99 : memref<120x128xf32, #tpu.memory_space<vmem_shared>>) dst(%dma_wait3A_97 : memref<120x128xf32, #tpu.memory_space<vmem>>)
        tpu.yield
      }) : () -> ()
      %add3A_80 = arith.constant 512 : i32
      %add3A_81 = arith.addi %mul3A_6, %add3A_80 : i32
      "tpu.region"() ({
        %run_scoped3A = tpu.sem_alloc : memref<!tpu.dma_semaphore, #tpu.memory_space<semaphore_mem>>
        %dma_start3A = arith.constant 0 : i32
        %dma_start3A_82 = arith.constant 0 : i32
        %dma_start3A_83 = tpu.memref_slice %arg14[%dma_start3A, %dma_start3A_82] : memref<128x128xf32, #tpu.memory_space<vmem>> -> memref<120x128xf32, #tpu.memory_space<vmem>>
        %dma_start3A_84 = arith.constant 0 : i32
        %dma_start3A_85 = tpu.memref_slice %arg7[%add3A_81, %dma_start3A_84] : memref<10000x128xf32, #tpu.memory_space<hbm>> -> memref<120x128xf32, #tpu.memory_space<hbm>>
        %dma_start3A_86 = arith.constant 0 : i32
        %dma_start3A_87 = tpu.memref_slice %arg7[%add3A_81, %dma_start3A_86] : memref<10000x128xf32, #tpu.memory_space<hbm>> -> memref<120x128xf32, #tpu.memory_space<hbm>>
        %dma_start3A_88 = arith.constant 0 : i32
        %dma_start3A_89 = arith.constant 0 : i32
        %dma_start3A_90 = tpu.memref_slice %arg14[%dma_start3A_88, %dma_start3A_89] : memref<128x128xf32, #tpu.memory_space<vmem>> -> memref<120x128xf32, #tpu.memory_space<vmem>>
        tpu.enqueue_dma source(%dma_start3A_90 : memref<120x128xf32, #tpu.memory_space<vmem>>) target(%dma_start3A_87 : memref<120x128xf32, #tpu.memory_space<hbm>>) target_semaphore(%run_scoped3A : memref<!tpu.dma_semaphore, #tpu.memory_space<semaphore_mem>>)
        %dma_wait3A = arith.constant 0 : i32
        %dma_wait3A_91 = arith.constant 0 : i32
        %dma_wait3A_92 = tpu.memref_slice %arg14[%dma_wait3A, %dma_wait3A_91] : memref<128x128xf32, #tpu.memory_space<vmem>> -> memref<120x128xf32, #tpu.memory_space<vmem>>
        %dma_wait3A_93 = arith.constant 0 : i32
        %dma_wait3A_94 = tpu.memref_slice %arg7[%add3A_81, %dma_wait3A_93] : memref<10000x128xf32, #tpu.memory_space<hbm>> -> memref<120x128xf32, #tpu.memory_space<hbm>>
        %dma_wait3A_95 = arith.constant 0 : i32
        %dma_wait3A_96 = tpu.memref_slice %arg7[%add3A_81, %dma_wait3A_95] : memref<10000x128xf32, #tpu.memory_space<hbm>> -> memref<120x128xf32, #tpu.memory_space<hbm>>
        %dma_wait3A_97 = arith.constant 0 : i32
        %dma_wait3A_98 = arith.constant 0 : i32
        %dma_wait3A_99 = tpu.memref_slice %arg14[%dma_wait3A_97, %dma_wait3A_98] : memref<128x128xf32, #tpu.memory_space<vmem>> -> memref<120x128xf32, #tpu.memory_space<vmem>>
        tpu.wait_dma2 semaphore(%run_scoped3A : memref<!tpu.dma_semaphore, #tpu.memory_space<semaphore_mem>>) src(%dma_wait3A_99 : memref<120x128xf32, #tpu.memory_space<vmem>>) dst(%dma_wait3A_96 : memref<120x128xf32, #tpu.memory_space<hbm>>)
        tpu.yield
      }) : () -> ()
    } else {
    }
    %eq3A_73 = arith.constant 15 : i32
    %eq3A_74 = arith.cmpi eq, %arg1, %eq3A_73 : i32
    %convert_element_type3A_75 = arith.extui %eq3A_74 : i1 to i32
    %cond3A_76 = arith.constant 0 : i32
    %cond3A_77 = arith.cmpi ne, %convert_element_type3A_75, %cond3A_76 : i32
    scf.if %cond3A_77 {
      %add3A_78 = arith.constant 512 : i32
      %add3A_79 = arith.addi %mul3A_6, %add3A_78 : i32
      "tpu.region"() ({
        %run_scoped3A = tpu.sem_alloc : memref<!tpu.dma_semaphore, #tpu.memory_space<semaphore_mem>>
        %dma_start3A = arith.constant 0 : i32
        %dma_start3A_82 = arith.constant 0 : i32
        %dma_start3A_83 = tpu.memref_slice %arg14[%dma_start3A, %dma_start3A_82] : memref<128x128xf32, #tpu.memory_space<vmem>> -> memref<8x128xf32, #tpu.memory_space<vmem>>
        %dma_start3A_84 = arith.constant 0 : i32
        %dma_start3A_85 = tpu.memref_slice %arg17[%add3A_79, %dma_start3A_84] : memref<10000x128xf32, #tpu.memory_space<vmem_shared>> -> memref<8x128xf32, #tpu.memory_space<vmem_shared>>
        %dma_start3A_86 = arith.constant 0 : i32
        %dma_start3A_87 = arith.constant 0 : i32
        %dma_start3A_88 = tpu.memref_slice %arg14[%dma_start3A_86, %dma_start3A_87] : memref<128x128xf32, #tpu.memory_space<vmem>> -> memref<8x128xf32, #tpu.memory_space<vmem>>
        %dma_start3A_89 = arith.constant 0 : i32
        %dma_start3A_90 = tpu.memref_slice %arg17[%add3A_79, %dma_start3A_89] : memref<10000x128xf32, #tpu.memory_space<vmem_shared>> -> memref<8x128xf32, #tpu.memory_space<vmem_shared>>
        tpu.enqueue_dma source(%dma_start3A_90 : memref<8x128xf32, #tpu.memory_space<vmem_shared>>) target(%dma_start3A_88 : memref<8x128xf32, #tpu.memory_space<vmem>>) target_semaphore(%run_scoped3A : memref<!tpu.dma_semaphore, #tpu.memory_space<semaphore_mem>>)
        %dma_wait3A = arith.constant 0 : i32
        %dma_wait3A_91 = arith.constant 0 : i32
        %dma_wait3A_92 = tpu.memref_slice %arg14[%dma_wait3A, %dma_wait3A_91] : memref<128x128xf32, #tpu.memory_space<vmem>> -> memref<8x128xf32, #tpu.memory_space<vmem>>
        %dma_wait3A_93 = arith.constant 0 : i32
        %dma_wait3A_94 = tpu.memref_slice %arg17[%add3A_79, %dma_wait3A_93] : memref<10000x128xf32, #tpu.memory_space<vmem_shared>> -> memref<8x128xf32, #tpu.memory_space<vmem_shared>>
        %dma_wait3A_95 = arith.constant 0 : i32
        %dma_wait3A_96 = arith.constant 0 : i32
        %dma_wait3A_97 = tpu.memref_slice %arg14[%dma_wait3A_95, %dma_wait3A_96] : memref<128x128xf32, #tpu.memory_space<vmem>> -> memref<8x128xf32, #tpu.memory_space<vmem>>
        %dma_wait3A_98 = arith.constant 0 : i32
        %dma_wait3A_99 = tpu.memref_slice %arg17[%add3A_79, %dma_wait3A_98] : memref<10000x128xf32, #tpu.memory_space<vmem_shared>> -> memref<8x128xf32, #tpu.memory_space<vmem_shared>>
        tpu.wait_dma2 semaphore(%run_scoped3A : memref<!tpu.dma_semaphore, #tpu.memory_space<semaphore_mem>>) src(%dma_wait3A_99 : memref<8x128xf32, #tpu.memory_space<vmem_shared>>) dst(%dma_wait3A_97 : memref<8x128xf32, #tpu.memory_space<vmem>>)
        tpu.yield
      }) : () -> ()
      %add3A_80 = arith.constant 512 : i32
      %add3A_81 = arith.addi %mul3A_6, %add3A_80 : i32
      "tpu.region"() ({
        %run_scoped3A = tpu.sem_alloc : memref<!tpu.dma_semaphore, #tpu.memory_space<semaphore_mem>>
        %dma_start3A = arith.constant 0 : i32
        %dma_start3A_82 = arith.constant 0 : i32
        %dma_start3A_83 = tpu.memref_slice %arg14[%dma_start3A, %dma_start3A_82] : memref<128x128xf32, #tpu.memory_space<vmem>> -> memref<8x128xf32, #tpu.memory_space<vmem>>
        %dma_start3A_84 = arith.constant 0 : i32
        %dma_start3A_85 = tpu.memref_slice %arg7[%add3A_81, %dma_start3A_84] : memref<10000x128xf32, #tpu.memory_space<hbm>> -> memref<8x128xf32, #tpu.memory_space<hbm>>
        %dma_start3A_86 = arith.constant 0 : i32
        %dma_start3A_87 = tpu.memref_slice %arg7[%add3A_81, %dma_start3A_86] : memref<10000x128xf32, #tpu.memory_space<hbm>> -> memref<8x128xf32, #tpu.memory_space<hbm>>
        %dma_start3A_88 = arith.constant 0 : i32
        %dma_start3A_89 = arith.constant 0 : i32
        %dma_start3A_90 = tpu.memref_slice %arg14[%dma_start3A_88, %dma_start3A_89] : memref<128x128xf32, #tpu.memory_space<vmem>> -> memref<8x128xf32, #tpu.memory_space<vmem>>
        tpu.enqueue_dma source(%dma_start3A_90 : memref<8x128xf32, #tpu.memory_space<vmem>>) target(%dma_start3A_87 : memref<8x128xf32, #tpu.memory_space<hbm>>) target_semaphore(%run_scoped3A : memref<!tpu.dma_semaphore, #tpu.memory_space<semaphore_mem>>)
        %dma_wait3A = arith.constant 0 : i32
        %dma_wait3A_91 = arith.constant 0 : i32
        %dma_wait3A_92 = tpu.memref_slice %arg14[%dma_wait3A, %dma_wait3A_91] : memref<128x128xf32, #tpu.memory_space<vmem>> -> memref<8x128xf32, #tpu.memory_space<vmem>>
        %dma_wait3A_93 = arith.constant 0 : i32
        %dma_wait3A_94 = tpu.memref_slice %arg7[%add3A_81, %dma_wait3A_93] : memref<10000x128xf32, #tpu.memory_space<hbm>> -> memref<8x128xf32, #tpu.memory_space<hbm>>
        %dma_wait3A_95 = arith.constant 0 : i32
        %dma_wait3A_96 = tpu.memref_slice %arg7[%add3A_81, %dma_wait3A_95] : memref<10000x128xf32, #tpu.memory_space<hbm>> -> memref<8x128xf32, #tpu.memory_space<hbm>>
        %dma_wait3A_97 = arith.constant 0 : i32
        %dma_wait3A_98 = arith.constant 0 : i32
        %dma_wait3A_99 = tpu.memref_slice %arg14[%dma_wait3A_97, %dma_wait3A_98] : memref<128x128xf32, #tpu.memory_space<vmem>> -> memref<8x128xf32, #tpu.memory_space<vmem>>
        tpu.wait_dma2 semaphore(%run_scoped3A : memref<!tpu.dma_semaphore, #tpu.memory_space<semaphore_mem>>) src(%dma_wait3A_99 : memref<8x128xf32, #tpu.memory_space<vmem>>) dst(%dma_wait3A_96 : memref<8x128xf32, #tpu.memory_space<hbm>>)
        tpu.yield
      }) : () -> ()
    } else {
    }
    return
  }
}

#map = affine_map<(d0, d1) -> (0, 0)>
#map1 = affine_map<(d0, d1) -> (0)>
module attributes {stable_mosaic.version = 14 : i64} {
  func.func @_sc_hop(%arg0: i32, %arg1: i32, %arg2: memref<10000x128xf32, #tpu.memory_space<hbm>>, %arg3: memref<32x128xf32, #tpu.memory_space<hbm>>, %arg4: memref<2x320000xi32, #tpu.memory_space<hbm>>, %arg5: memref<320000xi32, #tpu.memory_space<hbm>>, %arg6: memref<320000x16xf32, #tpu.memory_space<hbm>>, %arg7: memref<10000x128xf32, #tpu.memory_space<hbm>>, %arg8: memref<128xi32, #tpu.memory_space<vmem>>, %arg9: memref<128xi32, #tpu.memory_space<vmem>>, %arg10: memref<128xi32, #tpu.memory_space<vmem>>, %arg11: memref<128xi32, #tpu.memory_space<vmem>>, %arg12: memref<128xi32, #tpu.memory_space<vmem>>, %arg13: memref<128xi32, #tpu.memory_space<vmem>>, %arg14: memref<128x128xf32, #tpu.memory_space<vmem>>, %arg15: memref<128x128xf32, #tpu.memory_space<vmem>>, %arg16: memref<128x16xf32, #tpu.memory_space<vmem>>, %arg17: memref<10000x128xf32, #tpu.memory_space<vmem_shared>>, %arg18: memref<!tpu.dma_semaphore, #tpu.memory_space<semaphore_mem>>, %arg19: memref<!tpu.dma_semaphore, #tpu.memory_space<semaphore_mem>>, %arg20: memref<!tpu.dma_semaphore, #tpu.memory_space<semaphore_mem>>) attributes {dimension_semantics = [#tpu.dimension_semantics<core_parallel>, #tpu.dimension_semantics<subcore_parallel>], iteration_bounds = array<i64: 1, 16>, scalar_prefetch = 0 : i64, scratch_operands = 13 : i64, tpu.core_type = #tpu.core_type<sc_vector_subcore>, window_params = [{transform_indices = #map}, {transform_indices = #map}, {transform_indices = #map}, {transform_indices = #map1}, {transform_indices = #map}, {transform_indices = #map}]} {
    %scan3A = arith.constant 0 : i32
    %scan3A_0 = arith.constant 0 : i32
    %scan3A_1 = arith.constant 128 : i32
    %scan3A_2 = arith.addi %scan3A_0, %scan3A_1 : i32
    %scan3A_3 = arith.constant 1 : i32
    %scan3A_4 = scf.for %scan3A_78 = %scan3A_0 to %scan3A_2 step %scan3A_3 iter_args(%scan3A_79 = %scan3A) -> (i32)  : i32 {
      %broadcast_in_dim3A = arith.constant 0.000000e+00 : f32
      %broadcast_in_dim3A_80 = vector.broadcast %broadcast_in_dim3A : f32 to vector<16xf32>
      %swap3A = arith.index_cast %scan3A_78 : i32 to index
      %swap3A_81 = arith.constant 0 : index
      %swap3A_82 = tpu.vector_load %arg14[%swap3A, %swap3A_81] {strides = array<i32>} : memref<128x128xf32, #tpu.memory_space<vmem>>, vector<1x16xf32>,
      %swap3A_83 = vector.shape_cast %swap3A_82 : vector<1x16xf32> to vector<16xf32>
      %swap3A_84 = vector.shape_cast %broadcast_in_dim3A_80 : vector<16xf32> to vector<1x16xf32>
      tpu.vector_store %arg14[%swap3A, %swap3A_81], %swap3A_84 {strides = array<i32>} : memref<128x128xf32, #tpu.memory_space<vmem>>, vector<1x16xf32>,
      %broadcast_in_dim3A_85 = arith.constant 0.000000e+00 : f32
      %broadcast_in_dim3A_86 = vector.broadcast %broadcast_in_dim3A_85 : f32 to vector<16xf32>
      %swap3A_87 = arith.index_cast %scan3A_78 : i32 to index
      %swap3A_88 = arith.constant 16 : index
      %swap3A_89 = tpu.vector_load %arg14[%swap3A_87, %swap3A_88] {strides = array<i32>} : memref<128x128xf32, #tpu.memory_space<vmem>>, vector<1x16xf32>,
      %swap3A_90 = vector.shape_cast %swap3A_89 : vector<1x16xf32> to vector<16xf32>
      %swap3A_91 = vector.shape_cast %broadcast_in_dim3A_86 : vector<16xf32> to vector<1x16xf32>
      tpu.vector_store %arg14[%swap3A_87, %swap3A_88], %swap3A_91 {strides = array<i32>} : memref<128x128xf32, #tpu.memory_space<vmem>>, vector<1x16xf32>,
      %broadcast_in_dim3A_92 = arith.constant 0.000000e+00 : f32
      %broadcast_in_dim3A_93 = vector.broadcast %broadcast_in_dim3A_92 : f32 to vector<16xf32>
      %swap3A_94 = arith.index_cast %scan3A_78 : i32 to index
      %swap3A_95 = arith.constant 32 : index
      %swap3A_96 = tpu.vector_load %arg14[%swap3A_94, %swap3A_95] {strides = array<i32>} : memref<128x128xf32, #tpu.memory_space<vmem>>, vector<1x16xf32>,
      %swap3A_97 = vector.shape_cast %swap3A_96 : vector<1x16xf32> to vector<16xf32>
      %swap3A_98 = vector.shape_cast %broadcast_in_dim3A_93 : vector<16xf32> to vector<1x16xf32>
      tpu.vector_store %arg14[%swap3A_94, %swap3A_95], %swap3A_98 {strides = array<i32>} : memref<128x128xf32, #tpu.memory_space<vmem>>, vector<1x16xf32>,
      %broadcast_in_dim3A_99 = arith.constant 0.000000e+00 : f32
      %broadcast_in_dim3A_100 = vector.broadcast %broadcast_in_dim3A_99 : f32 to vector<16xf32>
      %swap3A_101 = arith.index_cast %scan3A_78 : i32 to index
      %swap3A_102 = arith.constant 48 : index
      %swap3A_103 = tpu.vector_load %arg14[%swap3A_101, %swap3A_102] {strides = array<i32>} : memref<128x128xf32, #tpu.memory_space<vmem>>, vector<1x16xf32>,
      %swap3A_104 = vector.shape_cast %swap3A_103 : vector<1x16xf32> to vector<16xf32>
      %swap3A_105 = vector.shape_cast %broadcast_in_dim3A_100 : vector<16xf32> to vector<1x16xf32>
      tpu.vector_store %arg14[%swap3A_101, %swap3A_102], %swap3A_105 {strides = array<i32>} : memref<128x128xf32, #tpu.memory_space<vmem>>, vector<1x16xf32>,
      %broadcast_in_dim3A_106 = arith.constant 0.000000e+00 : f32
      %broadcast_in_dim3A_107 = vector.broadcast %broadcast_in_dim3A_106 : f32 to vector<16xf32>
      %swap3A_108 = arith.index_cast %scan3A_78 : i32 to index
      %swap3A_109 = arith.constant 64 : index
      %swap3A_110 = tpu.vector_load %arg14[%swap3A_108, %swap3A_109] {strides = array<i32>} : memref<128x128xf32, #tpu.memory_space<vmem>>, vector<1x16xf32>,
      %swap3A_111 = vector.shape_cast %swap3A_110 : vector<1x16xf32> to vector<16xf32>
      %swap3A_112 = vector.shape_cast %broadcast_in_dim3A_107 : vector<16xf32> to vector<1x16xf32>
      tpu.vector_store %arg14[%swap3A_108, %swap3A_109], %swap3A_112 {strides = array<i32>} : memref<128x128xf32, #tpu.memory_space<vmem>>, vector<1x16xf32>,
      %broadcast_in_dim3A_113 = arith.constant 0.000000e+00 : f32
      %broadcast_in_dim3A_114 = vector.broadcast %broadcast_in_dim3A_113 : f32 to vector<16xf32>
      %swap3A_115 = arith.index_cast %scan3A_78 : i32 to index
      %swap3A_116 = arith.constant 80 : index
      %swap3A_117 = tpu.vector_load %arg14[%swap3A_115, %swap3A_116] {strides = array<i32>} : memref<128x128xf32, #tpu.memory_space<vmem>>, vector<1x16xf32>,
      %swap3A_118 = vector.shape_cast %swap3A_117 : vector<1x16xf32> to vector<16xf32>
      %swap3A_119 = vector.shape_cast %broadcast_in_dim3A_114 : vector<16xf32> to vector<1x16xf32>
      tpu.vector_store %arg14[%swap3A_115, %swap3A_116], %swap3A_119 {strides = array<i32>} : memref<128x128xf32, #tpu.memory_space<vmem>>, vector<1x16xf32>,
      %broadcast_in_dim3A_120 = arith.constant 0.000000e+00 : f32
      %broadcast_in_dim3A_121 = vector.broadcast %broadcast_in_dim3A_120 : f32 to vector<16xf32>
      %swap3A_122 = arith.index_cast %scan3A_78 : i32 to index
      %swap3A_123 = arith.constant 96 : index
      %swap3A_124 = tpu.vector_load %arg14[%swap3A_122, %swap3A_123] {strides = array<i32>} : memref<128x128xf32, #tpu.memory_space<vmem>>, vector<1x16xf32>,
      %swap3A_125 = vector.shape_cast %swap3A_124 : vector<1x16xf32> to vector<16xf32>
      %swap3A_126 = vector.shape_cast %broadcast_in_dim3A_121 : vector<16xf32> to vector<1x16xf32>
      tpu.vector_store %arg14[%swap3A_122, %swap3A_123], %swap3A_126 {strides = array<i32>} : memref<128x128xf32, #tpu.memory_space<vmem>>, vector<1x16xf32>,
      %broadcast_in_dim3A_127 = arith.constant 0.000000e+00 : f32
      %broadcast_in_dim3A_128 = vector.broadcast %broadcast_in_dim3A_127 : f32 to vector<16xf32>
      %swap3A_129 = arith.index_cast %scan3A_78 : i32 to index
      %swap3A_130 = arith.constant 112 : index
      %swap3A_131 = tpu.vector_load %arg14[%swap3A_129, %swap3A_130] {strides = array<i32>} : memref<128x128xf32, #tpu.memory_space<vmem>>, vector<1x16xf32>,
      %swap3A_132 = vector.shape_cast %swap3A_131 : vector<1x16xf32> to vector<16xf32>
      %swap3A_133 = vector.shape_cast %broadcast_in_dim3A_128 : vector<16xf32> to vector<1x16xf32>
      tpu.vector_store %arg14[%swap3A_129, %swap3A_130], %swap3A_133 {strides = array<i32>} : memref<128x128xf32, #tpu.memory_space<vmem>>, vector<1x16xf32>,
      %scan3A_134 = arith.constant 0 : i32
      scf.yield %scan3A_134 : i32
    }
    %scan3A_5 = arith.constant 128 : i32
    %mul3A = arith.constant 632 : i32
    %mul3A_6 = arith.muli %arg1, %mul3A : i32
    %add3A = arith.constant 0 : i32
    %add3A_7 = arith.addi %mul3A_6, %add3A : i32
    "tpu.region"() ({
      %run_scoped3A = tpu.sem_alloc : memref<!tpu.dma_semaphore, #tpu.memory_space<semaphore_mem>>
      %dma_start3A = arith.constant 0 : i32
      %dma_start3A_78 = tpu.memref_slice %arg17[%add3A_7, %dma_start3A] : memref<10000x128xf32, #tpu.memory_space<vmem_shared>> -> memref<128x128xf32, #tpu.memory_space<vmem_shared>>
      %dma_start3A_79 = arith.constant 0 : i32
      %dma_start3A_80 = tpu.memref_slice %arg17[%add3A_7, %dma_start3A_79] : memref<10000x128xf32, #tpu.memory_space<vmem_shared>> -> memref<128x128xf32, #tpu.memory_space<vmem_shared>>
      tpu.enqueue_dma source(%arg14 : memref<128x128xf32, #tpu.memory_space<vmem>>) target(%dma_start3A_80 : memref<128x128xf32, #tpu.memory_space<vmem_shared>>) target_semaphore(%run_scoped3A : memref<!tpu.dma_semaphore, #tpu.memory_space<semaphore_mem>>)
      %dma_wait3A = arith.constant 0 : i32
      %dma_wait3A_81 = tpu.memref_slice %arg17[%add3A_7, %dma_wait3A] : memref<10000x128xf32, #tpu.memory_space<vmem_shared>> -> memref<128x128xf32, #tpu.memory_space<vmem_shared>>
      %dma_wait3A_82 = arith.constant 0 : i32
      %dma_wait3A_83 = tpu.memref_slice %arg17[%add3A_7, %dma_wait3A_82] : memref<10000x128xf32, #tpu.memory_space<vmem_shared>> -> memref<128x128xf32, #tpu.memory_space<vmem_shared>>
      tpu.wait_dma2 semaphore(%run_scoped3A : memref<!tpu.dma_semaphore, #tpu.memory_space<semaphore_mem>>) src(%arg14 : memref<128x128xf32, #tpu.memory_space<vmem>>) dst(%dma_wait3A_83 : memref<128x128xf32, #tpu.memory_space<vmem_shared>>)
      tpu.yield
    }) : () -> ()
    %add3A_8 = arith.constant 128 : i32
    %add3A_9 = arith.addi %mul3A_6, %add3A_8 : i32
    "tpu.region"() ({
      %run_scoped3A = tpu.sem_alloc : memref<!tpu.dma_semaphore, #tpu.memory_space<semaphore_mem>>
      %dma_start3A = arith.constant 0 : i32
      %dma_start3A_78 = tpu.memref_slice %arg17[%add3A_9, %dma_start3A] : memref<10000x128xf32, #tpu.memory_space<vmem_shared>> -> memref<128x128xf32, #tpu.memory_space<vmem_shared>>
      %dma_start3A_79 = arith.constant 0 : i32
      %dma_start3A_80 = tpu.memref_slice %arg17[%add3A_9, %dma_start3A_79] : memref<10000x128xf32, #tpu.memory_space<vmem_shared>> -> memref<128x128xf32, #tpu.memory_space<vmem_shared>>
      tpu.enqueue_dma source(%arg14 : memref<128x128xf32, #tpu.memory_space<vmem>>) target(%dma_start3A_80 : memref<128x128xf32, #tpu.memory_space<vmem_shared>>) target_semaphore(%run_scoped3A : memref<!tpu.dma_semaphore, #tpu.memory_space<semaphore_mem>>)
      %dma_wait3A = arith.constant 0 : i32
      %dma_wait3A_81 = tpu.memref_slice %arg17[%add3A_9, %dma_wait3A] : memref<10000x128xf32, #tpu.memory_space<vmem_shared>> -> memref<128x128xf32, #tpu.memory_space<vmem_shared>>
      %dma_wait3A_82 = arith.constant 0 : i32
      %dma_wait3A_83 = tpu.memref_slice %arg17[%add3A_9, %dma_wait3A_82] : memref<10000x128xf32, #tpu.memory_space<vmem_shared>> -> memref<128x128xf32, #tpu.memory_space<vmem_shared>>
      tpu.wait_dma2 semaphore(%run_scoped3A : memref<!tpu.dma_semaphore, #tpu.memory_space<semaphore_mem>>) src(%arg14 : memref<128x128xf32, #tpu.memory_space<vmem>>) dst(%dma_wait3A_83 : memref<128x128xf32, #tpu.memory_space<vmem_shared>>)
      tpu.yield
    }) : () -> ()
    %add3A_10 = arith.constant 256 : i32
    %add3A_11 = arith.addi %mul3A_6, %add3A_10 : i32
    "tpu.region"() ({
      %run_scoped3A = tpu.sem_alloc : memref<!tpu.dma_semaphore, #tpu.memory_space<semaphore_mem>>
      %dma_start3A = arith.constant 0 : i32
      %dma_start3A_78 = tpu.memref_slice %arg17[%add3A_11, %dma_start3A] : memref<10000x128xf32, #tpu.memory_space<vmem_shared>> -> memref<128x128xf32, #tpu.memory_space<vmem_shared>>
      %dma_start3A_79 = arith.constant 0 : i32
      %dma_start3A_80 = tpu.memref_slice %arg17[%add3A_11, %dma_start3A_79] : memref<10000x128xf32, #tpu.memory_space<vmem_shared>> -> memref<128x128xf32, #tpu.memory_space<vmem_shared>>
      tpu.enqueue_dma source(%arg14 : memref<128x128xf32, #tpu.memory_space<vmem>>) target(%dma_start3A_80 : memref<128x128xf32, #tpu.memory_space<vmem_shared>>) target_semaphore(%run_scoped3A : memref<!tpu.dma_semaphore, #tpu.memory_space<semaphore_mem>>)
      %dma_wait3A = arith.constant 0 : i32
      %dma_wait3A_81 = tpu.memref_slice %arg17[%add3A_11, %dma_wait3A] : memref<10000x128xf32, #tpu.memory_space<vmem_shared>> -> memref<128x128xf32, #tpu.memory_space<vmem_shared>>
      %dma_wait3A_82 = arith.constant 0 : i32
      %dma_wait3A_83 = tpu.memref_slice %arg17[%add3A_11, %dma_wait3A_82] : memref<10000x128xf32, #tpu.memory_space<vmem_shared>> -> memref<128x128xf32, #tpu.memory_space<vmem_shared>>
      tpu.wait_dma2 semaphore(%run_scoped3A : memref<!tpu.dma_semaphore, #tpu.memory_space<semaphore_mem>>) src(%arg14 : memref<128x128xf32, #tpu.memory_space<vmem>>) dst(%dma_wait3A_83 : memref<128x128xf32, #tpu.memory_space<vmem_shared>>)
      tpu.yield
    }) : () -> ()
    %add3A_12 = arith.constant 384 : i32
    %add3A_13 = arith.addi %mul3A_6, %add3A_12 : i32
    "tpu.region"() ({
      %run_scoped3A = tpu.sem_alloc : memref<!tpu.dma_semaphore, #tpu.memory_space<semaphore_mem>>
      %dma_start3A = arith.constant 0 : i32
      %dma_start3A_78 = tpu.memref_slice %arg17[%add3A_13, %dma_start3A] : memref<10000x128xf32, #tpu.memory_space<vmem_shared>> -> memref<128x128xf32, #tpu.memory_space<vmem_shared>>
      %dma_start3A_79 = arith.constant 0 : i32
      %dma_start3A_80 = tpu.memref_slice %arg17[%add3A_13, %dma_start3A_79] : memref<10000x128xf32, #tpu.memory_space<vmem_shared>> -> memref<128x128xf32, #tpu.memory_space<vmem_shared>>
      tpu.enqueue_dma source(%arg14 : memref<128x128xf32, #tpu.memory_space<vmem>>) target(%dma_start3A_80 : memref<128x128xf32, #tpu.memory_space<vmem_shared>>) target_semaphore(%run_scoped3A : memref<!tpu.dma_semaphore, #tpu.memory_space<semaphore_mem>>)
      %dma_wait3A = arith.constant 0 : i32
      %dma_wait3A_81 = tpu.memref_slice %arg17[%add3A_13, %dma_wait3A] : memref<10000x128xf32, #tpu.memory_space<vmem_shared>> -> memref<128x128xf32, #tpu.memory_space<vmem_shared>>
      %dma_wait3A_82 = arith.constant 0 : i32
      %dma_wait3A_83 = tpu.memref_slice %arg17[%add3A_13, %dma_wait3A_82] : memref<10000x128xf32, #tpu.memory_space<vmem_shared>> -> memref<128x128xf32, #tpu.memory_space<vmem_shared>>
      tpu.wait_dma2 semaphore(%run_scoped3A : memref<!tpu.dma_semaphore, #tpu.memory_space<semaphore_mem>>) src(%arg14 : memref<128x128xf32, #tpu.memory_space<vmem>>) dst(%dma_wait3A_83 : memref<128x128xf32, #tpu.memory_space<vmem_shared>>)
      tpu.yield
    }) : () -> ()
    %lt3A = arith.constant 15 : i32
    %lt3A_14 = arith.cmpi slt, %arg1, %lt3A : i32
    %convert_element_type3A = arith.extui %lt3A_14 : i1 to i32
    %cond3A = arith.constant 0 : i32
    %cond3A_15 = arith.cmpi ne, %convert_element_type3A, %cond3A : i32
    scf.if %cond3A_15 {
      %add3A_78 = arith.constant 512 : i32
      %add3A_79 = arith.addi %mul3A_6, %add3A_78 : i32
      "tpu.region"() ({
        %run_scoped3A = tpu.sem_alloc : memref<!tpu.dma_semaphore, #tpu.memory_space<semaphore_mem>>
        %dma_start3A = arith.constant 0 : i32
        %dma_start3A_80 = arith.constant 0 : i32
        %dma_start3A_81 = tpu.memref_slice %arg14[%dma_start3A, %dma_start3A_80] : memref<128x128xf32, #tpu.memory_space<vmem>> -> memref<120x128xf32, #tpu.memory_space<vmem>>
        %dma_start3A_82 = arith.constant 0 : i32
        %dma_start3A_83 = tpu.memref_slice %arg17[%add3A_79, %dma_start3A_82] : memref<10000x128xf32, #tpu.memory_space<vmem_shared>> -> memref<120x128xf32, #tpu.memory_space<vmem_shared>>
        %dma_start3A_84 = arith.constant 0 : i32
        %dma_start3A_85 = tpu.memref_slice %arg17[%add3A_79, %dma_start3A_84] : memref<10000x128xf32, #tpu.memory_space<vmem_shared>> -> memref<120x128xf32, #tpu.memory_space<vmem_shared>>
        %dma_start3A_86 = arith.constant 0 : i32
        %dma_start3A_87 = arith.constant 0 : i32
        %dma_start3A_88 = tpu.memref_slice %arg14[%dma_start3A_86, %dma_start3A_87] : memref<128x128xf32, #tpu.memory_space<vmem>> -> memref<120x128xf32, #tpu.memory_space<vmem>>
        tpu.enqueue_dma source(%dma_start3A_88 : memref<120x128xf32, #tpu.memory_space<vmem>>) target(%dma_start3A_85 : memref<120x128xf32, #tpu.memory_space<vmem_shared>>) target_semaphore(%run_scoped3A : memref<!tpu.dma_semaphore, #tpu.memory_space<semaphore_mem>>)
        %dma_wait3A = arith.constant 0 : i32
        %dma_wait3A_89 = arith.constant 0 : i32
        %dma_wait3A_90 = tpu.memref_slice %arg14[%dma_wait3A, %dma_wait3A_89] : memref<128x128xf32, #tpu.memory_space<vmem>> -> memref<120x128xf32, #tpu.memory_space<vmem>>
        %dma_wait3A_91 = arith.constant 0 : i32
        %dma_wait3A_92 = tpu.memref_slice %arg17[%add3A_79, %dma_wait3A_91] : memref<10000x128xf32, #tpu.memory_space<vmem_shared>> -> memref<120x128xf32, #tpu.memory_space<vmem_shared>>
        %dma_wait3A_93 = arith.constant 0 : i32
        %dma_wait3A_94 = tpu.memref_slice %arg17[%add3A_79, %dma_wait3A_93] : memref<10000x128xf32, #tpu.memory_space<vmem_shared>> -> memref<120x128xf32, #tpu.memory_space<vmem_shared>>
        %dma_wait3A_95 = arith.constant 0 : i32
        %dma_wait3A_96 = arith.constant 0 : i32
        %dma_wait3A_97 = tpu.memref_slice %arg14[%dma_wait3A_95, %dma_wait3A_96] : memref<128x128xf32, #tpu.memory_space<vmem>> -> memref<120x128xf32, #tpu.memory_space<vmem>>
        tpu.wait_dma2 semaphore(%run_scoped3A : memref<!tpu.dma_semaphore, #tpu.memory_space<semaphore_mem>>) src(%dma_wait3A_97 : memref<120x128xf32, #tpu.memory_space<vmem>>) dst(%dma_wait3A_94 : memref<120x128xf32, #tpu.memory_space<vmem_shared>>)
        tpu.yield
      }) : () -> ()
    } else {
    }
    %eq3A = arith.constant 15 : i32
    %eq3A_16 = arith.cmpi eq, %arg1, %eq3A : i32
    %convert_element_type3A_17 = arith.extui %eq3A_16 : i1 to i32
    %cond3A_18 = arith.constant 0 : i32
    %cond3A_19 = arith.cmpi ne, %convert_element_type3A_17, %cond3A_18 : i32
    scf.if %cond3A_19 {
      %add3A_78 = arith.constant 512 : i32
      %add3A_79 = arith.addi %mul3A_6, %add3A_78 : i32
      "tpu.region"() ({
        %run_scoped3A = tpu.sem_alloc : memref<!tpu.dma_semaphore, #tpu.memory_space<semaphore_mem>>
        %dma_start3A = arith.constant 0 : i32
        %dma_start3A_80 = arith.constant 0 : i32
        %dma_start3A_81 = tpu.memref_slice %arg14[%dma_start3A, %dma_start3A_80] : memref<128x128xf32, #tpu.memory_space<vmem>> -> memref<8x128xf32, #tpu.memory_space<vmem>>
        %dma_start3A_82 = arith.constant 0 : i32
        %dma_start3A_83 = tpu.memref_slice %arg17[%add3A_79, %dma_start3A_82] : memref<10000x128xf32, #tpu.memory_space<vmem_shared>> -> memref<8x128xf32, #tpu.memory_space<vmem_shared>>
        %dma_start3A_84 = arith.constant 0 : i32
        %dma_start3A_85 = tpu.memref_slice %arg17[%add3A_79, %dma_start3A_84] : memref<10000x128xf32, #tpu.memory_space<vmem_shared>> -> memref<8x128xf32, #tpu.memory_space<vmem_shared>>
        %dma_start3A_86 = arith.constant 0 : i32
        %dma_start3A_87 = arith.constant 0 : i32
        %dma_start3A_88 = tpu.memref_slice %arg14[%dma_start3A_86, %dma_start3A_87] : memref<128x128xf32, #tpu.memory_space<vmem>> -> memref<8x128xf32, #tpu.memory_space<vmem>>
        tpu.enqueue_dma source(%dma_start3A_88 : memref<8x128xf32, #tpu.memory_space<vmem>>) target(%dma_start3A_85 : memref<8x128xf32, #tpu.memory_space<vmem_shared>>) target_semaphore(%run_scoped3A : memref<!tpu.dma_semaphore, #tpu.memory_space<semaphore_mem>>)
        %dma_wait3A = arith.constant 0 : i32
        %dma_wait3A_89 = arith.constant 0 : i32
        %dma_wait3A_90 = tpu.memref_slice %arg14[%dma_wait3A, %dma_wait3A_89] : memref<128x128xf32, #tpu.memory_space<vmem>> -> memref<8x128xf32, #tpu.memory_space<vmem>>
        %dma_wait3A_91 = arith.constant 0 : i32
        %dma_wait3A_92 = tpu.memref_slice %arg17[%add3A_79, %dma_wait3A_91] : memref<10000x128xf32, #tpu.memory_space<vmem_shared>> -> memref<8x128xf32, #tpu.memory_space<vmem_shared>>
        %dma_wait3A_93 = arith.constant 0 : i32
        %dma_wait3A_94 = tpu.memref_slice %arg17[%add3A_79, %dma_wait3A_93] : memref<10000x128xf32, #tpu.memory_space<vmem_shared>> -> memref<8x128xf32, #tpu.memory_space<vmem_shared>>
        %dma_wait3A_95 = arith.constant 0 : i32
        %dma_wait3A_96 = arith.constant 0 : i32
        %dma_wait3A_97 = tpu.memref_slice %arg14[%dma_wait3A_95, %dma_wait3A_96] : memref<128x128xf32, #tpu.memory_space<vmem>> -> memref<8x128xf32, #tpu.memory_space<vmem>>
        tpu.wait_dma2 semaphore(%run_scoped3A : memref<!tpu.dma_semaphore, #tpu.memory_space<semaphore_mem>>) src(%dma_wait3A_97 : memref<8x128xf32, #tpu.memory_space<vmem>>) dst(%dma_wait3A_94 : memref<8x128xf32, #tpu.memory_space<vmem_shared>>)
        tpu.yield
      }) : () -> ()
    } else {
    }
    %barrier3A = arith.constant 0 : index
    tpu.barrier barrier_id(%barrier3A)
    %sub3A = arith.constant 2500 : i32
    %sub3A_20 = arith.subi %sub3A, %arg1 : i32
    %add3A_21 = arith.constant 16 : i32
    %add3A_22 = arith.addi %sub3A_20, %add3A_21 : i32
    %sub3A_23 = arith.constant 1 : i32
    %sub3A_24 = arith.subi %add3A_22, %sub3A_23 : i32
    %jit3A = arith.constant 16 : i32
    %div3A = arith.divsi %sub3A_24, %jit3A : i32
    %sign3A = arith.constant 0 : i32
    %sign3A_25 = arith.cmpi sgt, %sub3A_24, %sign3A : i32
    %sign3A_26 = arith.extui %sign3A_25 : i1 to i32
    %sign3A_27 = arith.constant 0 : i32
    %sign3A_28 = arith.cmpi slt, %sub3A_24, %sign3A_27 : i32
    %sign3A_29 = arith.extui %sign3A_28 : i1 to i32
    %sign3A_30 = arith.subi %sign3A_26, %sign3A_29 : i32
    %sign3A_31 = arith.constant 0 : i32
    %sign3A_32 = arith.cmpi sgt, %jit3A, %sign3A_31 : i32
    %sign3A_33 = arith.extui %sign3A_32 : i1 to i32
    %sign3A_34 = arith.constant 0 : i32
    %sign3A_35 = arith.cmpi slt, %jit3A, %sign3A_34 : i32
    %sign3A_36 = arith.extui %sign3A_35 : i1 to i32
    %sign3A_37 = arith.subi %sign3A_33, %sign3A_36 : i32
    %ne3A = arith.cmpi ne, %sign3A_30, %sign3A_37 : i32
    %rem3A = arith.remsi %sub3A_24, %jit3A : i32
    %ne3A_38 = arith.constant 0 : i32
    %ne3A_39 = arith.cmpi ne, %rem3A, %ne3A_38 : i32
    %and3A = arith.andi %ne3A, %ne3A_39 : i1
    %sub3A_40 = arith.constant 1 : i32
    %sub3A_41 = arith.subi %div3A, %sub3A_40 : i32
    %select_n3A = arith.select %and3A, %sub3A_41, %div3A : i32
    %while3A = arith.constant 0 : i32
    %while3A_42 = arith.constant 0 : i32
    %while3A_43 = arith.subi %select_n3A, %while3A_42 : i32
    %while3A_44 = arith.addi %while3A_42, %while3A_43 : i32
    %while3A_45 = arith.constant 1 : i32
    %while3A_46 = arith.divsi %while3A_43, %while3A_45 : i32
    %while3A_47 = arith.muli %while3A_46, %while3A_45 : i32
    %while3A_48 = arith.addi %while3A_42, %while3A_47 : i32
    %while3A_49 = arith.constant 1 : i32
    scf.for %while3A_78 = %while3A_42 to %while3A_48 step %while3A_49  : i32 {
      %mul3A_79 = arith.constant 16 : i32
      %mul3A_80 = arith.muli %while3A_78, %mul3A_79 : i32
      %add3A_81 = arith.addi %arg1, %mul3A_80 : i32
      %mul3A_82 = arith.constant 128 : i32
      %mul3A_83 = arith.muli %add3A_81, %mul3A_82 : i32
      %run_scoped3A = arith.constant 0 : i32
      "tpu.region"() ({
        %run_scoped3A_211 = tpu.sem_alloc : memref<!tpu.dma_semaphore, #tpu.memory_space<semaphore_mem>>
        %dma_start3A_212 = tpu.memref_slice %arg4[%run_scoped3A, %mul3A_83] : memref<2x320000xi32, #tpu.memory_space<hbm>> -> memref<1x128xi32, #tpu.memory_space<hbm>>
        %dma_start3A_213 = tpu.memref_squeeze %dma_start3A_212 : memref<1x128xi32, #tpu.memory_space<hbm>> -> memref<128xi32, #tpu.memory_space<hbm>>
        %dma_start3A_214 = tpu.memref_slice %arg4[%run_scoped3A, %mul3A_83] : memref<2x320000xi32, #tpu.memory_space<hbm>> -> memref<1x128xi32, #tpu.memory_space<hbm>>
        %dma_start3A_215 = tpu.memref_squeeze %dma_start3A_214 : memref<1x128xi32, #tpu.memory_space<hbm>> -> memref<128xi32, #tpu.memory_space<hbm>>
        tpu.enqueue_dma source(%dma_start3A_215 : memref<128xi32, #tpu.memory_space<hbm>>) target(%arg8 : memref<128xi32, #tpu.memory_space<vmem>>) target_semaphore(%run_scoped3A_211 : memref<!tpu.dma_semaphore, #tpu.memory_space<semaphore_mem>>)
        %dma_wait3A_216 = tpu.memref_slice %arg4[%run_scoped3A, %mul3A_83] : memref<2x320000xi32, #tpu.memory_space<hbm>> -> memref<1x128xi32, #tpu.memory_space<hbm>>
        %dma_wait3A_217 = tpu.memref_squeeze %dma_wait3A_216 : memref<1x128xi32, #tpu.memory_space<hbm>> -> memref<128xi32, #tpu.memory_space<hbm>>
        %dma_wait3A_218 = tpu.memref_slice %arg4[%run_scoped3A, %mul3A_83] : memref<2x320000xi32, #tpu.memory_space<hbm>> -> memref<1x128xi32, #tpu.memory_space<hbm>>
        %dma_wait3A_219 = tpu.memref_squeeze %dma_wait3A_218 : memref<1x128xi32, #tpu.memory_space<hbm>> -> memref<128xi32, #tpu.memory_space<hbm>>
        tpu.wait_dma2 semaphore(%run_scoped3A_211 : memref<!tpu.dma_semaphore, #tpu.memory_space<semaphore_mem>>) src(%dma_wait3A_219 : memref<128xi32, #tpu.memory_space<hbm>>) dst(%arg8 : memref<128xi32, #tpu.memory_space<vmem>>)
        tpu.yield
      }) : () -> ()
      %run_scoped3A_84 = arith.constant 1 : i32
      "tpu.region"() ({
        %run_scoped3A_211 = tpu.sem_alloc : memref<!tpu.dma_semaphore, #tpu.memory_space<semaphore_mem>>
        %dma_start3A_212 = tpu.memref_slice %arg4[%run_scoped3A_84, %mul3A_83] : memref<2x320000xi32, #tpu.memory_space<hbm>> -> memref<1x128xi32, #tpu.memory_space<hbm>>
        %dma_start3A_213 = tpu.memref_squeeze %dma_start3A_212 : memref<1x128xi32, #tpu.memory_space<hbm>> -> memref<128xi32, #tpu.memory_space<hbm>>
        %dma_start3A_214 = tpu.memref_slice %arg4[%run_scoped3A_84, %mul3A_83] : memref<2x320000xi32, #tpu.memory_space<hbm>> -> memref<1x128xi32, #tpu.memory_space<hbm>>
        %dma_start3A_215 = tpu.memref_squeeze %dma_start3A_214 : memref<1x128xi32, #tpu.memory_space<hbm>> -> memref<128xi32, #tpu.memory_space<hbm>>
        tpu.enqueue_dma source(%dma_start3A_215 : memref<128xi32, #tpu.memory_space<hbm>>) target(%arg9 : memref<128xi32, #tpu.memory_space<vmem>>) target_semaphore(%run_scoped3A_211 : memref<!tpu.dma_semaphore, #tpu.memory_space<semaphore_mem>>)
        %dma_wait3A_216 = tpu.memref_slice %arg4[%run_scoped3A_84, %mul3A_83] : memref<2x320000xi32, #tpu.memory_space<hbm>> -> memref<1x128xi32, #tpu.memory_space<hbm>>
        %dma_wait3A_217 = tpu.memref_squeeze %dma_wait3A_216 : memref<1x128xi32, #tpu.memory_space<hbm>> -> memref<128xi32, #tpu.memory_space<hbm>>
        %dma_wait3A_218 = tpu.memref_slice %arg4[%run_scoped3A_84, %mul3A_83] : memref<2x320000xi32, #tpu.memory_space<hbm>> -> memref<1x128xi32, #tpu.memory_space<hbm>>
        %dma_wait3A_219 = tpu.memref_squeeze %dma_wait3A_218 : memref<1x128xi32, #tpu.memory_space<hbm>> -> memref<128xi32, #tpu.memory_space<hbm>>
        tpu.wait_dma2 semaphore(%run_scoped3A_211 : memref<!tpu.dma_semaphore, #tpu.memory_space<semaphore_mem>>) src(%dma_wait3A_219 : memref<128xi32, #tpu.memory_space<hbm>>) dst(%arg9 : memref<128xi32, #tpu.memory_space<vmem>>)
        tpu.yield
      }) : () -> ()
      "tpu.region"() ({
        %run_scoped3A_211 = tpu.sem_alloc : memref<!tpu.dma_semaphore, #tpu.memory_space<semaphore_mem>>
        %dma_start3A_212 = tpu.memref_slice %arg5[%mul3A_83] : memref<320000xi32, #tpu.memory_space<hbm>> -> memref<128xi32, #tpu.memory_space<hbm>>
        %dma_start3A_213 = tpu.memref_slice %arg5[%mul3A_83] : memref<320000xi32, #tpu.memory_space<hbm>> -> memref<128xi32, #tpu.memory_space<hbm>>
        tpu.enqueue_dma source(%dma_start3A_213 : memref<128xi32, #tpu.memory_space<hbm>>) target(%arg10 : memref<128xi32, #tpu.memory_space<vmem>>) target_semaphore(%run_scoped3A_211 : memref<!tpu.dma_semaphore, #tpu.memory_space<semaphore_mem>>)
        %dma_wait3A_214 = tpu.memref_slice %arg5[%mul3A_83] : memref<320000xi32, #tpu.memory_space<hbm>> -> memref<128xi32, #tpu.memory_space<hbm>>
        %dma_wait3A_215 = tpu.memref_slice %arg5[%mul3A_83] : memref<320000xi32, #tpu.memory_space<hbm>> -> memref<128xi32, #tpu.memory_space<hbm>>
        tpu.wait_dma2 semaphore(%run_scoped3A_211 : memref<!tpu.dma_semaphore, #tpu.memory_space<semaphore_mem>>) src(%dma_wait3A_215 : memref<128xi32, #tpu.memory_space<hbm>>) dst(%arg10 : memref<128xi32, #tpu.memory_space<vmem>>)
        tpu.yield
      }) : () -> ()
      %get3A = arith.constant 0 : index
      %get3A_85 = tpu.vector_load %arg10[%get3A] {strides = array<i32>} : memref<128xi32, #tpu.memory_space<vmem>>, vector<16xi32>,
      %get3A_86 = vector.shape_cast %get3A_85 : vector<16xi32> to vector<16xi32>
      %add3A_87 = arith.constant 31 : i32
      %add3A_88 = vector.broadcast %add3A_87 : i32 to vector<16xi32>
      %add3A_89 = arith.addi %get3A_86, %add3A_88 : vector<16xi32>
      %and3A_90 = arith.constant 31 : i32
      %and3A_91 = vector.broadcast %and3A_90 : i32 to vector<16xi32>
      %and3A_92 = arith.andi %add3A_89, %and3A_91 : vector<16xi32>
      %swap3A = arith.constant 0 : index
      %swap3A_93 = tpu.vector_load %arg10[%swap3A] {strides = array<i32>} : memref<128xi32, #tpu.memory_space<vmem>>, vector<16xi32>,
      %swap3A_94 = vector.shape_cast %swap3A_93 : vector<16xi32> to vector<16xi32>
      %swap3A_95 = vector.shape_cast %and3A_92 : vector<16xi32> to vector<16xi32>
      tpu.vector_store %arg10[%swap3A], %swap3A_95 {strides = array<i32>} : memref<128xi32, #tpu.memory_space<vmem>>, vector<16xi32>,
      %get3A_96 = arith.constant 16 : index
      %get3A_97 = tpu.vector_load %arg10[%get3A_96] {strides = array<i32>} : memref<128xi32, #tpu.memory_space<vmem>>, vector<16xi32>,
      %get3A_98 = vector.shape_cast %get3A_97 : vector<16xi32> to vector<16xi32>
      %add3A_99 = arith.constant 31 : i32
      %add3A_100 = vector.broadcast %add3A_99 : i32 to vector<16xi32>
      %add3A_101 = arith.addi %get3A_98, %add3A_100 : vector<16xi32>
      %and3A_102 = arith.constant 31 : i32
      %and3A_103 = vector.broadcast %and3A_102 : i32 to vector<16xi32>
      %and3A_104 = arith.andi %add3A_101, %and3A_103 : vector<16xi32>
      %swap3A_105 = arith.constant 16 : index
      %swap3A_106 = tpu.vector_load %arg10[%swap3A_105] {strides = array<i32>} : memref<128xi32, #tpu.memory_space<vmem>>, vector<16xi32>,
      %swap3A_107 = vector.shape_cast %swap3A_106 : vector<16xi32> to vector<16xi32>
      %swap3A_108 = vector.shape_cast %and3A_104 : vector<16xi32> to vector<16xi32>
      tpu.vector_store %arg10[%swap3A_105], %swap3A_108 {strides = array<i32>} : memref<128xi32, #tpu.memory_space<vmem>>, vector<16xi32>,
      %get3A_109 = arith.constant 32 : index
      %get3A_110 = tpu.vector_load %arg10[%get3A_109] {strides = array<i32>} : memref<128xi32, #tpu.memory_space<vmem>>, vector<16xi32>,
      %get3A_111 = vector.shape_cast %get3A_110 : vector<16xi32> to vector<16xi32>
      %add3A_112 = arith.constant 31 : i32
      %add3A_113 = vector.broadcast %add3A_112 : i32 to vector<16xi32>
      %add3A_114 = arith.addi %get3A_111, %add3A_113 : vector<16xi32>
      %and3A_115 = arith.constant 31 : i32
      %and3A_116 = vector.broadcast %and3A_115 : i32 to vector<16xi32>
      %and3A_117 = arith.andi %add3A_114, %and3A_116 : vector<16xi32>
      %swap3A_118 = arith.constant 32 : index
      %swap3A_119 = tpu.vector_load %arg10[%swap3A_118] {strides = array<i32>} : memref<128xi32, #tpu.memory_space<vmem>>, vector<16xi32>,
      %swap3A_120 = vector.shape_cast %swap3A_119 : vector<16xi32> to vector<16xi32>
      %swap3A_121 = vector.shape_cast %and3A_117 : vector<16xi32> to vector<16xi32>
      tpu.vector_store %arg10[%swap3A_118], %swap3A_121 {strides = array<i32>} : memref<128xi32, #tpu.memory_space<vmem>>, vector<16xi32>,
      %get3A_122 = arith.constant 48 : index
      %get3A_123 = tpu.vector_load %arg10[%get3A_122] {strides = array<i32>} : memref<128xi32, #tpu.memory_space<vmem>>, vector<16xi32>,
      %get3A_124 = vector.shape_cast %get3A_123 : vector<16xi32> to vector<16xi32>
      %add3A_125 = arith.constant 31 : i32
      %add3A_126 = vector.broadcast %add3A_125 : i32 to vector<16xi32>
      %add3A_127 = arith.addi %get3A_124, %add3A_126 : vector<16xi32>
      %and3A_128 = arith.constant 31 : i32
      %and3A_129 = vector.broadcast %and3A_128 : i32 to vector<16xi32>
      %and3A_130 = arith.andi %add3A_127, %and3A_129 : vector<16xi32>
      %swap3A_131 = arith.constant 48 : index
      %swap3A_132 = tpu.vector_load %arg10[%swap3A_131] {strides = array<i32>} : memref<128xi32, #tpu.memory_space<vmem>>, vector<16xi32>,
      %swap3A_133 = vector.shape_cast %swap3A_132 : vector<16xi32> to vector<16xi32>
      %swap3A_134 = vector.shape_cast %and3A_130 : vector<16xi32> to vector<16xi32>
      tpu.vector_store %arg10[%swap3A_131], %swap3A_134 {strides = array<i32>} : memref<128xi32, #tpu.memory_space<vmem>>, vector<16xi32>,
      %get3A_135 = arith.constant 64 : index
      %get3A_136 = tpu.vector_load %arg10[%get3A_135] {strides = array<i32>} : memref<128xi32, #tpu.memory_space<vmem>>, vector<16xi32>,
      %get3A_137 = vector.shape_cast %get3A_136 : vector<16xi32> to vector<16xi32>
      %add3A_138 = arith.constant 31 : i32
      %add3A_139 = vector.broadcast %add3A_138 : i32 to vector<16xi32>
      %add3A_140 = arith.addi %get3A_137, %add3A_139 : vector<16xi32>
      %and3A_141 = arith.constant 31 : i32
      %and3A_142 = vector.broadcast %and3A_141 : i32 to vector<16xi32>
      %and3A_143 = arith.andi %add3A_140, %and3A_142 : vector<16xi32>
      %swap3A_144 = arith.constant 64 : index
      %swap3A_145 = tpu.vector_load %arg10[%swap3A_144] {strides = array<i32>} : memref<128xi32, #tpu.memory_space<vmem>>, vector<16xi32>,
      %swap3A_146 = vector.shape_cast %swap3A_145 : vector<16xi32> to vector<16xi32>
      %swap3A_147 = vector.shape_cast %and3A_143 : vector<16xi32> to vector<16xi32>
      tpu.vector_store %arg10[%swap3A_144], %swap3A_147 {strides = array<i32>} : memref<128xi32, #tpu.memory_space<vmem>>, vector<16xi32>,
      %get3A_148 = arith.constant 80 : index
      %get3A_149 = tpu.vector_load %arg10[%get3A_148] {strides = array<i32>} : memref<128xi32, #tpu.memory_space<vmem>>, vector<16xi32>,
      %get3A_150 = vector.shape_cast %get3A_149 : vector<16xi32> to vector<16xi32>
      %add3A_151 = arith.constant 31 : i32
      %add3A_152 = vector.broadcast %add3A_151 : i32 to vector<16xi32>
      %add3A_153 = arith.addi %get3A_150, %add3A_152 : vector<16xi32>
      %and3A_154 = arith.constant 31 : i32
      %and3A_155 = vector.broadcast %and3A_154 : i32 to vector<16xi32>
      %and3A_156 = arith.andi %add3A_153, %and3A_155 : vector<16xi32>
      %swap3A_157 = arith.constant 80 : index
      %swap3A_158 = tpu.vector_load %arg10[%swap3A_157] {strides = array<i32>} : memref<128xi32, #tpu.memory_space<vmem>>, vector<16xi32>,
      %swap3A_159 = vector.shape_cast %swap3A_158 : vector<16xi32> to vector<16xi32>
      %swap3A_160 = vector.shape_cast %and3A_156 : vector<16xi32> to vector<16xi32>
      tpu.vector_store %arg10[%swap3A_157], %swap3A_160 {strides = array<i32>} : memref<128xi32, #tpu.memory_space<vmem>>, vector<16xi32>,
      %get3A_161 = arith.constant 96 : index
      %get3A_162 = tpu.vector_load %arg10[%get3A_161] {strides = array<i32>} : memref<128xi32, #tpu.memory_space<vmem>>, vector<16xi32>,
      %get3A_163 = vector.shape_cast %get3A_162 : vector<16xi32> to vector<16xi32>
      %add3A_164 = arith.constant 31 : i32
      %add3A_165 = vector.broadcast %add3A_164 : i32 to vector<16xi32>
      %add3A_166 = arith.addi %get3A_163, %add3A_165 : vector<16xi32>
      %and3A_167 = arith.constant 31 : i32
      %and3A_168 = vector.broadcast %and3A_167 : i32 to vector<16xi32>
      %and3A_169 = arith.andi %add3A_166, %and3A_168 : vector<16xi32>
      %swap3A_170 = arith.constant 96 : index
      %swap3A_171 = tpu.vector_load %arg10[%swap3A_170] {strides = array<i32>} : memref<128xi32, #tpu.memory_space<vmem>>, vector<16xi32>,
      %swap3A_172 = vector.shape_cast %swap3A_171 : vector<16xi32> to vector<16xi32>
      %swap3A_173 = vector.shape_cast %and3A_169 : vector<16xi32> to vector<16xi32>
      tpu.vector_store %arg10[%swap3A_170], %swap3A_173 {strides = array<i32>} : memref<128xi32, #tpu.memory_space<vmem>>, vector<16xi32>,
      %get3A_174 = arith.constant 112 : index
      %get3A_175 = tpu.vector_load %arg10[%get3A_174] {strides = array<i32>} : memref<128xi32, #tpu.memory_space<vmem>>, vector<16xi32>,
      %get3A_176 = vector.shape_cast %get3A_175 : vector<16xi32> to vector<16xi32>
      %add3A_177 = arith.constant 31 : i32
      %add3A_178 = vector.broadcast %add3A_177 : i32 to vector<16xi32>
      %add3A_179 = arith.addi %get3A_176, %add3A_178 : vector<16xi32>
      %and3A_180 = arith.constant 31 : i32
      %and3A_181 = vector.broadcast %and3A_180 : i32 to vector<16xi32>
      %and3A_182 = arith.andi %add3A_179, %and3A_181 : vector<16xi32>
      %swap3A_183 = arith.constant 112 : index
      %swap3A_184 = tpu.vector_load %arg10[%swap3A_183] {strides = array<i32>} : memref<128xi32, #tpu.memory_space<vmem>>, vector<16xi32>,
      %swap3A_185 = vector.shape_cast %swap3A_184 : vector<16xi32> to vector<16xi32>
      %swap3A_186 = vector.shape_cast %and3A_182 : vector<16xi32> to vector<16xi32>
      tpu.vector_store %arg10[%swap3A_183], %swap3A_186 {strides = array<i32>} : memref<128xi32, #tpu.memory_space<vmem>>, vector<16xi32>,
      %dma_start3A = arith.constant 0 : i32
      %dma_start3A_187 = tpu.memref_slice %arg6[%mul3A_83, %dma_start3A] : memref<320000x16xf32, #tpu.memory_space<hbm>> -> memref<128x16xf32, #tpu.memory_space<hbm>>
      %dma_start3A_188 = arith.constant 0 : i32
      %dma_start3A_189 = tpu.memref_slice %arg6[%mul3A_83, %dma_start3A_188] : memref<320000x16xf32, #tpu.memory_space<hbm>> -> memref<128x16xf32, #tpu.memory_space<hbm>>
      tpu.enqueue_dma source(%dma_start3A_189 : memref<128x16xf32, #tpu.memory_space<hbm>>) target(%arg16 : memref<128x16xf32, #tpu.memory_space<vmem>>) target_semaphore(%arg18 : memref<!tpu.dma_semaphore, #tpu.memory_space<semaphore_mem>>)
      %dma_start3A_190 = arith.constant 0 : i32
      %dma_start3A_191 = arith.constant 0 : i32
      %dma_start3A_192 = tpu.memref_slice %arg2[%dma_start3A_190, %dma_start3A_191] : memref<10000x128xf32, #tpu.memory_space<hbm>> -> memref<10000x128xf32, #tpu.memory_space<hbm>>
      tpu.enqueue_indirect_dma source(%dma_start3A_192 : memref<10000x128xf32, #tpu.memory_space<hbm>>) target(%arg14 : memref<128x128xf32, #tpu.memory_space<vmem>>) offsets(%arg9 : memref<128xi32, #tpu.memory_space<vmem>>) semaphore(%arg19 : memref<!tpu.dma_semaphore, #tpu.memory_space<semaphore_mem>>)
      %dma_start3A_193 = arith.constant 0 : i32
      %dma_start3A_194 = arith.constant 0 : i32
      %dma_start3A_195 = tpu.memref_slice %arg3[%dma_start3A_193, %dma_start3A_194] : memref<32x128xf32, #tpu.memory_space<hbm>> -> memref<32x128xf32, #tpu.memory_space<hbm>>
      tpu.enqueue_indirect_dma source(%dma_start3A_195 : memref<32x128xf32, #tpu.memory_space<hbm>>) target(%arg15 : memref<128x128xf32, #tpu.memory_space<vmem>>) offsets(%arg10 : memref<128xi32, #tpu.memory_space<vmem>>) semaphore(%arg20 : memref<!tpu.dma_semaphore, #tpu.memory_space<semaphore_mem>>)
      %dma_wait3A = arith.constant 0 : i32
      %dma_wait3A_196 = tpu.memref_slice %arg6[%mul3A_83, %dma_wait3A] : memref<320000x16xf32, #tpu.memory_space<hbm>> -> memref<128x16xf32, #tpu.memory_space<hbm>>
      %dma_wait3A_197 = arith.constant 0 : i32
      %dma_wait3A_198 = tpu.memref_slice %arg6[%mul3A_83, %dma_wait3A_197] : memref<320000x16xf32, #tpu.memory_space<hbm>> -> memref<128x16xf32, #tpu.memory_space<hbm>>
      tpu.wait_dma2 semaphore(%arg18 : memref<!tpu.dma_semaphore, #tpu.memory_space<semaphore_mem>>) src(%dma_wait3A_198 : memref<128x16xf32, #tpu.memory_space<hbm>>) dst(%arg16 : memref<128x16xf32, #tpu.memory_space<vmem>>)
      %dma_wait3A_199 = arith.constant 0 : i32
      %dma_wait3A_200 = arith.constant 0 : i32
      %dma_wait3A_201 = tpu.memref_slice %arg2[%dma_wait3A_199, %dma_wait3A_200] : memref<10000x128xf32, #tpu.memory_space<hbm>> -> memref<10000x128xf32, #tpu.memory_space<hbm>>
      tpu.wait_indirect_dma semaphore(%arg19 : memref<!tpu.dma_semaphore, #tpu.memory_space<semaphore_mem>>) src(%dma_wait3A_201 : memref<10000x128xf32, #tpu.memory_space<hbm>>) dst(%arg14 : memref<128x128xf32, #tpu.memory_space<vmem>>)
      %dma_wait3A_202 = arith.constant 0 : i32
      %dma_wait3A_203 = arith.constant 0 : i32
      %dma_wait3A_204 = tpu.memref_slice %arg3[%dma_wait3A_202, %dma_wait3A_203] : memref<32x128xf32, #tpu.memory_space<hbm>> -> memref<32x128xf32, #tpu.memory_space<hbm>>
      tpu.wait_indirect_dma semaphore(%arg20 : memref<!tpu.dma_semaphore, #tpu.memory_space<semaphore_mem>>) src(%dma_wait3A_204 : memref<32x128xf32, #tpu.memory_space<hbm>>) dst(%arg15 : memref<128x128xf32, #tpu.memory_space<vmem>>)
      %scan3A_205 = arith.constant 0 : i32
      %scan3A_206 = arith.constant 0 : i32
      %scan3A_207 = arith.constant 128 : i32
      %scan3A_208 = arith.addi %scan3A_206, %scan3A_207 : i32
      %scan3A_209 = arith.constant 1 : i32
      scf.for %scan3A_211 = %scan3A_206 to %scan3A_208 step %scan3A_209  : i32 {
        %get3A_212 = arith.index_cast %scan3A_211 : i32 to index
        %get3A_213 = arith.constant 0 : index
        %get3A_214 = tpu.vector_load %arg16[%get3A_212, %get3A_213] {strides = array<i32>} : memref<128x16xf32, #tpu.memory_space<vmem>>, vector<1x16xf32>,
        %get3A_215 = vector.shape_cast %get3A_214 : vector<1x16xf32> to vector<16xf32>
        %get3A_216 = arith.index_cast %scan3A_211 : i32 to index
        %get3A_217 = arith.constant 0 : index
        %get3A_218 = tpu.vector_load %arg15[%get3A_216, %get3A_217] {strides = array<i32>} : memref<128x128xf32, #tpu.memory_space<vmem>>, vector<1x16xf32>,
        %get3A_219 = vector.shape_cast %get3A_218 : vector<1x16xf32> to vector<16xf32>
        %get3A_220 = arith.index_cast %scan3A_211 : i32 to index
        %get3A_221 = arith.constant 0 : index
        %get3A_222 = tpu.vector_load %arg14[%get3A_220, %get3A_221] {strides = array<i32>} : memref<128x128xf32, #tpu.memory_space<vmem>>, vector<1x16xf32>,
        %get3A_223 = vector.shape_cast %get3A_222 : vector<1x16xf32> to vector<16xf32>
        %mul3A_224 = arith.mulf %get3A_219, %get3A_223 : vector<16xf32>
        %mul3A_225 = arith.mulf %get3A_215, %mul3A_224 : vector<16xf32>
        %swap3A_226 = arith.index_cast %scan3A_211 : i32 to index
        %swap3A_227 = arith.constant 0 : index
        %swap3A_228 = tpu.vector_load %arg14[%swap3A_226, %swap3A_227] {strides = array<i32>} : memref<128x128xf32, #tpu.memory_space<vmem>>, vector<1x16xf32>,
        %swap3A_229 = vector.shape_cast %swap3A_228 : vector<1x16xf32> to vector<16xf32>
        %swap3A_230 = vector.shape_cast %mul3A_225 : vector<16xf32> to vector<1x16xf32>
        tpu.vector_store %arg14[%swap3A_226, %swap3A_227], %swap3A_230 {strides = array<i32>} : memref<128x128xf32, #tpu.memory_space<vmem>>, vector<1x16xf32>,
        %get3A_231 = arith.index_cast %scan3A_211 : i32 to index
        %get3A_232 = arith.constant 16 : index
        %get3A_233 = tpu.vector_load %arg15[%get3A_231, %get3A_232] {strides = array<i32>} : memref<128x128xf32, #tpu.memory_space<vmem>>, vector<1x16xf32>,
        %get3A_234 = vector.shape_cast %get3A_233 : vector<1x16xf32> to vector<16xf32>
        %get3A_235 = arith.index_cast %scan3A_211 : i32 to index
        %get3A_236 = arith.constant 16 : index
        %get3A_237 = tpu.vector_load %arg14[%get3A_235, %get3A_236] {strides = array<i32>} : memref<128x128xf32, #tpu.memory_space<vmem>>, vector<1x16xf32>,
        %get3A_238 = vector.shape_cast %get3A_237 : vector<1x16xf32> to vector<16xf32>
        %mul3A_239 = arith.mulf %get3A_234, %get3A_238 : vector<16xf32>
        %mul3A_240 = arith.mulf %get3A_215, %mul3A_239 : vector<16xf32>
        %swap3A_241 = arith.index_cast %scan3A_211 : i32 to index
        %swap3A_242 = arith.constant 16 : index
        %swap3A_243 = tpu.vector_load %arg14[%swap3A_241, %swap3A_242] {strides = array<i32>} : memref<128x128xf32, #tpu.memory_space<vmem>>, vector<1x16xf32>,
        %swap3A_244 = vector.shape_cast %swap3A_243 : vector<1x16xf32> to vector<16xf32>
        %swap3A_245 = vector.shape_cast %mul3A_240 : vector<16xf32> to vector<1x16xf32>
        tpu.vector_store %arg14[%swap3A_241, %swap3A_242], %swap3A_245 {strides = array<i32>} : memref<128x128xf32, #tpu.memory_space<vmem>>, vector<1x16xf32>,
        %get3A_246 = arith.index_cast %scan3A_211 : i32 to index
        %get3A_247 = arith.constant 32 : index
        %get3A_248 = tpu.vector_load %arg15[%get3A_246, %get3A_247] {strides = array<i32>} : memref<128x128xf32, #tpu.memory_space<vmem>>, vector<1x16xf32>,
        %get3A_249 = vector.shape_cast %get3A_248 : vector<1x16xf32> to vector<16xf32>
        %get3A_250 = arith.index_cast %scan3A_211 : i32 to index
        %get3A_251 = arith.constant 32 : index
        %get3A_252 = tpu.vector_load %arg14[%get3A_250, %get3A_251] {strides = array<i32>} : memref<128x128xf32, #tpu.memory_space<vmem>>, vector<1x16xf32>,
        %get3A_253 = vector.shape_cast %get3A_252 : vector<1x16xf32> to vector<16xf32>
        %mul3A_254 = arith.mulf %get3A_249, %get3A_253 : vector<16xf32>
        %mul3A_255 = arith.mulf %get3A_215, %mul3A_254 : vector<16xf32>
        %swap3A_256 = arith.index_cast %scan3A_211 : i32 to index
        %swap3A_257 = arith.constant 32 : index
        %swap3A_258 = tpu.vector_load %arg14[%swap3A_256, %swap3A_257] {strides = array<i32>} : memref<128x128xf32, #tpu.memory_space<vmem>>, vector<1x16xf32>,
        %swap3A_259 = vector.shape_cast %swap3A_258 : vector<1x16xf32> to vector<16xf32>
        %swap3A_260 = vector.shape_cast %mul3A_255 : vector<16xf32> to vector<1x16xf32>
        tpu.vector_store %arg14[%swap3A_256, %swap3A_257], %swap3A_260 {strides = array<i32>} : memref<128x128xf32, #tpu.memory_space<vmem>>, vector<1x16xf32>,
        %get3A_261 = arith.index_cast %scan3A_211 : i32 to index
        %get3A_262 = arith.constant 48 : index
        %get3A_263 = tpu.vector_load %arg15[%get3A_261, %get3A_262] {strides = array<i32>} : memref<128x128xf32, #tpu.memory_space<vmem>>, vector<1x16xf32>,
        %get3A_264 = vector.shape_cast %get3A_263 : vector<1x16xf32> to vector<16xf32>
        %get3A_265 = arith.index_cast %scan3A_211 : i32 to index
        %get3A_266 = arith.constant 48 : index
        %get3A_267 = tpu.vector_load %arg14[%get3A_265, %get3A_266] {strides = array<i32>} : memref<128x128xf32, #tpu.memory_space<vmem>>, vector<1x16xf32>,
        %get3A_268 = vector.shape_cast %get3A_267 : vector<1x16xf32> to vector<16xf32>
        %mul3A_269 = arith.mulf %get3A_264, %get3A_268 : vector<16xf32>
        %mul3A_270 = arith.mulf %get3A_215, %mul3A_269 : vector<16xf32>
        %swap3A_271 = arith.index_cast %scan3A_211 : i32 to index
        %swap3A_272 = arith.constant 48 : index
        %swap3A_273 = tpu.vector_load %arg14[%swap3A_271, %swap3A_272] {strides = array<i32>} : memref<128x128xf32, #tpu.memory_space<vmem>>, vector<1x16xf32>,
        %swap3A_274 = vector.shape_cast %swap3A_273 : vector<1x16xf32> to vector<16xf32>
        %swap3A_275 = vector.shape_cast %mul3A_270 : vector<16xf32> to vector<1x16xf32>
        tpu.vector_store %arg14[%swap3A_271, %swap3A_272], %swap3A_275 {strides = array<i32>} : memref<128x128xf32, #tpu.memory_space<vmem>>, vector<1x16xf32>,
        %get3A_276 = arith.index_cast %scan3A_211 : i32 to index
        %get3A_277 = arith.constant 64 : index
        %get3A_278 = tpu.vector_load %arg15[%get3A_276, %get3A_277] {strides = array<i32>} : memref<128x128xf32, #tpu.memory_space<vmem>>, vector<1x16xf32>,
        %get3A_279 = vector.shape_cast %get3A_278 : vector<1x16xf32> to vector<16xf32>
        %get3A_280 = arith.index_cast %scan3A_211 : i32 to index
        %get3A_281 = arith.constant 64 : index
        %get3A_282 = tpu.vector_load %arg14[%get3A_280, %get3A_281] {strides = array<i32>} : memref<128x128xf32, #tpu.memory_space<vmem>>, vector<1x16xf32>,
        %get3A_283 = vector.shape_cast %get3A_282 : vector<1x16xf32> to vector<16xf32>
        %mul3A_284 = arith.mulf %get3A_279, %get3A_283 : vector<16xf32>
        %mul3A_285 = arith.mulf %get3A_215, %mul3A_284 : vector<16xf32>
        %swap3A_286 = arith.index_cast %scan3A_211 : i32 to index
        %swap3A_287 = arith.constant 64 : index
        %swap3A_288 = tpu.vector_load %arg14[%swap3A_286, %swap3A_287] {strides = array<i32>} : memref<128x128xf32, #tpu.memory_space<vmem>>, vector<1x16xf32>,
        %swap3A_289 = vector.shape_cast %swap3A_288 : vector<1x16xf32> to vector<16xf32>
        %swap3A_290 = vector.shape_cast %mul3A_285 : vector<16xf32> to vector<1x16xf32>
        tpu.vector_store %arg14[%swap3A_286, %swap3A_287], %swap3A_290 {strides = array<i32>} : memref<128x128xf32, #tpu.memory_space<vmem>>, vector<1x16xf32>,
        %get3A_291 = arith.index_cast %scan3A_211 : i32 to index
        %get3A_292 = arith.constant 80 : index
        %get3A_293 = tpu.vector_load %arg15[%get3A_291, %get3A_292] {strides = array<i32>} : memref<128x128xf32, #tpu.memory_space<vmem>>, vector<1x16xf32>,
        %get3A_294 = vector.shape_cast %get3A_293 : vector<1x16xf32> to vector<16xf32>
        %get3A_295 = arith.index_cast %scan3A_211 : i32 to index
        %get3A_296 = arith.constant 80 : index
        %get3A_297 = tpu.vector_load %arg14[%get3A_295, %get3A_296] {strides = array<i32>} : memref<128x128xf32, #tpu.memory_space<vmem>>, vector<1x16xf32>,
        %get3A_298 = vector.shape_cast %get3A_297 : vector<1x16xf32> to vector<16xf32>
        %mul3A_299 = arith.mulf %get3A_294, %get3A_298 : vector<16xf32>
        %mul3A_300 = arith.mulf %get3A_215, %mul3A_299 : vector<16xf32>
        %swap3A_301 = arith.index_cast %scan3A_211 : i32 to index
        %swap3A_302 = arith.constant 80 : index
        %swap3A_303 = tpu.vector_load %arg14[%swap3A_301, %swap3A_302] {strides = array<i32>} : memref<128x128xf32, #tpu.memory_space<vmem>>, vector<1x16xf32>,
        %swap3A_304 = vector.shape_cast %swap3A_303 : vector<1x16xf32> to vector<16xf32>
        %swap3A_305 = vector.shape_cast %mul3A_300 : vector<16xf32> to vector<1x16xf32>
        tpu.vector_store %arg14[%swap3A_301, %swap3A_302], %swap3A_305 {strides = array<i32>} : memref<128x128xf32, #tpu.memory_space<vmem>>, vector<1x16xf32>,
        %get3A_306 = arith.index_cast %scan3A_211 : i32 to index
        %get3A_307 = arith.constant 96 : index
        %get3A_308 = tpu.vector_load %arg15[%get3A_306, %get3A_307] {strides = array<i32>} : memref<128x128xf32, #tpu.memory_space<vmem>>, vector<1x16xf32>,
        %get3A_309 = vector.shape_cast %get3A_308 : vector<1x16xf32> to vector<16xf32>
        %get3A_310 = arith.index_cast %scan3A_211 : i32 to index
        %get3A_311 = arith.constant 96 : index
        %get3A_312 = tpu.vector_load %arg14[%get3A_310, %get3A_311] {strides = array<i32>} : memref<128x128xf32, #tpu.memory_space<vmem>>, vector<1x16xf32>,
        %get3A_313 = vector.shape_cast %get3A_312 : vector<1x16xf32> to vector<16xf32>
        %mul3A_314 = arith.mulf %get3A_309, %get3A_313 : vector<16xf32>
        %mul3A_315 = arith.mulf %get3A_215, %mul3A_314 : vector<16xf32>
        %swap3A_316 = arith.index_cast %scan3A_211 : i32 to index
        %swap3A_317 = arith.constant 96 : index
        %swap3A_318 = tpu.vector_load %arg14[%swap3A_316, %swap3A_317] {strides = array<i32>} : memref<128x128xf32, #tpu.memory_space<vmem>>, vector<1x16xf32>,
        %swap3A_319 = vector.shape_cast %swap3A_318 : vector<1x16xf32> to vector<16xf32>
        %swap3A_320 = vector.shape_cast %mul3A_315 : vector<16xf32> to vector<1x16xf32>
        tpu.vector_store %arg14[%swap3A_316, %swap3A_317], %swap3A_320 {strides = array<i32>} : memref<128x128xf32, #tpu.memory_space<vmem>>, vector<1x16xf32>,
        %get3A_321 = arith.index_cast %scan3A_211 : i32 to index
        %get3A_322 = arith.constant 112 : index
        %get3A_323 = tpu.vector_load %arg15[%get3A_321, %get3A_322] {strides = array<i32>} : memref<128x128xf32, #tpu.memory_space<vmem>>, vector<1x16xf32>,
        %get3A_324 = vector.shape_cast %get3A_323 : vector<1x16xf32> to vector<16xf32>
        %get3A_325 = arith.index_cast %scan3A_211 : i32 to index
        %get3A_326 = arith.constant 112 : index
        %get3A_327 = tpu.vector_load %arg14[%get3A_325, %get3A_326] {strides = array<i32>} : memref<128x128xf32, #tpu.memory_space<vmem>>, vector<1x16xf32>,
        %get3A_328 = vector.shape_cast %get3A_327 : vector<1x16xf32> to vector<16xf32>
        %mul3A_329 = arith.mulf %get3A_324, %get3A_328 : vector<16xf32>
        %mul3A_330 = arith.mulf %get3A_215, %mul3A_329 : vector<16xf32>
        %swap3A_331 = arith.index_cast %scan3A_211 : i32 to index
        %swap3A_332 = arith.constant 112 : index
        %swap3A_333 = tpu.vector_load %arg14[%swap3A_331, %swap3A_332] {strides = array<i32>} : memref<128x128xf32, #tpu.memory_space<vmem>>, vector<1x16xf32>,
        %swap3A_334 = vector.shape_cast %swap3A_333 : vector<1x16xf32> to vector<16xf32>
        %swap3A_335 = vector.shape_cast %mul3A_330 : vector<16xf32> to vector<1x16xf32>
        tpu.vector_store %arg14[%swap3A_331, %swap3A_332], %swap3A_335 {strides = array<i32>} : memref<128x128xf32, #tpu.memory_space<vmem>>, vector<1x16xf32>,
      }
      %scan3A_210 = arith.constant 128 : i32
      "tpu.region"() ({
        %run_scoped3A_211 = tpu.sem_alloc : memref<!tpu.dma_semaphore, #tpu.memory_space<semaphore_mem>>
        %dma_start3A_212 = arith.constant 0 : i32
        %dma_start3A_213 = arith.constant 0 : i32
        %dma_start3A_214 = tpu.memref_slice %arg17[%dma_start3A_212, %dma_start3A_213] : memref<10000x128xf32, #tpu.memory_space<vmem_shared>> -> memref<10000x128xf32, #tpu.memory_space<vmem_shared>>
        tpu.enqueue_indirect_dma source(%arg14 : memref<128x128xf32, #tpu.memory_space<vmem>>) target(%dma_start3A_214 : memref<10000x128xf32, #tpu.memory_space<vmem_shared>>) offsets(%arg8 : memref<128xi32, #tpu.memory_space<vmem>>) semaphore(%run_scoped3A_211 : memref<!tpu.dma_semaphore, #tpu.memory_space<semaphore_mem>>) {add = true}
        %dma_wait3A_215 = arith.constant 0 : i32
        %dma_wait3A_216 = arith.constant 0 : i32
        %dma_wait3A_217 = tpu.memref_slice %arg17[%dma_wait3A_215, %dma_wait3A_216] : memref<10000x128xf32, #tpu.memory_space<vmem_shared>> -> memref<10000x128xf32, #tpu.memory_space<vmem_shared>>
        tpu.wait_indirect_dma semaphore(%run_scoped3A_211 : memref<!tpu.dma_semaphore, #tpu.memory_space<semaphore_mem>>) src(%arg14 : memref<128x128xf32, #tpu.memory_space<vmem>>) dst(%dma_wait3A_217 : memref<10000x128xf32, #tpu.memory_space<vmem_shared>>)
        tpu.yield
      }) : () -> ()
    }
    %while3A_50 = arith.constant 1 : i32
    scf.for %while3A_78 = %while3A_48 to %while3A_44 step %while3A_50  : i32 {
      %mul3A_79 = arith.constant 16 : i32
      %mul3A_80 = arith.muli %while3A_78, %mul3A_79 : i32
      %add3A_81 = arith.addi %arg1, %mul3A_80 : i32
      %mul3A_82 = arith.constant 128 : i32
      %mul3A_83 = arith.muli %add3A_81, %mul3A_82 : i32
      %run_scoped3A = arith.constant 0 : i32
      "tpu.region"() ({
        %run_scoped3A_211 = tpu.sem_alloc : memref<!tpu.dma_semaphore, #tpu.memory_space<semaphore_mem>>
        %dma_start3A_212 = tpu.memref_slice %arg4[%run_scoped3A, %mul3A_83] : memref<2x320000xi32, #tpu.memory_space<hbm>> -> memref<1x128xi32, #tpu.memory_space<hbm>>
        %dma_start3A_213 = tpu.memref_squeeze %dma_start3A_212 : memref<1x128xi32, #tpu.memory_space<hbm>> -> memref<128xi32, #tpu.memory_space<hbm>>
        %dma_start3A_214 = tpu.memref_slice %arg4[%run_scoped3A, %mul3A_83] : memref<2x320000xi32, #tpu.memory_space<hbm>> -> memref<1x128xi32, #tpu.memory_space<hbm>>
        %dma_start3A_215 = tpu.memref_squeeze %dma_start3A_214 : memref<1x128xi32, #tpu.memory_space<hbm>> -> memref<128xi32, #tpu.memory_space<hbm>>
        tpu.enqueue_dma source(%dma_start3A_215 : memref<128xi32, #tpu.memory_space<hbm>>) target(%arg8 : memref<128xi32, #tpu.memory_space<vmem>>) target_semaphore(%run_scoped3A_211 : memref<!tpu.dma_semaphore, #tpu.memory_space<semaphore_mem>>)
        %dma_wait3A_216 = tpu.memref_slice %arg4[%run_scoped3A, %mul3A_83] : memref<2x320000xi32, #tpu.memory_space<hbm>> -> memref<1x128xi32, #tpu.memory_space<hbm>>
        %dma_wait3A_217 = tpu.memref_squeeze %dma_wait3A_216 : memref<1x128xi32, #tpu.memory_space<hbm>> -> memref<128xi32, #tpu.memory_space<hbm>>
        %dma_wait3A_218 = tpu.memref_slice %arg4[%run_scoped3A, %mul3A_83] : memref<2x320000xi32, #tpu.memory_space<hbm>> -> memref<1x128xi32, #tpu.memory_space<hbm>>
        %dma_wait3A_219 = tpu.memref_squeeze %dma_wait3A_218 : memref<1x128xi32, #tpu.memory_space<hbm>> -> memref<128xi32, #tpu.memory_space<hbm>>
        tpu.wait_dma2 semaphore(%run_scoped3A_211 : memref<!tpu.dma_semaphore, #tpu.memory_space<semaphore_mem>>) src(%dma_wait3A_219 : memref<128xi32, #tpu.memory_space<hbm>>) dst(%arg8 : memref<128xi32, #tpu.memory_space<vmem>>)
        tpu.yield
      }) : () -> ()
      %run_scoped3A_84 = arith.constant 1 : i32
      "tpu.region"() ({
        %run_scoped3A_211 = tpu.sem_alloc : memref<!tpu.dma_semaphore, #tpu.memory_space<semaphore_mem>>
        %dma_start3A_212 = tpu.memref_slice %arg4[%run_scoped3A_84, %mul3A_83] : memref<2x320000xi32, #tpu.memory_space<hbm>> -> memref<1x128xi32, #tpu.memory_space<hbm>>
        %dma_start3A_213 = tpu.memref_squeeze %dma_start3A_212 : memref<1x128xi32, #tpu.memory_space<hbm>> -> memref<128xi32, #tpu.memory_space<hbm>>
        %dma_start3A_214 = tpu.memref_slice %arg4[%run_scoped3A_84, %mul3A_83] : memref<2x320000xi32, #tpu.memory_space<hbm>> -> memref<1x128xi32, #tpu.memory_space<hbm>>
        %dma_start3A_215 = tpu.memref_squeeze %dma_start3A_214 : memref<1x128xi32, #tpu.memory_space<hbm>> -> memref<128xi32, #tpu.memory_space<hbm>>
        tpu.enqueue_dma source(%dma_start3A_215 : memref<128xi32, #tpu.memory_space<hbm>>) target(%arg9 : memref<128xi32, #tpu.memory_space<vmem>>) target_semaphore(%run_scoped3A_211 : memref<!tpu.dma_semaphore, #tpu.memory_space<semaphore_mem>>)
        %dma_wait3A_216 = tpu.memref_slice %arg4[%run_scoped3A_84, %mul3A_83] : memref<2x320000xi32, #tpu.memory_space<hbm>> -> memref<1x128xi32, #tpu.memory_space<hbm>>
        %dma_wait3A_217 = tpu.memref_squeeze %dma_wait3A_216 : memref<1x128xi32, #tpu.memory_space<hbm>> -> memref<128xi32, #tpu.memory_space<hbm>>
        %dma_wait3A_218 = tpu.memref_slice %arg4[%run_scoped3A_84, %mul3A_83] : memref<2x320000xi32, #tpu.memory_space<hbm>> -> memref<1x128xi32, #tpu.memory_space<hbm>>
        %dma_wait3A_219 = tpu.memref_squeeze %dma_wait3A_218 : memref<1x128xi32, #tpu.memory_space<hbm>> -> memref<128xi32, #tpu.memory_space<hbm>>
        tpu.wait_dma2 semaphore(%run_scoped3A_211 : memref<!tpu.dma_semaphore, #tpu.memory_space<semaphore_mem>>) src(%dma_wait3A_219 : memref<128xi32, #tpu.memory_space<hbm>>) dst(%arg9 : memref<128xi32, #tpu.memory_space<vmem>>)
        tpu.yield
      }) : () -> ()
      "tpu.region"() ({
        %run_scoped3A_211 = tpu.sem_alloc : memref<!tpu.dma_semaphore, #tpu.memory_space<semaphore_mem>>
        %dma_start3A_212 = tpu.memref_slice %arg5[%mul3A_83] : memref<320000xi32, #tpu.memory_space<hbm>> -> memref<128xi32, #tpu.memory_space<hbm>>
        %dma_start3A_213 = tpu.memref_slice %arg5[%mul3A_83] : memref<320000xi32, #tpu.memory_space<hbm>> -> memref<128xi32, #tpu.memory_space<hbm>>
        tpu.enqueue_dma source(%dma_start3A_213 : memref<128xi32, #tpu.memory_space<hbm>>) target(%arg10 : memref<128xi32, #tpu.memory_space<vmem>>) target_semaphore(%run_scoped3A_211 : memref<!tpu.dma_semaphore, #tpu.memory_space<semaphore_mem>>)
        %dma_wait3A_214 = tpu.memref_slice %arg5[%mul3A_83] : memref<320000xi32, #tpu.memory_space<hbm>> -> memref<128xi32, #tpu.memory_space<hbm>>
        %dma_wait3A_215 = tpu.memref_slice %arg5[%mul3A_83] : memref<320000xi32, #tpu.memory_space<hbm>> -> memref<128xi32, #tpu.memory_space<hbm>>
        tpu.wait_dma2 semaphore(%run_scoped3A_211 : memref<!tpu.dma_semaphore, #tpu.memory_space<semaphore_mem>>) src(%dma_wait3A_215 : memref<128xi32, #tpu.memory_space<hbm>>) dst(%arg10 : memref<128xi32, #tpu.memory_space<vmem>>)
        tpu.yield
      }) : () -> ()
      %get3A = arith.constant 0 : index
      %get3A_85 = tpu.vector_load %arg10[%get3A] {strides = array<i32>} : memref<128xi32, #tpu.memory_space<vmem>>, vector<16xi32>,
      %get3A_86 = vector.shape_cast %get3A_85 : vector<16xi32> to vector<16xi32>
      %add3A_87 = arith.constant 31 : i32
      %add3A_88 = vector.broadcast %add3A_87 : i32 to vector<16xi32>
      %add3A_89 = arith.addi %get3A_86, %add3A_88 : vector<16xi32>
      %and3A_90 = arith.constant 31 : i32
      %and3A_91 = vector.broadcast %and3A_90 : i32 to vector<16xi32>
      %and3A_92 = arith.andi %add3A_89, %and3A_91 : vector<16xi32>
      %swap3A = arith.constant 0 : index
      %swap3A_93 = tpu.vector_load %arg10[%swap3A] {strides = array<i32>} : memref<128xi32, #tpu.memory_space<vmem>>, vector<16xi32>,
      %swap3A_94 = vector.shape_cast %swap3A_93 : vector<16xi32> to vector<16xi32>
      %swap3A_95 = vector.shape_cast %and3A_92 : vector<16xi32> to vector<16xi32>
      tpu.vector_store %arg10[%swap3A], %swap3A_95 {strides = array<i32>} : memref<128xi32, #tpu.memory_space<vmem>>, vector<16xi32>,
      %get3A_96 = arith.constant 16 : index
      %get3A_97 = tpu.vector_load %arg10[%get3A_96] {strides = array<i32>} : memref<128xi32, #tpu.memory_space<vmem>>, vector<16xi32>,
      %get3A_98 = vector.shape_cast %get3A_97 : vector<16xi32> to vector<16xi32>
      %add3A_99 = arith.constant 31 : i32
      %add3A_100 = vector.broadcast %add3A_99 : i32 to vector<16xi32>
      %add3A_101 = arith.addi %get3A_98, %add3A_100 : vector<16xi32>
      %and3A_102 = arith.constant 31 : i32
      %and3A_103 = vector.broadcast %and3A_102 : i32 to vector<16xi32>
      %and3A_104 = arith.andi %add3A_101, %and3A_103 : vector<16xi32>
      %swap3A_105 = arith.constant 16 : index
      %swap3A_106 = tpu.vector_load %arg10[%swap3A_105] {strides = array<i32>} : memref<128xi32, #tpu.memory_space<vmem>>, vector<16xi32>,
      %swap3A_107 = vector.shape_cast %swap3A_106 : vector<16xi32> to vector<16xi32>
      %swap3A_108 = vector.shape_cast %and3A_104 : vector<16xi32> to vector<16xi32>
      tpu.vector_store %arg10[%swap3A_105], %swap3A_108 {strides = array<i32>} : memref<128xi32, #tpu.memory_space<vmem>>, vector<16xi32>,
      %get3A_109 = arith.constant 32 : index
      %get3A_110 = tpu.vector_load %arg10[%get3A_109] {strides = array<i32>} : memref<128xi32, #tpu.memory_space<vmem>>, vector<16xi32>,
      %get3A_111 = vector.shape_cast %get3A_110 : vector<16xi32> to vector<16xi32>
      %add3A_112 = arith.constant 31 : i32
      %add3A_113 = vector.broadcast %add3A_112 : i32 to vector<16xi32>
      %add3A_114 = arith.addi %get3A_111, %add3A_113 : vector<16xi32>
      %and3A_115 = arith.constant 31 : i32
      %and3A_116 = vector.broadcast %and3A_115 : i32 to vector<16xi32>
      %and3A_117 = arith.andi %add3A_114, %and3A_116 : vector<16xi32>
      %swap3A_118 = arith.constant 32 : index
      %swap3A_119 = tpu.vector_load %arg10[%swap3A_118] {strides = array<i32>} : memref<128xi32, #tpu.memory_space<vmem>>, vector<16xi32>,
      %swap3A_120 = vector.shape_cast %swap3A_119 : vector<16xi32> to vector<16xi32>
      %swap3A_121 = vector.shape_cast %and3A_117 : vector<16xi32> to vector<16xi32>
      tpu.vector_store %arg10[%swap3A_118], %swap3A_121 {strides = array<i32>} : memref<128xi32, #tpu.memory_space<vmem>>, vector<16xi32>,
      %get3A_122 = arith.constant 48 : index
      %get3A_123 = tpu.vector_load %arg10[%get3A_122] {strides = array<i32>} : memref<128xi32, #tpu.memory_space<vmem>>, vector<16xi32>,
      %get3A_124 = vector.shape_cast %get3A_123 : vector<16xi32> to vector<16xi32>
      %add3A_125 = arith.constant 31 : i32
      %add3A_126 = vector.broadcast %add3A_125 : i32 to vector<16xi32>
      %add3A_127 = arith.addi %get3A_124, %add3A_126 : vector<16xi32>
      %and3A_128 = arith.constant 31 : i32
      %and3A_129 = vector.broadcast %and3A_128 : i32 to vector<16xi32>
      %and3A_130 = arith.andi %add3A_127, %and3A_129 : vector<16xi32>
      %swap3A_131 = arith.constant 48 : index
      %swap3A_132 = tpu.vector_load %arg10[%swap3A_131] {strides = array<i32>} : memref<128xi32, #tpu.memory_space<vmem>>, vector<16xi32>,
      %swap3A_133 = vector.shape_cast %swap3A_132 : vector<16xi32> to vector<16xi32>
      %swap3A_134 = vector.shape_cast %and3A_130 : vector<16xi32> to vector<16xi32>
      tpu.vector_store %arg10[%swap3A_131], %swap3A_134 {strides = array<i32>} : memref<128xi32, #tpu.memory_space<vmem>>, vector<16xi32>,
      %get3A_135 = arith.constant 64 : index
      %get3A_136 = tpu.vector_load %arg10[%get3A_135] {strides = array<i32>} : memref<128xi32, #tpu.memory_space<vmem>>, vector<16xi32>,
      %get3A_137 = vector.shape_cast %get3A_136 : vector<16xi32> to vector<16xi32>
      %add3A_138 = arith.constant 31 : i32
      %add3A_139 = vector.broadcast %add3A_138 : i32 to vector<16xi32>
      %add3A_140 = arith.addi %get3A_137, %add3A_139 : vector<16xi32>
      %and3A_141 = arith.constant 31 : i32
      %and3A_142 = vector.broadcast %and3A_141 : i32 to vector<16xi32>
      %and3A_143 = arith.andi %add3A_140, %and3A_142 : vector<16xi32>
      %swap3A_144 = arith.constant 64 : index
      %swap3A_145 = tpu.vector_load %arg10[%swap3A_144] {strides = array<i32>} : memref<128xi32, #tpu.memory_space<vmem>>, vector<16xi32>,
      %swap3A_146 = vector.shape_cast %swap3A_145 : vector<16xi32> to vector<16xi32>
      %swap3A_147 = vector.shape_cast %and3A_143 : vector<16xi32> to vector<16xi32>
      tpu.vector_store %arg10[%swap3A_144], %swap3A_147 {strides = array<i32>} : memref<128xi32, #tpu.memory_space<vmem>>, vector<16xi32>,
      %get3A_148 = arith.constant 80 : index
      %get3A_149 = tpu.vector_load %arg10[%get3A_148] {strides = array<i32>} : memref<128xi32, #tpu.memory_space<vmem>>, vector<16xi32>,
      %get3A_150 = vector.shape_cast %get3A_149 : vector<16xi32> to vector<16xi32>
      %add3A_151 = arith.constant 31 : i32
      %add3A_152 = vector.broadcast %add3A_151 : i32 to vector<16xi32>
      %add3A_153 = arith.addi %get3A_150, %add3A_152 : vector<16xi32>
      %and3A_154 = arith.constant 31 : i32
      %and3A_155 = vector.broadcast %and3A_154 : i32 to vector<16xi32>
      %and3A_156 = arith.andi %add3A_153, %and3A_155 : vector<16xi32>
      %swap3A_157 = arith.constant 80 : index
      %swap3A_158 = tpu.vector_load %arg10[%swap3A_157] {strides = array<i32>} : memref<128xi32, #tpu.memory_space<vmem>>, vector<16xi32>,
      %swap3A_159 = vector.shape_cast %swap3A_158 : vector<16xi32> to vector<16xi32>
      %swap3A_160 = vector.shape_cast %and3A_156 : vector<16xi32> to vector<16xi32>
      tpu.vector_store %arg10[%swap3A_157], %swap3A_160 {strides = array<i32>} : memref<128xi32, #tpu.memory_space<vmem>>, vector<16xi32>,
      %get3A_161 = arith.constant 96 : index
      %get3A_162 = tpu.vector_load %arg10[%get3A_161] {strides = array<i32>} : memref<128xi32, #tpu.memory_space<vmem>>, vector<16xi32>,
      %get3A_163 = vector.shape_cast %get3A_162 : vector<16xi32> to vector<16xi32>
      %add3A_164 = arith.constant 31 : i32
      %add3A_165 = vector.broadcast %add3A_164 : i32 to vector<16xi32>
      %add3A_166 = arith.addi %get3A_163, %add3A_165 : vector<16xi32>
      %and3A_167 = arith.constant 31 : i32
      %and3A_168 = vector.broadcast %and3A_167 : i32 to vector<16xi32>
      %and3A_169 = arith.andi %add3A_166, %and3A_168 : vector<16xi32>
      %swap3A_170 = arith.constant 96 : index
      %swap3A_171 = tpu.vector_load %arg10[%swap3A_170] {strides = array<i32>} : memref<128xi32, #tpu.memory_space<vmem>>, vector<16xi32>,
      %swap3A_172 = vector.shape_cast %swap3A_171 : vector<16xi32> to vector<16xi32>
      %swap3A_173 = vector.shape_cast %and3A_169 : vector<16xi32> to vector<16xi32>
      tpu.vector_store %arg10[%swap3A_170], %swap3A_173 {strides = array<i32>} : memref<128xi32, #tpu.memory_space<vmem>>, vector<16xi32>,
      %get3A_174 = arith.constant 112 : index
      %get3A_175 = tpu.vector_load %arg10[%get3A_174] {strides = array<i32>} : memref<128xi32, #tpu.memory_space<vmem>>, vector<16xi32>,
      %get3A_176 = vector.shape_cast %get3A_175 : vector<16xi32> to vector<16xi32>
      %add3A_177 = arith.constant 31 : i32
      %add3A_178 = vector.broadcast %add3A_177 : i32 to vector<16xi32>
      %add3A_179 = arith.addi %get3A_176, %add3A_178 : vector<16xi32>
      %and3A_180 = arith.constant 31 : i32
      %and3A_181 = vector.broadcast %and3A_180 : i32 to vector<16xi32>
      %and3A_182 = arith.andi %add3A_179, %and3A_181 : vector<16xi32>
      %swap3A_183 = arith.constant 112 : index
      %swap3A_184 = tpu.vector_load %arg10[%swap3A_183] {strides = array<i32>} : memref<128xi32, #tpu.memory_space<vmem>>, vector<16xi32>,
      %swap3A_185 = vector.shape_cast %swap3A_184 : vector<16xi32> to vector<16xi32>
      %swap3A_186 = vector.shape_cast %and3A_182 : vector<16xi32> to vector<16xi32>
      tpu.vector_store %arg10[%swap3A_183], %swap3A_186 {strides = array<i32>} : memref<128xi32, #tpu.memory_space<vmem>>, vector<16xi32>,
      %dma_start3A = arith.constant 0 : i32
      %dma_start3A_187 = tpu.memref_slice %arg6[%mul3A_83, %dma_start3A] : memref<320000x16xf32, #tpu.memory_space<hbm>> -> memref<128x16xf32, #tpu.memory_space<hbm>>
      %dma_start3A_188 = arith.constant 0 : i32
      %dma_start3A_189 = tpu.memref_slice %arg6[%mul3A_83, %dma_start3A_188] : memref<320000x16xf32, #tpu.memory_space<hbm>> -> memref<128x16xf32, #tpu.memory_space<hbm>>
      tpu.enqueue_dma source(%dma_start3A_189 : memref<128x16xf32, #tpu.memory_space<hbm>>) target(%arg16 : memref<128x16xf32, #tpu.memory_space<vmem>>) target_semaphore(%arg18 : memref<!tpu.dma_semaphore, #tpu.memory_space<semaphore_mem>>)
      %dma_start3A_190 = arith.constant 0 : i32
      %dma_start3A_191 = arith.constant 0 : i32
      %dma_start3A_192 = tpu.memref_slice %arg2[%dma_start3A_190, %dma_start3A_191] : memref<10000x128xf32, #tpu.memory_space<hbm>> -> memref<10000x128xf32, #tpu.memory_space<hbm>>
      tpu.enqueue_indirect_dma source(%dma_start3A_192 : memref<10000x128xf32, #tpu.memory_space<hbm>>) target(%arg14 : memref<128x128xf32, #tpu.memory_space<vmem>>) offsets(%arg9 : memref<128xi32, #tpu.memory_space<vmem>>) semaphore(%arg19 : memref<!tpu.dma_semaphore, #tpu.memory_space<semaphore_mem>>)
      %dma_start3A_193 = arith.constant 0 : i32
      %dma_start3A_194 = arith.constant 0 : i32
      %dma_start3A_195 = tpu.memref_slice %arg3[%dma_start3A_193, %dma_start3A_194] : memref<32x128xf32, #tpu.memory_space<hbm>> -> memref<32x128xf32, #tpu.memory_space<hbm>>
      tpu.enqueue_indirect_dma source(%dma_start3A_195 : memref<32x128xf32, #tpu.memory_space<hbm>>) target(%arg15 : memref<128x128xf32, #tpu.memory_space<vmem>>) offsets(%arg10 : memref<128xi32, #tpu.memory_space<vmem>>) semaphore(%arg20 : memref<!tpu.dma_semaphore, #tpu.memory_space<semaphore_mem>>)
      %dma_wait3A = arith.constant 0 : i32
      %dma_wait3A_196 = tpu.memref_slice %arg6[%mul3A_83, %dma_wait3A] : memref<320000x16xf32, #tpu.memory_space<hbm>> -> memref<128x16xf32, #tpu.memory_space<hbm>>
      %dma_wait3A_197 = arith.constant 0 : i32
      %dma_wait3A_198 = tpu.memref_slice %arg6[%mul3A_83, %dma_wait3A_197] : memref<320000x16xf32, #tpu.memory_space<hbm>> -> memref<128x16xf32, #tpu.memory_space<hbm>>
      tpu.wait_dma2 semaphore(%arg18 : memref<!tpu.dma_semaphore, #tpu.memory_space<semaphore_mem>>) src(%dma_wait3A_198 : memref<128x16xf32, #tpu.memory_space<hbm>>) dst(%arg16 : memref<128x16xf32, #tpu.memory_space<vmem>>)
      %dma_wait3A_199 = arith.constant 0 : i32
      %dma_wait3A_200 = arith.constant 0 : i32
      %dma_wait3A_201 = tpu.memref_slice %arg2[%dma_wait3A_199, %dma_wait3A_200] : memref<10000x128xf32, #tpu.memory_space<hbm>> -> memref<10000x128xf32, #tpu.memory_space<hbm>>
      tpu.wait_indirect_dma semaphore(%arg19 : memref<!tpu.dma_semaphore, #tpu.memory_space<semaphore_mem>>) src(%dma_wait3A_201 : memref<10000x128xf32, #tpu.memory_space<hbm>>) dst(%arg14 : memref<128x128xf32, #tpu.memory_space<vmem>>)
      %dma_wait3A_202 = arith.constant 0 : i32
      %dma_wait3A_203 = arith.constant 0 : i32
      %dma_wait3A_204 = tpu.memref_slice %arg3[%dma_wait3A_202, %dma_wait3A_203] : memref<32x128xf32, #tpu.memory_space<hbm>> -> memref<32x128xf32, #tpu.memory_space<hbm>>
      tpu.wait_indirect_dma semaphore(%arg20 : memref<!tpu.dma_semaphore, #tpu.memory_space<semaphore_mem>>) src(%dma_wait3A_204 : memref<32x128xf32, #tpu.memory_space<hbm>>) dst(%arg15 : memref<128x128xf32, #tpu.memory_space<vmem>>)
      %scan3A_205 = arith.constant 0 : i32
      %scan3A_206 = arith.constant 0 : i32
      %scan3A_207 = arith.constant 128 : i32
      %scan3A_208 = arith.addi %scan3A_206, %scan3A_207 : i32
      %scan3A_209 = arith.constant 1 : i32
      scf.for %scan3A_211 = %scan3A_206 to %scan3A_208 step %scan3A_209  : i32 {
        %get3A_212 = arith.index_cast %scan3A_211 : i32 to index
        %get3A_213 = arith.constant 0 : index
        %get3A_214 = tpu.vector_load %arg16[%get3A_212, %get3A_213] {strides = array<i32>} : memref<128x16xf32, #tpu.memory_space<vmem>>, vector<1x16xf32>,
        %get3A_215 = vector.shape_cast %get3A_214 : vector<1x16xf32> to vector<16xf32>
        %get3A_216 = arith.index_cast %scan3A_211 : i32 to index
        %get3A_217 = arith.constant 0 : index
        %get3A_218 = tpu.vector_load %arg15[%get3A_216, %get3A_217] {strides = array<i32>} : memref<128x128xf32, #tpu.memory_space<vmem>>, vector<1x16xf32>,
        %get3A_219 = vector.shape_cast %get3A_218 : vector<1x16xf32> to vector<16xf32>
        %get3A_220 = arith.index_cast %scan3A_211 : i32 to index
        %get3A_221 = arith.constant 0 : index
        %get3A_222 = tpu.vector_load %arg14[%get3A_220, %get3A_221] {strides = array<i32>} : memref<128x128xf32, #tpu.memory_space<vmem>>, vector<1x16xf32>,
        %get3A_223 = vector.shape_cast %get3A_222 : vector<1x16xf32> to vector<16xf32>
        %mul3A_224 = arith.mulf %get3A_219, %get3A_223 : vector<16xf32>
        %mul3A_225 = arith.mulf %get3A_215, %mul3A_224 : vector<16xf32>
        %swap3A_226 = arith.index_cast %scan3A_211 : i32 to index
        %swap3A_227 = arith.constant 0 : index
        %swap3A_228 = tpu.vector_load %arg14[%swap3A_226, %swap3A_227] {strides = array<i32>} : memref<128x128xf32, #tpu.memory_space<vmem>>, vector<1x16xf32>,
        %swap3A_229 = vector.shape_cast %swap3A_228 : vector<1x16xf32> to vector<16xf32>
        %swap3A_230 = vector.shape_cast %mul3A_225 : vector<16xf32> to vector<1x16xf32>
        tpu.vector_store %arg14[%swap3A_226, %swap3A_227], %swap3A_230 {strides = array<i32>} : memref<128x128xf32, #tpu.memory_space<vmem>>, vector<1x16xf32>,
        %get3A_231 = arith.index_cast %scan3A_211 : i32 to index
        %get3A_232 = arith.constant 16 : index
        %get3A_233 = tpu.vector_load %arg15[%get3A_231, %get3A_232] {strides = array<i32>} : memref<128x128xf32, #tpu.memory_space<vmem>>, vector<1x16xf32>,
        %get3A_234 = vector.shape_cast %get3A_233 : vector<1x16xf32> to vector<16xf32>
        %get3A_235 = arith.index_cast %scan3A_211 : i32 to index
        %get3A_236 = arith.constant 16 : index
        %get3A_237 = tpu.vector_load %arg14[%get3A_235, %get3A_236] {strides = array<i32>} : memref<128x128xf32, #tpu.memory_space<vmem>>, vector<1x16xf32>,
        %get3A_238 = vector.shape_cast %get3A_237 : vector<1x16xf32> to vector<16xf32>
        %mul3A_239 = arith.mulf %get3A_234, %get3A_238 : vector<16xf32>
        %mul3A_240 = arith.mulf %get3A_215, %mul3A_239 : vector<16xf32>
        %swap3A_241 = arith.index_cast %scan3A_211 : i32 to index
        %swap3A_242 = arith.constant 16 : index
        %swap3A_243 = tpu.vector_load %arg14[%swap3A_241, %swap3A_242] {strides = array<i32>} : memref<128x128xf32, #tpu.memory_space<vmem>>, vector<1x16xf32>,
        %swap3A_244 = vector.shape_cast %swap3A_243 : vector<1x16xf32> to vector<16xf32>
        %swap3A_245 = vector.shape_cast %mul3A_240 : vector<16xf32> to vector<1x16xf32>
        tpu.vector_store %arg14[%swap3A_241, %swap3A_242], %swap3A_245 {strides = array<i32>} : memref<128x128xf32, #tpu.memory_space<vmem>>, vector<1x16xf32>,
        %get3A_246 = arith.index_cast %scan3A_211 : i32 to index
        %get3A_247 = arith.constant 32 : index
        %get3A_248 = tpu.vector_load %arg15[%get3A_246, %get3A_247] {strides = array<i32>} : memref<128x128xf32, #tpu.memory_space<vmem>>, vector<1x16xf32>,
        %get3A_249 = vector.shape_cast %get3A_248 : vector<1x16xf32> to vector<16xf32>
        %get3A_250 = arith.index_cast %scan3A_211 : i32 to index
        %get3A_251 = arith.constant 32 : index
        %get3A_252 = tpu.vector_load %arg14[%get3A_250, %get3A_251] {strides = array<i32>} : memref<128x128xf32, #tpu.memory_space<vmem>>, vector<1x16xf32>,
        %get3A_253 = vector.shape_cast %get3A_252 : vector<1x16xf32> to vector<16xf32>
        %mul3A_254 = arith.mulf %get3A_249, %get3A_253 : vector<16xf32>
        %mul3A_255 = arith.mulf %get3A_215, %mul3A_254 : vector<16xf32>
        %swap3A_256 = arith.index_cast %scan3A_211 : i32 to index
        %swap3A_257 = arith.constant 32 : index
        %swap3A_258 = tpu.vector_load %arg14[%swap3A_256, %swap3A_257] {strides = array<i32>} : memref<128x128xf32, #tpu.memory_space<vmem>>, vector<1x16xf32>,
        %swap3A_259 = vector.shape_cast %swap3A_258 : vector<1x16xf32> to vector<16xf32>
        %swap3A_260 = vector.shape_cast %mul3A_255 : vector<16xf32> to vector<1x16xf32>
        tpu.vector_store %arg14[%swap3A_256, %swap3A_257], %swap3A_260 {strides = array<i32>} : memref<128x128xf32, #tpu.memory_space<vmem>>, vector<1x16xf32>,
        %get3A_261 = arith.index_cast %scan3A_211 : i32 to index
        %get3A_262 = arith.constant 48 : index
        %get3A_263 = tpu.vector_load %arg15[%get3A_261, %get3A_262] {strides = array<i32>} : memref<128x128xf32, #tpu.memory_space<vmem>>, vector<1x16xf32>,
        %get3A_264 = vector.shape_cast %get3A_263 : vector<1x16xf32> to vector<16xf32>
        %get3A_265 = arith.index_cast %scan3A_211 : i32 to index
        %get3A_266 = arith.constant 48 : index
        %get3A_267 = tpu.vector_load %arg14[%get3A_265, %get3A_266] {strides = array<i32>} : memref<128x128xf32, #tpu.memory_space<vmem>>, vector<1x16xf32>,
        %get3A_268 = vector.shape_cast %get3A_267 : vector<1x16xf32> to vector<16xf32>
        %mul3A_269 = arith.mulf %get3A_264, %get3A_268 : vector<16xf32>
        %mul3A_270 = arith.mulf %get3A_215, %mul3A_269 : vector<16xf32>
        %swap3A_271 = arith.index_cast %scan3A_211 : i32 to index
        %swap3A_272 = arith.constant 48 : index
        %swap3A_273 = tpu.vector_load %arg14[%swap3A_271, %swap3A_272] {strides = array<i32>} : memref<128x128xf32, #tpu.memory_space<vmem>>, vector<1x16xf32>,
        %swap3A_274 = vector.shape_cast %swap3A_273 : vector<1x16xf32> to vector<16xf32>
        %swap3A_275 = vector.shape_cast %mul3A_270 : vector<16xf32> to vector<1x16xf32>
        tpu.vector_store %arg14[%swap3A_271, %swap3A_272], %swap3A_275 {strides = array<i32>} : memref<128x128xf32, #tpu.memory_space<vmem>>, vector<1x16xf32>,
        %get3A_276 = arith.index_cast %scan3A_211 : i32 to index
        %get3A_277 = arith.constant 64 : index
        %get3A_278 = tpu.vector_load %arg15[%get3A_276, %get3A_277] {strides = array<i32>} : memref<128x128xf32, #tpu.memory_space<vmem>>, vector<1x16xf32>,
        %get3A_279 = vector.shape_cast %get3A_278 : vector<1x16xf32> to vector<16xf32>
        %get3A_280 = arith.index_cast %scan3A_211 : i32 to index
        %get3A_281 = arith.constant 64 : index
        %get3A_282 = tpu.vector_load %arg14[%get3A_280, %get3A_281] {strides = array<i32>} : memref<128x128xf32, #tpu.memory_space<vmem>>, vector<1x16xf32>,
        %get3A_283 = vector.shape_cast %get3A_282 : vector<1x16xf32> to vector<16xf32>
        %mul3A_284 = arith.mulf %get3A_279, %get3A_283 : vector<16xf32>
        %mul3A_285 = arith.mulf %get3A_215, %mul3A_284 : vector<16xf32>
        %swap3A_286 = arith.index_cast %scan3A_211 : i32 to index
        %swap3A_287 = arith.constant 64 : index
        %swap3A_288 = tpu.vector_load %arg14[%swap3A_286, %swap3A_287] {strides = array<i32>} : memref<128x128xf32, #tpu.memory_space<vmem>>, vector<1x16xf32>,
        %swap3A_289 = vector.shape_cast %swap3A_288 : vector<1x16xf32> to vector<16xf32>
        %swap3A_290 = vector.shape_cast %mul3A_285 : vector<16xf32> to vector<1x16xf32>
        tpu.vector_store %arg14[%swap3A_286, %swap3A_287], %swap3A_290 {strides = array<i32>} : memref<128x128xf32, #tpu.memory_space<vmem>>, vector<1x16xf32>,
        %get3A_291 = arith.index_cast %scan3A_211 : i32 to index
        %get3A_292 = arith.constant 80 : index
        %get3A_293 = tpu.vector_load %arg15[%get3A_291, %get3A_292] {strides = array<i32>} : memref<128x128xf32, #tpu.memory_space<vmem>>, vector<1x16xf32>,
        %get3A_294 = vector.shape_cast %get3A_293 : vector<1x16xf32> to vector<16xf32>
        %get3A_295 = arith.index_cast %scan3A_211 : i32 to index
        %get3A_296 = arith.constant 80 : index
        %get3A_297 = tpu.vector_load %arg14[%get3A_295, %get3A_296] {strides = array<i32>} : memref<128x128xf32, #tpu.memory_space<vmem>>, vector<1x16xf32>,
        %get3A_298 = vector.shape_cast %get3A_297 : vector<1x16xf32> to vector<16xf32>
        %mul3A_299 = arith.mulf %get3A_294, %get3A_298 : vector<16xf32>
        %mul3A_300 = arith.mulf %get3A_215, %mul3A_299 : vector<16xf32>
        %swap3A_301 = arith.index_cast %scan3A_211 : i32 to index
        %swap3A_302 = arith.constant 80 : index
        %swap3A_303 = tpu.vector_load %arg14[%swap3A_301, %swap3A_302] {strides = array<i32>} : memref<128x128xf32, #tpu.memory_space<vmem>>, vector<1x16xf32>,
        %swap3A_304 = vector.shape_cast %swap3A_303 : vector<1x16xf32> to vector<16xf32>
        %swap3A_305 = vector.shape_cast %mul3A_300 : vector<16xf32> to vector<1x16xf32>
        tpu.vector_store %arg14[%swap3A_301, %swap3A_302], %swap3A_305 {strides = array<i32>} : memref<128x128xf32, #tpu.memory_space<vmem>>, vector<1x16xf32>,
        %get3A_306 = arith.index_cast %scan3A_211 : i32 to index
        %get3A_307 = arith.constant 96 : index
        %get3A_308 = tpu.vector_load %arg15[%get3A_306, %get3A_307] {strides = array<i32>} : memref<128x128xf32, #tpu.memory_space<vmem>>, vector<1x16xf32>,
        %get3A_309 = vector.shape_cast %get3A_308 : vector<1x16xf32> to vector<16xf32>
        %get3A_310 = arith.index_cast %scan3A_211 : i32 to index
        %get3A_311 = arith.constant 96 : index
        %get3A_312 = tpu.vector_load %arg14[%get3A_310, %get3A_311] {strides = array<i32>} : memref<128x128xf32, #tpu.memory_space<vmem>>, vector<1x16xf32>,
        %get3A_313 = vector.shape_cast %get3A_312 : vector<1x16xf32> to vector<16xf32>
        %mul3A_314 = arith.mulf %get3A_309, %get3A_313 : vector<16xf32>
        %mul3A_315 = arith.mulf %get3A_215, %mul3A_314 : vector<16xf32>
        %swap3A_316 = arith.index_cast %scan3A_211 : i32 to index
        %swap3A_317 = arith.constant 96 : index
        %swap3A_318 = tpu.vector_load %arg14[%swap3A_316, %swap3A_317] {strides = array<i32>} : memref<128x128xf32, #tpu.memory_space<vmem>>, vector<1x16xf32>,
        %swap3A_319 = vector.shape_cast %swap3A_318 : vector<1x16xf32> to vector<16xf32>
        %swap3A_320 = vector.shape_cast %mul3A_315 : vector<16xf32> to vector<1x16xf32>
        tpu.vector_store %arg14[%swap3A_316, %swap3A_317], %swap3A_320 {strides = array<i32>} : memref<128x128xf32, #tpu.memory_space<vmem>>, vector<1x16xf32>,
        %get3A_321 = arith.index_cast %scan3A_211 : i32 to index
        %get3A_322 = arith.constant 112 : index
        %get3A_323 = tpu.vector_load %arg15[%get3A_321, %get3A_322] {strides = array<i32>} : memref<128x128xf32, #tpu.memory_space<vmem>>, vector<1x16xf32>,
        %get3A_324 = vector.shape_cast %get3A_323 : vector<1x16xf32> to vector<16xf32>
        %get3A_325 = arith.index_cast %scan3A_211 : i32 to index
        %get3A_326 = arith.constant 112 : index
        %get3A_327 = tpu.vector_load %arg14[%get3A_325, %get3A_326] {strides = array<i32>} : memref<128x128xf32, #tpu.memory_space<vmem>>, vector<1x16xf32>,
        %get3A_328 = vector.shape_cast %get3A_327 : vector<1x16xf32> to vector<16xf32>
        %mul3A_329 = arith.mulf %get3A_324, %get3A_328 : vector<16xf32>
        %mul3A_330 = arith.mulf %get3A_215, %mul3A_329 : vector<16xf32>
        %swap3A_331 = arith.index_cast %scan3A_211 : i32 to index
        %swap3A_332 = arith.constant 112 : index
        %swap3A_333 = tpu.vector_load %arg14[%swap3A_331, %swap3A_332] {strides = array<i32>} : memref<128x128xf32, #tpu.memory_space<vmem>>, vector<1x16xf32>,
        %swap3A_334 = vector.shape_cast %swap3A_333 : vector<1x16xf32> to vector<16xf32>
        %swap3A_335 = vector.shape_cast %mul3A_330 : vector<16xf32> to vector<1x16xf32>
        tpu.vector_store %arg14[%swap3A_331, %swap3A_332], %swap3A_335 {strides = array<i32>} : memref<128x128xf32, #tpu.memory_space<vmem>>, vector<1x16xf32>,
      }
      %scan3A_210 = arith.constant 128 : i32
      "tpu.region"() ({
        %run_scoped3A_211 = tpu.sem_alloc : memref<!tpu.dma_semaphore, #tpu.memory_space<semaphore_mem>>
        %dma_start3A_212 = arith.constant 0 : i32
        %dma_start3A_213 = arith.constant 0 : i32
        %dma_start3A_214 = tpu.memref_slice %arg17[%dma_start3A_212, %dma_start3A_213] : memref<10000x128xf32, #tpu.memory_space<vmem_shared>> -> memref<10000x128xf32, #tpu.memory_space<vmem_shared>>
        tpu.enqueue_indirect_dma source(%arg14 : memref<128x128xf32, #tpu.memory_space<vmem>>) target(%dma_start3A_214 : memref<10000x128xf32, #tpu.memory_space<vmem_shared>>) offsets(%arg8 : memref<128xi32, #tpu.memory_space<vmem>>) semaphore(%run_scoped3A_211 : memref<!tpu.dma_semaphore, #tpu.memory_space<semaphore_mem>>) {add = true}
        %dma_wait3A_215 = arith.constant 0 : i32
        %dma_wait3A_216 = arith.constant 0 : i32
        %dma_wait3A_217 = tpu.memref_slice %arg17[%dma_wait3A_215, %dma_wait3A_216] : memref<10000x128xf32, #tpu.memory_space<vmem_shared>> -> memref<10000x128xf32, #tpu.memory_space<vmem_shared>>
        tpu.wait_indirect_dma semaphore(%run_scoped3A_211 : memref<!tpu.dma_semaphore, #tpu.memory_space<semaphore_mem>>) src(%arg14 : memref<128x128xf32, #tpu.memory_space<vmem>>) dst(%dma_wait3A_217 : memref<10000x128xf32, #tpu.memory_space<vmem_shared>>)
        tpu.yield
      }) : () -> ()
    }
    %barrier3A_51 = arith.constant 0 : index
    tpu.barrier barrier_id(%barrier3A_51)
    %add3A_52 = arith.constant 0 : i32
    %add3A_53 = arith.addi %mul3A_6, %add3A_52 : i32
    "tpu.region"() ({
      %run_scoped3A = tpu.sem_alloc : memref<!tpu.dma_semaphore, #tpu.memory_space<semaphore_mem>>
      %dma_start3A = arith.constant 0 : i32
      %dma_start3A_78 = tpu.memref_slice %arg17[%add3A_53, %dma_start3A] : memref<10000x128xf32, #tpu.memory_space<vmem_shared>> -> memref<128x128xf32, #tpu.memory_space<vmem_shared>>
      %dma_start3A_79 = arith.constant 0 : i32
      %dma_start3A_80 = tpu.memref_slice %arg17[%add3A_53, %dma_start3A_79] : memref<10000x128xf32, #tpu.memory_space<vmem_shared>> -> memref<128x128xf32, #tpu.memory_space<vmem_shared>>
      tpu.enqueue_dma source(%dma_start3A_80 : memref<128x128xf32, #tpu.memory_space<vmem_shared>>) target(%arg14 : memref<128x128xf32, #tpu.memory_space<vmem>>) target_semaphore(%run_scoped3A : memref<!tpu.dma_semaphore, #tpu.memory_space<semaphore_mem>>)
      %dma_wait3A = arith.constant 0 : i32
      %dma_wait3A_81 = tpu.memref_slice %arg17[%add3A_53, %dma_wait3A] : memref<10000x128xf32, #tpu.memory_space<vmem_shared>> -> memref<128x128xf32, #tpu.memory_space<vmem_shared>>
      %dma_wait3A_82 = arith.constant 0 : i32
      %dma_wait3A_83 = tpu.memref_slice %arg17[%add3A_53, %dma_wait3A_82] : memref<10000x128xf32, #tpu.memory_space<vmem_shared>> -> memref<128x128xf32, #tpu.memory_space<vmem_shared>>
      tpu.wait_dma2 semaphore(%run_scoped3A : memref<!tpu.dma_semaphore, #tpu.memory_space<semaphore_mem>>) src(%dma_wait3A_83 : memref<128x128xf32, #tpu.memory_space<vmem_shared>>) dst(%arg14 : memref<128x128xf32, #tpu.memory_space<vmem>>)
      tpu.yield
    }) : () -> ()
    %add3A_54 = arith.constant 0 : i32
    %add3A_55 = arith.addi %mul3A_6, %add3A_54 : i32
    "tpu.region"() ({
      %run_scoped3A = tpu.sem_alloc : memref<!tpu.dma_semaphore, #tpu.memory_space<semaphore_mem>>
      %dma_start3A = arith.constant 0 : i32
      %dma_start3A_78 = tpu.memref_slice %arg7[%add3A_55, %dma_start3A] : memref<10000x128xf32, #tpu.memory_space<hbm>> -> memref<128x128xf32, #tpu.memory_space<hbm>>
      %dma_start3A_79 = arith.constant 0 : i32
      %dma_start3A_80 = tpu.memref_slice %arg7[%add3A_55, %dma_start3A_79] : memref<10000x128xf32, #tpu.memory_space<hbm>> -> memref<128x128xf32, #tpu.memory_space<hbm>>
      tpu.enqueue_dma source(%arg14 : memref<128x128xf32, #tpu.memory_space<vmem>>) target(%dma_start3A_80 : memref<128x128xf32, #tpu.memory_space<hbm>>) target_semaphore(%run_scoped3A : memref<!tpu.dma_semaphore, #tpu.memory_space<semaphore_mem>>)
      %dma_wait3A = arith.constant 0 : i32
      %dma_wait3A_81 = tpu.memref_slice %arg7[%add3A_55, %dma_wait3A] : memref<10000x128xf32, #tpu.memory_space<hbm>> -> memref<128x128xf32, #tpu.memory_space<hbm>>
      %dma_wait3A_82 = arith.constant 0 : i32
      %dma_wait3A_83 = tpu.memref_slice %arg7[%add3A_55, %dma_wait3A_82] : memref<10000x128xf32, #tpu.memory_space<hbm>> -> memref<128x128xf32, #tpu.memory_space<hbm>>
      tpu.wait_dma2 semaphore(%run_scoped3A : memref<!tpu.dma_semaphore, #tpu.memory_space<semaphore_mem>>) src(%arg14 : memref<128x128xf32, #tpu.memory_space<vmem>>) dst(%dma_wait3A_83 : memref<128x128xf32, #tpu.memory_space<hbm>>)
      tpu.yield
    }) : () -> ()
    %add3A_56 = arith.constant 128 : i32
    %add3A_57 = arith.addi %mul3A_6, %add3A_56 : i32
    "tpu.region"() ({
      %run_scoped3A = tpu.sem_alloc : memref<!tpu.dma_semaphore, #tpu.memory_space<semaphore_mem>>
      %dma_start3A = arith.constant 0 : i32
      %dma_start3A_78 = tpu.memref_slice %arg17[%add3A_57, %dma_start3A] : memref<10000x128xf32, #tpu.memory_space<vmem_shared>> -> memref<128x128xf32, #tpu.memory_space<vmem_shared>>
      %dma_start3A_79 = arith.constant 0 : i32
      %dma_start3A_80 = tpu.memref_slice %arg17[%add3A_57, %dma_start3A_79] : memref<10000x128xf32, #tpu.memory_space<vmem_shared>> -> memref<128x128xf32, #tpu.memory_space<vmem_shared>>
      tpu.enqueue_dma source(%dma_start3A_80 : memref<128x128xf32, #tpu.memory_space<vmem_shared>>) target(%arg14 : memref<128x128xf32, #tpu.memory_space<vmem>>) target_semaphore(%run_scoped3A : memref<!tpu.dma_semaphore, #tpu.memory_space<semaphore_mem>>)
      %dma_wait3A = arith.constant 0 : i32
      %dma_wait3A_81 = tpu.memref_slice %arg17[%add3A_57, %dma_wait3A] : memref<10000x128xf32, #tpu.memory_space<vmem_shared>> -> memref<128x128xf32, #tpu.memory_space<vmem_shared>>
      %dma_wait3A_82 = arith.constant 0 : i32
      %dma_wait3A_83 = tpu.memref_slice %arg17[%add3A_57, %dma_wait3A_82] : memref<10000x128xf32, #tpu.memory_space<vmem_shared>> -> memref<128x128xf32, #tpu.memory_space<vmem_shared>>
      tpu.wait_dma2 semaphore(%run_scoped3A : memref<!tpu.dma_semaphore, #tpu.memory_space<semaphore_mem>>) src(%dma_wait3A_83 : memref<128x128xf32, #tpu.memory_space<vmem_shared>>) dst(%arg14 : memref<128x128xf32, #tpu.memory_space<vmem>>)
      tpu.yield
    }) : () -> ()
    %add3A_58 = arith.constant 128 : i32
    %add3A_59 = arith.addi %mul3A_6, %add3A_58 : i32
    "tpu.region"() ({
      %run_scoped3A = tpu.sem_alloc : memref<!tpu.dma_semaphore, #tpu.memory_space<semaphore_mem>>
      %dma_start3A = arith.constant 0 : i32
      %dma_start3A_78 = tpu.memref_slice %arg7[%add3A_59, %dma_start3A] : memref<10000x128xf32, #tpu.memory_space<hbm>> -> memref<128x128xf32, #tpu.memory_space<hbm>>
      %dma_start3A_79 = arith.constant 0 : i32
      %dma_start3A_80 = tpu.memref_slice %arg7[%add3A_59, %dma_start3A_79] : memref<10000x128xf32, #tpu.memory_space<hbm>> -> memref<128x128xf32, #tpu.memory_space<hbm>>
      tpu.enqueue_dma source(%arg14 : memref<128x128xf32, #tpu.memory_space<vmem>>) target(%dma_start3A_80 : memref<128x128xf32, #tpu.memory_space<hbm>>) target_semaphore(%run_scoped3A : memref<!tpu.dma_semaphore, #tpu.memory_space<semaphore_mem>>)
      %dma_wait3A = arith.constant 0 : i32
      %dma_wait3A_81 = tpu.memref_slice %arg7[%add3A_59, %dma_wait3A] : memref<10000x128xf32, #tpu.memory_space<hbm>> -> memref<128x128xf32, #tpu.memory_space<hbm>>
      %dma_wait3A_82 = arith.constant 0 : i32
      %dma_wait3A_83 = tpu.memref_slice %arg7[%add3A_59, %dma_wait3A_82] : memref<10000x128xf32, #tpu.memory_space<hbm>> -> memref<128x128xf32, #tpu.memory_space<hbm>>
      tpu.wait_dma2 semaphore(%run_scoped3A : memref<!tpu.dma_semaphore, #tpu.memory_space<semaphore_mem>>) src(%arg14 : memref<128x128xf32, #tpu.memory_space<vmem>>) dst(%dma_wait3A_83 : memref<128x128xf32, #tpu.memory_space<hbm>>)
      tpu.yield
    }) : () -> ()
    %add3A_60 = arith.constant 256 : i32
    %add3A_61 = arith.addi %mul3A_6, %add3A_60 : i32
    "tpu.region"() ({
      %run_scoped3A = tpu.sem_alloc : memref<!tpu.dma_semaphore, #tpu.memory_space<semaphore_mem>>
      %dma_start3A = arith.constant 0 : i32
      %dma_start3A_78 = tpu.memref_slice %arg17[%add3A_61, %dma_start3A] : memref<10000x128xf32, #tpu.memory_space<vmem_shared>> -> memref<128x128xf32, #tpu.memory_space<vmem_shared>>
      %dma_start3A_79 = arith.constant 0 : i32
      %dma_start3A_80 = tpu.memref_slice %arg17[%add3A_61, %dma_start3A_79] : memref<10000x128xf32, #tpu.memory_space<vmem_shared>> -> memref<128x128xf32, #tpu.memory_space<vmem_shared>>
      tpu.enqueue_dma source(%dma_start3A_80 : memref<128x128xf32, #tpu.memory_space<vmem_shared>>) target(%arg14 : memref<128x128xf32, #tpu.memory_space<vmem>>) target_semaphore(%run_scoped3A : memref<!tpu.dma_semaphore, #tpu.memory_space<semaphore_mem>>)
      %dma_wait3A = arith.constant 0 : i32
      %dma_wait3A_81 = tpu.memref_slice %arg17[%add3A_61, %dma_wait3A] : memref<10000x128xf32, #tpu.memory_space<vmem_shared>> -> memref<128x128xf32, #tpu.memory_space<vmem_shared>>
      %dma_wait3A_82 = arith.constant 0 : i32
      %dma_wait3A_83 = tpu.memref_slice %arg17[%add3A_61, %dma_wait3A_82] : memref<10000x128xf32, #tpu.memory_space<vmem_shared>> -> memref<128x128xf32, #tpu.memory_space<vmem_shared>>
      tpu.wait_dma2 semaphore(%run_scoped3A : memref<!tpu.dma_semaphore, #tpu.memory_space<semaphore_mem>>) src(%dma_wait3A_83 : memref<128x128xf32, #tpu.memory_space<vmem_shared>>) dst(%arg14 : memref<128x128xf32, #tpu.memory_space<vmem>>)
      tpu.yield
    }) : () -> ()
    %add3A_62 = arith.constant 256 : i32
    %add3A_63 = arith.addi %mul3A_6, %add3A_62 : i32
    "tpu.region"() ({
      %run_scoped3A = tpu.sem_alloc : memref<!tpu.dma_semaphore, #tpu.memory_space<semaphore_mem>>
      %dma_start3A = arith.constant 0 : i32
      %dma_start3A_78 = tpu.memref_slice %arg7[%add3A_63, %dma_start3A] : memref<10000x128xf32, #tpu.memory_space<hbm>> -> memref<128x128xf32, #tpu.memory_space<hbm>>
      %dma_start3A_79 = arith.constant 0 : i32
      %dma_start3A_80 = tpu.memref_slice %arg7[%add3A_63, %dma_start3A_79] : memref<10000x128xf32, #tpu.memory_space<hbm>> -> memref<128x128xf32, #tpu.memory_space<hbm>>
      tpu.enqueue_dma source(%arg14 : memref<128x128xf32, #tpu.memory_space<vmem>>) target(%dma_start3A_80 : memref<128x128xf32, #tpu.memory_space<hbm>>) target_semaphore(%run_scoped3A : memref<!tpu.dma_semaphore, #tpu.memory_space<semaphore_mem>>)
      %dma_wait3A = arith.constant 0 : i32
      %dma_wait3A_81 = tpu.memref_slice %arg7[%add3A_63, %dma_wait3A] : memref<10000x128xf32, #tpu.memory_space<hbm>> -> memref<128x128xf32, #tpu.memory_space<hbm>>
      %dma_wait3A_82 = arith.constant 0 : i32
      %dma_wait3A_83 = tpu.memref_slice %arg7[%add3A_63, %dma_wait3A_82] : memref<10000x128xf32, #tpu.memory_space<hbm>> -> memref<128x128xf32, #tpu.memory_space<hbm>>
      tpu.wait_dma2 semaphore(%run_scoped3A : memref<!tpu.dma_semaphore, #tpu.memory_space<semaphore_mem>>) src(%arg14 : memref<128x128xf32, #tpu.memory_space<vmem>>) dst(%dma_wait3A_83 : memref<128x128xf32, #tpu.memory_space<hbm>>)
      tpu.yield
    }) : () -> ()
    %add3A_64 = arith.constant 384 : i32
    %add3A_65 = arith.addi %mul3A_6, %add3A_64 : i32
    "tpu.region"() ({
      %run_scoped3A = tpu.sem_alloc : memref<!tpu.dma_semaphore, #tpu.memory_space<semaphore_mem>>
      %dma_start3A = arith.constant 0 : i32
      %dma_start3A_78 = tpu.memref_slice %arg17[%add3A_65, %dma_start3A] : memref<10000x128xf32, #tpu.memory_space<vmem_shared>> -> memref<128x128xf32, #tpu.memory_space<vmem_shared>>
      %dma_start3A_79 = arith.constant 0 : i32
      %dma_start3A_80 = tpu.memref_slice %arg17[%add3A_65, %dma_start3A_79] : memref<10000x128xf32, #tpu.memory_space<vmem_shared>> -> memref<128x128xf32, #tpu.memory_space<vmem_shared>>
      tpu.enqueue_dma source(%dma_start3A_80 : memref<128x128xf32, #tpu.memory_space<vmem_shared>>) target(%arg14 : memref<128x128xf32, #tpu.memory_space<vmem>>) target_semaphore(%run_scoped3A : memref<!tpu.dma_semaphore, #tpu.memory_space<semaphore_mem>>)
      %dma_wait3A = arith.constant 0 : i32
      %dma_wait3A_81 = tpu.memref_slice %arg17[%add3A_65, %dma_wait3A] : memref<10000x128xf32, #tpu.memory_space<vmem_shared>> -> memref<128x128xf32, #tpu.memory_space<vmem_shared>>
      %dma_wait3A_82 = arith.constant 0 : i32
      %dma_wait3A_83 = tpu.memref_slice %arg17[%add3A_65, %dma_wait3A_82] : memref<10000x128xf32, #tpu.memory_space<vmem_shared>> -> memref<128x128xf32, #tpu.memory_space<vmem_shared>>
      tpu.wait_dma2 semaphore(%run_scoped3A : memref<!tpu.dma_semaphore, #tpu.memory_space<semaphore_mem>>) src(%dma_wait3A_83 : memref<128x128xf32, #tpu.memory_space<vmem_shared>>) dst(%arg14 : memref<128x128xf32, #tpu.memory_space<vmem>>)
      tpu.yield
    }) : () -> ()
    %add3A_66 = arith.constant 384 : i32
    %add3A_67 = arith.addi %mul3A_6, %add3A_66 : i32
    "tpu.region"() ({
      %run_scoped3A = tpu.sem_alloc : memref<!tpu.dma_semaphore, #tpu.memory_space<semaphore_mem>>
      %dma_start3A = arith.constant 0 : i32
      %dma_start3A_78 = tpu.memref_slice %arg7[%add3A_67, %dma_start3A] : memref<10000x128xf32, #tpu.memory_space<hbm>> -> memref<128x128xf32, #tpu.memory_space<hbm>>
      %dma_start3A_79 = arith.constant 0 : i32
      %dma_start3A_80 = tpu.memref_slice %arg7[%add3A_67, %dma_start3A_79] : memref<10000x128xf32, #tpu.memory_space<hbm>> -> memref<128x128xf32, #tpu.memory_space<hbm>>
      tpu.enqueue_dma source(%arg14 : memref<128x128xf32, #tpu.memory_space<vmem>>) target(%dma_start3A_80 : memref<128x128xf32, #tpu.memory_space<hbm>>) target_semaphore(%run_scoped3A : memref<!tpu.dma_semaphore, #tpu.memory_space<semaphore_mem>>)
      %dma_wait3A = arith.constant 0 : i32
      %dma_wait3A_81 = tpu.memref_slice %arg7[%add3A_67, %dma_wait3A] : memref<10000x128xf32, #tpu.memory_space<hbm>> -> memref<128x128xf32, #tpu.memory_space<hbm>>
      %dma_wait3A_82 = arith.constant 0 : i32
      %dma_wait3A_83 = tpu.memref_slice %arg7[%add3A_67, %dma_wait3A_82] : memref<10000x128xf32, #tpu.memory_space<hbm>> -> memref<128x128xf32, #tpu.memory_space<hbm>>
      tpu.wait_dma2 semaphore(%run_scoped3A : memref<!tpu.dma_semaphore, #tpu.memory_space<semaphore_mem>>) src(%arg14 : memref<128x128xf32, #tpu.memory_space<vmem>>) dst(%dma_wait3A_83 : memref<128x128xf32, #tpu.memory_space<hbm>>)
      tpu.yield
    }) : () -> ()
    %lt3A_68 = arith.constant 15 : i32
    %lt3A_69 = arith.cmpi slt, %arg1, %lt3A_68 : i32
    %convert_element_type3A_70 = arith.extui %lt3A_69 : i1 to i32
    %cond3A_71 = arith.constant 0 : i32
    %cond3A_72 = arith.cmpi ne, %convert_element_type3A_70, %cond3A_71 : i32
    scf.if %cond3A_72 {
      %add3A_78 = arith.constant 512 : i32
      %add3A_79 = arith.addi %mul3A_6, %add3A_78 : i32
      "tpu.region"() ({
        %run_scoped3A = tpu.sem_alloc : memref<!tpu.dma_semaphore, #tpu.memory_space<semaphore_mem>>
        %dma_start3A = arith.constant 0 : i32
        %dma_start3A_82 = arith.constant 0 : i32
        %dma_start3A_83 = tpu.memref_slice %arg14[%dma_start3A, %dma_start3A_82] : memref<128x128xf32, #tpu.memory_space<vmem>> -> memref<120x128xf32, #tpu.memory_space<vmem>>
        %dma_start3A_84 = arith.constant 0 : i32
        %dma_start3A_85 = tpu.memref_slice %arg17[%add3A_79, %dma_start3A_84] : memref<10000x128xf32, #tpu.memory_space<vmem_shared>> -> memref<120x128xf32, #tpu.memory_space<vmem_shared>>
        %dma_start3A_86 = arith.constant 0 : i32
        %dma_start3A_87 = arith.constant 0 : i32
        %dma_start3A_88 = tpu.memref_slice %arg14[%dma_start3A_86, %dma_start3A_87] : memref<128x128xf32, #tpu.memory_space<vmem>> -> memref<120x128xf32, #tpu.memory_space<vmem>>
        %dma_start3A_89 = arith.constant 0 : i32
        %dma_start3A_90 = tpu.memref_slice %arg17[%add3A_79, %dma_start3A_89] : memref<10000x128xf32, #tpu.memory_space<vmem_shared>> -> memref<120x128xf32, #tpu.memory_space<vmem_shared>>
        tpu.enqueue_dma source(%dma_start3A_90 : memref<120x128xf32, #tpu.memory_space<vmem_shared>>) target(%dma_start3A_88 : memref<120x128xf32, #tpu.memory_space<vmem>>) target_semaphore(%run_scoped3A : memref<!tpu.dma_semaphore, #tpu.memory_space<semaphore_mem>>)
        %dma_wait3A = arith.constant 0 : i32
        %dma_wait3A_91 = arith.constant 0 : i32
        %dma_wait3A_92 = tpu.memref_slice %arg14[%dma_wait3A, %dma_wait3A_91] : memref<128x128xf32, #tpu.memory_space<vmem>> -> memref<120x128xf32, #tpu.memory_space<vmem>>
        %dma_wait3A_93 = arith.constant 0 : i32
        %dma_wait3A_94 = tpu.memref_slice %arg17[%add3A_79, %dma_wait3A_93] : memref<10000x128xf32, #tpu.memory_space<vmem_shared>> -> memref<120x128xf32, #tpu.memory_space<vmem_shared>>
        %dma_wait3A_95 = arith.constant 0 : i32
        %dma_wait3A_96 = arith.constant 0 : i32
        %dma_wait3A_97 = tpu.memref_slice %arg14[%dma_wait3A_95, %dma_wait3A_96] : memref<128x128xf32, #tpu.memory_space<vmem>> -> memref<120x128xf32, #tpu.memory_space<vmem>>
        %dma_wait3A_98 = arith.constant 0 : i32
        %dma_wait3A_99 = tpu.memref_slice %arg17[%add3A_79, %dma_wait3A_98] : memref<10000x128xf32, #tpu.memory_space<vmem_shared>> -> memref<120x128xf32, #tpu.memory_space<vmem_shared>>
        tpu.wait_dma2 semaphore(%run_scoped3A : memref<!tpu.dma_semaphore, #tpu.memory_space<semaphore_mem>>) src(%dma_wait3A_99 : memref<120x128xf32, #tpu.memory_space<vmem_shared>>) dst(%dma_wait3A_97 : memref<120x128xf32, #tpu.memory_space<vmem>>)
        tpu.yield
      }) : () -> ()
      %add3A_80 = arith.constant 512 : i32
      %add3A_81 = arith.addi %mul3A_6, %add3A_80 : i32
      "tpu.region"() ({
        %run_scoped3A = tpu.sem_alloc : memref<!tpu.dma_semaphore, #tpu.memory_space<semaphore_mem>>
        %dma_start3A = arith.constant 0 : i32
        %dma_start3A_82 = arith.constant 0 : i32
        %dma_start3A_83 = tpu.memref_slice %arg14[%dma_start3A, %dma_start3A_82] : memref<128x128xf32, #tpu.memory_space<vmem>> -> memref<120x128xf32, #tpu.memory_space<vmem>>
        %dma_start3A_84 = arith.constant 0 : i32
        %dma_start3A_85 = tpu.memref_slice %arg7[%add3A_81, %dma_start3A_84] : memref<10000x128xf32, #tpu.memory_space<hbm>> -> memref<120x128xf32, #tpu.memory_space<hbm>>
        %dma_start3A_86 = arith.constant 0 : i32
        %dma_start3A_87 = tpu.memref_slice %arg7[%add3A_81, %dma_start3A_86] : memref<10000x128xf32, #tpu.memory_space<hbm>> -> memref<120x128xf32, #tpu.memory_space<hbm>>
        %dma_start3A_88 = arith.constant 0 : i32
        %dma_start3A_89 = arith.constant 0 : i32
        %dma_start3A_90 = tpu.memref_slice %arg14[%dma_start3A_88, %dma_start3A_89] : memref<128x128xf32, #tpu.memory_space<vmem>> -> memref<120x128xf32, #tpu.memory_space<vmem>>
        tpu.enqueue_dma source(%dma_start3A_90 : memref<120x128xf32, #tpu.memory_space<vmem>>) target(%dma_start3A_87 : memref<120x128xf32, #tpu.memory_space<hbm>>) target_semaphore(%run_scoped3A : memref<!tpu.dma_semaphore, #tpu.memory_space<semaphore_mem>>)
        %dma_wait3A = arith.constant 0 : i32
        %dma_wait3A_91 = arith.constant 0 : i32
        %dma_wait3A_92 = tpu.memref_slice %arg14[%dma_wait3A, %dma_wait3A_91] : memref<128x128xf32, #tpu.memory_space<vmem>> -> memref<120x128xf32, #tpu.memory_space<vmem>>
        %dma_wait3A_93 = arith.constant 0 : i32
        %dma_wait3A_94 = tpu.memref_slice %arg7[%add3A_81, %dma_wait3A_93] : memref<10000x128xf32, #tpu.memory_space<hbm>> -> memref<120x128xf32, #tpu.memory_space<hbm>>
        %dma_wait3A_95 = arith.constant 0 : i32
        %dma_wait3A_96 = tpu.memref_slice %arg7[%add3A_81, %dma_wait3A_95] : memref<10000x128xf32, #tpu.memory_space<hbm>> -> memref<120x128xf32, #tpu.memory_space<hbm>>
        %dma_wait3A_97 = arith.constant 0 : i32
        %dma_wait3A_98 = arith.constant 0 : i32
        %dma_wait3A_99 = tpu.memref_slice %arg14[%dma_wait3A_97, %dma_wait3A_98] : memref<128x128xf32, #tpu.memory_space<vmem>> -> memref<120x128xf32, #tpu.memory_space<vmem>>
        tpu.wait_dma2 semaphore(%run_scoped3A : memref<!tpu.dma_semaphore, #tpu.memory_space<semaphore_mem>>) src(%dma_wait3A_99 : memref<120x128xf32, #tpu.memory_space<vmem>>) dst(%dma_wait3A_96 : memref<120x128xf32, #tpu.memory_space<hbm>>)
        tpu.yield
      }) : () -> ()
    } else {
    }
    %eq3A_73 = arith.constant 15 : i32
    %eq3A_74 = arith.cmpi eq, %arg1, %eq3A_73 : i32
    %convert_element_type3A_75 = arith.extui %eq3A_74 : i1 to i32
    %cond3A_76 = arith.constant 0 : i32
    %cond3A_77 = arith.cmpi ne, %convert_element_type3A_75, %cond3A_76 : i32
    scf.if %cond3A_77 {
      %add3A_78 = arith.constant 512 : i32
      %add3A_79 = arith.addi %mul3A_6, %add3A_78 : i32
      "tpu.region"() ({
        %run_scoped3A = tpu.sem_alloc : memref<!tpu.dma_semaphore, #tpu.memory_space<semaphore_mem>>
        %dma_start3A = arith.constant 0 : i32
        %dma_start3A_82 = arith.constant 0 : i32
        %dma_start3A_83 = tpu.memref_slice %arg14[%dma_start3A, %dma_start3A_82] : memref<128x128xf32, #tpu.memory_space<vmem>> -> memref<8x128xf32, #tpu.memory_space<vmem>>
        %dma_start3A_84 = arith.constant 0 : i32
        %dma_start3A_85 = tpu.memref_slice %arg17[%add3A_79, %dma_start3A_84] : memref<10000x128xf32, #tpu.memory_space<vmem_shared>> -> memref<8x128xf32, #tpu.memory_space<vmem_shared>>
        %dma_start3A_86 = arith.constant 0 : i32
        %dma_start3A_87 = arith.constant 0 : i32
        %dma_start3A_88 = tpu.memref_slice %arg14[%dma_start3A_86, %dma_start3A_87] : memref<128x128xf32, #tpu.memory_space<vmem>> -> memref<8x128xf32, #tpu.memory_space<vmem>>
        %dma_start3A_89 = arith.constant 0 : i32
        %dma_start3A_90 = tpu.memref_slice %arg17[%add3A_79, %dma_start3A_89] : memref<10000x128xf32, #tpu.memory_space<vmem_shared>> -> memref<8x128xf32, #tpu.memory_space<vmem_shared>>
        tpu.enqueue_dma source(%dma_start3A_90 : memref<8x128xf32, #tpu.memory_space<vmem_shared>>) target(%dma_start3A_88 : memref<8x128xf32, #tpu.memory_space<vmem>>) target_semaphore(%run_scoped3A : memref<!tpu.dma_semaphore, #tpu.memory_space<semaphore_mem>>)
        %dma_wait3A = arith.constant 0 : i32
        %dma_wait3A_91 = arith.constant 0 : i32
        %dma_wait3A_92 = tpu.memref_slice %arg14[%dma_wait3A, %dma_wait3A_91] : memref<128x128xf32, #tpu.memory_space<vmem>> -> memref<8x128xf32, #tpu.memory_space<vmem>>
        %dma_wait3A_93 = arith.constant 0 : i32
        %dma_wait3A_94 = tpu.memref_slice %arg17[%add3A_79, %dma_wait3A_93] : memref<10000x128xf32, #tpu.memory_space<vmem_shared>> -> memref<8x128xf32, #tpu.memory_space<vmem_shared>>
        %dma_wait3A_95 = arith.constant 0 : i32
        %dma_wait3A_96 = arith.constant 0 : i32
        %dma_wait3A_97 = tpu.memref_slice %arg14[%dma_wait3A_95, %dma_wait3A_96] : memref<128x128xf32, #tpu.memory_space<vmem>> -> memref<8x128xf32, #tpu.memory_space<vmem>>
        %dma_wait3A_98 = arith.constant 0 : i32
        %dma_wait3A_99 = tpu.memref_slice %arg17[%add3A_79, %dma_wait3A_98] : memref<10000x128xf32, #tpu.memory_space<vmem_shared>> -> memref<8x128xf32, #tpu.memory_space<vmem_shared>>
        tpu.wait_dma2 semaphore(%run_scoped3A : memref<!tpu.dma_semaphore, #tpu.memory_space<semaphore_mem>>) src(%dma_wait3A_99 : memref<8x128xf32, #tpu.memory_space<vmem_shared>>) dst(%dma_wait3A_97 : memref<8x128xf32, #tpu.memory_space<vmem>>)
        tpu.yield
      }) : () -> ()
      %add3A_80 = arith.constant 512 : i32
      %add3A_81 = arith.addi %mul3A_6, %add3A_80 : i32
      "tpu.region"() ({
        %run_scoped3A = tpu.sem_alloc : memref<!tpu.dma_semaphore, #tpu.memory_space<semaphore_mem>>
        %dma_start3A = arith.constant 0 : i32
        %dma_start3A_82 = arith.constant 0 : i32
        %dma_start3A_83 = tpu.memref_slice %arg14[%dma_start3A, %dma_start3A_82] : memref<128x128xf32, #tpu.memory_space<vmem>> -> memref<8x128xf32, #tpu.memory_space<vmem>>
        %dma_start3A_84 = arith.constant 0 : i32
        %dma_start3A_85 = tpu.memref_slice %arg7[%add3A_81, %dma_start3A_84] : memref<10000x128xf32, #tpu.memory_space<hbm>> -> memref<8x128xf32, #tpu.memory_space<hbm>>
        %dma_start3A_86 = arith.constant 0 : i32
        %dma_start3A_87 = tpu.memref_slice %arg7[%add3A_81, %dma_start3A_86] : memref<10000x128xf32, #tpu.memory_space<hbm>> -> memref<8x128xf32, #tpu.memory_space<hbm>>
        %dma_start3A_88 = arith.constant 0 : i32
        %dma_start3A_89 = arith.constant 0 : i32
        %dma_start3A_90 = tpu.memref_slice %arg14[%dma_start3A_88, %dma_start3A_89] : memref<128x128xf32, #tpu.memory_space<vmem>> -> memref<8x128xf32, #tpu.memory_space<vmem>>
        tpu.enqueue_dma source(%dma_start3A_90 : memref<8x128xf32, #tpu.memory_space<vmem>>) target(%dma_start3A_87 : memref<8x128xf32, #tpu.memory_space<hbm>>) target_semaphore(%run_scoped3A : memref<!tpu.dma_semaphore, #tpu.memory_space<semaphore_mem>>)
        %dma_wait3A = arith.constant 0 : i32
        %dma_wait3A_91 = arith.constant 0 : i32
        %dma_wait3A_92 = tpu.memref_slice %arg14[%dma_wait3A, %dma_wait3A_91] : memref<128x128xf32, #tpu.memory_space<vmem>> -> memref<8x128xf32, #tpu.memory_space<vmem>>
        %dma_wait3A_93 = arith.constant 0 : i32
        %dma_wait3A_94 = tpu.memref_slice %arg7[%add3A_81, %dma_wait3A_93] : memref<10000x128xf32, #tpu.memory_space<hbm>> -> memref<8x128xf32, #tpu.memory_space<hbm>>
        %dma_wait3A_95 = arith.constant 0 : i32
        %dma_wait3A_96 = tpu.memref_slice %arg7[%add3A_81, %dma_wait3A_95] : memref<10000x128xf32, #tpu.memory_space<hbm>> -> memref<8x128xf32, #tpu.memory_space<hbm>>
        %dma_wait3A_97 = arith.constant 0 : i32
        %dma_wait3A_98 = arith.constant 0 : i32
        %dma_wait3A_99 = tpu.memref_slice %arg14[%dma_wait3A_97, %dma_wait3A_98] : memref<128x128xf32, #tpu.memory_space<vmem>> -> memref<8x128xf32, #tpu.memory_space<vmem>>
        tpu.wait_dma2 semaphore(%run_scoped3A : memref<!tpu.dma_semaphore, #tpu.memory_space<semaphore_mem>>) src(%dma_wait3A_99 : memref<8x128xf32, #tpu.memory_space<vmem>>) dst(%dma_wait3A_96 : memref<8x128xf32, #tpu.memory_space<hbm>>)
        tpu.yield
      }) : () -> ()
    } else {
    }
    return
  }
}

#map = affine_map<(d0, d1) -> (0, 0)>
#map1 = affine_map<(d0, d1) -> (0)>
module attributes {stable_mosaic.version = 14 : i64} {
  func.func @_sc_score(%arg0: i32, %arg1: i32, %arg2: memref<10000x128xf32, #tpu.memory_space<hbm>>, %arg3: memref<32x128xf32, #tpu.memory_space<hbm>>, %arg4: memref<2x320000xi32, #tpu.memory_space<hbm>>, %arg5: memref<320000xi32, #tpu.memory_space<hbm>>, %arg6: memref<320000x16xf32, #tpu.memory_space<hbm>>, %arg7: memref<128xi32, #tpu.memory_space<vmem>>, %arg8: memref<128xi32, #tpu.memory_space<vmem>>, %arg9: memref<128xi32, #tpu.memory_space<vmem>>, %arg10: memref<128x128xf32, #tpu.memory_space<vmem>>, %arg11: memref<128x128xf32, #tpu.memory_space<vmem>>, %arg12: memref<128x128xf32, #tpu.memory_space<vmem>>, %arg13: memref<128x16xf32, #tpu.memory_space<vmem>>, %arg14: memref<!tpu.dma_semaphore, #tpu.memory_space<semaphore_mem>>, %arg15: memref<!tpu.dma_semaphore, #tpu.memory_space<semaphore_mem>>, %arg16: memref<!tpu.dma_semaphore, #tpu.memory_space<semaphore_mem>>) attributes {dimension_semantics = [#tpu.dimension_semantics<core_parallel>, #tpu.dimension_semantics<subcore_parallel>], iteration_bounds = array<i64: 2, 16>, scalar_prefetch = 0 : i64, scratch_operands = 10 : i64, tpu.core_type = #tpu.core_type<sc_vector_subcore>, window_params = [{transform_indices = #map}, {transform_indices = #map}, {transform_indices = #map}, {transform_indices = #map1}, {transform_indices = #map}]} {
    %mul3A = arith.constant 2 : i32
    %mul3A_0 = arith.muli %arg1, %mul3A : i32
    %add3A = arith.addi %mul3A_0, %arg0 : i32
    %sub3A = arith.constant 2500 : i32
    %sub3A_1 = arith.subi %sub3A, %add3A : i32
    %add3A_2 = arith.constant 32 : i32
    %add3A_3 = arith.addi %sub3A_1, %add3A_2 : i32
    %sub3A_4 = arith.constant 1 : i32
    %sub3A_5 = arith.subi %add3A_3, %sub3A_4 : i32
    %jit3A = arith.constant 32 : i32
    %div3A = arith.divsi %sub3A_5, %jit3A : i32
    %sign3A = arith.constant 0 : i32
    %sign3A_6 = arith.cmpi sgt, %sub3A_5, %sign3A : i32
    %sign3A_7 = arith.extui %sign3A_6 : i1 to i32
    %sign3A_8 = arith.constant 0 : i32
    %sign3A_9 = arith.cmpi slt, %sub3A_5, %sign3A_8 : i32
    %sign3A_10 = arith.extui %sign3A_9 : i1 to i32
    %sign3A_11 = arith.subi %sign3A_7, %sign3A_10 : i32
    %sign3A_12 = arith.constant 0 : i32
    %sign3A_13 = arith.cmpi sgt, %jit3A, %sign3A_12 : i32
    %sign3A_14 = arith.extui %sign3A_13 : i1 to i32
    %sign3A_15 = arith.constant 0 : i32
    %sign3A_16 = arith.cmpi slt, %jit3A, %sign3A_15 : i32
    %sign3A_17 = arith.extui %sign3A_16 : i1 to i32
    %sign3A_18 = arith.subi %sign3A_14, %sign3A_17 : i32
    %ne3A = arith.cmpi ne, %sign3A_11, %sign3A_18 : i32
    %rem3A = arith.remsi %sub3A_5, %jit3A : i32
    %ne3A_19 = arith.constant 0 : i32
    %ne3A_20 = arith.cmpi ne, %rem3A, %ne3A_19 : i32
    %and3A = arith.andi %ne3A, %ne3A_20 : i1
    %sub3A_21 = arith.constant 1 : i32
    %sub3A_22 = arith.subi %div3A, %sub3A_21 : i32
    %select_n3A = arith.select %and3A, %sub3A_22, %div3A : i32
    %while3A = arith.constant 0 : i32
    %while3A_23 = arith.constant 0 : i32
    %while3A_24 = arith.subi %select_n3A, %while3A_23 : i32
    %while3A_25 = arith.addi %while3A_23, %while3A_24 : i32
    %while3A_26 = arith.constant 1 : i32
    %while3A_27 = arith.divsi %while3A_24, %while3A_26 : i32
    %while3A_28 = arith.muli %while3A_27, %while3A_26 : i32
    %while3A_29 = arith.addi %while3A_23, %while3A_28 : i32
    %while3A_30 = arith.constant 1 : i32
    scf.for %while3A_32 = %while3A_23 to %while3A_29 step %while3A_30  : i32 {
      %mul3A_33 = arith.constant 32 : i32
      %mul3A_34 = arith.muli %while3A_32, %mul3A_33 : i32
      %add3A_35 = arith.addi %add3A, %mul3A_34 : i32
      %mul3A_36 = arith.constant 128 : i32
      %mul3A_37 = arith.muli %add3A_35, %mul3A_36 : i32
      %run_scoped3A = arith.constant 0 : i32
      "tpu.region"() ({
        %run_scoped3A_162 = tpu.sem_alloc : memref<!tpu.dma_semaphore, #tpu.memory_space<semaphore_mem>>
        %dma_start3A_163 = tpu.memref_slice %arg4[%run_scoped3A, %mul3A_37] : memref<2x320000xi32, #tpu.memory_space<hbm>> -> memref<1x128xi32, #tpu.memory_space<hbm>>
        %dma_start3A_164 = tpu.memref_squeeze %dma_start3A_163 : memref<1x128xi32, #tpu.memory_space<hbm>> -> memref<128xi32, #tpu.memory_space<hbm>>
        %dma_start3A_165 = tpu.memref_slice %arg4[%run_scoped3A, %mul3A_37] : memref<2x320000xi32, #tpu.memory_space<hbm>> -> memref<1x128xi32, #tpu.memory_space<hbm>>
        %dma_start3A_166 = tpu.memref_squeeze %dma_start3A_165 : memref<1x128xi32, #tpu.memory_space<hbm>> -> memref<128xi32, #tpu.memory_space<hbm>>
        tpu.enqueue_dma source(%dma_start3A_166 : memref<128xi32, #tpu.memory_space<hbm>>) target(%arg7 : memref<128xi32, #tpu.memory_space<vmem>>) target_semaphore(%run_scoped3A_162 : memref<!tpu.dma_semaphore, #tpu.memory_space<semaphore_mem>>)
        %dma_wait3A_167 = tpu.memref_slice %arg4[%run_scoped3A, %mul3A_37] : memref<2x320000xi32, #tpu.memory_space<hbm>> -> memref<1x128xi32, #tpu.memory_space<hbm>>
        %dma_wait3A_168 = tpu.memref_squeeze %dma_wait3A_167 : memref<1x128xi32, #tpu.memory_space<hbm>> -> memref<128xi32, #tpu.memory_space<hbm>>
        %dma_wait3A_169 = tpu.memref_slice %arg4[%run_scoped3A, %mul3A_37] : memref<2x320000xi32, #tpu.memory_space<hbm>> -> memref<1x128xi32, #tpu.memory_space<hbm>>
        %dma_wait3A_170 = tpu.memref_squeeze %dma_wait3A_169 : memref<1x128xi32, #tpu.memory_space<hbm>> -> memref<128xi32, #tpu.memory_space<hbm>>
        tpu.wait_dma2 semaphore(%run_scoped3A_162 : memref<!tpu.dma_semaphore, #tpu.memory_space<semaphore_mem>>) src(%dma_wait3A_170 : memref<128xi32, #tpu.memory_space<hbm>>) dst(%arg7 : memref<128xi32, #tpu.memory_space<vmem>>)
        tpu.yield
      }) : () -> ()
      %run_scoped3A_38 = arith.constant 1 : i32
      "tpu.region"() ({
        %run_scoped3A_162 = tpu.sem_alloc : memref<!tpu.dma_semaphore, #tpu.memory_space<semaphore_mem>>
        %dma_start3A_163 = tpu.memref_slice %arg4[%run_scoped3A_38, %mul3A_37] : memref<2x320000xi32, #tpu.memory_space<hbm>> -> memref<1x128xi32, #tpu.memory_space<hbm>>
        %dma_start3A_164 = tpu.memref_squeeze %dma_start3A_163 : memref<1x128xi32, #tpu.memory_space<hbm>> -> memref<128xi32, #tpu.memory_space<hbm>>
        %dma_start3A_165 = tpu.memref_slice %arg4[%run_scoped3A_38, %mul3A_37] : memref<2x320000xi32, #tpu.memory_space<hbm>> -> memref<1x128xi32, #tpu.memory_space<hbm>>
        %dma_start3A_166 = tpu.memref_squeeze %dma_start3A_165 : memref<1x128xi32, #tpu.memory_space<hbm>> -> memref<128xi32, #tpu.memory_space<hbm>>
        tpu.enqueue_dma source(%dma_start3A_166 : memref<128xi32, #tpu.memory_space<hbm>>) target(%arg8 : memref<128xi32, #tpu.memory_space<vmem>>) target_semaphore(%run_scoped3A_162 : memref<!tpu.dma_semaphore, #tpu.memory_space<semaphore_mem>>)
        %dma_wait3A_167 = tpu.memref_slice %arg4[%run_scoped3A_38, %mul3A_37] : memref<2x320000xi32, #tpu.memory_space<hbm>> -> memref<1x128xi32, #tpu.memory_space<hbm>>
        %dma_wait3A_168 = tpu.memref_squeeze %dma_wait3A_167 : memref<1x128xi32, #tpu.memory_space<hbm>> -> memref<128xi32, #tpu.memory_space<hbm>>
        %dma_wait3A_169 = tpu.memref_slice %arg4[%run_scoped3A_38, %mul3A_37] : memref<2x320000xi32, #tpu.memory_space<hbm>> -> memref<1x128xi32, #tpu.memory_space<hbm>>
        %dma_wait3A_170 = tpu.memref_squeeze %dma_wait3A_169 : memref<1x128xi32, #tpu.memory_space<hbm>> -> memref<128xi32, #tpu.memory_space<hbm>>
        tpu.wait_dma2 semaphore(%run_scoped3A_162 : memref<!tpu.dma_semaphore, #tpu.memory_space<semaphore_mem>>) src(%dma_wait3A_170 : memref<128xi32, #tpu.memory_space<hbm>>) dst(%arg8 : memref<128xi32, #tpu.memory_space<vmem>>)
        tpu.yield
      }) : () -> ()
      "tpu.region"() ({
        %run_scoped3A_162 = tpu.sem_alloc : memref<!tpu.dma_semaphore, #tpu.memory_space<semaphore_mem>>
        %dma_start3A_163 = tpu.memref_slice %arg5[%mul3A_37] : memref<320000xi32, #tpu.memory_space<hbm>> -> memref<128xi32, #tpu.memory_space<hbm>>
        %dma_start3A_164 = tpu.memref_slice %arg5[%mul3A_37] : memref<320000xi32, #tpu.memory_space<hbm>> -> memref<128xi32, #tpu.memory_space<hbm>>
        tpu.enqueue_dma source(%dma_start3A_164 : memref<128xi32, #tpu.memory_space<hbm>>) target(%arg9 : memref<128xi32, #tpu.memory_space<vmem>>) target_semaphore(%run_scoped3A_162 : memref<!tpu.dma_semaphore, #tpu.memory_space<semaphore_mem>>)
        %dma_wait3A_165 = tpu.memref_slice %arg5[%mul3A_37] : memref<320000xi32, #tpu.memory_space<hbm>> -> memref<128xi32, #tpu.memory_space<hbm>>
        %dma_wait3A_166 = tpu.memref_slice %arg5[%mul3A_37] : memref<320000xi32, #tpu.memory_space<hbm>> -> memref<128xi32, #tpu.memory_space<hbm>>
        tpu.wait_dma2 semaphore(%run_scoped3A_162 : memref<!tpu.dma_semaphore, #tpu.memory_space<semaphore_mem>>) src(%dma_wait3A_166 : memref<128xi32, #tpu.memory_space<hbm>>) dst(%arg9 : memref<128xi32, #tpu.memory_space<vmem>>)
        tpu.yield
      }) : () -> ()
      %get3A = arith.constant 0 : index
      %get3A_39 = tpu.vector_load %arg9[%get3A] {strides = array<i32>} : memref<128xi32, #tpu.memory_space<vmem>>, vector<16xi32>,
      %get3A_40 = vector.shape_cast %get3A_39 : vector<16xi32> to vector<16xi32>
      %add3A_41 = arith.constant 31 : i32
      %add3A_42 = vector.broadcast %add3A_41 : i32 to vector<16xi32>
      %add3A_43 = arith.addi %get3A_40, %add3A_42 : vector<16xi32>
      %and3A_44 = arith.constant 31 : i32
      %and3A_45 = vector.broadcast %and3A_44 : i32 to vector<16xi32>
      %and3A_46 = arith.andi %add3A_43, %and3A_45 : vector<16xi32>
      %swap3A = arith.constant 0 : index
      %swap3A_47 = tpu.vector_load %arg9[%swap3A] {strides = array<i32>} : memref<128xi32, #tpu.memory_space<vmem>>, vector<16xi32>,
      %swap3A_48 = vector.shape_cast %swap3A_47 : vector<16xi32> to vector<16xi32>
      %swap3A_49 = vector.shape_cast %and3A_46 : vector<16xi32> to vector<16xi32>
      tpu.vector_store %arg9[%swap3A], %swap3A_49 {strides = array<i32>} : memref<128xi32, #tpu.memory_space<vmem>>, vector<16xi32>,
      %get3A_50 = arith.constant 16 : index
      %get3A_51 = tpu.vector_load %arg9[%get3A_50] {strides = array<i32>} : memref<128xi32, #tpu.memory_space<vmem>>, vector<16xi32>,
      %get3A_52 = vector.shape_cast %get3A_51 : vector<16xi32> to vector<16xi32>
      %add3A_53 = arith.constant 31 : i32
      %add3A_54 = vector.broadcast %add3A_53 : i32 to vector<16xi32>
      %add3A_55 = arith.addi %get3A_52, %add3A_54 : vector<16xi32>
      %and3A_56 = arith.constant 31 : i32
      %and3A_57 = vector.broadcast %and3A_56 : i32 to vector<16xi32>
      %and3A_58 = arith.andi %add3A_55, %and3A_57 : vector<16xi32>
      %swap3A_59 = arith.constant 16 : index
      %swap3A_60 = tpu.vector_load %arg9[%swap3A_59] {strides = array<i32>} : memref<128xi32, #tpu.memory_space<vmem>>, vector<16xi32>,
      %swap3A_61 = vector.shape_cast %swap3A_60 : vector<16xi32> to vector<16xi32>
      %swap3A_62 = vector.shape_cast %and3A_58 : vector<16xi32> to vector<16xi32>
      tpu.vector_store %arg9[%swap3A_59], %swap3A_62 {strides = array<i32>} : memref<128xi32, #tpu.memory_space<vmem>>, vector<16xi32>,
      %get3A_63 = arith.constant 32 : index
      %get3A_64 = tpu.vector_load %arg9[%get3A_63] {strides = array<i32>} : memref<128xi32, #tpu.memory_space<vmem>>, vector<16xi32>,
      %get3A_65 = vector.shape_cast %get3A_64 : vector<16xi32> to vector<16xi32>
      %add3A_66 = arith.constant 31 : i32
      %add3A_67 = vector.broadcast %add3A_66 : i32 to vector<16xi32>
      %add3A_68 = arith.addi %get3A_65, %add3A_67 : vector<16xi32>
      %and3A_69 = arith.constant 31 : i32
      %and3A_70 = vector.broadcast %and3A_69 : i32 to vector<16xi32>
      %and3A_71 = arith.andi %add3A_68, %and3A_70 : vector<16xi32>
      %swap3A_72 = arith.constant 32 : index
      %swap3A_73 = tpu.vector_load %arg9[%swap3A_72] {strides = array<i32>} : memref<128xi32, #tpu.memory_space<vmem>>, vector<16xi32>,
      %swap3A_74 = vector.shape_cast %swap3A_73 : vector<16xi32> to vector<16xi32>
      %swap3A_75 = vector.shape_cast %and3A_71 : vector<16xi32> to vector<16xi32>
      tpu.vector_store %arg9[%swap3A_72], %swap3A_75 {strides = array<i32>} : memref<128xi32, #tpu.memory_space<vmem>>, vector<16xi32>,
      %get3A_76 = arith.constant 48 : index
      %get3A_77 = tpu.vector_load %arg9[%get3A_76] {strides = array<i32>} : memref<128xi32, #tpu.memory_space<vmem>>, vector<16xi32>,
      %get3A_78 = vector.shape_cast %get3A_77 : vector<16xi32> to vector<16xi32>
      %add3A_79 = arith.constant 31 : i32
      %add3A_80 = vector.broadcast %add3A_79 : i32 to vector<16xi32>
      %add3A_81 = arith.addi %get3A_78, %add3A_80 : vector<16xi32>
      %and3A_82 = arith.constant 31 : i32
      %and3A_83 = vector.broadcast %and3A_82 : i32 to vector<16xi32>
      %and3A_84 = arith.andi %add3A_81, %and3A_83 : vector<16xi32>
      %swap3A_85 = arith.constant 48 : index
      %swap3A_86 = tpu.vector_load %arg9[%swap3A_85] {strides = array<i32>} : memref<128xi32, #tpu.memory_space<vmem>>, vector<16xi32>,
      %swap3A_87 = vector.shape_cast %swap3A_86 : vector<16xi32> to vector<16xi32>
      %swap3A_88 = vector.shape_cast %and3A_84 : vector<16xi32> to vector<16xi32>
      tpu.vector_store %arg9[%swap3A_85], %swap3A_88 {strides = array<i32>} : memref<128xi32, #tpu.memory_space<vmem>>, vector<16xi32>,
      %get3A_89 = arith.constant 64 : index
      %get3A_90 = tpu.vector_load %arg9[%get3A_89] {strides = array<i32>} : memref<128xi32, #tpu.memory_space<vmem>>, vector<16xi32>,
      %get3A_91 = vector.shape_cast %get3A_90 : vector<16xi32> to vector<16xi32>
      %add3A_92 = arith.constant 31 : i32
      %add3A_93 = vector.broadcast %add3A_92 : i32 to vector<16xi32>
      %add3A_94 = arith.addi %get3A_91, %add3A_93 : vector<16xi32>
      %and3A_95 = arith.constant 31 : i32
      %and3A_96 = vector.broadcast %and3A_95 : i32 to vector<16xi32>
      %and3A_97 = arith.andi %add3A_94, %and3A_96 : vector<16xi32>
      %swap3A_98 = arith.constant 64 : index
      %swap3A_99 = tpu.vector_load %arg9[%swap3A_98] {strides = array<i32>} : memref<128xi32, #tpu.memory_space<vmem>>, vector<16xi32>,
      %swap3A_100 = vector.shape_cast %swap3A_99 : vector<16xi32> to vector<16xi32>
      %swap3A_101 = vector.shape_cast %and3A_97 : vector<16xi32> to vector<16xi32>
      tpu.vector_store %arg9[%swap3A_98], %swap3A_101 {strides = array<i32>} : memref<128xi32, #tpu.memory_space<vmem>>, vector<16xi32>,
      %get3A_102 = arith.constant 80 : index
      %get3A_103 = tpu.vector_load %arg9[%get3A_102] {strides = array<i32>} : memref<128xi32, #tpu.memory_space<vmem>>, vector<16xi32>,
      %get3A_104 = vector.shape_cast %get3A_103 : vector<16xi32> to vector<16xi32>
      %add3A_105 = arith.constant 31 : i32
      %add3A_106 = vector.broadcast %add3A_105 : i32 to vector<16xi32>
      %add3A_107 = arith.addi %get3A_104, %add3A_106 : vector<16xi32>
      %and3A_108 = arith.constant 31 : i32
      %and3A_109 = vector.broadcast %and3A_108 : i32 to vector<16xi32>
      %and3A_110 = arith.andi %add3A_107, %and3A_109 : vector<16xi32>
      %swap3A_111 = arith.constant 80 : index
      %swap3A_112 = tpu.vector_load %arg9[%swap3A_111] {strides = array<i32>} : memref<128xi32, #tpu.memory_space<vmem>>, vector<16xi32>,
      %swap3A_113 = vector.shape_cast %swap3A_112 : vector<16xi32> to vector<16xi32>
      %swap3A_114 = vector.shape_cast %and3A_110 : vector<16xi32> to vector<16xi32>
      tpu.vector_store %arg9[%swap3A_111], %swap3A_114 {strides = array<i32>} : memref<128xi32, #tpu.memory_space<vmem>>, vector<16xi32>,
      %get3A_115 = arith.constant 96 : index
      %get3A_116 = tpu.vector_load %arg9[%get3A_115] {strides = array<i32>} : memref<128xi32, #tpu.memory_space<vmem>>, vector<16xi32>,
      %get3A_117 = vector.shape_cast %get3A_116 : vector<16xi32> to vector<16xi32>
      %add3A_118 = arith.constant 31 : i32
      %add3A_119 = vector.broadcast %add3A_118 : i32 to vector<16xi32>
      %add3A_120 = arith.addi %get3A_117, %add3A_119 : vector<16xi32>
      %and3A_121 = arith.constant 31 : i32
      %and3A_122 = vector.broadcast %and3A_121 : i32 to vector<16xi32>
      %and3A_123 = arith.andi %add3A_120, %and3A_122 : vector<16xi32>
      %swap3A_124 = arith.constant 96 : index
      %swap3A_125 = tpu.vector_load %arg9[%swap3A_124] {strides = array<i32>} : memref<128xi32, #tpu.memory_space<vmem>>, vector<16xi32>,
      %swap3A_126 = vector.shape_cast %swap3A_125 : vector<16xi32> to vector<16xi32>
      %swap3A_127 = vector.shape_cast %and3A_123 : vector<16xi32> to vector<16xi32>
      tpu.vector_store %arg9[%swap3A_124], %swap3A_127 {strides = array<i32>} : memref<128xi32, #tpu.memory_space<vmem>>, vector<16xi32>,
      %get3A_128 = arith.constant 112 : index
      %get3A_129 = tpu.vector_load %arg9[%get3A_128] {strides = array<i32>} : memref<128xi32, #tpu.memory_space<vmem>>, vector<16xi32>,
      %get3A_130 = vector.shape_cast %get3A_129 : vector<16xi32> to vector<16xi32>
      %add3A_131 = arith.constant 31 : i32
      %add3A_132 = vector.broadcast %add3A_131 : i32 to vector<16xi32>
      %add3A_133 = arith.addi %get3A_130, %add3A_132 : vector<16xi32>
      %and3A_134 = arith.constant 31 : i32
      %and3A_135 = vector.broadcast %and3A_134 : i32 to vector<16xi32>
      %and3A_136 = arith.andi %add3A_133, %and3A_135 : vector<16xi32>
      %swap3A_137 = arith.constant 112 : index
      %swap3A_138 = tpu.vector_load %arg9[%swap3A_137] {strides = array<i32>} : memref<128xi32, #tpu.memory_space<vmem>>, vector<16xi32>,
      %swap3A_139 = vector.shape_cast %swap3A_138 : vector<16xi32> to vector<16xi32>
      %swap3A_140 = vector.shape_cast %and3A_136 : vector<16xi32> to vector<16xi32>
      tpu.vector_store %arg9[%swap3A_137], %swap3A_140 {strides = array<i32>} : memref<128xi32, #tpu.memory_space<vmem>>, vector<16xi32>,
      %dma_start3A = arith.constant 0 : i32
      %dma_start3A_141 = arith.constant 0 : i32
      %dma_start3A_142 = tpu.memref_slice %arg2[%dma_start3A, %dma_start3A_141] : memref<10000x128xf32, #tpu.memory_space<hbm>> -> memref<10000x128xf32, #tpu.memory_space<hbm>>
      tpu.enqueue_indirect_dma source(%dma_start3A_142 : memref<10000x128xf32, #tpu.memory_space<hbm>>) target(%arg10 : memref<128x128xf32, #tpu.memory_space<vmem>>) offsets(%arg7 : memref<128xi32, #tpu.memory_space<vmem>>) semaphore(%arg14 : memref<!tpu.dma_semaphore, #tpu.memory_space<semaphore_mem>>)
      %dma_start3A_143 = arith.constant 0 : i32
      %dma_start3A_144 = arith.constant 0 : i32
      %dma_start3A_145 = tpu.memref_slice %arg2[%dma_start3A_143, %dma_start3A_144] : memref<10000x128xf32, #tpu.memory_space<hbm>> -> memref<10000x128xf32, #tpu.memory_space<hbm>>
      tpu.enqueue_indirect_dma source(%dma_start3A_145 : memref<10000x128xf32, #tpu.memory_space<hbm>>) target(%arg11 : memref<128x128xf32, #tpu.memory_space<vmem>>) offsets(%arg8 : memref<128xi32, #tpu.memory_space<vmem>>) semaphore(%arg15 : memref<!tpu.dma_semaphore, #tpu.memory_space<semaphore_mem>>)
      %dma_start3A_146 = arith.constant 0 : i32
      %dma_start3A_147 = arith.constant 0 : i32
      %dma_start3A_148 = tpu.memref_slice %arg3[%dma_start3A_146, %dma_start3A_147] : memref<32x128xf32, #tpu.memory_space<hbm>> -> memref<32x128xf32, #tpu.memory_space<hbm>>
      tpu.enqueue_indirect_dma source(%dma_start3A_148 : memref<32x128xf32, #tpu.memory_space<hbm>>) target(%arg12 : memref<128x128xf32, #tpu.memory_space<vmem>>) offsets(%arg9 : memref<128xi32, #tpu.memory_space<vmem>>) semaphore(%arg16 : memref<!tpu.dma_semaphore, #tpu.memory_space<semaphore_mem>>)
      %dma_wait3A = arith.constant 0 : i32
      %dma_wait3A_149 = arith.constant 0 : i32
      %dma_wait3A_150 = tpu.memref_slice %arg2[%dma_wait3A, %dma_wait3A_149] : memref<10000x128xf32, #tpu.memory_space<hbm>> -> memref<10000x128xf32, #tpu.memory_space<hbm>>
      tpu.wait_indirect_dma semaphore(%arg14 : memref<!tpu.dma_semaphore, #tpu.memory_space<semaphore_mem>>) src(%dma_wait3A_150 : memref<10000x128xf32, #tpu.memory_space<hbm>>) dst(%arg10 : memref<128x128xf32, #tpu.memory_space<vmem>>)
      %dma_wait3A_151 = arith.constant 0 : i32
      %dma_wait3A_152 = arith.constant 0 : i32
      %dma_wait3A_153 = tpu.memref_slice %arg2[%dma_wait3A_151, %dma_wait3A_152] : memref<10000x128xf32, #tpu.memory_space<hbm>> -> memref<10000x128xf32, #tpu.memory_space<hbm>>
      tpu.wait_indirect_dma semaphore(%arg15 : memref<!tpu.dma_semaphore, #tpu.memory_space<semaphore_mem>>) src(%dma_wait3A_153 : memref<10000x128xf32, #tpu.memory_space<hbm>>) dst(%arg11 : memref<128x128xf32, #tpu.memory_space<vmem>>)
      %dma_wait3A_154 = arith.constant 0 : i32
      %dma_wait3A_155 = arith.constant 0 : i32
      %dma_wait3A_156 = tpu.memref_slice %arg3[%dma_wait3A_154, %dma_wait3A_155] : memref<32x128xf32, #tpu.memory_space<hbm>> -> memref<32x128xf32, #tpu.memory_space<hbm>>
      tpu.wait_indirect_dma semaphore(%arg16 : memref<!tpu.dma_semaphore, #tpu.memory_space<semaphore_mem>>) src(%dma_wait3A_156 : memref<32x128xf32, #tpu.memory_space<hbm>>) dst(%arg12 : memref<128x128xf32, #tpu.memory_space<vmem>>)
      %scan3A = arith.constant 0 : i32
      %scan3A_157 = arith.constant 0 : i32
      %scan3A_158 = arith.constant 128 : i32
      %scan3A_159 = arith.addi %scan3A_157, %scan3A_158 : i32
      %scan3A_160 = arith.constant 1 : i32
      scf.for %scan3A_162 = %scan3A_157 to %scan3A_159 step %scan3A_160  : i32 {
        %broadcast_in_dim3A = arith.constant 0.000000e+00 : f32
        %broadcast_in_dim3A_163 = vector.broadcast %broadcast_in_dim3A : f32 to vector<16xf32>
        %get3A_164 = arith.index_cast %scan3A_162 : i32 to index
        %get3A_165 = arith.constant 0 : index
        %get3A_166 = tpu.vector_load %arg10[%get3A_164, %get3A_165] {strides = array<i32>} : memref<128x128xf32, #tpu.memory_space<vmem>>, vector<1x16xf32>,
        %get3A_167 = vector.shape_cast %get3A_166 : vector<1x16xf32> to vector<16xf32>
        %get3A_168 = arith.index_cast %scan3A_162 : i32 to index
        %get3A_169 = arith.constant 0 : index
        %get3A_170 = tpu.vector_load %arg12[%get3A_168, %get3A_169] {strides = array<i32>} : memref<128x128xf32, #tpu.memory_space<vmem>>, vector<1x16xf32>,
        %get3A_171 = vector.shape_cast %get3A_170 : vector<1x16xf32> to vector<16xf32>
        %get3A_172 = arith.index_cast %scan3A_162 : i32 to index
        %get3A_173 = arith.constant 0 : index
        %get3A_174 = tpu.vector_load %arg11[%get3A_172, %get3A_173] {strides = array<i32>} : memref<128x128xf32, #tpu.memory_space<vmem>>, vector<1x16xf32>,
        %get3A_175 = vector.shape_cast %get3A_174 : vector<1x16xf32> to vector<16xf32>
        %mul3A_176 = arith.mulf %get3A_171, %get3A_175 : vector<16xf32>
        %mul3A_177 = arith.mulf %get3A_167, %mul3A_176 : vector<16xf32>
        %add3A_178 = arith.addf %broadcast_in_dim3A_163, %mul3A_177 : vector<16xf32>
        %get3A_179 = arith.index_cast %scan3A_162 : i32 to index
        %get3A_180 = arith.constant 16 : index
        %get3A_181 = tpu.vector_load %arg10[%get3A_179, %get3A_180] {strides = array<i32>} : memref<128x128xf32, #tpu.memory_space<vmem>>, vector<1x16xf32>,
        %get3A_182 = vector.shape_cast %get3A_181 : vector<1x16xf32> to vector<16xf32>
        %get3A_183 = arith.index_cast %scan3A_162 : i32 to index
        %get3A_184 = arith.constant 16 : index
        %get3A_185 = tpu.vector_load %arg12[%get3A_183, %get3A_184] {strides = array<i32>} : memref<128x128xf32, #tpu.memory_space<vmem>>, vector<1x16xf32>,
        %get3A_186 = vector.shape_cast %get3A_185 : vector<1x16xf32> to vector<16xf32>
        %get3A_187 = arith.index_cast %scan3A_162 : i32 to index
        %get3A_188 = arith.constant 16 : index
        %get3A_189 = tpu.vector_load %arg11[%get3A_187, %get3A_188] {strides = array<i32>} : memref<128x128xf32, #tpu.memory_space<vmem>>, vector<1x16xf32>,
        %get3A_190 = vector.shape_cast %get3A_189 : vector<1x16xf32> to vector<16xf32>
        %mul3A_191 = arith.mulf %get3A_186, %get3A_190 : vector<16xf32>
        %mul3A_192 = arith.mulf %get3A_182, %mul3A_191 : vector<16xf32>
        %add3A_193 = arith.addf %add3A_178, %mul3A_192 : vector<16xf32>
        %get3A_194 = arith.index_cast %scan3A_162 : i32 to index
        %get3A_195 = arith.constant 32 : index
        %get3A_196 = tpu.vector_load %arg10[%get3A_194, %get3A_195] {strides = array<i32>} : memref<128x128xf32, #tpu.memory_space<vmem>>, vector<1x16xf32>,
        %get3A_197 = vector.shape_cast %get3A_196 : vector<1x16xf32> to vector<16xf32>
        %get3A_198 = arith.index_cast %scan3A_162 : i32 to index
        %get3A_199 = arith.constant 32 : index
        %get3A_200 = tpu.vector_load %arg12[%get3A_198, %get3A_199] {strides = array<i32>} : memref<128x128xf32, #tpu.memory_space<vmem>>, vector<1x16xf32>,
        %get3A_201 = vector.shape_cast %get3A_200 : vector<1x16xf32> to vector<16xf32>
        %get3A_202 = arith.index_cast %scan3A_162 : i32 to index
        %get3A_203 = arith.constant 32 : index
        %get3A_204 = tpu.vector_load %arg11[%get3A_202, %get3A_203] {strides = array<i32>} : memref<128x128xf32, #tpu.memory_space<vmem>>, vector<1x16xf32>,
        %get3A_205 = vector.shape_cast %get3A_204 : vector<1x16xf32> to vector<16xf32>
        %mul3A_206 = arith.mulf %get3A_201, %get3A_205 : vector<16xf32>
        %mul3A_207 = arith.mulf %get3A_197, %mul3A_206 : vector<16xf32>
        %add3A_208 = arith.addf %add3A_193, %mul3A_207 : vector<16xf32>
        %get3A_209 = arith.index_cast %scan3A_162 : i32 to index
        %get3A_210 = arith.constant 48 : index
        %get3A_211 = tpu.vector_load %arg10[%get3A_209, %get3A_210] {strides = array<i32>} : memref<128x128xf32, #tpu.memory_space<vmem>>, vector<1x16xf32>,
        %get3A_212 = vector.shape_cast %get3A_211 : vector<1x16xf32> to vector<16xf32>
        %get3A_213 = arith.index_cast %scan3A_162 : i32 to index
        %get3A_214 = arith.constant 48 : index
        %get3A_215 = tpu.vector_load %arg12[%get3A_213, %get3A_214] {strides = array<i32>} : memref<128x128xf32, #tpu.memory_space<vmem>>, vector<1x16xf32>,
        %get3A_216 = vector.shape_cast %get3A_215 : vector<1x16xf32> to vector<16xf32>
        %get3A_217 = arith.index_cast %scan3A_162 : i32 to index
        %get3A_218 = arith.constant 48 : index
        %get3A_219 = tpu.vector_load %arg11[%get3A_217, %get3A_218] {strides = array<i32>} : memref<128x128xf32, #tpu.memory_space<vmem>>, vector<1x16xf32>,
        %get3A_220 = vector.shape_cast %get3A_219 : vector<1x16xf32> to vector<16xf32>
        %mul3A_221 = arith.mulf %get3A_216, %get3A_220 : vector<16xf32>
        %mul3A_222 = arith.mulf %get3A_212, %mul3A_221 : vector<16xf32>
        %add3A_223 = arith.addf %add3A_208, %mul3A_222 : vector<16xf32>
        %get3A_224 = arith.index_cast %scan3A_162 : i32 to index
        %get3A_225 = arith.constant 64 : index
        %get3A_226 = tpu.vector_load %arg10[%get3A_224, %get3A_225] {strides = array<i32>} : memref<128x128xf32, #tpu.memory_space<vmem>>, vector<1x16xf32>,
        %get3A_227 = vector.shape_cast %get3A_226 : vector<1x16xf32> to vector<16xf32>
        %get3A_228 = arith.index_cast %scan3A_162 : i32 to index
        %get3A_229 = arith.constant 64 : index
        %get3A_230 = tpu.vector_load %arg12[%get3A_228, %get3A_229] {strides = array<i32>} : memref<128x128xf32, #tpu.memory_space<vmem>>, vector<1x16xf32>,
        %get3A_231 = vector.shape_cast %get3A_230 : vector<1x16xf32> to vector<16xf32>
        %get3A_232 = arith.index_cast %scan3A_162 : i32 to index
        %get3A_233 = arith.constant 64 : index
        %get3A_234 = tpu.vector_load %arg11[%get3A_232, %get3A_233] {strides = array<i32>} : memref<128x128xf32, #tpu.memory_space<vmem>>, vector<1x16xf32>,
        %get3A_235 = vector.shape_cast %get3A_234 : vector<1x16xf32> to vector<16xf32>
        %mul3A_236 = arith.mulf %get3A_231, %get3A_235 : vector<16xf32>
        %mul3A_237 = arith.mulf %get3A_227, %mul3A_236 : vector<16xf32>
        %add3A_238 = arith.addf %add3A_223, %mul3A_237 : vector<16xf32>
        %get3A_239 = arith.index_cast %scan3A_162 : i32 to index
        %get3A_240 = arith.constant 80 : index
        %get3A_241 = tpu.vector_load %arg10[%get3A_239, %get3A_240] {strides = array<i32>} : memref<128x128xf32, #tpu.memory_space<vmem>>, vector<1x16xf32>,
        %get3A_242 = vector.shape_cast %get3A_241 : vector<1x16xf32> to vector<16xf32>
        %get3A_243 = arith.index_cast %scan3A_162 : i32 to index
        %get3A_244 = arith.constant 80 : index
        %get3A_245 = tpu.vector_load %arg12[%get3A_243, %get3A_244] {strides = array<i32>} : memref<128x128xf32, #tpu.memory_space<vmem>>, vector<1x16xf32>,
        %get3A_246 = vector.shape_cast %get3A_245 : vector<1x16xf32> to vector<16xf32>
        %get3A_247 = arith.index_cast %scan3A_162 : i32 to index
        %get3A_248 = arith.constant 80 : index
        %get3A_249 = tpu.vector_load %arg11[%get3A_247, %get3A_248] {strides = array<i32>} : memref<128x128xf32, #tpu.memory_space<vmem>>, vector<1x16xf32>,
        %get3A_250 = vector.shape_cast %get3A_249 : vector<1x16xf32> to vector<16xf32>
        %mul3A_251 = arith.mulf %get3A_246, %get3A_250 : vector<16xf32>
        %mul3A_252 = arith.mulf %get3A_242, %mul3A_251 : vector<16xf32>
        %add3A_253 = arith.addf %add3A_238, %mul3A_252 : vector<16xf32>
        %get3A_254 = arith.index_cast %scan3A_162 : i32 to index
        %get3A_255 = arith.constant 96 : index
        %get3A_256 = tpu.vector_load %arg10[%get3A_254, %get3A_255] {strides = array<i32>} : memref<128x128xf32, #tpu.memory_space<vmem>>, vector<1x16xf32>,
        %get3A_257 = vector.shape_cast %get3A_256 : vector<1x16xf32> to vector<16xf32>
        %get3A_258 = arith.index_cast %scan3A_162 : i32 to index
        %get3A_259 = arith.constant 96 : index
        %get3A_260 = tpu.vector_load %arg12[%get3A_258, %get3A_259] {strides = array<i32>} : memref<128x128xf32, #tpu.memory_space<vmem>>, vector<1x16xf32>,
        %get3A_261 = vector.shape_cast %get3A_260 : vector<1x16xf32> to vector<16xf32>
        %get3A_262 = arith.index_cast %scan3A_162 : i32 to index
        %get3A_263 = arith.constant 96 : index
        %get3A_264 = tpu.vector_load %arg11[%get3A_262, %get3A_263] {strides = array<i32>} : memref<128x128xf32, #tpu.memory_space<vmem>>, vector<1x16xf32>,
        %get3A_265 = vector.shape_cast %get3A_264 : vector<1x16xf32> to vector<16xf32>
        %mul3A_266 = arith.mulf %get3A_261, %get3A_265 : vector<16xf32>
        %mul3A_267 = arith.mulf %get3A_257, %mul3A_266 : vector<16xf32>
        %add3A_268 = arith.addf %add3A_253, %mul3A_267 : vector<16xf32>
        %get3A_269 = arith.index_cast %scan3A_162 : i32 to index
        %get3A_270 = arith.constant 112 : index
        %get3A_271 = tpu.vector_load %arg10[%get3A_269, %get3A_270] {strides = array<i32>} : memref<128x128xf32, #tpu.memory_space<vmem>>, vector<1x16xf32>,
        %get3A_272 = vector.shape_cast %get3A_271 : vector<1x16xf32> to vector<16xf32>
        %get3A_273 = arith.index_cast %scan3A_162 : i32 to index
        %get3A_274 = arith.constant 112 : index
        %get3A_275 = tpu.vector_load %arg12[%get3A_273, %get3A_274] {strides = array<i32>} : memref<128x128xf32, #tpu.memory_space<vmem>>, vector<1x16xf32>,
        %get3A_276 = vector.shape_cast %get3A_275 : vector<1x16xf32> to vector<16xf32>
        %get3A_277 = arith.index_cast %scan3A_162 : i32 to index
        %get3A_278 = arith.constant 112 : index
        %get3A_279 = tpu.vector_load %arg11[%get3A_277, %get3A_278] {strides = array<i32>} : memref<128x128xf32, #tpu.memory_space<vmem>>, vector<1x16xf32>,
        %get3A_280 = vector.shape_cast %get3A_279 : vector<1x16xf32> to vector<16xf32>
        %mul3A_281 = arith.mulf %get3A_276, %get3A_280 : vector<16xf32>
        %mul3A_282 = arith.mulf %get3A_272, %mul3A_281 : vector<16xf32>
        %add3A_283 = arith.addf %add3A_268, %mul3A_282 : vector<16xf32>
        %iota3A = tpu.iota {dimensions = array<i32: 0>} : vector<16xi32>
        %xor3A = arith.constant 1 : i32
        %xor3A_284 = vector.broadcast %xor3A : i32 to vector<16xi32>
        %xor3A_285 = arith.xori %iota3A, %xor3A_284 : vector<16xi32>
        %broadcast_in_dim3A_286 = vector.shape_cast %xor3A_285 : vector<16xi32> to vector<16x1xi32>
        %gather3A = vector.shape_cast %broadcast_in_dim3A_286 : vector<16x1xi32> to vector<16xi32>
        %gather3A_287 = tpu.dynamic_gather %add3A_283[%gather3A] in [0] : vector<16xf32>, vector<16xi32> -> vector<16xf32>
        %add3A_288 = arith.addf %add3A_283, %gather3A_287 : vector<16xf32>
        %iota3A_289 = tpu.iota {dimensions = array<i32: 0>} : vector<16xi32>
        %xor3A_290 = arith.constant 2 : i32
        %xor3A_291 = vector.broadcast %xor3A_290 : i32 to vector<16xi32>
        %xor3A_292 = arith.xori %iota3A_289, %xor3A_291 : vector<16xi32>
        %broadcast_in_dim3A_293 = vector.shape_cast %xor3A_292 : vector<16xi32> to vector<16x1xi32>
        %gather3A_294 = vector.shape_cast %broadcast_in_dim3A_293 : vector<16x1xi32> to vector<16xi32>
        %gather3A_295 = tpu.dynamic_gather %add3A_288[%gather3A_294] in [0] : vector<16xf32>, vector<16xi32> -> vector<16xf32>
        %add3A_296 = arith.addf %add3A_288, %gather3A_295 : vector<16xf32>
        %iota3A_297 = tpu.iota {dimensions = array<i32: 0>} : vector<16xi32>
        %xor3A_298 = arith.constant 4 : i32
        %xor3A_299 = vector.broadcast %xor3A_298 : i32 to vector<16xi32>
        %xor3A_300 = arith.xori %iota3A_297, %xor3A_299 : vector<16xi32>
        %broadcast_in_dim3A_301 = vector.shape_cast %xor3A_300 : vector<16xi32> to vector<16x1xi32>
        %gather3A_302 = vector.shape_cast %broadcast_in_dim3A_301 : vector<16x1xi32> to vector<16xi32>
        %gather3A_303 = tpu.dynamic_gather %add3A_296[%gather3A_302] in [0] : vector<16xf32>, vector<16xi32> -> vector<16xf32>
        %add3A_304 = arith.addf %add3A_296, %gather3A_303 : vector<16xf32>
        %iota3A_305 = tpu.iota {dimensions = array<i32: 0>} : vector<16xi32>
        %xor3A_306 = arith.constant 8 : i32
        %xor3A_307 = vector.broadcast %xor3A_306 : i32 to vector<16xi32>
        %xor3A_308 = arith.xori %iota3A_305, %xor3A_307 : vector<16xi32>
        %broadcast_in_dim3A_309 = vector.shape_cast %xor3A_308 : vector<16xi32> to vector<16x1xi32>
        %gather3A_310 = vector.shape_cast %broadcast_in_dim3A_309 : vector<16x1xi32> to vector<16xi32>
        %gather3A_311 = tpu.dynamic_gather %add3A_304[%gather3A_310] in [0] : vector<16xf32>, vector<16xi32> -> vector<16xf32>
        %add3A_312 = arith.addf %add3A_304, %gather3A_311 : vector<16xf32>
        %max3A = arith.constant -7.500000e+01 : f32
        %max3A_313 = vector.broadcast %max3A : f32 to vector<16xf32>
        %max3A_314 = arith.maximumf %add3A_312, %max3A_313 : vector<16xf32>
        %min3A = arith.constant 7.500000e+01 : f32
        %min3A_315 = vector.broadcast %min3A : f32 to vector<16xf32>
        %min3A_316 = arith.minimumf %max3A_314, %min3A_315 : vector<16xf32>
        %exp3A = math.exp %min3A_316 : vector<16xf32>
        %swap3A_317 = arith.index_cast %scan3A_162 : i32 to index
        %swap3A_318 = arith.constant 0 : index
        %swap3A_319 = tpu.vector_load %arg13[%swap3A_317, %swap3A_318] {strides = array<i32>} : memref<128x16xf32, #tpu.memory_space<vmem>>, vector<1x16xf32>,
        %swap3A_320 = vector.shape_cast %swap3A_319 : vector<1x16xf32> to vector<16xf32>
        %swap3A_321 = vector.shape_cast %exp3A : vector<16xf32> to vector<1x16xf32>
        tpu.vector_store %arg13[%swap3A_317, %swap3A_318], %swap3A_321 {strides = array<i32>} : memref<128x16xf32, #tpu.memory_space<vmem>>, vector<1x16xf32>,
      }
      %scan3A_161 = arith.constant 128 : i32
      "tpu.region"() ({
        %run_scoped3A_162 = tpu.sem_alloc : memref<!tpu.dma_semaphore, #tpu.memory_space<semaphore_mem>>
        %dma_start3A_163 = arith.constant 0 : i32
        %dma_start3A_164 = tpu.memref_slice %arg6[%mul3A_37, %dma_start3A_163] : memref<320000x16xf32, #tpu.memory_space<hbm>> -> memref<128x16xf32, #tpu.memory_space<hbm>>
        %dma_start3A_165 = arith.constant 0 : i32
        %dma_start3A_166 = tpu.memref_slice %arg6[%mul3A_37, %dma_start3A_165] : memref<320000x16xf32, #tpu.memory_space<hbm>> -> memref<128x16xf32, #tpu.memory_space<hbm>>
        tpu.enqueue_dma source(%arg13 : memref<128x16xf32, #tpu.memory_space<vmem>>) target(%dma_start3A_166 : memref<128x16xf32, #tpu.memory_space<hbm>>) target_semaphore(%run_scoped3A_162 : memref<!tpu.dma_semaphore, #tpu.memory_space<semaphore_mem>>)
        %dma_wait3A_167 = arith.constant 0 : i32
        %dma_wait3A_168 = tpu.memref_slice %arg6[%mul3A_37, %dma_wait3A_167] : memref<320000x16xf32, #tpu.memory_space<hbm>> -> memref<128x16xf32, #tpu.memory_space<hbm>>
        %dma_wait3A_169 = arith.constant 0 : i32
        %dma_wait3A_170 = tpu.memref_slice %arg6[%mul3A_37, %dma_wait3A_169] : memref<320000x16xf32, #tpu.memory_space<hbm>> -> memref<128x16xf32, #tpu.memory_space<hbm>>
        tpu.wait_dma2 semaphore(%run_scoped3A_162 : memref<!tpu.dma_semaphore, #tpu.memory_space<semaphore_mem>>) src(%arg13 : memref<128x16xf32, #tpu.memory_space<vmem>>) dst(%dma_wait3A_170 : memref<128x16xf32, #tpu.memory_space<hbm>>)
        tpu.yield
      }) : () -> ()
    }
    %while3A_31 = arith.constant 1 : i32
    scf.for %while3A_32 = %while3A_29 to %while3A_25 step %while3A_31  : i32 {
      %mul3A_33 = arith.constant 32 : i32
      %mul3A_34 = arith.muli %while3A_32, %mul3A_33 : i32
      %add3A_35 = arith.addi %add3A, %mul3A_34 : i32
      %mul3A_36 = arith.constant 128 : i32
      %mul3A_37 = arith.muli %add3A_35, %mul3A_36 : i32
      %run_scoped3A = arith.constant 0 : i32
      "tpu.region"() ({
        %run_scoped3A_162 = tpu.sem_alloc : memref<!tpu.dma_semaphore, #tpu.memory_space<semaphore_mem>>
        %dma_start3A_163 = tpu.memref_slice %arg4[%run_scoped3A, %mul3A_37] : memref<2x320000xi32, #tpu.memory_space<hbm>> -> memref<1x128xi32, #tpu.memory_space<hbm>>
        %dma_start3A_164 = tpu.memref_squeeze %dma_start3A_163 : memref<1x128xi32, #tpu.memory_space<hbm>> -> memref<128xi32, #tpu.memory_space<hbm>>
        %dma_start3A_165 = tpu.memref_slice %arg4[%run_scoped3A, %mul3A_37] : memref<2x320000xi32, #tpu.memory_space<hbm>> -> memref<1x128xi32, #tpu.memory_space<hbm>>
        %dma_start3A_166 = tpu.memref_squeeze %dma_start3A_165 : memref<1x128xi32, #tpu.memory_space<hbm>> -> memref<128xi32, #tpu.memory_space<hbm>>
        tpu.enqueue_dma source(%dma_start3A_166 : memref<128xi32, #tpu.memory_space<hbm>>) target(%arg7 : memref<128xi32, #tpu.memory_space<vmem>>) target_semaphore(%run_scoped3A_162 : memref<!tpu.dma_semaphore, #tpu.memory_space<semaphore_mem>>)
        %dma_wait3A_167 = tpu.memref_slice %arg4[%run_scoped3A, %mul3A_37] : memref<2x320000xi32, #tpu.memory_space<hbm>> -> memref<1x128xi32, #tpu.memory_space<hbm>>
        %dma_wait3A_168 = tpu.memref_squeeze %dma_wait3A_167 : memref<1x128xi32, #tpu.memory_space<hbm>> -> memref<128xi32, #tpu.memory_space<hbm>>
        %dma_wait3A_169 = tpu.memref_slice %arg4[%run_scoped3A, %mul3A_37] : memref<2x320000xi32, #tpu.memory_space<hbm>> -> memref<1x128xi32, #tpu.memory_space<hbm>>
        %dma_wait3A_170 = tpu.memref_squeeze %dma_wait3A_169 : memref<1x128xi32, #tpu.memory_space<hbm>> -> memref<128xi32, #tpu.memory_space<hbm>>
        tpu.wait_dma2 semaphore(%run_scoped3A_162 : memref<!tpu.dma_semaphore, #tpu.memory_space<semaphore_mem>>) src(%dma_wait3A_170 : memref<128xi32, #tpu.memory_space<hbm>>) dst(%arg7 : memref<128xi32, #tpu.memory_space<vmem>>)
        tpu.yield
      }) : () -> ()
      %run_scoped3A_38 = arith.constant 1 : i32
      "tpu.region"() ({
        %run_scoped3A_162 = tpu.sem_alloc : memref<!tpu.dma_semaphore, #tpu.memory_space<semaphore_mem>>
        %dma_start3A_163 = tpu.memref_slice %arg4[%run_scoped3A_38, %mul3A_37] : memref<2x320000xi32, #tpu.memory_space<hbm>> -> memref<1x128xi32, #tpu.memory_space<hbm>>
        %dma_start3A_164 = tpu.memref_squeeze %dma_start3A_163 : memref<1x128xi32, #tpu.memory_space<hbm>> -> memref<128xi32, #tpu.memory_space<hbm>>
        %dma_start3A_165 = tpu.memref_slice %arg4[%run_scoped3A_38, %mul3A_37] : memref<2x320000xi32, #tpu.memory_space<hbm>> -> memref<1x128xi32, #tpu.memory_space<hbm>>
        %dma_start3A_166 = tpu.memref_squeeze %dma_start3A_165 : memref<1x128xi32, #tpu.memory_space<hbm>> -> memref<128xi32, #tpu.memory_space<hbm>>
        tpu.enqueue_dma source(%dma_start3A_166 : memref<128xi32, #tpu.memory_space<hbm>>) target(%arg8 : memref<128xi32, #tpu.memory_space<vmem>>) target_semaphore(%run_scoped3A_162 : memref<!tpu.dma_semaphore, #tpu.memory_space<semaphore_mem>>)
        %dma_wait3A_167 = tpu.memref_slice %arg4[%run_scoped3A_38, %mul3A_37] : memref<2x320000xi32, #tpu.memory_space<hbm>> -> memref<1x128xi32, #tpu.memory_space<hbm>>
        %dma_wait3A_168 = tpu.memref_squeeze %dma_wait3A_167 : memref<1x128xi32, #tpu.memory_space<hbm>> -> memref<128xi32, #tpu.memory_space<hbm>>
        %dma_wait3A_169 = tpu.memref_slice %arg4[%run_scoped3A_38, %mul3A_37] : memref<2x320000xi32, #tpu.memory_space<hbm>> -> memref<1x128xi32, #tpu.memory_space<hbm>>
        %dma_wait3A_170 = tpu.memref_squeeze %dma_wait3A_169 : memref<1x128xi32, #tpu.memory_space<hbm>> -> memref<128xi32, #tpu.memory_space<hbm>>
        tpu.wait_dma2 semaphore(%run_scoped3A_162 : memref<!tpu.dma_semaphore, #tpu.memory_space<semaphore_mem>>) src(%dma_wait3A_170 : memref<128xi32, #tpu.memory_space<hbm>>) dst(%arg8 : memref<128xi32, #tpu.memory_space<vmem>>)
        tpu.yield
      }) : () -> ()
      "tpu.region"() ({
        %run_scoped3A_162 = tpu.sem_alloc : memref<!tpu.dma_semaphore, #tpu.memory_space<semaphore_mem>>
        %dma_start3A_163 = tpu.memref_slice %arg5[%mul3A_37] : memref<320000xi32, #tpu.memory_space<hbm>> -> memref<128xi32, #tpu.memory_space<hbm>>
        %dma_start3A_164 = tpu.memref_slice %arg5[%mul3A_37] : memref<320000xi32, #tpu.memory_space<hbm>> -> memref<128xi32, #tpu.memory_space<hbm>>
        tpu.enqueue_dma source(%dma_start3A_164 : memref<128xi32, #tpu.memory_space<hbm>>) target(%arg9 : memref<128xi32, #tpu.memory_space<vmem>>) target_semaphore(%run_scoped3A_162 : memref<!tpu.dma_semaphore, #tpu.memory_space<semaphore_mem>>)
        %dma_wait3A_165 = tpu.memref_slice %arg5[%mul3A_37] : memref<320000xi32, #tpu.memory_space<hbm>> -> memref<128xi32, #tpu.memory_space<hbm>>
        %dma_wait3A_166 = tpu.memref_slice %arg5[%mul3A_37] : memref<320000xi32, #tpu.memory_space<hbm>> -> memref<128xi32, #tpu.memory_space<hbm>>
        tpu.wait_dma2 semaphore(%run_scoped3A_162 : memref<!tpu.dma_semaphore, #tpu.memory_space<semaphore_mem>>) src(%dma_wait3A_166 : memref<128xi32, #tpu.memory_space<hbm>>) dst(%arg9 : memref<128xi32, #tpu.memory_space<vmem>>)
        tpu.yield
      }) : () -> ()
      %get3A = arith.constant 0 : index
      %get3A_39 = tpu.vector_load %arg9[%get3A] {strides = array<i32>} : memref<128xi32, #tpu.memory_space<vmem>>, vector<16xi32>,
      %get3A_40 = vector.shape_cast %get3A_39 : vector<16xi32> to vector<16xi32>
      %add3A_41 = arith.constant 31 : i32
      %add3A_42 = vector.broadcast %add3A_41 : i32 to vector<16xi32>
      %add3A_43 = arith.addi %get3A_40, %add3A_42 : vector<16xi32>
      %and3A_44 = arith.constant 31 : i32
      %and3A_45 = vector.broadcast %and3A_44 : i32 to vector<16xi32>
      %and3A_46 = arith.andi %add3A_43, %and3A_45 : vector<16xi32>
      %swap3A = arith.constant 0 : index
      %swap3A_47 = tpu.vector_load %arg9[%swap3A] {strides = array<i32>} : memref<128xi32, #tpu.memory_space<vmem>>, vector<16xi32>,
      %swap3A_48 = vector.shape_cast %swap3A_47 : vector<16xi32> to vector<16xi32>
      %swap3A_49 = vector.shape_cast %and3A_46 : vector<16xi32> to vector<16xi32>
      tpu.vector_store %arg9[%swap3A], %swap3A_49 {strides = array<i32>} : memref<128xi32, #tpu.memory_space<vmem>>, vector<16xi32>,
      %get3A_50 = arith.constant 16 : index
      %get3A_51 = tpu.vector_load %arg9[%get3A_50] {strides = array<i32>} : memref<128xi32, #tpu.memory_space<vmem>>, vector<16xi32>,
      %get3A_52 = vector.shape_cast %get3A_51 : vector<16xi32> to vector<16xi32>
      %add3A_53 = arith.constant 31 : i32
      %add3A_54 = vector.broadcast %add3A_53 : i32 to vector<16xi32>
      %add3A_55 = arith.addi %get3A_52, %add3A_54 : vector<16xi32>
      %and3A_56 = arith.constant 31 : i32
      %and3A_57 = vector.broadcast %and3A_56 : i32 to vector<16xi32>
      %and3A_58 = arith.andi %add3A_55, %and3A_57 : vector<16xi32>
      %swap3A_59 = arith.constant 16 : index
      %swap3A_60 = tpu.vector_load %arg9[%swap3A_59] {strides = array<i32>} : memref<128xi32, #tpu.memory_space<vmem>>, vector<16xi32>,
      %swap3A_61 = vector.shape_cast %swap3A_60 : vector<16xi32> to vector<16xi32>
      %swap3A_62 = vector.shape_cast %and3A_58 : vector<16xi32> to vector<16xi32>
      tpu.vector_store %arg9[%swap3A_59], %swap3A_62 {strides = array<i32>} : memref<128xi32, #tpu.memory_space<vmem>>, vector<16xi32>,
      %get3A_63 = arith.constant 32 : index
      %get3A_64 = tpu.vector_load %arg9[%get3A_63] {strides = array<i32>} : memref<128xi32, #tpu.memory_space<vmem>>, vector<16xi32>,
      %get3A_65 = vector.shape_cast %get3A_64 : vector<16xi32> to vector<16xi32>
      %add3A_66 = arith.constant 31 : i32
      %add3A_67 = vector.broadcast %add3A_66 : i32 to vector<16xi32>
      %add3A_68 = arith.addi %get3A_65, %add3A_67 : vector<16xi32>
      %and3A_69 = arith.constant 31 : i32
      %and3A_70 = vector.broadcast %and3A_69 : i32 to vector<16xi32>
      %and3A_71 = arith.andi %add3A_68, %and3A_70 : vector<16xi32>
      %swap3A_72 = arith.constant 32 : index
      %swap3A_73 = tpu.vector_load %arg9[%swap3A_72] {strides = array<i32>} : memref<128xi32, #tpu.memory_space<vmem>>, vector<16xi32>,
      %swap3A_74 = vector.shape_cast %swap3A_73 : vector<16xi32> to vector<16xi32>
      %swap3A_75 = vector.shape_cast %and3A_71 : vector<16xi32> to vector<16xi32>
      tpu.vector_store %arg9[%swap3A_72], %swap3A_75 {strides = array<i32>} : memref<128xi32, #tpu.memory_space<vmem>>, vector<16xi32>,
      %get3A_76 = arith.constant 48 : index
      %get3A_77 = tpu.vector_load %arg9[%get3A_76] {strides = array<i32>} : memref<128xi32, #tpu.memory_space<vmem>>, vector<16xi32>,
      %get3A_78 = vector.shape_cast %get3A_77 : vector<16xi32> to vector<16xi32>
      %add3A_79 = arith.constant 31 : i32
      %add3A_80 = vector.broadcast %add3A_79 : i32 to vector<16xi32>
      %add3A_81 = arith.addi %get3A_78, %add3A_80 : vector<16xi32>
      %and3A_82 = arith.constant 31 : i32
      %and3A_83 = vector.broadcast %and3A_82 : i32 to vector<16xi32>
      %and3A_84 = arith.andi %add3A_81, %and3A_83 : vector<16xi32>
      %swap3A_85 = arith.constant 48 : index
      %swap3A_86 = tpu.vector_load %arg9[%swap3A_85] {strides = array<i32>} : memref<128xi32, #tpu.memory_space<vmem>>, vector<16xi32>,
      %swap3A_87 = vector.shape_cast %swap3A_86 : vector<16xi32> to vector<16xi32>
      %swap3A_88 = vector.shape_cast %and3A_84 : vector<16xi32> to vector<16xi32>
      tpu.vector_store %arg9[%swap3A_85], %swap3A_88 {strides = array<i32>} : memref<128xi32, #tpu.memory_space<vmem>>, vector<16xi32>,
      %get3A_89 = arith.constant 64 : index
      %get3A_90 = tpu.vector_load %arg9[%get3A_89] {strides = array<i32>} : memref<128xi32, #tpu.memory_space<vmem>>, vector<16xi32>,
      %get3A_91 = vector.shape_cast %get3A_90 : vector<16xi32> to vector<16xi32>
      %add3A_92 = arith.constant 31 : i32
      %add3A_93 = vector.broadcast %add3A_92 : i32 to vector<16xi32>
      %add3A_94 = arith.addi %get3A_91, %add3A_93 : vector<16xi32>
      %and3A_95 = arith.constant 31 : i32
      %and3A_96 = vector.broadcast %and3A_95 : i32 to vector<16xi32>
      %and3A_97 = arith.andi %add3A_94, %and3A_96 : vector<16xi32>
      %swap3A_98 = arith.constant 64 : index
      %swap3A_99 = tpu.vector_load %arg9[%swap3A_98] {strides = array<i32>} : memref<128xi32, #tpu.memory_space<vmem>>, vector<16xi32>,
      %swap3A_100 = vector.shape_cast %swap3A_99 : vector<16xi32> to vector<16xi32>
      %swap3A_101 = vector.shape_cast %and3A_97 : vector<16xi32> to vector<16xi32>
      tpu.vector_store %arg9[%swap3A_98], %swap3A_101 {strides = array<i32>} : memref<128xi32, #tpu.memory_space<vmem>>, vector<16xi32>,
      %get3A_102 = arith.constant 80 : index
      %get3A_103 = tpu.vector_load %arg9[%get3A_102] {strides = array<i32>} : memref<128xi32, #tpu.memory_space<vmem>>, vector<16xi32>,
      %get3A_104 = vector.shape_cast %get3A_103 : vector<16xi32> to vector<16xi32>
      %add3A_105 = arith.constant 31 : i32
      %add3A_106 = vector.broadcast %add3A_105 : i32 to vector<16xi32>
      %add3A_107 = arith.addi %get3A_104, %add3A_106 : vector<16xi32>
      %and3A_108 = arith.constant 31 : i32
      %and3A_109 = vector.broadcast %and3A_108 : i32 to vector<16xi32>
      %and3A_110 = arith.andi %add3A_107, %and3A_109 : vector<16xi32>
      %swap3A_111 = arith.constant 80 : index
      %swap3A_112 = tpu.vector_load %arg9[%swap3A_111] {strides = array<i32>} : memref<128xi32, #tpu.memory_space<vmem>>, vector<16xi32>,
      %swap3A_113 = vector.shape_cast %swap3A_112 : vector<16xi32> to vector<16xi32>
      %swap3A_114 = vector.shape_cast %and3A_110 : vector<16xi32> to vector<16xi32>
      tpu.vector_store %arg9[%swap3A_111], %swap3A_114 {strides = array<i32>} : memref<128xi32, #tpu.memory_space<vmem>>, vector<16xi32>,
      %get3A_115 = arith.constant 96 : index
      %get3A_116 = tpu.vector_load %arg9[%get3A_115] {strides = array<i32>} : memref<128xi32, #tpu.memory_space<vmem>>, vector<16xi32>,
      %get3A_117 = vector.shape_cast %get3A_116 : vector<16xi32> to vector<16xi32>
      %add3A_118 = arith.constant 31 : i32
      %add3A_119 = vector.broadcast %add3A_118 : i32 to vector<16xi32>
      %add3A_120 = arith.addi %get3A_117, %add3A_119 : vector<16xi32>
      %and3A_121 = arith.constant 31 : i32
      %and3A_122 = vector.broadcast %and3A_121 : i32 to vector<16xi32>
      %and3A_123 = arith.andi %add3A_120, %and3A_122 : vector<16xi32>
      %swap3A_124 = arith.constant 96 : index
      %swap3A_125 = tpu.vector_load %arg9[%swap3A_124] {strides = array<i32>} : memref<128xi32, #tpu.memory_space<vmem>>, vector<16xi32>,
      %swap3A_126 = vector.shape_cast %swap3A_125 : vector<16xi32> to vector<16xi32>
      %swap3A_127 = vector.shape_cast %and3A_123 : vector<16xi32> to vector<16xi32>
      tpu.vector_store %arg9[%swap3A_124], %swap3A_127 {strides = array<i32>} : memref<128xi32, #tpu.memory_space<vmem>>, vector<16xi32>,
      %get3A_128 = arith.constant 112 : index
      %get3A_129 = tpu.vector_load %arg9[%get3A_128] {strides = array<i32>} : memref<128xi32, #tpu.memory_space<vmem>>, vector<16xi32>,
      %get3A_130 = vector.shape_cast %get3A_129 : vector<16xi32> to vector<16xi32>
      %add3A_131 = arith.constant 31 : i32
      %add3A_132 = vector.broadcast %add3A_131 : i32 to vector<16xi32>
      %add3A_133 = arith.addi %get3A_130, %add3A_132 : vector<16xi32>
      %and3A_134 = arith.constant 31 : i32
      %and3A_135 = vector.broadcast %and3A_134 : i32 to vector<16xi32>
      %and3A_136 = arith.andi %add3A_133, %and3A_135 : vector<16xi32>
      %swap3A_137 = arith.constant 112 : index
      %swap3A_138 = tpu.vector_load %arg9[%swap3A_137] {strides = array<i32>} : memref<128xi32, #tpu.memory_space<vmem>>, vector<16xi32>,
      %swap3A_139 = vector.shape_cast %swap3A_138 : vector<16xi32> to vector<16xi32>
      %swap3A_140 = vector.shape_cast %and3A_136 : vector<16xi32> to vector<16xi32>
      tpu.vector_store %arg9[%swap3A_137], %swap3A_140 {strides = array<i32>} : memref<128xi32, #tpu.memory_space<vmem>>, vector<16xi32>,
      %dma_start3A = arith.constant 0 : i32
      %dma_start3A_141 = arith.constant 0 : i32
      %dma_start3A_142 = tpu.memref_slice %arg2[%dma_start3A, %dma_start3A_141] : memref<10000x128xf32, #tpu.memory_space<hbm>> -> memref<10000x128xf32, #tpu.memory_space<hbm>>
      tpu.enqueue_indirect_dma source(%dma_start3A_142 : memref<10000x128xf32, #tpu.memory_space<hbm>>) target(%arg10 : memref<128x128xf32, #tpu.memory_space<vmem>>) offsets(%arg7 : memref<128xi32, #tpu.memory_space<vmem>>) semaphore(%arg14 : memref<!tpu.dma_semaphore, #tpu.memory_space<semaphore_mem>>)
      %dma_start3A_143 = arith.constant 0 : i32
      %dma_start3A_144 = arith.constant 0 : i32
      %dma_start3A_145 = tpu.memref_slice %arg2[%dma_start3A_143, %dma_start3A_144] : memref<10000x128xf32, #tpu.memory_space<hbm>> -> memref<10000x128xf32, #tpu.memory_space<hbm>>
      tpu.enqueue_indirect_dma source(%dma_start3A_145 : memref<10000x128xf32, #tpu.memory_space<hbm>>) target(%arg11 : memref<128x128xf32, #tpu.memory_space<vmem>>) offsets(%arg8 : memref<128xi32, #tpu.memory_space<vmem>>) semaphore(%arg15 : memref<!tpu.dma_semaphore, #tpu.memory_space<semaphore_mem>>)
      %dma_start3A_146 = arith.constant 0 : i32
      %dma_start3A_147 = arith.constant 0 : i32
      %dma_start3A_148 = tpu.memref_slice %arg3[%dma_start3A_146, %dma_start3A_147] : memref<32x128xf32, #tpu.memory_space<hbm>> -> memref<32x128xf32, #tpu.memory_space<hbm>>
      tpu.enqueue_indirect_dma source(%dma_start3A_148 : memref<32x128xf32, #tpu.memory_space<hbm>>) target(%arg12 : memref<128x128xf32, #tpu.memory_space<vmem>>) offsets(%arg9 : memref<128xi32, #tpu.memory_space<vmem>>) semaphore(%arg16 : memref<!tpu.dma_semaphore, #tpu.memory_space<semaphore_mem>>)
      %dma_wait3A = arith.constant 0 : i32
      %dma_wait3A_149 = arith.constant 0 : i32
      %dma_wait3A_150 = tpu.memref_slice %arg2[%dma_wait3A, %dma_wait3A_149] : memref<10000x128xf32, #tpu.memory_space<hbm>> -> memref<10000x128xf32, #tpu.memory_space<hbm>>
      tpu.wait_indirect_dma semaphore(%arg14 : memref<!tpu.dma_semaphore, #tpu.memory_space<semaphore_mem>>) src(%dma_wait3A_150 : memref<10000x128xf32, #tpu.memory_space<hbm>>) dst(%arg10 : memref<128x128xf32, #tpu.memory_space<vmem>>)
      %dma_wait3A_151 = arith.constant 0 : i32
      %dma_wait3A_152 = arith.constant 0 : i32
      %dma_wait3A_153 = tpu.memref_slice %arg2[%dma_wait3A_151, %dma_wait3A_152] : memref<10000x128xf32, #tpu.memory_space<hbm>> -> memref<10000x128xf32, #tpu.memory_space<hbm>>
      tpu.wait_indirect_dma semaphore(%arg15 : memref<!tpu.dma_semaphore, #tpu.memory_space<semaphore_mem>>) src(%dma_wait3A_153 : memref<10000x128xf32, #tpu.memory_space<hbm>>) dst(%arg11 : memref<128x128xf32, #tpu.memory_space<vmem>>)
      %dma_wait3A_154 = arith.constant 0 : i32
      %dma_wait3A_155 = arith.constant 0 : i32
      %dma_wait3A_156 = tpu.memref_slice %arg3[%dma_wait3A_154, %dma_wait3A_155] : memref<32x128xf32, #tpu.memory_space<hbm>> -> memref<32x128xf32, #tpu.memory_space<hbm>>
      tpu.wait_indirect_dma semaphore(%arg16 : memref<!tpu.dma_semaphore, #tpu.memory_space<semaphore_mem>>) src(%dma_wait3A_156 : memref<32x128xf32, #tpu.memory_space<hbm>>) dst(%arg12 : memref<128x128xf32, #tpu.memory_space<vmem>>)
      %scan3A = arith.constant 0 : i32
      %scan3A_157 = arith.constant 0 : i32
      %scan3A_158 = arith.constant 128 : i32
      %scan3A_159 = arith.addi %scan3A_157, %scan3A_158 : i32
      %scan3A_160 = arith.constant 1 : i32
      scf.for %scan3A_162 = %scan3A_157 to %scan3A_159 step %scan3A_160  : i32 {
        %broadcast_in_dim3A = arith.constant 0.000000e+00 : f32
        %broadcast_in_dim3A_163 = vector.broadcast %broadcast_in_dim3A : f32 to vector<16xf32>
        %get3A_164 = arith.index_cast %scan3A_162 : i32 to index
        %get3A_165 = arith.constant 0 : index
        %get3A_166 = tpu.vector_load %arg10[%get3A_164, %get3A_165] {strides = array<i32>} : memref<128x128xf32, #tpu.memory_space<vmem>>, vector<1x16xf32>,
        %get3A_167 = vector.shape_cast %get3A_166 : vector<1x16xf32> to vector<16xf32>
        %get3A_168 = arith.index_cast %scan3A_162 : i32 to index
        %get3A_169 = arith.constant 0 : index
        %get3A_170 = tpu.vector_load %arg12[%get3A_168, %get3A_169] {strides = array<i32>} : memref<128x128xf32, #tpu.memory_space<vmem>>, vector<1x16xf32>,
        %get3A_171 = vector.shape_cast %get3A_170 : vector<1x16xf32> to vector<16xf32>
        %get3A_172 = arith.index_cast %scan3A_162 : i32 to index
        %get3A_173 = arith.constant 0 : index
        %get3A_174 = tpu.vector_load %arg11[%get3A_172, %get3A_173] {strides = array<i32>} : memref<128x128xf32, #tpu.memory_space<vmem>>, vector<1x16xf32>,
        %get3A_175 = vector.shape_cast %get3A_174 : vector<1x16xf32> to vector<16xf32>
        %mul3A_176 = arith.mulf %get3A_171, %get3A_175 : vector<16xf32>
        %mul3A_177 = arith.mulf %get3A_167, %mul3A_176 : vector<16xf32>
        %add3A_178 = arith.addf %broadcast_in_dim3A_163, %mul3A_177 : vector<16xf32>
        %get3A_179 = arith.index_cast %scan3A_162 : i32 to index
        %get3A_180 = arith.constant 16 : index
        %get3A_181 = tpu.vector_load %arg10[%get3A_179, %get3A_180] {strides = array<i32>} : memref<128x128xf32, #tpu.memory_space<vmem>>, vector<1x16xf32>,
        %get3A_182 = vector.shape_cast %get3A_181 : vector<1x16xf32> to vector<16xf32>
        %get3A_183 = arith.index_cast %scan3A_162 : i32 to index
        %get3A_184 = arith.constant 16 : index
        %get3A_185 = tpu.vector_load %arg12[%get3A_183, %get3A_184] {strides = array<i32>} : memref<128x128xf32, #tpu.memory_space<vmem>>, vector<1x16xf32>,
        %get3A_186 = vector.shape_cast %get3A_185 : vector<1x16xf32> to vector<16xf32>
        %get3A_187 = arith.index_cast %scan3A_162 : i32 to index
        %get3A_188 = arith.constant 16 : index
        %get3A_189 = tpu.vector_load %arg11[%get3A_187, %get3A_188] {strides = array<i32>} : memref<128x128xf32, #tpu.memory_space<vmem>>, vector<1x16xf32>,
        %get3A_190 = vector.shape_cast %get3A_189 : vector<1x16xf32> to vector<16xf32>
        %mul3A_191 = arith.mulf %get3A_186, %get3A_190 : vector<16xf32>
        %mul3A_192 = arith.mulf %get3A_182, %mul3A_191 : vector<16xf32>
        %add3A_193 = arith.addf %add3A_178, %mul3A_192 : vector<16xf32>
        %get3A_194 = arith.index_cast %scan3A_162 : i32 to index
        %get3A_195 = arith.constant 32 : index
        %get3A_196 = tpu.vector_load %arg10[%get3A_194, %get3A_195] {strides = array<i32>} : memref<128x128xf32, #tpu.memory_space<vmem>>, vector<1x16xf32>,
        %get3A_197 = vector.shape_cast %get3A_196 : vector<1x16xf32> to vector<16xf32>
        %get3A_198 = arith.index_cast %scan3A_162 : i32 to index
        %get3A_199 = arith.constant 32 : index
        %get3A_200 = tpu.vector_load %arg12[%get3A_198, %get3A_199] {strides = array<i32>} : memref<128x128xf32, #tpu.memory_space<vmem>>, vector<1x16xf32>,
        %get3A_201 = vector.shape_cast %get3A_200 : vector<1x16xf32> to vector<16xf32>
        %get3A_202 = arith.index_cast %scan3A_162 : i32 to index
        %get3A_203 = arith.constant 32 : index
        %get3A_204 = tpu.vector_load %arg11[%get3A_202, %get3A_203] {strides = array<i32>} : memref<128x128xf32, #tpu.memory_space<vmem>>, vector<1x16xf32>,
        %get3A_205 = vector.shape_cast %get3A_204 : vector<1x16xf32> to vector<16xf32>
        %mul3A_206 = arith.mulf %get3A_201, %get3A_205 : vector<16xf32>
        %mul3A_207 = arith.mulf %get3A_197, %mul3A_206 : vector<16xf32>
        %add3A_208 = arith.addf %add3A_193, %mul3A_207 : vector<16xf32>
        %get3A_209 = arith.index_cast %scan3A_162 : i32 to index
        %get3A_210 = arith.constant 48 : index
        %get3A_211 = tpu.vector_load %arg10[%get3A_209, %get3A_210] {strides = array<i32>} : memref<128x128xf32, #tpu.memory_space<vmem>>, vector<1x16xf32>,
        %get3A_212 = vector.shape_cast %get3A_211 : vector<1x16xf32> to vector<16xf32>
        %get3A_213 = arith.index_cast %scan3A_162 : i32 to index
        %get3A_214 = arith.constant 48 : index
        %get3A_215 = tpu.vector_load %arg12[%get3A_213, %get3A_214] {strides = array<i32>} : memref<128x128xf32, #tpu.memory_space<vmem>>, vector<1x16xf32>,
        %get3A_216 = vector.shape_cast %get3A_215 : vector<1x16xf32> to vector<16xf32>
        %get3A_217 = arith.index_cast %scan3A_162 : i32 to index
        %get3A_218 = arith.constant 48 : index
        %get3A_219 = tpu.vector_load %arg11[%get3A_217, %get3A_218] {strides = array<i32>} : memref<128x128xf32, #tpu.memory_space<vmem>>, vector<1x16xf32>,
        %get3A_220 = vector.shape_cast %get3A_219 : vector<1x16xf32> to vector<16xf32>
        %mul3A_221 = arith.mulf %get3A_216, %get3A_220 : vector<16xf32>
        %mul3A_222 = arith.mulf %get3A_212, %mul3A_221 : vector<16xf32>
        %add3A_223 = arith.addf %add3A_208, %mul3A_222 : vector<16xf32>
        %get3A_224 = arith.index_cast %scan3A_162 : i32 to index
        %get3A_225 = arith.constant 64 : index
        %get3A_226 = tpu.vector_load %arg10[%get3A_224, %get3A_225] {strides = array<i32>} : memref<128x128xf32, #tpu.memory_space<vmem>>, vector<1x16xf32>,
        %get3A_227 = vector.shape_cast %get3A_226 : vector<1x16xf32> to vector<16xf32>
        %get3A_228 = arith.index_cast %scan3A_162 : i32 to index
        %get3A_229 = arith.constant 64 : index
        %get3A_230 = tpu.vector_load %arg12[%get3A_228, %get3A_229] {strides = array<i32>} : memref<128x128xf32, #tpu.memory_space<vmem>>, vector<1x16xf32>,
        %get3A_231 = vector.shape_cast %get3A_230 : vector<1x16xf32> to vector<16xf32>
        %get3A_232 = arith.index_cast %scan3A_162 : i32 to index
        %get3A_233 = arith.constant 64 : index
        %get3A_234 = tpu.vector_load %arg11[%get3A_232, %get3A_233] {strides = array<i32>} : memref<128x128xf32, #tpu.memory_space<vmem>>, vector<1x16xf32>,
        %get3A_235 = vector.shape_cast %get3A_234 : vector<1x16xf32> to vector<16xf32>
        %mul3A_236 = arith.mulf %get3A_231, %get3A_235 : vector<16xf32>
        %mul3A_237 = arith.mulf %get3A_227, %mul3A_236 : vector<16xf32>
        %add3A_238 = arith.addf %add3A_223, %mul3A_237 : vector<16xf32>
        %get3A_239 = arith.index_cast %scan3A_162 : i32 to index
        %get3A_240 = arith.constant 80 : index
        %get3A_241 = tpu.vector_load %arg10[%get3A_239, %get3A_240] {strides = array<i32>} : memref<128x128xf32, #tpu.memory_space<vmem>>, vector<1x16xf32>,
        %get3A_242 = vector.shape_cast %get3A_241 : vector<1x16xf32> to vector<16xf32>
        %get3A_243 = arith.index_cast %scan3A_162 : i32 to index
        %get3A_244 = arith.constant 80 : index
        %get3A_245 = tpu.vector_load %arg12[%get3A_243, %get3A_244] {strides = array<i32>} : memref<128x128xf32, #tpu.memory_space<vmem>>, vector<1x16xf32>,
        %get3A_246 = vector.shape_cast %get3A_245 : vector<1x16xf32> to vector<16xf32>
        %get3A_247 = arith.index_cast %scan3A_162 : i32 to index
        %get3A_248 = arith.constant 80 : index
        %get3A_249 = tpu.vector_load %arg11[%get3A_247, %get3A_248] {strides = array<i32>} : memref<128x128xf32, #tpu.memory_space<vmem>>, vector<1x16xf32>,
        %get3A_250 = vector.shape_cast %get3A_249 : vector<1x16xf32> to vector<16xf32>
        %mul3A_251 = arith.mulf %get3A_246, %get3A_250 : vector<16xf32>
        %mul3A_252 = arith.mulf %get3A_242, %mul3A_251 : vector<16xf32>
        %add3A_253 = arith.addf %add3A_238, %mul3A_252 : vector<16xf32>
        %get3A_254 = arith.index_cast %scan3A_162 : i32 to index
        %get3A_255 = arith.constant 96 : index
        %get3A_256 = tpu.vector_load %arg10[%get3A_254, %get3A_255] {strides = array<i32>} : memref<128x128xf32, #tpu.memory_space<vmem>>, vector<1x16xf32>,
        %get3A_257 = vector.shape_cast %get3A_256 : vector<1x16xf32> to vector<16xf32>
        %get3A_258 = arith.index_cast %scan3A_162 : i32 to index
        %get3A_259 = arith.constant 96 : index
        %get3A_260 = tpu.vector_load %arg12[%get3A_258, %get3A_259] {strides = array<i32>} : memref<128x128xf32, #tpu.memory_space<vmem>>, vector<1x16xf32>,
        %get3A_261 = vector.shape_cast %get3A_260 : vector<1x16xf32> to vector<16xf32>
        %get3A_262 = arith.index_cast %scan3A_162 : i32 to index
        %get3A_263 = arith.constant 96 : index
        %get3A_264 = tpu.vector_load %arg11[%get3A_262, %get3A_263] {strides = array<i32>} : memref<128x128xf32, #tpu.memory_space<vmem>>, vector<1x16xf32>,
        %get3A_265 = vector.shape_cast %get3A_264 : vector<1x16xf32> to vector<16xf32>
        %mul3A_266 = arith.mulf %get3A_261, %get3A_265 : vector<16xf32>
        %mul3A_267 = arith.mulf %get3A_257, %mul3A_266 : vector<16xf32>
        %add3A_268 = arith.addf %add3A_253, %mul3A_267 : vector<16xf32>
        %get3A_269 = arith.index_cast %scan3A_162 : i32 to index
        %get3A_270 = arith.constant 112 : index
        %get3A_271 = tpu.vector_load %arg10[%get3A_269, %get3A_270] {strides = array<i32>} : memref<128x128xf32, #tpu.memory_space<vmem>>, vector<1x16xf32>,
        %get3A_272 = vector.shape_cast %get3A_271 : vector<1x16xf32> to vector<16xf32>
        %get3A_273 = arith.index_cast %scan3A_162 : i32 to index
        %get3A_274 = arith.constant 112 : index
        %get3A_275 = tpu.vector_load %arg12[%get3A_273, %get3A_274] {strides = array<i32>} : memref<128x128xf32, #tpu.memory_space<vmem>>, vector<1x16xf32>,
        %get3A_276 = vector.shape_cast %get3A_275 : vector<1x16xf32> to vector<16xf32>
        %get3A_277 = arith.index_cast %scan3A_162 : i32 to index
        %get3A_278 = arith.constant 112 : index
        %get3A_279 = tpu.vector_load %arg11[%get3A_277, %get3A_278] {strides = array<i32>} : memref<128x128xf32, #tpu.memory_space<vmem>>, vector<1x16xf32>,
        %get3A_280 = vector.shape_cast %get3A_279 : vector<1x16xf32> to vector<16xf32>
        %mul3A_281 = arith.mulf %get3A_276, %get3A_280 : vector<16xf32>
        %mul3A_282 = arith.mulf %get3A_272, %mul3A_281 : vector<16xf32>
        %add3A_283 = arith.addf %add3A_268, %mul3A_282 : vector<16xf32>
        %iota3A = tpu.iota {dimensions = array<i32: 0>} : vector<16xi32>
        %xor3A = arith.constant 1 : i32
        %xor3A_284 = vector.broadcast %xor3A : i32 to vector<16xi32>
        %xor3A_285 = arith.xori %iota3A, %xor3A_284 : vector<16xi32>
        %broadcast_in_dim3A_286 = vector.shape_cast %xor3A_285 : vector<16xi32> to vector<16x1xi32>
        %gather3A = vector.shape_cast %broadcast_in_dim3A_286 : vector<16x1xi32> to vector<16xi32>
        %gather3A_287 = tpu.dynamic_gather %add3A_283[%gather3A] in [0] : vector<16xf32>, vector<16xi32> -> vector<16xf32>
        %add3A_288 = arith.addf %add3A_283, %gather3A_287 : vector<16xf32>
        %iota3A_289 = tpu.iota {dimensions = array<i32: 0>} : vector<16xi32>
        %xor3A_290 = arith.constant 2 : i32
        %xor3A_291 = vector.broadcast %xor3A_290 : i32 to vector<16xi32>
        %xor3A_292 = arith.xori %iota3A_289, %xor3A_291 : vector<16xi32>
        %broadcast_in_dim3A_293 = vector.shape_cast %xor3A_292 : vector<16xi32> to vector<16x1xi32>
        %gather3A_294 = vector.shape_cast %broadcast_in_dim3A_293 : vector<16x1xi32> to vector<16xi32>
        %gather3A_295 = tpu.dynamic_gather %add3A_288[%gather3A_294] in [0] : vector<16xf32>, vector<16xi32> -> vector<16xf32>
        %add3A_296 = arith.addf %add3A_288, %gather3A_295 : vector<16xf32>
        %iota3A_297 = tpu.iota {dimensions = array<i32: 0>} : vector<16xi32>
        %xor3A_298 = arith.constant 4 : i32
        %xor3A_299 = vector.broadcast %xor3A_298 : i32 to vector<16xi32>
        %xor3A_300 = arith.xori %iota3A_297, %xor3A_299 : vector<16xi32>
        %broadcast_in_dim3A_301 = vector.shape_cast %xor3A_300 : vector<16xi32> to vector<16x1xi32>
        %gather3A_302 = vector.shape_cast %broadcast_in_dim3A_301 : vector<16x1xi32> to vector<16xi32>
        %gather3A_303 = tpu.dynamic_gather %add3A_296[%gather3A_302] in [0] : vector<16xf32>, vector<16xi32> -> vector<16xf32>
        %add3A_304 = arith.addf %add3A_296, %gather3A_303 : vector<16xf32>
        %iota3A_305 = tpu.iota {dimensions = array<i32: 0>} : vector<16xi32>
        %xor3A_306 = arith.constant 8 : i32
        %xor3A_307 = vector.broadcast %xor3A_306 : i32 to vector<16xi32>
        %xor3A_308 = arith.xori %iota3A_305, %xor3A_307 : vector<16xi32>
        %broadcast_in_dim3A_309 = vector.shape_cast %xor3A_308 : vector<16xi32> to vector<16x1xi32>
        %gather3A_310 = vector.shape_cast %broadcast_in_dim3A_309 : vector<16x1xi32> to vector<16xi32>
        %gather3A_311 = tpu.dynamic_gather %add3A_304[%gather3A_310] in [0] : vector<16xf32>, vector<16xi32> -> vector<16xf32>
        %add3A_312 = arith.addf %add3A_304, %gather3A_311 : vector<16xf32>
        %max3A = arith.constant -7.500000e+01 : f32
        %max3A_313 = vector.broadcast %max3A : f32 to vector<16xf32>
        %max3A_314 = arith.maximumf %add3A_312, %max3A_313 : vector<16xf32>
        %min3A = arith.constant 7.500000e+01 : f32
        %min3A_315 = vector.broadcast %min3A : f32 to vector<16xf32>
        %min3A_316 = arith.minimumf %max3A_314, %min3A_315 : vector<16xf32>
        %exp3A = math.exp %min3A_316 : vector<16xf32>
        %swap3A_317 = arith.index_cast %scan3A_162 : i32 to index
        %swap3A_318 = arith.constant 0 : index
        %swap3A_319 = tpu.vector_load %arg13[%swap3A_317, %swap3A_318] {strides = array<i32>} : memref<128x16xf32, #tpu.memory_space<vmem>>, vector<1x16xf32>,
        %swap3A_320 = vector.shape_cast %swap3A_319 : vector<1x16xf32> to vector<16xf32>
        %swap3A_321 = vector.shape_cast %exp3A : vector<16xf32> to vector<1x16xf32>
        tpu.vector_store %arg13[%swap3A_317, %swap3A_318], %swap3A_321 {strides = array<i32>} : memref<128x16xf32, #tpu.memory_space<vmem>>, vector<1x16xf32>,
      }
      %scan3A_161 = arith.constant 128 : i32
      "tpu.region"() ({
        %run_scoped3A_162 = tpu.sem_alloc : memref<!tpu.dma_semaphore, #tpu.memory_space<semaphore_mem>>
        %dma_start3A_163 = arith.constant 0 : i32
        %dma_start3A_164 = tpu.memref_slice %arg6[%mul3A_37, %dma_start3A_163] : memref<320000x16xf32, #tpu.memory_space<hbm>> -> memref<128x16xf32, #tpu.memory_space<hbm>>
        %dma_start3A_165 = arith.constant 0 : i32
        %dma_start3A_166 = tpu.memref_slice %arg6[%mul3A_37, %dma_start3A_165] : memref<320000x16xf32, #tpu.memory_space<hbm>> -> memref<128x16xf32, #tpu.memory_space<hbm>>
        tpu.enqueue_dma source(%arg13 : memref<128x16xf32, #tpu.memory_space<vmem>>) target(%dma_start3A_166 : memref<128x16xf32, #tpu.memory_space<hbm>>) target_semaphore(%run_scoped3A_162 : memref<!tpu.dma_semaphore, #tpu.memory_space<semaphore_mem>>)
        %dma_wait3A_167 = arith.constant 0 : i32
        %dma_wait3A_168 = tpu.memref_slice %arg6[%mul3A_37, %dma_wait3A_167] : memref<320000x16xf32, #tpu.memory_space<hbm>> -> memref<128x16xf32, #tpu.memory_space<hbm>>
        %dma_wait3A_169 = arith.constant 0 : i32
        %dma_wait3A_170 = tpu.memref_slice %arg6[%mul3A_37, %dma_wait3A_169] : memref<320000x16xf32, #tpu.memory_space<hbm>> -> memref<128x16xf32, #tpu.memory_space<hbm>>
        tpu.wait_dma2 semaphore(%run_scoped3A_162 : memref<!tpu.dma_semaphore, #tpu.memory_space<semaphore_mem>>) src(%arg13 : memref<128x16xf32, #tpu.memory_space<vmem>>) dst(%dma_wait3A_170 : memref<128x16xf32, #tpu.memory_space<hbm>>)
        tpu.yield
      }) : () -> ()
    }
    return
  }
}

module attributes {stable_mosaic.version = 14 : i64} {
  func.func @_tc_norm_body(%arg0: i32, %arg1: memref<2000x128xf32, #tpu.memory_space<vmem>>, %arg2: memref<2000x128xf32, #tpu.memory_space<vmem>>, %arg3: memref<2000x128xf32, #tpu.memory_space<vmem>>, %arg4: memref<2000x128xf32, #tpu.memory_space<vmem>>) attributes {dimension_semantics = [#tpu.dimension_semantics<arbitrary>], iteration_bounds = array<i64: 5>, scalar_prefetch = 0 : i64, scratch_operands = 0 : i64, tpu.core_type = #tpu.core_type<tc>, window_params = [{transform_indices = @transform_0, window_bounds = array<i64: 2000, 128>}, {transform_indices = @transform_1, window_bounds = array<i64: 2000, 128>}, {transform_indices = @transform_2, window_bounds = array<i64: 2000, 128>}, {transform_indices = @transform_3, window_bounds = array<i64: 2000, 128>}]} {
    %get3A = arith.constant 0 : index
    %get3A_0 = arith.constant 0 : index
    %get3A_1 = vector.load %arg1[%get3A, %get3A_0] : memref<2000x128xf32, #tpu.memory_space<vmem>>, vector<2000x128xf32>
    %abs3A = math.absf %get3A_1 : vector<2000x128xf32>
    %reduce_max3A = arith.constant dense<0xFF800000> : vector<2000xf32>
    %reduce_max3A_2 = vector.multi_reduction <maximumf>, %abs3A, %reduce_max3A [1] : vector<2000x128xf32> to vector<2000xf32>
    %broadcast_in_dim3A = vector.shape_cast %reduce_max3A_2 : vector<2000xf32> to vector<2000x1xf32>
    %max3A = arith.constant 1.000000e-30 : f32
    %max3A_3 = vector.broadcast %max3A : f32 to vector<2000x1xf32>
    %max3A_4 = arith.maximumf %broadcast_in_dim3A, %max3A_3 : vector<2000x1xf32>
    %div3A = vector.broadcast %max3A_4 : vector<2000x1xf32> to vector<2000x128xf32>
    %div3A_5 = arith.divf %get3A_1, %div3A : vector<2000x128xf32>
    %mul3A = arith.mulf %div3A_5, %div3A_5 : vector<2000x128xf32>
    %reduce_sum3A = arith.constant dense<0.000000e+00> : vector<2000xf32>
    %reduce_sum3A_6 = vector.multi_reduction <add>, %mul3A, %reduce_sum3A [1] : vector<2000x128xf32> to vector<2000xf32>
    %broadcast_in_dim3A_7 = vector.shape_cast %reduce_sum3A_6 : vector<2000xf32> to vector<2000x1xf32>
    %sqrt3A = math.sqrt %broadcast_in_dim3A_7 : vector<2000x1xf32>
    %max3A_8 = arith.constant 9.99999996E-13 : f32
    %max3A_9 = vector.broadcast %max3A_8 : f32 to vector<2000x1xf32>
    %max3A_10 = arith.maximumf %sqrt3A, %max3A_9 : vector<2000x1xf32>
    %div3A_11 = vector.broadcast %max3A_10 : vector<2000x1xf32> to vector<2000x128xf32>
    %div3A_12 = arith.divf %div3A_5, %div3A_11 : vector<2000x128xf32>
    %swap3A = arith.constant 0 : index
    %swap3A_13 = arith.constant 0 : index
    %swap3A_14 = vector.load %arg3[%swap3A, %swap3A_13] : memref<2000x128xf32, #tpu.memory_space<vmem>>, vector<2000x128xf32>
    tpu.vector_store %arg3[%swap3A, %swap3A_13], %div3A_12 {strides = array<i32>} : memref<2000x128xf32, #tpu.memory_space<vmem>>, vector<2000x128xf32>,
    %get3A_15 = arith.constant 0 : index
    %get3A_16 = arith.constant 0 : index
    %get3A_17 = vector.load %arg2[%get3A_15, %get3A_16] : memref<2000x128xf32, #tpu.memory_space<vmem>>, vector<2000x128xf32>
    %add3A = arith.addf %get3A_17, %div3A_12 : vector<2000x128xf32>
    %swap3A_18 = arith.constant 0 : index
    %swap3A_19 = arith.constant 0 : index
    %swap3A_20 = vector.load %arg4[%swap3A_18, %swap3A_19] : memref<2000x128xf32, #tpu.memory_space<vmem>>, vector<2000x128xf32>
    tpu.vector_store %arg4[%swap3A_18, %swap3A_19], %add3A {strides = array<i32>} : memref<2000x128xf32, #tpu.memory_space<vmem>>, vector<2000x128xf32>,
    return
  }
  func.func @transform_0(%arg0: i32) -> (i32, i32) {
    %c0_i32 = arith.constant 0 : i32
    %c0_i32_0 = arith.constant 0 : i32
    return %arg0, %c0_i32 : i32, i32
  }
  func.func @transform_1(%arg0: i32) -> (i32, i32) {
    %c0_i32 = arith.constant 0 : i32
    %c0_i32_0 = arith.constant 0 : i32
    return %arg0, %c0_i32 : i32, i32
  }
  func.func @transform_2(%arg0: i32) -> (i32, i32) {
    %c0_i32 = arith.constant 0 : i32
    %c0_i32_0 = arith.constant 0 : i32
    return %arg0, %c0_i32 : i32, i32
  }
  func.func @transform_3(%arg0: i32) -> (i32, i32) {
    %c0_i32 = arith.constant 0 : i32
    %c0_i32_0 = arith.constant 0 : i32
    return %arg0, %c0_i32 : i32, i32
  }
}

module attributes {stable_mosaic.version = 14 : i64} {
  func.func @_tc_norm_body(%arg0: i32, %arg1: memref<2000x128xf32, #tpu.memory_space<vmem>>, %arg2: memref<2000x128xf32, #tpu.memory_space<vmem>>, %arg3: memref<2000x128xf32, #tpu.memory_space<vmem>>, %arg4: memref<2000x128xf32, #tpu.memory_space<vmem>>) attributes {dimension_semantics = [#tpu.dimension_semantics<arbitrary>], iteration_bounds = array<i64: 5>, scalar_prefetch = 0 : i64, scratch_operands = 0 : i64, tpu.core_type = #tpu.core_type<tc>, window_params = [{transform_indices = @transform_0, window_bounds = array<i64: 2000, 128>}, {transform_indices = @transform_1, window_bounds = array<i64: 2000, 128>}, {transform_indices = @transform_2, window_bounds = array<i64: 2000, 128>}, {transform_indices = @transform_3, window_bounds = array<i64: 2000, 128>}]} {
    %get3A = arith.constant 0 : index
    %get3A_0 = arith.constant 0 : index
    %get3A_1 = vector.load %arg1[%get3A, %get3A_0] : memref<2000x128xf32, #tpu.memory_space<vmem>>, vector<2000x128xf32>
    %abs3A = math.absf %get3A_1 : vector<2000x128xf32>
    %reduce_max3A = arith.constant dense<0xFF800000> : vector<2000xf32>
    %reduce_max3A_2 = vector.multi_reduction <maximumf>, %abs3A, %reduce_max3A [1] : vector<2000x128xf32> to vector<2000xf32>
    %broadcast_in_dim3A = vector.shape_cast %reduce_max3A_2 : vector<2000xf32> to vector<2000x1xf32>
    %max3A = arith.constant 1.000000e-30 : f32
    %max3A_3 = vector.broadcast %max3A : f32 to vector<2000x1xf32>
    %max3A_4 = arith.maximumf %broadcast_in_dim3A, %max3A_3 : vector<2000x1xf32>
    %div3A = vector.broadcast %max3A_4 : vector<2000x1xf32> to vector<2000x128xf32>
    %div3A_5 = arith.divf %get3A_1, %div3A : vector<2000x128xf32>
    %mul3A = arith.mulf %div3A_5, %div3A_5 : vector<2000x128xf32>
    %reduce_sum3A = arith.constant dense<0.000000e+00> : vector<2000xf32>
    %reduce_sum3A_6 = vector.multi_reduction <add>, %mul3A, %reduce_sum3A [1] : vector<2000x128xf32> to vector<2000xf32>
    %broadcast_in_dim3A_7 = vector.shape_cast %reduce_sum3A_6 : vector<2000xf32> to vector<2000x1xf32>
    %sqrt3A = math.sqrt %broadcast_in_dim3A_7 : vector<2000x1xf32>
    %max3A_8 = arith.constant 9.99999996E-13 : f32
    %max3A_9 = vector.broadcast %max3A_8 : f32 to vector<2000x1xf32>
    %max3A_10 = arith.maximumf %sqrt3A, %max3A_9 : vector<2000x1xf32>
    %div3A_11 = vector.broadcast %max3A_10 : vector<2000x1xf32> to vector<2000x128xf32>
    %div3A_12 = arith.divf %div3A_5, %div3A_11 : vector<2000x128xf32>
    %swap3A = arith.constant 0 : index
    %swap3A_13 = arith.constant 0 : index
    %swap3A_14 = vector.load %arg3[%swap3A, %swap3A_13] : memref<2000x128xf32, #tpu.memory_space<vmem>>, vector<2000x128xf32>
    tpu.vector_store %arg3[%swap3A, %swap3A_13], %div3A_12 {strides = array<i32>} : memref<2000x128xf32, #tpu.memory_space<vmem>>, vector<2000x128xf32>,
    %get3A_15 = arith.constant 0 : index
    %get3A_16 = arith.constant 0 : index
    %get3A_17 = vector.load %arg2[%get3A_15, %get3A_16] : memref<2000x128xf32, #tpu.memory_space<vmem>>, vector<2000x128xf32>
    %add3A = arith.addf %get3A_17, %div3A_12 : vector<2000x128xf32>
    %swap3A_18 = arith.constant 0 : index
    %swap3A_19 = arith.constant 0 : index
    %swap3A_20 = vector.load %arg4[%swap3A_18, %swap3A_19] : memref<2000x128xf32, #tpu.memory_space<vmem>>, vector<2000x128xf32>
    tpu.vector_store %arg4[%swap3A_18, %swap3A_19], %add3A {strides = array<i32>} : memref<2000x128xf32, #tpu.memory_space<vmem>>, vector<2000x128xf32>,
    return
  }
  func.func @transform_0(%arg0: i32) -> (i32, i32) {
    %c0_i32 = arith.constant 0 : i32
    %c0_i32_0 = arith.constant 0 : i32
    return %arg0, %c0_i32 : i32, i32
  }
  func.func @transform_1(%arg0: i32) -> (i32, i32) {
    %c0_i32 = arith.constant 0 : i32
    %c0_i32_0 = arith.constant 0 : i32
    return %arg0, %c0_i32 : i32, i32
  }
  func.func @transform_2(%arg0: i32) -> (i32, i32) {
    %c0_i32 = arith.constant 0 : i32
    %c0_i32_0 = arith.constant 0 : i32
    return %arg0, %c0_i32 : i32, i32
  }
  func.func @transform_3(%arg0: i32) -> (i32, i32) {
    %c0_i32 = arith.constant 0 : i32
    %c0_i32_0 = arith.constant 0 : i32
    return %arg0, %c0_i32 : i32, i32
  }
}

</mosaic_0001>

<sc_bundles>
// kernel: kernel.10.cloned.1.call-start
scs
__scs_entry_jumppad:
0x0: {  	(pc) =	sbr.rel $0x88, $3  }
0x1: {  	(tag) =	ssettag $0x0;
	lr =	simm.s32 $0x1  }
0x2: {  	[smem:$0x3F9D] =	sst lr;
	_ =	strace $0xD0000000  }
0x3: {  	_ = 	snop  }
0x4: {  	_ = 	snop  }
0x5: {  	_ = 	snop  }
0x6: {  	_ = 	snop  }
0x7: {  	_ = 	snop  }
__scs_overlays_trampoline_lowered:
0x8: {  	[smem:$0x3FAC] =	sst s0  }
0x9: {  	[smem:$0x3FAD] =	sst s1  }
0xa: {  	[smem:$0x3FAE] =	sst s2  }
0xb: {  	[smem:$0x3FAF] =	sst s3  }
0xc: {  	[smem:$0x3FB0] =	sst s4  }
0xd: {  	[smem:$0x3FB1] =	sst s5  }
0xe: {  	[smem:$0x3FB2] =	sst s6  }
0xf: {  	[smem:$0x3FB3] =	sst s7  }
0x10: {  	[smem:$0x3FB4] =	sst s8  }
0x11: {  	[smem:$0x3FB5] =	sst s9;
	s0 =	simm.s32 @!p0 $0x0  }
0x12: {  	s1 =	sld [smem:$0x3F9B];
	s0 =	simm.s32 @p0 $0x1  }
0x13: {  	[smem:$0x3FB6] =	sst s0;
	s0 =	simm.s32 @!p1 $0x0  }
0x14: {  	s2 =	sld [smem:$0x3F9A];
	s0 =	simm.s32 @p1 $0x1  }
0x15: {  	[smem:$0x3FB7] =	sst s0;
	s0 =	simm.s32 @!p2 $0x0  }
0x16: {  	s3 =	sld [smem:$0x3FDB];
	s0 =	simm.s32 @p2 $0x1  }
0x17: {  	s4 =	simm.s32 $0x1BF5;
	[smem:$0x3FB9] =	sst s0  }
0x18: {  	s0 =	sld [smem:$0x3F9C];
	_ =	swait.ge [sflag:s4], $0x0  }
0x19: {  	s7 =	sld [smem:$0x3F9D]  }
0x1a: {  	s8 =	sadd.s32 $0xFFFFE003, lr  }
0x1b: {  	s9 =	sadd.s32 $0xFFFFFEF7, lr;
	s5 =	simm.s32 $0xFFFFFFFF;
	p2 =	slt.u32 s8, $0xFFFFF086  }
0x1c: {  	p1 =	slt.u32 s9, $0xF7A;
	s5 =	simm.s32 @!p2 $0x0  }
0x1d: {  	s5 =	simm.s32 @p1 $0x1;
	p0 =	seq.s32 s7, s2  }
0x1e: {  	s7 =	smul.u32 @!p0 $0xF7A, s2;
	p2 =	seq.s32 @!p0 s5, $0x0  }
0x1f: {  	s9 =	smul.u32 $0xF7A, s1;
	s8 =	simm.s32 @!p0 $0x1BF5;
	p2 =	por !p2, p0  }
0x20: {  	[sflag:s8] =	ssyncset.s32 @!p0 $0xFFFFF086;
	s6 =	sadd.s32 @!p0 s3, s7;
	s7 =	simm.s32 @!p0 $0x108  }
0x21: {  	s3 =	sadd.s32 s3, s9;
	s6 =	sadd.s32 @!p0 $0x88, s6;
	s7 =	simm.s32 @p2 $0x1082  }
0x22: {  	[simem:s7], [sflag:s8] =	dma.local @!p0 [hbm:s6], $0xF7A  }
0x23: {  	s9 =	sor.u32 $0xD0000000, s2;
	s6 =	simm.s32 $0x108;
	_ =	swait.ge @!p0 [sflag:s8], $0x0  }
0x24: {  	s3 =	sadd.s32 $0x88, s3;
	s6 =	simm.s32 @!p1 $0x1082;
	[sflag:s4] =	ssyncset.s32 $0xFFFFF086  }
0x25: {  	[simem:s6], [sflag:s4] =	dma.local [hbm:s3], $0xF7A  }
0x26: {  	[smem:$0x3F9D] =	sst s1;
	(tag) =	ssettag s2;
	_ =	strace s9  }
0x27: {  	s1 =	sld [smem:$0x3FAD]  }
0x28: {  	s2 =	sld [smem:$0x3FAE]  }
0x29: {  	s4 =	sld [smem:$0x3FB0]  }
0x2a: {  	p0 =	seq.s32 s5, $0x0;
	s5 =	sld [smem:$0x3FB1]  }
0x2b: {  	s6 =	sld [smem:$0x3FB2]  }
0x2c: {  	s7 =	sld [smem:$0x3FB3]  }
0x2d: {  	s3 =	simm.s32 $0x108;
	s8 =	sld [smem:$0x3FB4]  }
0x2e: {  	s3 =	simm.s32 @!p0 $0x1082;
	s9 =	sld [smem:$0x3FB5]  }
0x2f: {  	lr =	sadd.s32 s0, s3;
	s0 =	sld [smem:$0x3FAC]  }
0x30: {  	s3 =	sld [smem:$0x3FAF]  }
0x31: {  	[smem:$0x3FB8] =	sst s10  }
0x32: {  	s10 =	sld [smem:$0x3FB6];
	_ =	sdelay $0x3  }
0x33: {  	p0 =	seq.s32 s10, $0x1;
	s10 =	sld [smem:$0x3FB8];
	_ =	sdelay $0x3  }
0x34: {  	[smem:$0x3FB8] =	sst s10  }
0x35: {  	s10 =	sld [smem:$0x3FB7];
	_ =	sdelay $0x3  }
0x36: {  	p1 =	seq.s32 s10, $0x1;
	s10 =	sld [smem:$0x3FB8];
	_ =	sdelay $0x3  }
0x37: {  	[smem:$0x3FB8] =	sst s10  }
0x38: {  	s10 =	sld [smem:$0x3FB9]  }
0x39: {  	_ = 	snop;
	(pc) =	sbr.ind lr, $3  }
0x3a: {  	_ = 	snop  }
0x3b: {  	_ = 	snop  }
0x3c: {  	p2 =	seq.s32 s10, $0x1;
	s10 =	sld [smem:$0x3FB8]  }
0x3d: {  	_ =	shalt  }
0x3e: {  	_ =	shalt  }
0x3f: {  	_ =	shalt  }
0x40: {  	_ =	shalt  }
0x41: {  	_ =	shalt  }
0x42: {  	_ =	shalt  }
0x43: {  	_ =	shalt  }
0x44: {  	_ =	shalt  }
0x45: {  	_ =	shalt  }
0x46: {  	_ =	shalt  }
0x47: {  	_ =	shalt  }
0x48: {  	_ =	shalt  }
0x49: {  	_ =	shalt  }
0x4a: {  	_ =	shalt  }
0x4b: {  	_ =	shalt  }
0x4c: {  	_ =	shalt  }
0x4d: {  	_ =	shalt  }
0x4e: {  	_ =	shalt  }
0x4f: {  	_ =	shalt  }
0x50: {  	_ =	shalt  }
0x51: {  	_ =	shalt  }
0x52: {  	_ =	shalt  }
0x53: {  	_ =	shalt  }
0x54: {  	_ =	shalt  }
0x55: {  	_ =	shalt  }
0x56: {  	_ =	shalt  }
0x57: {  	_ =	shalt  }
0x58: {  	_ =	shalt  }
0x59: {  	_ =	shalt  }
0x5a: {  	_ =	shalt  }
0x5b: {  	_ =	shalt  }
0x5c: {  	_ =	shalt  }
0x5d: {  	_ =	shalt  }
0x5e: {  	_ =	shalt  }
0x5f: {  	_ =	shalt  }
0x60: {  	_ =	shalt  }
0x61: {  	_ =	shalt  }
0x62: {  	_ =	shalt  }
0x63: {  	_ =	shalt  }
0x64: {  	_ =	shalt  }
0x65: {  	_ =	shalt  }
0x66: {  	_ =	shalt  }
0x67: {  	_ =	shalt  }
0x68: {  	_ =	shalt  }
0x69: {  	_ =	shalt  }
0x6a: {  	_ =	shalt  }
0x6b: {  	_ =	shalt  }
0x6c: {  	_ =	shalt  }
0x6d: {  	_ =	shalt  }
0x6e: {  	_ =	shalt  }
0x6f: {  	_ =	shalt  }
0x70: {  	_ =	shalt  }
0x71: {  	_ =	shalt  }
0x72: {  	_ =	shalt  }
0x73: {  	_ =	shalt  }
0x74: {  	_ =	shalt  }
0x75: {  	_ =	shalt  }
0x76: {  	_ =	shalt  }
0x77: {  	_ =	shalt  }
0x78: {  	_ =	shalt  }
0x79: {  	_ =	shalt  }
0x7a: {  	_ =	shalt  }
0x7b: {  	_ =	shalt  }
0x7c: {  	_ =	shalt  }
0x7d: {  	_ =	shalt  }
0x7e: {  	_ =	shalt  }
0x7f: {  	_ =	shalt  }
0x80: {  	_ =	shalt  }
0x81: {  	_ =	shalt  }
0x82: {  	_ =	shalt  }
0x83: {  	_ =	shalt  }
0x84: {  	_ =	shalt  }
0x85: {  	_ =	shalt  }
0x86: {  	_ =	shalt  }
0x87: {  	_ =	shalt  }
.Lfunc_end0:
.L_simem_size_0:
called_computation.1_lowered:
.L_overlay_start_0:
0x88: {  	s0 =	sld [smem:$0x3FD9]  }
0x89: {  	s1 =	sld [smem:$0x3FFE];
	_ =	sdelay $0x3  }
0x8a: {  	s0 =	sadd.s32 s1, s0  }
0x8b: {  	[smem:$0x3FC4] =	sst s0  }
0x8c: {  	_ = 	snop  }
0x8d: {  	s0 =	sld [smem:$0x3FC9]  }
0x8e: {  	s16 =	sld [smem:$0x3FC8]  }
0x8f: {  	s2 =	sld [smem:$0x3FC7]  }
0x90: {  	s3 =	sld [smem:$0x3FC6]  }
0x91: {  	s4 =	sld [smem:$0x3FD0];
	(tm) =	ssettm $0x1  }
0x92: {  	s5 =	sld [smem:$0x3FFB];
	_ =	sdelay $0x3  }
0x93: {  	_ =	strace s5  }
0x94: {  	s5 =	sld [smem:$0x3FFC];
	_ =	sdelay $0x3  }
0x95: {  	_ =	strace s5  }
0x96: {  	s5 =	sld [smem:$0x3FFD];
	_ =	sdelay $0x3  }
0x97: {  	_ =	strace s5  }
0x98: {  	_ =	strace $0x8FFFFFFF  }
0x99: {  	s17 =	sld [smem:$0x3FDB];
	_ =	sdelay $0x1  }
0x9a: {  	s6 =	simm.s32 $_scs_section_size  }
0x9b: {  	s7 =	simm.s32 $_size__tile_overlayer_lowered;
	s8 =	simm.s32 $_tile_overlayer_lowered  }
0x9c: {  	s20 =	simm.s32 $0x1BFF;
	s19 =	sshll.u32 s8, $0x1;
	s5 =	sadd.s32 s6, s17  }
0x9d: {  	s9 =	simm.s32 $0x0;
	s18 =	sshll.u32 s7, $0x1;
	s7 =	sadd.s32 s19, s5  }
0x9e: {  	[timem:s9], [sflag:s20] =	dma.local [hbm:s7], s18  }
0x9f: {  	_ =	swait.ge [sflag:s20], s18  }
0xa0: {  	s6 =	ssub.s32 $0x0, s18;
	[sflag:s20] =	ssyncset.done $0x0  }
0xa1: {  	[sflag:s20] =	ssyncadd.s32 s6;
	_ =	sdelay $0x1  }
0xa2: {  	s21 =	simm.s32 $0x1B8B  }
0xa3: {  	_ =	swait.ge [sflag:s21], $0x1  }
0xa4: {  	[sflag:s21] =	ssyncset.done $0x0  }
0xa5: {  	s23 =	simm.s32 $0x1B8E;
	s22 =	sld [smem:$0x3FFE];
	[sflag:s21] =	ssyncadd.s32 $0xFFFFFFFF  }
0xa6: {  	s24 =	simm.s32 $execute0_lowered;
	[smem:$0x3FD2] =	sst s23  }
0xa7: {  	s7 =	sshll.u32 s24, $0x1;
	_ =	strace $0x80000049;
	[dreg:$0x1] =	wrdreg $0xFFFFFFFF  }
0xa8: {  	s25 =	simm.s32 $_size_execute0_lowered;
	s5 =	sadd.s32 s5, s7;
	[dreg:$0x0] =	wrdreg $0x0  }
0xa9: {  	s7 =	sshll.u32 s25, $0x1;
	[dreg:$0x2] =	wrdreg s5  }
0xaa: {  	[dreg:$0x3] =	wrdreg s7  }
0xab: {  	[dreg:$0x4] =	wrdreg $0xC0  }
0xac: {  	_ =	task [dreg:s9], $0x5FFFF  }
0xad: {  	[dreg:$0x1] =	wrdreg $0xFFFFFFFF  }
0xae: {  	[dreg:$0x0] =	wrdreg $0x60  }
0xaf: {  	[dreg:$0x2] =	wrdreg s0  }
0xb0: {  	[dreg:$0x3] =	wrdreg s16  }
0xb1: {  	[dreg:$0x4] =	wrdreg s2  }
0xb2: {  	[dreg:$0x5] =	wrdreg s3  }
0xb3: {  	[dreg:$0x6] =	wrdreg s22  }
0xb4: {  	[dreg:$0x7] =	wrdreg s4  }
0xb5: {  	[dreg:$0x8] =	wrdreg $0xC1800  }
0xb6: {  	[dreg:$0x9] =	wrdreg $0x9  }
0xb7: {  	_ =	task.clear_ibuf [dreg:s9], $0xAFFFF;
	_ =	strace $0x90000049  }
0xb8: {  	s26 =	simm.s32 $0x9;
	_ =	strace $0x8000004B  }
0xb9: {  	_ =	swait.ge [sflag:s26], $0x1  }
0xba: {  	[sflag:s26] =	ssyncadd.s32 $0xFFFFFFFF  }
0xbb: {  	_ =	strace $0x9000004B  }
0xbc: {  	_ =	sfence  }
0xbd: {  	s28 =	sld [smem:$0x0];
	_ =	sdelay $0x1  }
0xbe: {  	s29 =	srdreg.scid  }
0xbf: {  	s30 =	sshll.u32 s29, $0xD;
	s31 =	sshrl.u32 s29, $0x2  }
0xc0: {  	s1 =	sand.u32 $0x1, s29;
	s2 =	sand.u32 $0x4000, s30;
	s0 =	sadd.s32 s31, s28  }
0xc1: {  	s1 =	sor.u32 s2, s1;
	s0 =	sshll.u32 s0, $0x11  }
0xc2: {  	s0 =	sor.u32 s0, s1  }
0xc3: {  	s0 =	sadd.s32 $0x8F2B, s0  }
0xc4: {  	[sflag:s0] =	ssyncadd.remote.s32 $0x1  }
0xc5: {  	_ =	sfence.sel $0xFFFF  }
0xc6: {  	[dreg:$0x0] =	wrdreg $0xFFFFFFFF;
	(pc) =	sbr.abs _section_cstart, $3  }
0xc7: {  	[dreg:$0x1] =	wrdreg $0xFFFFFFFF  }
0xc8: {  	_ =	task.clear_ibuf [dreg:s9], $0x2FFFF;
	_ =	strace $0x9FFFFFFF  }
0xc9: {  	(tm) =	ssettm $0x7FFFFFFF  }
tec
execute0_lowered:
.L_overlay_start_1:
0x0: {  	(tag) =	ssettag $0x1  }
0x1: {  	s2 =	rddreg [dreg:$0x0]  }
0x2: {  	s3 =	rddreg [dreg:$0x1]  }
0x3: {  	s4 =	rddreg [dreg:$0x2]  }
0x4: {  	s5 =	rddreg [dreg:$0x3]  }
0x5: {  	s1 =	rddreg [dreg:$0x4]  }
0x6: {  	s0 =	rddreg [dreg:$0x5]  }
0x7: {  	s6 =	rddreg [dreg:$0x6];
	s7 =	simm.s32 $0x0  }
0x8: {  	s8 =	simm.s32 $0x0;
	s9 =	simm.s32 $0x200;
	[smem:$0x7FF] =	sst s7  }
0x9: {  	v0 =	vimm.f32 $0.0e+00;
	s7 =	sadd.s32 $0x1C00, s1;
	s1 =	stileid.u32;
	_ =	strace $0x8000004A  }
.LBB2_1:
0xa: {  	p0 =	sne.s32 s9, $0xFE00;
	[tilespmem:s8+$0x1F0] =	vst v0  }
0xb: {  	[tilespmem:s8+$0x180] =	vst v0  }
0xc: {  	[tilespmem:s8+$0x190] =	vst v0  }
.Ltmp0:
0xd: {  	[tilespmem:s8+$0x1A0] =	vst v0;
	(pc) =	sbr.rel @p0 .LBB2_1-.Ltmp0, $4  }
0xe: {  	[tilespmem:s8+$0x1B0] =	vst v0  }
0xf: {  	[tilespmem:s8+$0x1C0] =	vst v0  }
0x10: {  	[tilespmem:s8+$0x1D0] =	vst v0  }
0x11: {  	[tilespmem:s8+$0x1E0] =	vst v0;
	s8 =	sshra.s32 s9, $0x2;
	s9 =	sadd.s32 $0x200, s9  }
0x12: {  	[tilespmem:s8+$0x1F0] =	vst v0  }
0x13: {  	[tilespmem:s8+$0x180] =	vst v0  }
0x14: {  	[tilespmem:s8+$0x190] =	vst v0  }
0x15: {  	[tilespmem:s8+$0x1A0] =	vst v0  }
0x16: {  	[tilespmem:s8+$0x1B0] =	vst v0  }
0x17: {  	s9 =	smul.u32 $0x4F000, s1;
	[tilespmem:s8+$0x1C0] =	vst v0  }
0x18: {  	[tilespmem:s8+$0x1D0] =	vst v0;
	s15 =	smul.u32 $0x278, s1;
	s13 =	simm.s32 $0x180;
	s14 =	simm.s32 $0x4  }
0x19: {  	[tilespmem:s8+$0x1E0] =	vst v0;
	p0 =	seq.s32 s1, $0xF;
	s8 =	sadd.s32 $0x138400, s6;
	s9 =	sshrl.u32 s9, $0x2  }
0x1a: {  	s19 =	ssub.s32 $0x9D3, s1;
	s20 =	smul.u32 $0x2780, s1;
	s12 =	sadd.s32 s9, s6  }
0x1b: {  	[spmem:s12] =	stream.linear.scatter [tilespmem:s13], [sflag:$0x4], $0x4000, $0x38;
	[tilespmem:$0x1FA00] =	vst v63  }
0x1c: {  	s23 =	sshll.u32 s1, $0x7;
	s16 =	sadd.s32 $0x80, s15;
	_ =	swait.ge [sflag:s14], $0x4000  }
0x1d: {  	s24 =	sadd.s32 $0x10, s4;
	s25 =	sshll.u32 s16, $0x7;
	[sflag:s14] =	ssyncset.done $0x0  }
0x1e: {  	s28 =	simm.s32 $0x100;
	s11 =	sadd.s32 s25, s6;
	[sflag:s14] =	ssyncadd.s32 $0xFFFFC000  }
0x1f: {  	[spmem:s11] =	stream.linear.scatter [tilespmem:s13], [sflag:$0x4], $0x4000, $0x38;
	[tilespmem:$0x1FA00] =	vst v63  }
0x20: {  	s29 =	simm.s32 $0x8180;
	s17 =	sadd.s32 $0x100, s15;
	_ =	swait.ge [sflag:s14], $0x4000  }
0x21: {  	s30 =	simm.s32 $0x4180;
	s26 =	sshll.u32 s17, $0x7;
	[sflag:s14] =	ssyncset.done $0x0  }
0x22: {  	s31 =	simm.s32 $0x1;
	s10 =	sadd.s32 s26, s6;
	[sflag:s14] =	ssyncadd.s32 $0xFFFFC000  }
0x23: {  	[spmem:s10] =	stream.linear.scatter [tilespmem:s13], [sflag:$0x4], $0x4000, $0x38;
	[tilespmem:$0x1FA00] =	vst v63  }
0x24: {  	s21 =	simm.s32 @p0 $0x180;
	s18 =	sadd.s32 $0x180, s15;
	_ =	swait.ge [sflag:s14], $0x4000  }
0x25: {  	s22 =	sshrl.u32 s19, $0x4;
	s9 =	sshll.u32 s18, $0x7;
	[sflag:s14] =	ssyncset.done $0x0  }
0x26: {  	s19 =	simm.s32 @p0 $0x4;
	s9 =	sadd.s32 s9, s6;
	[sflag:s14] =	ssyncadd.s32 $0xFFFFC000  }
0x27: {  	[spmem:s9] =	stream.linear.scatter [tilespmem:s13], [sflag:$0x4], $0x4000, $0x38;
	[tilespmem:$0x1FA00] =	vst v63  }
0x28: {  	s20 =	sadd.s32 s0, s20;
	s15 =	sadd.s32 $0x200, s15;
	_ =	swait.ge [sflag:s14], $0x4000  }
0x29: {  	s16 =	sshll.u32 s16, $0x4;
	s17 =	sshll.u32 s17, $0x4;
	[sflag:s14] =	ssyncset.done $0x0  }
0x2a: {  	s17 =	sadd.s32 s0, s17;
	s25 =	sshll.u32 s15, $0x7;
	[sflag:s14] =	ssyncadd.s32 $0xFFFFC000  }
0x2b: {  	[spmem:s8] =	stream.linear.scatter @p0 [tilespmem:s21], [sflag:$0x4], $0x400, $0x38;
	[tilespmem:$0x1FA00] =	vst v63  }
0x2c: {  	s15 =	sshll.u32 s15, $0x4;
	s26 =	sadd.s32 $0x27080, s0;
	_ =	swait.ge @p0 [sflag:s19], $0x400  }
0x2d: {  	s15 =	sadd.s32 s0, s15;
	s21 =	simm.s32 @!p0 $0x180;
	[sflag:s19] =	ssyncset.done @p0 $0x0  }
0x2e: {  	[dreg:$0xc] =	wrdreg s17;
	[sflag:s19] =	ssyncadd.s32 @p0 $0xFFFFFC00;
	s19 =	sadd.s32 @!p0 $0x10000, s12  }
0x2f: {  	[spmem:s19] =	stream.linear.scatter @!p0 [tilespmem:s21], [sflag:$0x4], $0x3C00, $0x38;
	[tilespmem:$0x1FA00] =	vst v63  }
0x30: {  	s21 =	sadd.s32 s0, s16;
	s16 =	simm.s32 @!p0 $0x4;
	s19 =	sshll.u32 s18, $0x4  }
0x31: {  	_ =	swait.ge @!p0 [sflag:s16], $0x3C00;
	s17 =	sadd.s32 s0, s19;
	[dreg:$0x8] =	wrdreg s15  }
0x32: {  	[dreg:$0xa] =	wrdreg s26;
	s26 =	simm.s32 $0x80;
	s0 =	simm.s32 $0x2  }
0x33: {  	[dreg:$0xb] =	wrdreg s17;
	[sflag:s16] =	ssyncset.done @!p0 $0x0;
	s17 =	sadd.s32 s25, s6  }
0x34: {  	s15 =	simm.s32 $0x3;
	[dreg:$0x9] =	wrdreg s17;
	[sflag:s16] =	ssyncadd.s32 @!p0 $0xFFFFC400  }
0x35: {  	s25 =	simm.s32 $0x0;
	s16 =	simm.s32 $0x0;
	[bflag:$0x0] =	sbarrier.arrive $0xFFFF  }
.LBB2_3:
0x36: {  	s17 =	sshll.u32 s16, $0xB  }
0x37: {  	s17 =	sor.u32 s23, s17  }
0x38: {  	s18 =	sshrl.u32 s17, $0x2  }
0x39: {  	s19 =	sadd.s32 s4, s18  }
0x3a: {  	[tilespmem:s25], [sflag:$0x4] =	stream.linear.gather [hbm4b:s19+s25], $0x80, $0x38;
	[tilespmem:$0x1FA00] =	vst v63  }
0x3b: {  	_ =	swait.ge [sflag:s14], $0x80  }
0x3c: {  	[sflag:s14] =	ssyncset.done $0x0  }
0x3d: {  	s18 =	sadd.s32 s18, s24;
	[sflag:s14] =	ssyncadd.s32 $0xFFFFFF80  }
0x3e: {  	[tilespmem:s26], [sflag:$0x4] =	stream.linear.gather [hbm4b:s18+s25], $0x80, $0x38;
	[tilespmem:$0x1FA00] =	vst v63  }
0x3f: {  	_ =	swait.ge [sflag:s14], $0x80  }
0x40: {  	s19 =	sshrl.u32 s17, $0x3;
	[sflag:s14] =	ssyncset.done $0x0  }
0x41: {  	s18 =	sadd.s32 s5, s19;
	[sflag:s14] =	ssyncadd.s32 $0xFFFFFF80  }
0x42: {  	[tilespmem:s28], [sflag:$0x4] =	stream.linear.gather [hbm4b:s18+s25], $0x80, $0x38;
	[tilespmem:$0x1FA00] =	vst v63  }
0x43: {  	_ =	swait.ge [sflag:s14], $0x80  }
0x44: {  	[sflag:s14] =	ssyncset.done $0x0  }
0x45: {  	[sflag:s14] =	ssyncadd.s32 $0xFFFFFF80  }
0x46: {  	v0 =	vld [tilespmem:$0x100]  }
0x47: {  	v1 =	vld [tilespmem:$0x110]  }
0x48: {  	v2 =	vld [tilespmem:$0x120]  }
0x49: {  	v3 =	vld [tilespmem:$0x130]  }
0x4a: {  	v4 =	vld [tilespmem:$0x140]  }
0x4b: {  	v5 =	vld [tilespmem:$0x150];
	v0 =	vadd.s32 $0xFFFFFFFF, v0  }
0x4c: {  	v6 =	vld [tilespmem:$0x160];
	v1 =	vadd.s32 $0xFFFFFFFF, v1;
	v0 =	vand.u32 $0x1F, v0  }
0x4d: {  	[tilespmem:$0x100] =	vst v0;
	v0 =	vand.u32 $0x1F, v1;
	v1 =	vadd.s32 $0xFFFFFFFF, v2;
	v2 =	vld [tilespmem:$0x170]  }
0x4e: {  	[tilespmem:$0x110] =	vst v0;
	v0 =	vand.u32 $0x1F, v1;
	v1 =	vadd.s32 $0xFFFFFFFF, v3  }
0x4f: {  	[tilespmem:$0x120] =	vst v0;
	v0 =	vand.u32 $0x1F, v1;
	v1 =	vadd.s32 $0xFFFFFFFF, v4  }
0x50: {  	[tilespmem:$0x130] =	vst v0;
	v0 =	vand.u32 $0x1F, v1;
	v1 =	vadd.s32 $0xFFFFFFFF, v5  }
0x51: {  	[tilespmem:$0x140] =	vst v0;
	v0 =	vand.u32 $0x1F, v1;
	v1 =	vadd.s32 $0xFFFFFFFF, v6  }
0x52: {  	[tilespmem:$0x150] =	vst v0;
	v0 =	vand.u32 $0x1F, v1;
	v1 =	vadd.s32 $0xFFFFFFFF, v2  }
0x53: {  	s17 =	sshll.u32 s17, $0x4;
	[tilespmem:$0x160] =	vst v0;
	v0 =	vand.u32 $0x1F, v1  }
0x54: {  	s17 =	sadd.s32 s7, s17;
	[tilespmem:$0x170] =	vst v0  }
0x55: {  	[tilespmem:s29], [sflag:$0x1] =	stream.linear.gather [hbm4b:s17+s25], $0x4000, $0x38;
	[tilespmem:$0x1FA00] =	vst v63  }
0x56: {  	_ = 	snop  }
0x57: {  	[tilespmem:s13], [sflag:$0x2] =	stream.indirect.gather [hbm4b:s2+s26], $0x80, s26, s26, $0xb8;
	[tilespmem:$0x1FA00] =	vst v63  }
0x58: {  	_ = 	snop  }
0x59: {  	[tilespmem:s30], [sflag:$0x3] =	stream.indirect.gather [hbm4b:s3+s26], $0x80, s28, s26, $0xb8;
	[tilespmem:$0x1FA00] =	vst v63  }
0x5a: {  	_ =	swait.ge [sflag:s31], $0x4000  }
0x5b: {  	[sflag:s31] =	ssyncset.done $0x0  }
0x5c: {  	[sflag:s31] =	ssyncadd.s32 $0xFFFFC000  }
0x5d: {  	_ =	swait.ge [sflag:s0], $0x4000  }
0x5e: {  	[sflag:s0] =	ssyncset.done $0x0  }
0x5f: {  	[sflag:s0] =	ssyncadd.s32 $0xFFFFC000  }
0x60: {  	_ =	swait.ge [sflag:s15], $0x4000  }
0x61: {  	[sflag:s15] =	ssyncset.done $0x0  }
0x62: {  	s17 =	simm.s32 $0x0;
	[sflag:s15] =	ssyncadd.s32 $0xFFFFC000  }
0x63: {  	v0 =	vld [tilespmem:s17+$0x8180]  }
0x64: {  	v7 =	vld [tilespmem:s17+$0x4180]  }
0x65: {  	v12 =	vld [tilespmem:s17+$0x4190]  }
0x66: {  	v6 =	vld [tilespmem:s17+$0x41A0]  }
0x67: {  	v5 =	vld [tilespmem:s17+$0x41B0]  }
0x68: {  	v4 =	vld [tilespmem:s17+$0x41C0]  }
0x69: {  	v3 =	vld [tilespmem:s17+$0x41D0]  }
0x6a: {  	v2 =	vld [tilespmem:s17+$0x41E0]  }
0x6b: {  	v1 =	vld [tilespmem:s17+$0x41F0]  }
0x6c: {  	v13 =	vld [tilespmem:s17+$0x180]  }
0x6d: {  	v14 =	vld [tilespmem:s17+$0x190]  }
0x6e: {  	v11 =	vld [tilespmem:s17+$0x1A0]  }
0x6f: {  	v10 =	vld [tilespmem:s17+$0x1B0]  }
0x70: {  	v9 =	vld [tilespmem:s17+$0x1C0]  }
0x71: {  	v8 =	vld [tilespmem:s17+$0x1D0];
	v13 =	vmul.f32 v13, v7  }
0x72: {  	s18 =	simm.s32 $0x200;
	v12 =	vmul.f32 v14, v12;
	v7 =	vld [tilespmem:s17+$0x1E0]  }
.LBB2_4:
0x73: {  	s19 =	sshra.s32 s18, $0x2;
	p1 =	sne.s32 s18, $0xFE00;
	v13 =	vmul.f32 v13, v0;
	v6 =	vmul.f32 v11, v6;
	v11 =	vld [tilespmem:s17+$0x1F0]  }
0x74: {  	v14 =	vld [tilespmem:s19+$0x8180];
	v12 =	vmul.f32 v12, v0;
	v5 =	vmul.f32 v10, v5  }
0x75: {  	v15 =	vld [tilespmem:s19+$0x4180];
	[tilespmem:s17+$0x180] =	vst v13;
	v10 =	vmul.f32 v6, v0;
	v4 =	vmul.f32 v9, v4  }
0x76: {  	v16 =	vld [tilespmem:s19+$0x4190];
	[tilespmem:s17+$0x190] =	vst v12;
	v9 =	vmul.f32 v5, v0;
	v3 =	vmul.f32 v8, v3  }
0x77: {  	v6 =	vld [tilespmem:s19+$0x41A0];
	[tilespmem:s17+$0x1A0] =	vst v10;
	v8 =	vmul.f32 v4, v0;
	v2 =	vmul.f32 v7, v2  }
0x78: {  	v5 =	vld [tilespmem:s19+$0x41B0];
	[tilespmem:s17+$0x1B0] =	vst v9;
	v7 =	vmul.f32 v3, v0;
	v1 =	vmul.f32 v11, v1  }
0x79: {  	v4 =	vld [tilespmem:s19+$0x41C0];
	[tilespmem:s17+$0x1C0] =	vst v8;
	v8 =	vmul.f32 v2, v0  }
0x7a: {  	v3 =	vld [tilespmem:s19+$0x41D0];
	[tilespmem:s17+$0x1D0] =	vst v7;
	v7 =	vmul.f32 v1, v0;
	v0 =	vmov v14  }
0x7b: {  	v2 =	vld [tilespmem:s19+$0x41E0];
	[tilespmem:s17+$0x1E0] =	vst v8  }
0x7c: {  	v1 =	vld [tilespmem:s19+$0x41F0];
	[tilespmem:s17+$0x1F0] =	vst v7;
	s17 =	smov.u32 s19  }
0x7d: {  	v7 =	vld [tilespmem:s17+$0x180]  }
0x7e: {  	v12 =	vld [tilespmem:s17+$0x190]  }
.Ltmp1:
0x7f: {  	v11 =	vld [tilespmem:s17+$0x1A0];
	(pc) =	sbr.rel @p1 .LBB2_4-.Ltmp1, $4  }
0x80: {  	v10 =	vld [tilespmem:s17+$0x1B0]  }
0x81: {  	v9 =	vld [tilespmem:s17+$0x1C0]  }
0x82: {  	v13 =	vmul.f32 v7, v15;
	v8 =	vld [tilespmem:s17+$0x1D0]  }
0x83: {  	s18 =	sadd.s32 $0x200, s18;
	v12 =	vmul.f32 v12, v16;
	v7 =	vld [tilespmem:s17+$0x1E0]  }
0x84: {  	v13 =	vmul.f32 v13, v0;
	v6 =	vmul.f32 v11, v6;
	v62 =	vld [tilespmem:s17+$0x1F0]  }
0x85: {  	v12 =	vmul.f32 v12, v0;
	v5 =	vmul.f32 v10, v5  }
0x86: {  	[tilespmem:s17+$0x180] =	vst v13;
	v6 =	vmul.f32 v6, v0;
	v4 =	vmul.f32 v9, v4  }
0x87: {  	[tilespmem:s17+$0x190] =	vst v12;
	v5 =	vmul.f32 v5, v0;
	v3 =	vmul.f32 v8, v3  }
0x88: {  	[tilespmem:s17+$0x1A0] =	vst v6;
	v4 =	vmul.f32 v4, v0;
	v2 =	vmul.f32 v7, v2  }
0x89: {  	[tilespmem:s17+$0x1B0] =	vst v5;
	v3 =	vmul.f32 v3, v0;
	v1 =	vmul.f32 v62, v1  }
0x8a: {  	[tilespmem:s17+$0x1C0] =	vst v4;
	v2 =	vmul.f32 v2, v0  }
0x8b: {  	s16 =	sadd.s32 $0x1, s16;
	[tilespmem:s17+$0x1D0] =	vst v3;
	v63 =	vmul.f32 v1, v0  }
0x8c: {  	p1 =	sne.s32 s16, s22;
	[tilespmem:s17+$0x1E0] =	vst v2  }
.Ltmp2:
0x8d: {  	[tilespmem:s17+$0x1F0] =	vst v63;
	(pc) =	sbr.rel @p1 .LBB2_3-.Ltmp2, $4  }
0x8e: {  	[spmem:s6] =	stream.indirect.scatter.add.f32 [tilespmem:s13], [sflag:$0x4], $0x80, s25, s26, $0xb8;
	[tilespmem:$0x1FA00] =	vst v63  }
0x8f: {  	_ =	swait.ge [sflag:s14], $0x4000  }
0x90: {  	[sflag:s14] =	ssyncset.done $0x0  }
0x91: {  	[sflag:s14] =	ssyncadd.s32 $0xFFFFC000  }
0x92: {  	[bflag:$0x0] =	sbarrier.arrive $0xFFFF;
	s0 =	simm.s32 $0x180;
	s2 =	simm.s32 $0x4  }
0x93: {  	[tilespmem:s0], [sflag:$0x4] =	stream.linear.gather [spmem:s12], $0x4000, $0x38;
	[tilespmem:$0x1FA00] =	vst v63  }
0x94: {  	_ =	swait.ge [sflag:s2], $0x4000  }
0x95: {  	[sflag:s2] =	ssyncset.done $0x0  }
0x96: {  	s3 =	simm.s32 $0x0;
	[sflag:s2] =	ssyncadd.s32 $0xFFFFC000  }
0x97: {  	[hbm4b:s20+s3] =	stream.linear.scatter [tilespmem:s0], [sflag:$0x4], $0x4000, $0x38;
	[tilespmem:$0x1FA00] =	vst v63  }
0x98: {  	_ =	swait.ge [sflag:s2], $0x4000  }
0x99: {  	[sflag:s2] =	ssyncset.done $0x0  }
0x9a: {  	[sflag:s2] =	ssyncadd.s32 $0xFFFFC000  }
0x9b: {  	[tilespmem:s0], [sflag:$0x4] =	stream.linear.gather [spmem:s11], $0x4000, $0x38;
	[tilespmem:$0x1FA00] =	vst v63  }
0x9c: {  	_ =	swait.ge [sflag:s2], $0x4000  }
0x9d: {  	[sflag:s2] =	ssyncset.done $0x0  }
0x9e: {  	[sflag:s2] =	ssyncadd.s32 $0xFFFFC000  }
0x9f: {  	[hbm4b:s21+s3] =	stream.linear.scatter [tilespmem:s0], [sflag:$0x4], $0x4000, $0x38;
	[tilespmem:$0x1FA00] =	vst v63  }
0xa0: {  	_ =	swait.ge [sflag:s2], $0x4000  }
0xa1: {  	[sflag:s2] =	ssyncset.done $0x0  }
0xa2: {  	[sflag:s2] =	ssyncadd.s32 $0xFFFFC000  }
0xa3: {  	[tilespmem:s0], [sflag:$0x4] =	stream.linear.gather [spmem:s10], $0x4000, $0x38;
	[tilespmem:$0x1FA00] =	vst v63  }
0xa4: {  	_ =	swait.ge [sflag:s2], $0x4000  }
0xa5: {  	[sflag:s2] =	ssyncset.done $0x0  }
0xa6: {  	s4 =	rddreg [dreg:$0xc];
	[sflag:s2] =	ssyncadd.s32 $0xFFFFC000  }
0xa7: {  	[hbm4b:s4+s3] =	stream.linear.scatter [tilespmem:s0], [sflag:$0x4], $0x4000, $0x38;
	[tilespmem:$0x1FA00] =	vst v63  }
0xa8: {  	_ =	swait.ge [sflag:s2], $0x4000  }
0xa9: {  	[sflag:s2] =	ssyncset.done $0x0  }
0xaa: {  	[sflag:s2] =	ssyncadd.s32 $0xFFFFC000  }
0xab: {  	[tilespmem:s0], [sflag:$0x4] =	stream.linear.gather [spmem:s9], $0x4000, $0x38;
	[tilespmem:$0x1FA00] =	vst v63  }
0xac: {  	_ =	swait.ge [sflag:s2], $0x4000  }
0xad: {  	[sflag:s2] =	ssyncset.done $0x0  }
0xae: {  	s31 =	rddreg [dreg:$0xb];
	[sflag:s2] =	ssyncadd.s32 $0xFFFFC000  }
0xaf: {  	[hbm4b:s31+s3] =	stream.linear.scatter [tilespmem:s0], [sflag:$0x4], $0x4000, $0x38;
	[tilespmem:$0x1FA00] =	vst v63  }
0xb0: {  	_ =	swait.ge [sflag:s2], $0x4000  }
0xb1: {  	[sflag:s2] =	ssyncset.done $0x0  }
0xb2: {  	s0 =	simm.s32 @p0 $0x180;
	[sflag:s2] =	ssyncadd.s32 $0xFFFFC000;
	s2 =	simm.s32 @p0 $0x4  }
0xb3: {  	[tilespmem:s0], [sflag:$0x4] =	stream.linear.gather @p0 [spmem:s8], $0x400, $0x38;
	[tilespmem:$0x1FA00] =	vst v63  }
0xb4: {  	_ =	swait.ge @p0 [sflag:s2], $0x400  }
0xb5: {  	[sflag:s2] =	ssyncset.done @p0 $0x0  }
0xb6: {  	s3 =	simm.s32 @p0 $0x0;
	s4 =	rddreg [dreg:$0xa];
	[sflag:s2] =	ssyncadd.s32 @p0 $0xFFFFFC00  }
0xb7: {  	[hbm4b:s4+s3] =	stream.linear.scatter @p0 [tilespmem:s0], [sflag:$0x4], $0x400, $0x38;
	[tilespmem:$0x1FA00] =	vst v63  }
0xb8: {  	_ =	swait.ge @p0 [sflag:s2], $0x400  }
0xb9: {  	[sflag:s2] =	ssyncset.done @p0 $0x0  }
0xba: {  	s0 =	simm.s32 @!p0 $0x180;
	[sflag:s2] =	ssyncadd.s32 @p0 $0xFFFFFC00;
	s2 =	rddreg [dreg:$0x9]  }
0xbb: {  	[tilespmem:s0], [sflag:$0x4] =	stream.linear.gather @!p0 [spmem:s2], $0x3C00, $0x38;
	[tilespmem:$0x1FA00] =	vst v63  }
0xbc: {  	s2 =	simm.s32 @!p0 $0x4  }
0xbd: {  	_ =	swait.ge @!p0 [sflag:s2], $0x3C00  }
0xbe: {  	[sflag:s2] =	ssyncset.done @!p0 $0x0  }
0xbf: {  	s3 =	simm.s32 @!p0 $0x0;
	s4 =	rddreg [dreg:$0x8];
	[sflag:s2] =	ssyncadd.s32 @!p0 $0xFFFFC400  }
0xc0: {  	[hbm4b:s4+s3] =	stream.linear.scatter @!p0 [tilespmem:s0], [sflag:$0x4], $0x3C00, $0x38;
	[tilespmem:$0x1FA00] =	vst v63  }
0xc1: {  	_ =	swait.ge @!p0 [sflag:s2], $0x3C00  }
0xc2: {  	[sflag:s2] =	ssyncset.done @!p0 $0x0  }
0xc3: {  	[sflag:s2] =	ssyncadd.s32 @!p0 $0xFFFFC400  }
0xc4: {  	_ =	sfence.sel $0x180000  }
0xc5: {  	[bflag:$0x0] =	sbarrier.arrive $0xFFFF  }
0xc6: {  	_ =	strace $0x9000004A  }
0xc7: {  	[bflag:$0x2] =	sbarrier.arrive $0xFFFF  }
0xc8: {  	p0 =	sne.s32 s1, $0x0;
	s0 =	rddreg [dreg:$0x7]  }
0xc9: {  	s0 =	sadd.s32 @!p0 $0x100000, s0  }
0xca: {  	[sflag:s0] =	ssyncadd.tile.s32 @!p0 $0x1;
	_ =	shalt  }
.Lfunc_end2:
_tile_overlayer_lowered:
.L_overlay_start_2:
0xcb: {  	(tag) =	ssettag $0x2  }
0xcc: {  	s0 =	rddreg [dreg:$0x0];
	s2 =	stileid.u32  }
0xcd: {  	s1 =	rddreg [dreg:$0x1];
	p0 =	sne.s32 s2, $0x0  }
0xce: {  	s3 =	rddreg [dreg:$0x2];
	[bflag:$0x3] =	sbarrier.arrive $0xFFFF;
	s2 =	simm.s32 @!p0 $0x1C04  }
0xcf: {  	[timem:s3], [sflag:s2] =	dma.local @!p0 [hbm:s0], s1  }
0xd0: {  	s0 =	simm.s32 @!p0 $0x4  }
0xd1: {  	_ =	swait.ge @!p0 [sflag:s0], s1  }
0xd2: {  	s1 =	ssub.s32 @!p0 $0x0, s1;
	[sflag:s0] =	ssyncset.done @!p0 $0x0  }
0xd3: {  	[sflag:s0] =	ssyncadd.s32 @!p0 s1  }
0xd4: {  	[bflag:$0x3] =	sbarrier.arrive $0xFFFF  }
0xd5: {  	_ =	shalt  }

// kernel: kernel.13.cloned.1.call-start
scs
__scs_entry_jumppad:
0x0: {  	(pc) =	sbr.rel $0x88, $3  }
0x1: {  	(tag) =	ssettag $0x0;
	lr =	simm.s32 $0x1  }
0x2: {  	[smem:$0x3F9D] =	sst lr;
	_ =	strace $0xD0000000  }
0x3: {  	_ = 	snop  }
0x4: {  	_ = 	snop  }
0x5: {  	_ = 	snop  }
0x6: {  	_ = 	snop  }
0x7: {  	_ = 	snop  }
__scs_overlays_trampoline_lowered:
0x8: {  	[smem:$0x3FAC] =	sst s0  }
0x9: {  	[smem:$0x3FAD] =	sst s1  }
0xa: {  	[smem:$0x3FAE] =	sst s2  }
0xb: {  	[smem:$0x3FAF] =	sst s3  }
0xc: {  	[smem:$0x3FB0] =	sst s4  }
0xd: {  	[smem:$0x3FB1] =	sst s5  }
0xe: {  	[smem:$0x3FB2] =	sst s6  }
0xf: {  	[smem:$0x3FB3] =	sst s7  }
0x10: {  	[smem:$0x3FB4] =	sst s8  }
0x11: {  	[smem:$0x3FB5] =	sst s9;
	s0 =	simm.s32 @!p0 $0x0  }
0x12: {  	s1 =	sld [smem:$0x3F9B];
	s0 =	simm.s32 @p0 $0x1  }
0x13: {  	[smem:$0x3FB6] =	sst s0;
	s0 =	simm.s32 @!p1 $0x0  }
0x14: {  	s2 =	sld [smem:$0x3F9A];
	s0 =	simm.s32 @p1 $0x1  }
0x15: {  	[smem:$0x3FB7] =	sst s0;
	s0 =	simm.s32 @!p2 $0x0  }
0x16: {  	s3 =	sld [smem:$0x3FDB];
	s0 =	simm.s32 @p2 $0x1  }
0x17: {  	s4 =	simm.s32 $0x1BF5;
	[smem:$0x3FB9] =	sst s0  }
0x18: {  	s0 =	sld [smem:$0x3F9C];
	_ =	swait.ge [sflag:s4], $0x0  }
0x19: {  	s7 =	sld [smem:$0x3F9D]  }
0x1a: {  	s8 =	sadd.s32 $0xFFFFE003, lr  }
0x1b: {  	s9 =	sadd.s32 $0xFFFFFEF7, lr;
	s5 =	simm.s32 $0xFFFFFFFF;
	p2 =	slt.u32 s8, $0xFFFFF086  }
0x1c: {  	p1 =	slt.u32 s9, $0xF7A;
	s5 =	simm.s32 @!p2 $0x0  }
0x1d: {  	s5 =	simm.s32 @p1 $0x1;
	p0 =	seq.s32 s7, s2  }
0x1e: {  	s7 =	smul.u32 @!p0 $0xF7A, s2;
	p2 =	seq.s32 @!p0 s5, $0x0  }
0x1f: {  	s9 =	smul.u32 $0xF7A, s1;
	s8 =	simm.s32 @!p0 $0x1BF5;
	p2 =	por !p2, p0  }
0x20: {  	[sflag:s8] =	ssyncset.s32 @!p0 $0xFFFFF086;
	s6 =	sadd.s32 @!p0 s3, s7;
	s7 =	simm.s32 @!p0 $0x108  }
0x21: {  	s3 =	sadd.s32 s3, s9;
	s6 =	sadd.s32 @!p0 $0x88, s6;
	s7 =	simm.s32 @p2 $0x1082  }
0x22: {  	[simem:s7], [sflag:s8] =	dma.local @!p0 [hbm:s6], $0xF7A  }
0x23: {  	s9 =	sor.u32 $0xD0000000, s2;
	s6 =	simm.s32 $0x108;
	_ =	swait.ge @!p0 [sflag:s8], $0x0  }
0x24: {  	s3 =	sadd.s32 $0x88, s3;
	s6 =	simm.s32 @!p1 $0x1082;
	[sflag:s4] =	ssyncset.s32 $0xFFFFF086  }
0x25: {  	[simem:s6], [sflag:s4] =	dma.local [hbm:s3], $0xF7A  }
0x26: {  	[smem:$0x3F9D] =	sst s1;
	(tag) =	ssettag s2;
	_ =	strace s9  }
0x27: {  	s1 =	sld [smem:$0x3FAD]  }
0x28: {  	s2 =	sld [smem:$0x3FAE]  }
0x29: {  	s4 =	sld [smem:$0x3FB0]  }
0x2a: {  	p0 =	seq.s32 s5, $0x0;
	s5 =	sld [smem:$0x3FB1]  }
0x2b: {  	s6 =	sld [smem:$0x3FB2]  }
0x2c: {  	s7 =	sld [smem:$0x3FB3]  }
0x2d: {  	s3 =	simm.s32 $0x108;
	s8 =	sld [smem:$0x3FB4]  }
0x2e: {  	s3 =	simm.s32 @!p0 $0x1082;
	s9 =	sld [smem:$0x3FB5]  }
0x2f: {  	lr =	sadd.s32 s0, s3;
	s0 =	sld [smem:$0x3FAC]  }
0x30: {  	s3 =	sld [smem:$0x3FAF]  }
0x31: {  	[smem:$0x3FB8] =	sst s10  }
0x32: {  	s10 =	sld [smem:$0x3FB6];
	_ =	sdelay $0x3  }
0x33: {  	p0 =	seq.s32 s10, $0x1;
	s10 =	sld [smem:$0x3FB8];
	_ =	sdelay $0x3  }
0x34: {  	[smem:$0x3FB8] =	sst s10  }
0x35: {  	s10 =	sld [smem:$0x3FB7];
	_ =	sdelay $0x3  }
0x36: {  	p1 =	seq.s32 s10, $0x1;
	s10 =	sld [smem:$0x3FB8];
	_ =	sdelay $0x3  }
0x37: {  	[smem:$0x3FB8] =	sst s10  }
0x38: {  	s10 =	sld [smem:$0x3FB9]  }
0x39: {  	_ = 	snop;
	(pc) =	sbr.ind lr, $3  }
0x3a: {  	_ = 	snop  }
0x3b: {  	_ = 	snop  }
0x3c: {  	p2 =	seq.s32 s10, $0x1;
	s10 =	sld [smem:$0x3FB8]  }
0x3d: {  	_ =	shalt  }
0x3e: {  	_ =	shalt  }
0x3f: {  	_ =	shalt  }
0x40: {  	_ =	shalt  }
0x41: {  	_ =	shalt  }
0x42: {  	_ =	shalt  }
0x43: {  	_ =	shalt  }
0x44: {  	_ =	shalt  }
0x45: {  	_ =	shalt  }
0x46: {  	_ =	shalt  }
0x47: {  	_ =	shalt  }
0x48: {  	_ =	shalt  }
0x49: {  	_ =	shalt  }
0x4a: {  	_ =	shalt  }
0x4b: {  	_ =	shalt  }
0x4c: {  	_ =	shalt  }
0x4d: {  	_ =	shalt  }
0x4e: {  	_ =	shalt  }
0x4f: {  	_ =	shalt  }
0x50: {  	_ =	shalt  }
0x51: {  	_ =	shalt  }
0x52: {  	_ =	shalt  }
0x53: {  	_ =	shalt  }
0x54: {  	_ =	shalt  }
0x55: {  	_ =	shalt  }
0x56: {  	_ =	shalt  }
0x57: {  	_ =	shalt  }
0x58: {  	_ =	shalt  }
0x59: {  	_ =	shalt  }
0x5a: {  	_ =	shalt  }
0x5b: {  	_ =	shalt  }
0x5c: {  	_ =	shalt  }
0x5d: {  	_ =	shalt  }
0x5e: {  	_ =	shalt  }
0x5f: {  	_ =	shalt  }
0x60: {  	_ =	shalt  }
0x61: {  	_ =	shalt  }
0x62: {  	_ =	shalt  }
0x63: {  	_ =	shalt  }
0x64: {  	_ =	shalt  }
0x65: {  	_ =	shalt  }
0x66: {  	_ =	shalt  }
0x67: {  	_ =	shalt  }
0x68: {  	_ =	shalt  }
0x69: {  	_ =	shalt  }
0x6a: {  	_ =	shalt  }
0x6b: {  	_ =	shalt  }
0x6c: {  	_ =	shalt  }
0x6d: {  	_ =	shalt  }
0x6e: {  	_ =	shalt  }
0x6f: {  	_ =	shalt  }
0x70: {  	_ =	shalt  }
0x71: {  	_ =	shalt  }
0x72: {  	_ =	shalt  }
0x73: {  	_ =	shalt  }
0x74: {  	_ =	shalt  }
0x75: {  	_ =	shalt  }
0x76: {  	_ =	shalt  }
0x77: {  	_ =	shalt  }
0x78: {  	_ =	shalt  }
0x79: {  	_ =	shalt  }
0x7a: {  	_ =	shalt  }
0x7b: {  	_ =	shalt  }
0x7c: {  	_ =	shalt  }
0x7d: {  	_ =	shalt  }
0x7e: {  	_ =	shalt  }
0x7f: {  	_ =	shalt  }
0x80: {  	_ =	shalt  }
0x81: {  	_ =	shalt  }
0x82: {  	_ =	shalt  }
0x83: {  	_ =	shalt  }
0x84: {  	_ =	shalt  }
0x85: {  	_ =	shalt  }
0x86: {  	_ =	shalt  }
0x87: {  	_ =	shalt  }
.Lfunc_end0:
.L_simem_size_0:
called_computation.2_lowered:
.L_overlay_start_0:
0x88: {  	s0 =	sld [smem:$0x3FD9]  }
0x89: {  	s1 =	sld [smem:$0x3FFE];
	_ =	sdelay $0x3  }
0x8a: {  	s0 =	sadd.s32 s1, s0  }
0x8b: {  	[smem:$0x3FC4] =	sst s0  }
0x8c: {  	_ = 	snop  }
0x8d: {  	s0 =	sld [smem:$0x3FC8]  }
0x8e: {  	s16 =	sld [smem:$0x3FC7]  }
0x8f: {  	s2 =	sld [smem:$0x3FC6]  }
0x90: {  	s3 =	sld [smem:$0x3FD0];
	(tm) =	ssettm $0x1  }
0x91: {  	s4 =	sld [smem:$0x3FFB];
	_ =	sdelay $0x3  }
0x92: {  	_ =	strace s4  }
0x93: {  	s4 =	sld [smem:$0x3FFC];
	_ =	sdelay $0x3  }
0x94: {  	_ =	strace s4  }
0x95: {  	s4 =	sld [smem:$0x3FFD];
	_ =	sdelay $0x3  }
0x96: {  	_ =	strace s4  }
0x97: {  	_ =	strace $0x8FFFFFFF  }
0x98: {  	s17 =	sld [smem:$0x3FDB];
	_ =	sdelay $0x1  }
0x99: {  	s5 =	simm.s32 $_scs_section_size  }
0x9a: {  	s6 =	simm.s32 $_size__tile_overlayer_lowered;
	s7 =	simm.s32 $_tile_overlayer_lowered  }
0x9b: {  	s20 =	simm.s32 $0x1BFF;
	s19 =	sshll.u32 s7, $0x1;
	s4 =	sadd.s32 s5, s17  }
0x9c: {  	s8 =	simm.s32 $0x0;
	s18 =	sshll.u32 s6, $0x1;
	s6 =	sadd.s32 s19, s4  }
0x9d: {  	[timem:s8], [sflag:s20] =	dma.local [hbm:s6], s18  }
0x9e: {  	_ =	swait.ge [sflag:s20], s18  }
0x9f: {  	s5 =	ssub.s32 $0x0, s18;
	[sflag:s20] =	ssyncset.done $0x0  }
0xa0: {  	[sflag:s20] =	ssyncadd.s32 s5;
	_ =	sdelay $0x1  }
0xa1: {  	s21 =	simm.s32 $0x1B8B  }
0xa2: {  	_ =	swait.ge [sflag:s21], $0x1  }
0xa3: {  	[sflag:s21] =	ssyncset.done $0x0  }
0xa4: {  	s23 =	simm.s32 $0x1B8E;
	s22 =	sld [smem:$0x3FFE];
	[sflag:s21] =	ssyncadd.s32 $0xFFFFFFFF  }
0xa5: {  	s24 =	simm.s32 $execute0_lowered;
	[smem:$0x3FD2] =	sst s23  }
0xa6: {  	s6 =	sshll.u32 s24, $0x1;
	_ =	strace $0x8000004C;
	[dreg:$0x1] =	wrdreg $0xFFFFFFFF  }
0xa7: {  	s25 =	simm.s32 $_size_execute0_lowered;
	s4 =	sadd.s32 s4, s6;
	[dreg:$0x0] =	wrdreg $0x0  }
0xa8: {  	s6 =	sshll.u32 s25, $0x1;
	[dreg:$0x2] =	wrdreg s4  }
0xa9: {  	[dreg:$0x3] =	wrdreg s6  }
0xaa: {  	[dreg:$0x4] =	wrdreg $0xC0  }
0xab: {  	_ =	task [dreg:s8], $0x5FFFF  }
0xac: {  	[dreg:$0x1] =	wrdreg $0xFFFFFFFF  }
0xad: {  	[dreg:$0x0] =	wrdreg $0x60  }
0xae: {  	[dreg:$0x2] =	wrdreg s3  }
0xaf: {  	[dreg:$0x3] =	wrdreg s0  }
0xb0: {  	[dreg:$0x4] =	wrdreg s16  }
0xb1: {  	[dreg:$0x5] =	wrdreg s2  }
0xb2: {  	[dreg:$0x6] =	wrdreg s22  }
0xb3: {  	[dreg:$0x7] =	wrdreg $0xC1800  }
0xb4: {  	[dreg:$0x8] =	wrdreg $0x9  }
0xb5: {  	_ =	task.clear_ibuf [dreg:s8], $0x9FFFF;
	_ =	strace $0x9000004C  }
0xb6: {  	s26 =	simm.s32 $0x9;
	_ =	strace $0x8000004E  }
0xb7: {  	_ =	swait.ge [sflag:s26], $0x1  }
0xb8: {  	[sflag:s26] =	ssyncadd.s32 $0xFFFFFFFF  }
0xb9: {  	_ =	strace $0x9000004E  }
0xba: {  	_ =	sfence  }
0xbb: {  	s28 =	sld [smem:$0x0];
	_ =	sdelay $0x1  }
0xbc: {  	s29 =	srdreg.scid  }
0xbd: {  	s30 =	sshll.u32 s29, $0xD;
	s31 =	sshrl.u32 s29, $0x2  }
0xbe: {  	s1 =	sand.u32 $0x1, s29;
	s2 =	sand.u32 $0x4000, s30;
	s0 =	sadd.s32 s31, s28  }
0xbf: {  	s1 =	sor.u32 s2, s1;
	s0 =	sshll.u32 s0, $0x11  }
0xc0: {  	s0 =	sor.u32 s0, s1  }
0xc1: {  	s0 =	sadd.s32 $0x8F2B, s0  }
0xc2: {  	[sflag:s0] =	ssyncadd.remote.s32 $0x1  }
0xc3: {  	_ =	sfence.sel $0xFFFF  }
0xc4: {  	[dreg:$0x0] =	wrdreg $0xFFFFFFFF;
	(pc) =	sbr.abs _section_cstart, $3  }
0xc5: {  	[dreg:$0x1] =	wrdreg $0xFFFFFFFF  }
0xc6: {  	_ =	task.clear_ibuf [dreg:s8], $0x2FFFF;
	_ =	strace $0x9FFFFFFF  }
0xc7: {  	(tm) =	ssettm $0x7FFFFFFF  }
tec
execute0_lowered:
.L_overlay_start_1:
0x0: {  	(tag) =	ssettag $0x1  }
0x1: {  	s2 =	rddreg [dreg:$0x0]  }
0x2: {  	s3 =	rddreg [dreg:$0x1]  }
0x3: {  	s4 =	rddreg [dreg:$0x2]  }
0x4: {  	s5 =	rddreg [dreg:$0x3]  }
0x5: {  	s0 =	rddreg [dreg:$0x4]  }
0x6: {  	s6 =	rddreg [dreg:$0x5];
	s1 =	simm.s32 $0x0;
	s8 =	simm.s32 $0x0  }
0x7: {  	s9 =	simm.s32 $0x200;
	[smem:$0x7FF] =	sst s1;
	s7 =	sadd.s32 $0x1C00, s0  }
0x8: {  	v0 =	vimm.f32 $0.0e+00;
	s0 =	sadd.s32 $0x50AE00, s0;
	s1 =	stileid.u32;
	_ =	strace $0x8000004D  }
.LBB2_1:
0x9: {  	p0 =	sne.s32 s9, $0xFE00;
	[tilespmem:s8+$0x1F0] =	vst v0  }
0xa: {  	[tilespmem:s8+$0x180] =	vst v0  }
0xb: {  	[tilespmem:s8+$0x190] =	vst v0  }
.Ltmp0:
0xc: {  	[tilespmem:s8+$0x1A0] =	vst v0;
	(pc) =	sbr.rel @p0 .LBB2_1-.Ltmp0, $4  }
0xd: {  	[tilespmem:s8+$0x1B0] =	vst v0  }
0xe: {  	[tilespmem:s8+$0x1C0] =	vst v0  }
0xf: {  	[tilespmem:s8+$0x1D0] =	vst v0  }
0x10: {  	[tilespmem:s8+$0x1E0] =	vst v0;
	s8 =	sshra.s32 s9, $0x2;
	s9 =	sadd.s32 $0x200, s9  }
0x11: {  	[tilespmem:s8+$0x1F0] =	vst v0  }
0x12: {  	[tilespmem:s8+$0x180] =	vst v0  }
0x13: {  	[tilespmem:s8+$0x190] =	vst v0  }
0x14: {  	[tilespmem:s8+$0x1A0] =	vst v0  }
0x15: {  	[tilespmem:s8+$0x1B0] =	vst v0  }
0x16: {  	s9 =	smul.u32 $0x4F000, s1;
	[tilespmem:s8+$0x1C0] =	vst v0  }
0x17: {  	[tilespmem:s8+$0x1D0] =	vst v0;
	s15 =	smul.u32 $0x278, s1;
	s13 =	simm.s32 $0x180;
	s14 =	simm.s32 $0x4  }
0x18: {  	[tilespmem:s8+$0x1E0] =	vst v0;
	p0 =	seq.s32 s1, $0xF;
	s8 =	sadd.s32 $0x138400, s6;
	s9 =	sshrl.u32 s9, $0x2  }
0x19: {  	s19 =	ssub.s32 $0x9D3, s1;
	s20 =	smul.u32 $0x2780, s1;
	s12 =	sadd.s32 s9, s6  }
0x1a: {  	[spmem:s12] =	stream.linear.scatter [tilespmem:s13], [sflag:$0x4], $0x4000, $0x38;
	[tilespmem:$0x1FA00] =	vst v63  }
0x1b: {  	s23 =	sshll.u32 s1, $0x7;
	s16 =	sadd.s32 $0x80, s15;
	_ =	swait.ge [sflag:s14], $0x4000  }
0x1c: {  	s24 =	sadd.s32 $0x10, s4;
	s25 =	sshll.u32 s16, $0x7;
	[sflag:s14] =	ssyncset.done $0x0  }
0x1d: {  	s28 =	simm.s32 $0x100;
	s11 =	sadd.s32 s25, s6;
	[sflag:s14] =	ssyncadd.s32 $0xFFFFC000  }
0x1e: {  	[spmem:s11] =	stream.linear.scatter [tilespmem:s13], [sflag:$0x4], $0x4000, $0x38;
	[tilespmem:$0x1FA00] =	vst v63  }
0x1f: {  	s29 =	simm.s32 $0x8180;
	s17 =	sadd.s32 $0x100, s15;
	_ =	swait.ge [sflag:s14], $0x4000  }
0x20: {  	s30 =	simm.s32 $0x4180;
	s26 =	sshll.u32 s17, $0x7;
	[sflag:s14] =	ssyncset.done $0x0  }
0x21: {  	s31 =	simm.s32 $0x1;
	s10 =	sadd.s32 s26, s6;
	[sflag:s14] =	ssyncadd.s32 $0xFFFFC000  }
0x22: {  	[spmem:s10] =	stream.linear.scatter [tilespmem:s13], [sflag:$0x4], $0x4000, $0x38;
	[tilespmem:$0x1FA00] =	vst v63  }
0x23: {  	s21 =	simm.s32 @p0 $0x180;
	s18 =	sadd.s32 $0x180, s15;
	_ =	swait.ge [sflag:s14], $0x4000  }
0x24: {  	s22 =	sshrl.u32 s19, $0x4;
	s9 =	sshll.u32 s18, $0x7;
	[sflag:s14] =	ssyncset.done $0x0  }
0x25: {  	s19 =	simm.s32 @p0 $0x4;
	s9 =	sadd.s32 s9, s6;
	[sflag:s14] =	ssyncadd.s32 $0xFFFFC000  }
0x26: {  	[spmem:s9] =	stream.linear.scatter [tilespmem:s13], [sflag:$0x4], $0x4000, $0x38;
	[tilespmem:$0x1FA00] =	vst v63  }
0x27: {  	s20 =	sadd.s32 s0, s20;
	s15 =	sadd.s32 $0x200, s15;
	_ =	swait.ge [sflag:s14], $0x4000  }
0x28: {  	s16 =	sshll.u32 s16, $0x4;
	s17 =	sshll.u32 s17, $0x4;
	[sflag:s14] =	ssyncset.done $0x0  }
0x29: {  	s17 =	sadd.s32 s0, s17;
	s25 =	sshll.u32 s15, $0x7;
	[sflag:s14] =	ssyncadd.s32 $0xFFFFC000  }
0x2a: {  	[spmem:s8] =	stream.linear.scatter @p0 [tilespmem:s21], [sflag:$0x4], $0x400, $0x38;
	[tilespmem:$0x1FA00] =	vst v63  }
0x2b: {  	s15 =	sshll.u32 s15, $0x4;
	s26 =	sadd.s32 $0x27080, s0;
	_ =	swait.ge @p0 [sflag:s19], $0x400  }
0x2c: {  	s15 =	sadd.s32 s0, s15;
	s21 =	simm.s32 @!p0 $0x180;
	[sflag:s19] =	ssyncset.done @p0 $0x0  }
0x2d: {  	[dreg:$0xb] =	wrdreg s17;
	[sflag:s19] =	ssyncadd.s32 @p0 $0xFFFFFC00;
	s19 =	sadd.s32 @!p0 $0x10000, s12  }
0x2e: {  	[spmem:s19] =	stream.linear.scatter @!p0 [tilespmem:s21], [sflag:$0x4], $0x3C00, $0x38;
	[tilespmem:$0x1FA00] =	vst v63  }
0x2f: {  	s21 =	sadd.s32 s0, s16;
	s16 =	simm.s32 @!p0 $0x4;
	s19 =	sshll.u32 s18, $0x4  }
0x30: {  	_ =	swait.ge @!p0 [sflag:s16], $0x3C00;
	s17 =	sadd.s32 s0, s19;
	[dreg:$0x7] =	wrdreg s15  }
0x31: {  	[dreg:$0x9] =	wrdreg s26;
	s26 =	simm.s32 $0x80;
	s0 =	simm.s32 $0x2  }
0x32: {  	[dreg:$0xa] =	wrdreg s17;
	[sflag:s16] =	ssyncset.done @!p0 $0x0;
	s17 =	sadd.s32 s25, s6  }
0x33: {  	s15 =	simm.s32 $0x3;
	[dreg:$0x8] =	wrdreg s17;
	[sflag:s16] =	ssyncadd.s32 @!p0 $0xFFFFC400  }
0x34: {  	s25 =	simm.s32 $0x0;
	s16 =	simm.s32 $0x0;
	[bflag:$0x0] =	sbarrier.arrive $0xFFFF  }
.LBB2_3:
0x35: {  	s17 =	sshll.u32 s16, $0xB  }
0x36: {  	s17 =	sor.u32 s23, s17  }
0x37: {  	s18 =	sshrl.u32 s17, $0x2  }
0x38: {  	s19 =	sadd.s32 s4, s18  }
0x39: {  	[tilespmem:s25], [sflag:$0x4] =	stream.linear.gather [hbm4b:s19+s25], $0x80, $0x38;
	[tilespmem:$0x1FA00] =	vst v63  }
0x3a: {  	_ =	swait.ge [sflag:s14], $0x80  }
0x3b: {  	[sflag:s14] =	ssyncset.done $0x0  }
0x3c: {  	s18 =	sadd.s32 s18, s24;
	[sflag:s14] =	ssyncadd.s32 $0xFFFFFF80  }
0x3d: {  	[tilespmem:s26], [sflag:$0x4] =	stream.linear.gather [hbm4b:s18+s25], $0x80, $0x38;
	[tilespmem:$0x1FA00] =	vst v63  }
0x3e: {  	_ =	swait.ge [sflag:s14], $0x80  }
0x3f: {  	s19 =	sshrl.u32 s17, $0x3;
	[sflag:s14] =	ssyncset.done $0x0  }
0x40: {  	s18 =	sadd.s32 s5, s19;
	[sflag:s14] =	ssyncadd.s32 $0xFFFFFF80  }
0x41: {  	[tilespmem:s28], [sflag:$0x4] =	stream.linear.gather [hbm4b:s18+s25], $0x80, $0x38;
	[tilespmem:$0x1FA00] =	vst v63  }
0x42: {  	_ =	swait.ge [sflag:s14], $0x80  }
0x43: {  	[sflag:s14] =	ssyncset.done $0x0  }
0x44: {  	[sflag:s14] =	ssyncadd.s32 $0xFFFFFF80  }
0x45: {  	v0 =	vld [tilespmem:$0x100]  }
0x46: {  	v1 =	vld [tilespmem:$0x110]  }
0x47: {  	v2 =	vld [tilespmem:$0x120]  }
0x48: {  	v3 =	vld [tilespmem:$0x130]  }
0x49: {  	v4 =	vld [tilespmem:$0x140]  }
0x4a: {  	v5 =	vld [tilespmem:$0x150];
	v0 =	vadd.s32 $0xFFFFFFFF, v0  }
0x4b: {  	v6 =	vld [tilespmem:$0x160];
	v1 =	vadd.s32 $0xFFFFFFFF, v1;
	v0 =	vand.u32 $0x1F, v0  }
0x4c: {  	[tilespmem:$0x100] =	vst v0;
	v0 =	vand.u32 $0x1F, v1;
	v1 =	vadd.s32 $0xFFFFFFFF, v2;
	v2 =	vld [tilespmem:$0x170]  }
0x4d: {  	[tilespmem:$0x110] =	vst v0;
	v0 =	vand.u32 $0x1F, v1;
	v1 =	vadd.s32 $0xFFFFFFFF, v3  }
0x4e: {  	[tilespmem:$0x120] =	vst v0;
	v0 =	vand.u32 $0x1F, v1;
	v1 =	vadd.s32 $0xFFFFFFFF, v4  }
0x4f: {  	[tilespmem:$0x130] =	vst v0;
	v0 =	vand.u32 $0x1F, v1;
	v1 =	vadd.s32 $0xFFFFFFFF, v5  }
0x50: {  	[tilespmem:$0x140] =	vst v0;
	v0 =	vand.u32 $0x1F, v1;
	v1 =	vadd.s32 $0xFFFFFFFF, v6  }
0x51: {  	[tilespmem:$0x150] =	vst v0;
	v0 =	vand.u32 $0x1F, v1;
	v1 =	vadd.s32 $0xFFFFFFFF, v2  }
0x52: {  	s17 =	sshll.u32 s17, $0x4;
	[tilespmem:$0x160] =	vst v0;
	v0 =	vand.u32 $0x1F, v1  }
0x53: {  	s17 =	sadd.s32 s7, s17;
	[tilespmem:$0x170] =	vst v0  }
0x54: {  	[tilespmem:s29], [sflag:$0x1] =	stream.linear.gather [hbm4b:s17+s25], $0x4000, $0x38;
	[tilespmem:$0x1FA00] =	vst v63  }
0x55: {  	_ = 	snop  }
0x56: {  	[tilespmem:s13], [sflag:$0x2] =	stream.indirect.gather [hbm4b:s2+s26], $0x80, s26, s26, $0xb8;
	[tilespmem:$0x1FA00] =	vst v63  }
0x57: {  	_ = 	snop  }
0x58: {  	[tilespmem:s30], [sflag:$0x3] =	stream.indirect.gather [hbm4b:s3+s26], $0x80, s28, s26, $0xb8;
	[tilespmem:$0x1FA00] =	vst v63  }
0x59: {  	_ =	swait.ge [sflag:s31], $0x4000  }
0x5a: {  	[sflag:s31] =	ssyncset.done $0x0  }
0x5b: {  	[sflag:s31] =	ssyncadd.s32 $0xFFFFC000  }
0x5c: {  	_ =	swait.ge [sflag:s0], $0x4000  }
0x5d: {  	[sflag:s0] =	ssyncset.done $0x0  }
0x5e: {  	[sflag:s0] =	ssyncadd.s32 $0xFFFFC000  }
0x5f: {  	_ =	swait.ge [sflag:s15], $0x4000  }
0x60: {  	[sflag:s15] =	ssyncset.done $0x0  }
0x61: {  	s17 =	simm.s32 $0x0;
	[sflag:s15] =	ssyncadd.s32 $0xFFFFC000  }
0x62: {  	v0 =	vld [tilespmem:s17+$0x8180]  }
0x63: {  	v7 =	vld [tilespmem:s17+$0x4180]  }
0x64: {  	v12 =	vld [tilespmem:s17+$0x4190]  }
0x65: {  	v6 =	vld [tilespmem:s17+$0x41A0]  }
0x66: {  	v5 =	vld [tilespmem:s17+$0x41B0]  }
0x67: {  	v4 =	vld [tilespmem:s17+$0x41C0]  }
0x68: {  	v3 =	vld [tilespmem:s17+$0x41D0]  }
0x69: {  	v2 =	vld [tilespmem:s17+$0x41E0]  }
0x6a: {  	v1 =	vld [tilespmem:s17+$0x41F0]  }
0x6b: {  	v13 =	vld [tilespmem:s17+$0x180]  }
0x6c: {  	v14 =	vld [tilespmem:s17+$0x190]  }
0x6d: {  	v11 =	vld [tilespmem:s17+$0x1A0]  }
0x6e: {  	v10 =	vld [tilespmem:s17+$0x1B0]  }
0x6f: {  	v9 =	vld [tilespmem:s17+$0x1C0]  }
0x70: {  	v8 =	vld [tilespmem:s17+$0x1D0];
	v13 =	vmul.f32 v13, v7  }
0x71: {  	s18 =	simm.s32 $0x200;
	v12 =	vmul.f32 v14, v12;
	v7 =	vld [tilespmem:s17+$0x1E0]  }
.LBB2_4:
0x72: {  	s19 =	sshra.s32 s18, $0x2;
	p1 =	sne.s32 s18, $0xFE00;
	v13 =	vmul.f32 v13, v0;
	v6 =	vmul.f32 v11, v6;
	v11 =	vld [tilespmem:s17+$0x1F0]  }
0x73: {  	v14 =	vld [tilespmem:s19+$0x8180];
	v12 =	vmul.f32 v12, v0;
	v5 =	vmul.f32 v10, v5  }
0x74: {  	v15 =	vld [tilespmem:s19+$0x4180];
	[tilespmem:s17+$0x180] =	vst v13;
	v10 =	vmul.f32 v6, v0;
	v4 =	vmul.f32 v9, v4  }
0x75: {  	v16 =	vld [tilespmem:s19+$0x4190];
	[tilespmem:s17+$0x190] =	vst v12;
	v9 =	vmul.f32 v5, v0;
	v3 =	vmul.f32 v8, v3  }
0x76: {  	v6 =	vld [tilespmem:s19+$0x41A0];
	[tilespmem:s17+$0x1A0] =	vst v10;
	v8 =	vmul.f32 v4, v0;
	v2 =	vmul.f32 v7, v2  }
0x77: {  	v5 =	vld [tilespmem:s19+$0x41B0];
	[tilespmem:s17+$0x1B0] =	vst v9;
	v7 =	vmul.f32 v3, v0;
	v1 =	vmul.f32 v11, v1  }
0x78: {  	v4 =	vld [tilespmem:s19+$0x41C0];
	[tilespmem:s17+$0x1C0] =	vst v8;
	v8 =	vmul.f32 v2, v0  }
0x79: {  	v3 =	vld [tilespmem:s19+$0x41D0];
	[tilespmem:s17+$0x1D0] =	vst v7;
	v7 =	vmul.f32 v1, v0;
	v0 =	vmov v14  }
0x7a: {  	v2 =	vld [tilespmem:s19+$0x41E0];
	[tilespmem:s17+$0x1E0] =	vst v8  }
0x7b: {  	v1 =	vld [tilespmem:s19+$0x41F0];
	[tilespmem:s17+$0x1F0] =	vst v7;
	s17 =	smov.u32 s19  }
0x7c: {  	v7 =	vld [tilespmem:s17+$0x180]  }
0x7d: {  	v12 =	vld [tilespmem:s17+$0x190]  }
.Ltmp1:
0x7e: {  	v11 =	vld [tilespmem:s17+$0x1A0];
	(pc) =	sbr.rel @p1 .LBB2_4-.Ltmp1, $4  }
0x7f: {  	v10 =	vld [tilespmem:s17+$0x1B0]  }
0x80: {  	v9 =	vld [tilespmem:s17+$0x1C0]  }
0x81: {  	v13 =	vmul.f32 v7, v15;
	v8 =	vld [tilespmem:s17+$0x1D0]  }
0x82: {  	s18 =	sadd.s32 $0x200, s18;
	v12 =	vmul.f32 v12, v16;
	v7 =	vld [tilespmem:s17+$0x1E0]  }
0x83: {  	v13 =	vmul.f32 v13, v0;
	v6 =	vmul.f32 v11, v6;
	v62 =	vld [tilespmem:s17+$0x1F0]  }
0x84: {  	v12 =	vmul.f32 v12, v0;
	v5 =	vmul.f32 v10, v5  }
0x85: {  	[tilespmem:s17+$0x180] =	vst v13;
	v6 =	vmul.f32 v6, v0;
	v4 =	vmul.f32 v9, v4  }
0x86: {  	[tilespmem:s17+$0x190] =	vst v12;
	v5 =	vmul.f32 v5, v0;
	v3 =	vmul.f32 v8, v3  }
0x87: {  	[tilespmem:s17+$0x1A0] =	vst v6;
	v4 =	vmul.f32 v4, v0;
	v2 =	vmul.f32 v7, v2  }
0x88: {  	[tilespmem:s17+$0x1B0] =	vst v5;
	v3 =	vmul.f32 v3, v0;
	v1 =	vmul.f32 v62, v1  }
0x89: {  	[tilespmem:s17+$0x1C0] =	vst v4;
	v2 =	vmul.f32 v2, v0  }
0x8a: {  	s16 =	sadd.s32 $0x1, s16;
	[tilespmem:s17+$0x1D0] =	vst v3;
	v63 =	vmul.f32 v1, v0  }
0x8b: {  	p1 =	sne.s32 s16, s22;
	[tilespmem:s17+$0x1E0] =	vst v2  }
.Ltmp2:
0x8c: {  	[tilespmem:s17+$0x1F0] =	vst v63;
	(pc) =	sbr.rel @p1 .LBB2_3-.Ltmp2, $4  }
0x8d: {  	[spmem:s6] =	stream.indirect.scatter.add.f32 [tilespmem:s13], [sflag:$0x4], $0x80, s25, s26, $0xb8;
	[tilespmem:$0x1FA00] =	vst v63  }
0x8e: {  	_ =	swait.ge [sflag:s14], $0x4000  }
0x8f: {  	[sflag:s14] =	ssyncset.done $0x0  }
0x90: {  	[sflag:s14] =	ssyncadd.s32 $0xFFFFC000  }
0x91: {  	[bflag:$0x0] =	sbarrier.arrive $0xFFFF;
	s0 =	simm.s32 $0x180;
	s2 =	simm.s32 $0x4  }
0x92: {  	[tilespmem:s0], [sflag:$0x4] =	stream.linear.gather [spmem:s12], $0x4000, $0x38;
	[tilespmem:$0x1FA00] =	vst v63  }
0x93: {  	_ =	swait.ge [sflag:s2], $0x4000  }
0x94: {  	[sflag:s2] =	ssyncset.done $0x0  }
0x95: {  	s3 =	simm.s32 $0x0;
	[sflag:s2] =	ssyncadd.s32 $0xFFFFC000  }
0x96: {  	[hbm4b:s20+s3] =	stream.linear.scatter [tilespmem:s0], [sflag:$0x4], $0x4000, $0x38;
	[tilespmem:$0x1FA00] =	vst v63  }
0x97: {  	_ =	swait.ge [sflag:s2], $0x4000  }
0x98: {  	[sflag:s2] =	ssyncset.done $0x0  }
0x99: {  	[sflag:s2] =	ssyncadd.s32 $0xFFFFC000  }
0x9a: {  	[tilespmem:s0], [sflag:$0x4] =	stream.linear.gather [spmem:s11], $0x4000, $0x38;
	[tilespmem:$0x1FA00] =	vst v63  }
0x9b: {  	_ =	swait.ge [sflag:s2], $0x4000  }
0x9c: {  	[sflag:s2] =	ssyncset.done $0x0  }
0x9d: {  	[sflag:s2] =	ssyncadd.s32 $0xFFFFC000  }
0x9e: {  	[hbm4b:s21+s3] =	stream.linear.scatter [tilespmem:s0], [sflag:$0x4], $0x4000, $0x38;
	[tilespmem:$0x1FA00] =	vst v63  }
0x9f: {  	_ =	swait.ge [sflag:s2], $0x4000  }
0xa0: {  	[sflag:s2] =	ssyncset.done $0x0  }
0xa1: {  	[sflag:s2] =	ssyncadd.s32 $0xFFFFC000  }
0xa2: {  	[tilespmem:s0], [sflag:$0x4] =	stream.linear.gather [spmem:s10], $0x4000, $0x38;
	[tilespmem:$0x1FA00] =	vst v63  }
0xa3: {  	_ =	swait.ge [sflag:s2], $0x4000  }
0xa4: {  	[sflag:s2] =	ssyncset.done $0x0  }
0xa5: {  	s4 =	rddreg [dreg:$0xb];
	[sflag:s2] =	ssyncadd.s32 $0xFFFFC000  }
0xa6: {  	[hbm4b:s4+s3] =	stream.linear.scatter [tilespmem:s0], [sflag:$0x4], $0x4000, $0x38;
	[tilespmem:$0x1FA00] =	vst v63  }
0xa7: {  	_ =	swait.ge [sflag:s2], $0x4000  }
0xa8: {  	[sflag:s2] =	ssyncset.done $0x0  }
0xa9: {  	[sflag:s2] =	ssyncadd.s32 $0xFFFFC000  }
0xaa: {  	[tilespmem:s0], [sflag:$0x4] =	stream.linear.gather [spmem:s9], $0x4000, $0x38;
	[tilespmem:$0x1FA00] =	vst v63  }
0xab: {  	_ =	swait.ge [sflag:s2], $0x4000  }
0xac: {  	[sflag:s2] =	ssyncset.done $0x0  }
0xad: {  	s31 =	rddreg [dreg:$0xa];
	[sflag:s2] =	ssyncadd.s32 $0xFFFFC000  }
0xae: {  	[hbm4b:s31+s3] =	stream.linear.scatter [tilespmem:s0], [sflag:$0x4], $0x4000, $0x38;
	[tilespmem:$0x1FA00] =	vst v63  }
0xaf: {  	_ =	swait.ge [sflag:s2], $0x4000  }
0xb0: {  	[sflag:s2] =	ssyncset.done $0x0  }
0xb1: {  	s0 =	simm.s32 @p0 $0x180;
	[sflag:s2] =	ssyncadd.s32 $0xFFFFC000;
	s2 =	simm.s32 @p0 $0x4  }
0xb2: {  	[tilespmem:s0], [sflag:$0x4] =	stream.linear.gather @p0 [spmem:s8], $0x400, $0x38;
	[tilespmem:$0x1FA00] =	vst v63  }
0xb3: {  	_ =	swait.ge @p0 [sflag:s2], $0x400  }
0xb4: {  	[sflag:s2] =	ssyncset.done @p0 $0x0  }
0xb5: {  	s3 =	simm.s32 @p0 $0x0;
	s4 =	rddreg [dreg:$0x9];
	[sflag:s2] =	ssyncadd.s32 @p0 $0xFFFFFC00  }
0xb6: {  	[hbm4b:s4+s3] =	stream.linear.scatter @p0 [tilespmem:s0], [sflag:$0x4], $0x400, $0x38;
	[tilespmem:$0x1FA00] =	vst v63  }
0xb7: {  	_ =	swait.ge @p0 [sflag:s2], $0x400  }
0xb8: {  	[sflag:s2] =	ssyncset.done @p0 $0x0  }
0xb9: {  	s0 =	simm.s32 @!p0 $0x180;
	[sflag:s2] =	ssyncadd.s32 @p0 $0xFFFFFC00;
	s2 =	rddreg [dreg:$0x8]  }
0xba: {  	[tilespmem:s0], [sflag:$0x4] =	stream.linear.gather @!p0 [spmem:s2], $0x3C00, $0x38;
	[tilespmem:$0x1FA00] =	vst v63  }
0xbb: {  	s2 =	simm.s32 @!p0 $0x4  }
0xbc: {  	_ =	swait.ge @!p0 [sflag:s2], $0x3C00  }
0xbd: {  	[sflag:s2] =	ssyncset.done @!p0 $0x0  }
0xbe: {  	s3 =	simm.s32 @!p0 $0x0;
	s4 =	rddreg [dreg:$0x7];
	[sflag:s2] =	ssyncadd.s32 @!p0 $0xFFFFC400  }
0xbf: {  	[hbm4b:s4+s3] =	stream.linear.scatter @!p0 [tilespmem:s0], [sflag:$0x4], $0x3C00, $0x38;
	[tilespmem:$0x1FA00] =	vst v63  }
0xc0: {  	_ =	swait.ge @!p0 [sflag:s2], $0x3C00  }
0xc1: {  	[sflag:s2] =	ssyncset.done @!p0 $0x0  }
0xc2: {  	[sflag:s2] =	ssyncadd.s32 @!p0 $0xFFFFC400  }
0xc3: {  	_ =	sfence.sel $0x180000  }
0xc4: {  	[bflag:$0x0] =	sbarrier.arrive $0xFFFF  }
0xc5: {  	_ =	strace $0x9000004D  }
0xc6: {  	[bflag:$0x2] =	sbarrier.arrive $0xFFFF  }
0xc7: {  	p0 =	sne.s32 s1, $0x0;
	s0 =	rddreg [dreg:$0x6]  }
0xc8: {  	s0 =	sadd.s32 @!p0 $0x100000, s0  }
0xc9: {  	[sflag:s0] =	ssyncadd.tile.s32 @!p0 $0x1;
	_ =	shalt  }
.Lfunc_end2:
_tile_overlayer_lowered:
.L_overlay_start_2:
0xca: {  	(tag) =	ssettag $0x2  }
0xcb: {  	s0 =	rddreg [dreg:$0x0];
	s2 =	stileid.u32  }
0xcc: {  	s1 =	rddreg [dreg:$0x1];
	p0 =	sne.s32 s2, $0x0  }
0xcd: {  	s3 =	rddreg [dreg:$0x2];
	[bflag:$0x3] =	sbarrier.arrive $0xFFFF;
	s2 =	simm.s32 @!p0 $0x1C04  }
0xce: {  	[timem:s3], [sflag:s2] =	dma.local @!p0 [hbm:s0], s1  }
0xcf: {  	s0 =	simm.s32 @!p0 $0x4  }
0xd0: {  	_ =	swait.ge @!p0 [sflag:s0], s1  }
0xd1: {  	s1 =	ssub.s32 @!p0 $0x0, s1;
	[sflag:s0] =	ssyncset.done @!p0 $0x0  }
0xd2: {  	[sflag:s0] =	ssyncadd.s32 @!p0 s1  }
0xd3: {  	[bflag:$0x3] =	sbarrier.arrive $0xFFFF  }
0xd4: {  	_ =	shalt  }

// kernel: kernel.7.cloned.1.call-start
scs
__scs_entry_jumppad:
0x0: {  	(pc) =	sbr.rel $0x88, $3  }
0x1: {  	(tag) =	ssettag $0x0;
	lr =	simm.s32 $0x1  }
0x2: {  	[smem:$0x3F9D] =	sst lr;
	_ =	strace $0xD0000000  }
0x3: {  	_ = 	snop  }
0x4: {  	_ = 	snop  }
0x5: {  	_ = 	snop  }
0x6: {  	_ = 	snop  }
0x7: {  	_ = 	snop  }
__scs_overlays_trampoline_lowered:
0x8: {  	[smem:$0x3FAC] =	sst s0  }
0x9: {  	[smem:$0x3FAD] =	sst s1  }
0xa: {  	[smem:$0x3FAE] =	sst s2  }
0xb: {  	[smem:$0x3FAF] =	sst s3  }
0xc: {  	[smem:$0x3FB0] =	sst s4  }
0xd: {  	[smem:$0x3FB1] =	sst s5  }
0xe: {  	[smem:$0x3FB2] =	sst s6  }
0xf: {  	[smem:$0x3FB3] =	sst s7  }
0x10: {  	[smem:$0x3FB4] =	sst s8  }
0x11: {  	[smem:$0x3FB5] =	sst s9;
	s0 =	simm.s32 @!p0 $0x0  }
0x12: {  	s1 =	sld [smem:$0x3F9B];
	s0 =	simm.s32 @p0 $0x1  }
0x13: {  	[smem:$0x3FB6] =	sst s0;
	s0 =	simm.s32 @!p1 $0x0  }
0x14: {  	s2 =	sld [smem:$0x3F9A];
	s0 =	simm.s32 @p1 $0x1  }
0x15: {  	[smem:$0x3FB7] =	sst s0;
	s0 =	simm.s32 @!p2 $0x0  }
0x16: {  	s3 =	sld [smem:$0x3FDB];
	s0 =	simm.s32 @p2 $0x1  }
0x17: {  	s4 =	simm.s32 $0x1BF5;
	[smem:$0x3FB9] =	sst s0  }
0x18: {  	s0 =	sld [smem:$0x3F9C];
	_ =	swait.ge [sflag:s4], $0x0  }
0x19: {  	s7 =	sld [smem:$0x3F9D]  }
0x1a: {  	s8 =	sadd.s32 $0xFFFFE003, lr  }
0x1b: {  	s9 =	sadd.s32 $0xFFFFFEF7, lr;
	s5 =	simm.s32 $0xFFFFFFFF;
	p2 =	slt.u32 s8, $0xFFFFF086  }
0x1c: {  	p1 =	slt.u32 s9, $0xF7A;
	s5 =	simm.s32 @!p2 $0x0  }
0x1d: {  	s5 =	simm.s32 @p1 $0x1;
	p0 =	seq.s32 s7, s2  }
0x1e: {  	s7 =	smul.u32 @!p0 $0xF7A, s2;
	p2 =	seq.s32 @!p0 s5, $0x0  }
0x1f: {  	s9 =	smul.u32 $0xF7A, s1;
	s8 =	simm.s32 @!p0 $0x1BF5;
	p2 =	por !p2, p0  }
0x20: {  	[sflag:s8] =	ssyncset.s32 @!p0 $0xFFFFF086;
	s6 =	sadd.s32 @!p0 s3, s7;
	s7 =	simm.s32 @!p0 $0x108  }
0x21: {  	s3 =	sadd.s32 s3, s9;
	s6 =	sadd.s32 @!p0 $0x88, s6;
	s7 =	simm.s32 @p2 $0x1082  }
0x22: {  	[simem:s7], [sflag:s8] =	dma.local @!p0 [hbm:s6], $0xF7A  }
0x23: {  	s9 =	sor.u32 $0xD0000000, s2;
	s6 =	simm.s32 $0x108;
	_ =	swait.ge @!p0 [sflag:s8], $0x0  }
0x24: {  	s3 =	sadd.s32 $0x88, s3;
	s6 =	simm.s32 @!p1 $0x1082;
	[sflag:s4] =	ssyncset.s32 $0xFFFFF086  }
0x25: {  	[simem:s6], [sflag:s4] =	dma.local [hbm:s3], $0xF7A  }
0x26: {  	[smem:$0x3F9D] =	sst s1;
	(tag) =	ssettag s2;
	_ =	strace s9  }
0x27: {  	s1 =	sld [smem:$0x3FAD]  }
0x28: {  	s2 =	sld [smem:$0x3FAE]  }
0x29: {  	s4 =	sld [smem:$0x3FB0]  }
0x2a: {  	p0 =	seq.s32 s5, $0x0;
	s5 =	sld [smem:$0x3FB1]  }
0x2b: {  	s6 =	sld [smem:$0x3FB2]  }
0x2c: {  	s7 =	sld [smem:$0x3FB3]  }
0x2d: {  	s3 =	simm.s32 $0x108;
	s8 =	sld [smem:$0x3FB4]  }
0x2e: {  	s3 =	simm.s32 @!p0 $0x1082;
	s9 =	sld [smem:$0x3FB5]  }
0x2f: {  	lr =	sadd.s32 s0, s3;
	s0 =	sld [smem:$0x3FAC]  }
0x30: {  	s3 =	sld [smem:$0x3FAF]  }
0x31: {  	[smem:$0x3FB8] =	sst s10  }
0x32: {  	s10 =	sld [smem:$0x3FB6];
	_ =	sdelay $0x3  }
0x33: {  	p0 =	seq.s32 s10, $0x1;
	s10 =	sld [smem:$0x3FB8];
	_ =	sdelay $0x3  }
0x34: {  	[smem:$0x3FB8] =	sst s10  }
0x35: {  	s10 =	sld [smem:$0x3FB7];
	_ =	sdelay $0x3  }
0x36: {  	p1 =	seq.s32 s10, $0x1;
	s10 =	sld [smem:$0x3FB8];
	_ =	sdelay $0x3  }
0x37: {  	[smem:$0x3FB8] =	sst s10  }
0x38: {  	s10 =	sld [smem:$0x3FB9]  }
0x39: {  	_ = 	snop;
	(pc) =	sbr.ind lr, $3  }
0x3a: {  	_ = 	snop  }
0x3b: {  	_ = 	snop  }
0x3c: {  	p2 =	seq.s32 s10, $0x1;
	s10 =	sld [smem:$0x3FB8]  }
0x3d: {  	_ =	shalt  }
0x3e: {  	_ =	shalt  }
0x3f: {  	_ =	shalt  }
0x40: {  	_ =	shalt  }
0x41: {  	_ =	shalt  }
0x42: {  	_ =	shalt  }
0x43: {  	_ =	shalt  }
0x44: {  	_ =	shalt  }
0x45: {  	_ =	shalt  }
0x46: {  	_ =	shalt  }
0x47: {  	_ =	shalt  }
0x48: {  	_ =	shalt  }
0x49: {  	_ =	shalt  }
0x4a: {  	_ =	shalt  }
0x4b: {  	_ =	shalt  }
0x4c: {  	_ =	shalt  }
0x4d: {  	_ =	shalt  }
0x4e: {  	_ =	shalt  }
0x4f: {  	_ =	shalt  }
0x50: {  	_ =	shalt  }
0x51: {  	_ =	shalt  }
0x52: {  	_ =	shalt  }
0x53: {  	_ =	shalt  }
0x54: {  	_ =	shalt  }
0x55: {  	_ =	shalt  }
0x56: {  	_ =	shalt  }
0x57: {  	_ =	shalt  }
0x58: {  	_ =	shalt  }
0x59: {  	_ =	shalt  }
0x5a: {  	_ =	shalt  }
0x5b: {  	_ =	shalt  }
0x5c: {  	_ =	shalt  }
0x5d: {  	_ =	shalt  }
0x5e: {  	_ =	shalt  }
0x5f: {  	_ =	shalt  }
0x60: {  	_ =	shalt  }
0x61: {  	_ =	shalt  }
0x62: {  	_ =	shalt  }
0x63: {  	_ =	shalt  }
0x64: {  	_ =	shalt  }
0x65: {  	_ =	shalt  }
0x66: {  	_ =	shalt  }
0x67: {  	_ =	shalt  }
0x68: {  	_ =	shalt  }
0x69: {  	_ =	shalt  }
0x6a: {  	_ =	shalt  }
0x6b: {  	_ =	shalt  }
0x6c: {  	_ =	shalt  }
0x6d: {  	_ =	shalt  }
0x6e: {  	_ =	shalt  }
0x6f: {  	_ =	shalt  }
0x70: {  	_ =	shalt  }
0x71: {  	_ =	shalt  }
0x72: {  	_ =	shalt  }
0x73: {  	_ =	shalt  }
0x74: {  	_ =	shalt  }
0x75: {  	_ =	shalt  }
0x76: {  	_ =	shalt  }
0x77: {  	_ =	shalt  }
0x78: {  	_ =	shalt  }
0x79: {  	_ =	shalt  }
0x7a: {  	_ =	shalt  }
0x7b: {  	_ =	shalt  }
0x7c: {  	_ =	shalt  }
0x7d: {  	_ =	shalt  }
0x7e: {  	_ =	shalt  }
0x7f: {  	_ =	shalt  }
0x80: {  	_ =	shalt  }
0x81: {  	_ =	shalt  }
0x82: {  	_ =	shalt  }
0x83: {  	_ =	shalt  }
0x84: {  	_ =	shalt  }
0x85: {  	_ =	shalt  }
0x86: {  	_ =	shalt  }
0x87: {  	_ =	shalt  }
.Lfunc_end0:
.L_simem_size_0:
called_computation_lowered:
.L_overlay_start_0:
0x88: {  	s2 =	sld [smem:$0x3FD9]  }
0x89: {  	s3 =	sld [smem:$0x3FFE];
	_ =	sdelay $0x1  }
0x8a: {  	s1 =	srdreg.scid  }
0x8b: {  	s0 =	sand.u32 $0x1, s1  }
0x8c: {  	s17 =	sshll.u32 s0, $0xA;
	s2 =	sadd.s32 s3, s2  }
0x8d: {  	s2 =	sadd.s32 s2, s17  }
0x8e: {  	[smem:$0x3FC4] =	sst s2  }
0x8f: {  	_ = 	snop  }
0x90: {  	s2 =	sld [smem:$0x3FC9]  }
0x91: {  	s18 =	sld [smem:$0x3FC8]  }
0x92: {  	s4 =	sld [smem:$0x3FC7]  }
0x93: {  	s5 =	sld [smem:$0x3FC6];
	(tm) =	ssettm $0x1  }
0x94: {  	s6 =	sld [smem:$0x3FFB];
	_ =	sdelay $0x3  }
0x95: {  	_ =	strace s6  }
0x96: {  	s6 =	sld [smem:$0x3FFC];
	_ =	sdelay $0x3  }
0x97: {  	_ =	strace s6  }
0x98: {  	s6 =	sld [smem:$0x3FFD];
	_ =	sdelay $0x3  }
0x99: {  	_ =	strace s6  }
0x9a: {  	_ =	strace $0x8FFFFFFF  }
0x9b: {  	s19 =	sld [smem:$0x3FDB];
	_ =	sdelay $0x1  }
0x9c: {  	s7 =	simm.s32 $_scs_section_size  }
0x9d: {  	s8 =	simm.s32 $_size__tile_overlayer_lowered;
	s9 =	simm.s32 $_tile_overlayer_lowered  }
0x9e: {  	s22 =	simm.s32 $0x1BFF;
	s21 =	sshll.u32 s9, $0x1;
	s6 =	sadd.s32 s7, s19  }
0x9f: {  	s10 =	simm.s32 $0x0;
	s20 =	sshll.u32 s8, $0x1;
	s8 =	sadd.s32 s21, s6  }
0xa0: {  	[timem:s10], [sflag:s22] =	dma.local [hbm:s8], s20  }
0xa1: {  	_ =	swait.ge [sflag:s22], s20  }
0xa2: {  	s7 =	ssub.s32 $0x0, s20;
	[sflag:s22] =	ssyncset.done $0x0  }
0xa3: {  	[sflag:s22] =	ssyncadd.s32 s7;
	_ =	sdelay $0x1  }
0xa4: {  	s23 =	simm.s32 $0x1B8B  }
0xa5: {  	_ =	swait.ge [sflag:s23], $0x1  }
0xa6: {  	[sflag:s23] =	ssyncset.done $0x0  }
0xa7: {  	s25 =	simm.s32 $0x1B8E;
	s24 =	sld [smem:$0x3FFE];
	[sflag:s23] =	ssyncadd.s32 $0xFFFFFFFF  }
0xa8: {  	s26 =	simm.s32 $execute0_lowered;
	[smem:$0x3FD2] =	sst s25  }
0xa9: {  	s8 =	sshll.u32 s26, $0x1;
	_ =	strace $0x80000046;
	[dreg:$0x1] =	wrdreg $0xFFFFFFFF  }
0xaa: {  	s28 =	simm.s32 $_size_execute0_lowered;
	s6 =	sadd.s32 s6, s8;
	[dreg:$0x0] =	wrdreg $0x0  }
0xab: {  	s8 =	sshll.u32 s28, $0x1;
	[dreg:$0x2] =	wrdreg s6  }
0xac: {  	[dreg:$0x3] =	wrdreg s8  }
0xad: {  	[dreg:$0x4] =	wrdreg $0xC0  }
0xae: {  	_ =	task [dreg:s10], $0x5FFFF  }
0xaf: {  	[dreg:$0x1] =	wrdreg $0xFFFFFFFF  }
0xb0: {  	[dreg:$0x0] =	wrdreg $0x60  }
0xb1: {  	[dreg:$0x2] =	wrdreg s2  }
0xb2: {  	[dreg:$0x3] =	wrdreg s18  }
0xb3: {  	[dreg:$0x4] =	wrdreg s4  }
0xb4: {  	[dreg:$0x5] =	wrdreg s5  }
0xb5: {  	[dreg:$0x6] =	wrdreg s24  }
0xb6: {  	[dreg:$0x7] =	wrdreg $0x9  }
0xb7: {  	_ =	task.clear_ibuf [dreg:s10], $0x8FFFF;
	_ =	strace $0x90000046  }
0xb8: {  	s29 =	simm.s32 $0x9;
	_ =	strace $0x80000048  }
0xb9: {  	_ =	swait.ge [sflag:s29], $0x1  }
0xba: {  	[sflag:s29] =	ssyncadd.s32 $0xFFFFFFFF  }
0xbb: {  	_ =	strace $0x90000048  }
0xbc: {  	_ =	sfence  }
0xbd: {  	s30 =	sld [smem:$0x0];
	_ =	sdelay $0x2  }
0xbe: {  	s31 =	sshll.u32 s1, $0xD;
	s1 =	sshrl.u32 s1, $0x2  }
0xbf: {  	s3 =	sand.u32 $0x4000, s31;
	s1 =	sadd.s32 s1, s30  }
0xc0: {  	s0 =	sor.u32 s3, s0;
	s1 =	sshll.u32 s1, $0x11  }
0xc1: {  	s0 =	sor.u32 s1, s0  }
0xc2: {  	s0 =	sadd.s32 $0x8F2B, s0  }
0xc3: {  	[sflag:s0] =	ssyncadd.remote.s32 $0x1  }
0xc4: {  	_ =	sfence.sel $0xFFFF  }
0xc5: {  	[dreg:$0x0] =	wrdreg $0xFFFFFFFF;
	(pc) =	sbr.abs _section_cstart, $3  }
0xc6: {  	[dreg:$0x1] =	wrdreg $0xFFFFFFFF  }
0xc7: {  	_ =	task.clear_ibuf [dreg:s10], $0x2FFFF;
	_ =	strace $0x9FFFFFFF  }
0xc8: {  	(tm) =	ssettm $0x7FFFFFFF  }
0xc9: {  	_ =	shalt  }
tec
execute0_lowered:
.L_overlay_start_1:
0x0: {  	(tag) =	ssettag $0x1  }
0x1: {  	s0 =	rddreg [dreg:$0x0]  }
0x2: {  	s1 =	rddreg [dreg:$0x1]  }
0x3: {  	s3 =	rddreg [dreg:$0x2]  }
0x4: {  	s4 =	rddreg [dreg:$0x3]  }
0x5: {  	s7 =	rddreg [dreg:$0x4]  }
0x6: {  	v0 =	vimm.s32 $0xEFCDAB89;
	v1 =	vimm.s32 $0x67452301;
	s2 =	rddreg [dreg:$0x5];
	s8 =	srdreg.scid;
	v2 =	vimm.s32 $0xDCFE98BA  }
0x7: {  	s6 =	simm.s32 $0x0;
	s5 =	stileid.u32;
	v3 =	vimm.s32 $0x54761032;
	v4 =	vimm.s32 $0xBA98FEDC;
	v5 =	vimm.s32 $0xFEDCBA98;
	s12 =	simm.s32 $0x4  }
0x8: {  	v6 =	vimm.s32 $0x32107654;
	v7 =	vimm.s32 $0x76543210;
	s13 =	simm.s32 $0x80;
	s14 =	simm.s32 $0x100;
	s15 =	simm.s32 $0x180;
	v0 =	vunpack.c.l.s4.s8 v0  }
0x9: {  	s16 =	simm.s32 $0x4180;
	s17 =	simm.s32 $0x8180;
	s18 =	simm.s32 $0x1;
	v1 =	vunpack.c.l.s4.s8 v1;
	v2 =	vunpack.c.l.s4.s8 v2;
	v3 =	vunpack.c.l.s4.s8 v3  }
0xa: {  	s19 =	simm.s32 $0x2;
	s20 =	simm.s32 $0x3;
	s21 =	simm.s32 $0xC180;
	v5 =	vunpack.c.l.s4.s8 v5;
	v4 =	vunpack.c.l.s4.s8 v4;
	v6 =	vunpack.c.l.s4.s8 v6  }
0xb: {  	s22 =	simm.s32 $0x0;
	s8 =	sand.u32 $0x1, s8;
	[smem:$0x7FF] =	sst s6;
	v7 =	vunpack.c.l.s4.s8 v7;
	v0 =	vunpack.c.0.s8.s32 v0;
	v1 =	vunpack.c.0.s8.s32 v1  }
0xc: {  	s10 =	sshll.u32 s5, $0x1;
	s7 =	sadd.s32 $0x1C00, s7;
	s9 =	ssub.s32 $0x2, s8;
	v2 =	vunpack.c.0.s8.s32 v2;
	v3 =	vunpack.c.0.s8.s32 v3;
	v5 =	vunpack.c.0.s8.s32 v5  }
0xd: {  	_ =	strace $0x80000047;
	s8 =	sor.u32 s8, s10;
	s11 =	sshrl.u32 s9, $0x1;
	v4 =	vunpack.c.0.s8.s32 v4;
	v6 =	vunpack.c.0.s8.s32 v6;
	v7 =	vunpack.c.0.s8.s32 v7  }
0xe: {  	s10 =	ssub.s32 $0x9E3, s8;
	s8 =	sshll.u32 s8, $0x7;
	s11 =	ssub.s32 s9, s11;
	v0 =	vcombine.low v1, v0;
	v1 =	vcombine.low v3, v2;
	v3 =	vand.u32 $0xF, v5  }
0xf: {  	s9 =	sadd.s32 $0x10, s3;
	s10 =	sshrl.u32 s10, $0x5;
	s11 =	smax.u32 s11, $0x1;
	v2 =	vcombine.low v6, v4;
	v3 =	vcombine.low v3, v7  }
.LBB2_1:
0x10: {  	s23 =	simm.s32 $0x0  }
.LBB2_2:
0x11: {  	s24 =	sshll.u32 s23, $0xC  }
0x12: {  	s24 =	sor.u32 s8, s24  }
0x13: {  	s25 =	sshrl.u32 s24, $0x2  }
0x14: {  	s25 =	sand.u32 $0x1FFFFFE0, s25  }
0x15: {  	s28 =	simm.s32 $0x0;
	s26 =	sadd.s32 s3, s25  }
0x16: {  	[tilespmem:s28], [sflag:$0x4] =	stream.linear.gather [hbm4b:s26+s28], $0x80, $0x38;
	[tilespmem:$0x10180] =	vst v63  }
0x17: {  	_ =	swait.ge [sflag:s12], $0x80  }
0x18: {  	[sflag:s12] =	ssyncset.done $0x0  }
0x19: {  	s25 =	sadd.s32 s25, s9;
	[sflag:s12] =	ssyncadd.s32 $0xFFFFFF80  }
0x1a: {  	[tilespmem:s13], [sflag:$0x4] =	stream.linear.gather [hbm4b:s25+s28], $0x80, $0x38;
	[tilespmem:$0x10180] =	vst v63  }
0x1b: {  	_ =	swait.ge [sflag:s12], $0x80  }
0x1c: {  	s31 =	sshrl.u32 s24, $0x3;
	[sflag:s12] =	ssyncset.done $0x0  }
0x1d: {  	s25 =	sadd.s32 s4, s31;
	[sflag:s12] =	ssyncadd.s32 $0xFFFFFF80  }
0x1e: {  	[tilespmem:s14], [sflag:$0x4] =	stream.linear.gather [hbm4b:s25+s28], $0x80, $0x38;
	[tilespmem:$0x10180] =	vst v63  }
0x1f: {  	_ =	swait.ge [sflag:s12], $0x80  }
0x20: {  	[sflag:s12] =	ssyncset.done $0x0  }
0x21: {  	[sflag:s12] =	ssyncadd.s32 $0xFFFFFF80  }
0x22: {  	v4 =	vld [tilespmem:$0x100]  }
0x23: {  	v5 =	vld [tilespmem:$0x110]  }
0x24: {  	v6 =	vld [tilespmem:$0x120]  }
0x25: {  	v7 =	vld [tilespmem:$0x130]  }
0x26: {  	v8 =	vld [tilespmem:$0x140]  }
0x27: {  	v9 =	vld [tilespmem:$0x150];
	v4 =	vadd.s32 $0xFFFFFFFF, v4  }
0x28: {  	v10 =	vld [tilespmem:$0x160];
	v5 =	vadd.s32 $0xFFFFFFFF, v5;
	v4 =	vand.u32 $0x1F, v4  }
0x29: {  	[tilespmem:$0x100] =	vst v4;
	v4 =	vand.u32 $0x1F, v5;
	v5 =	vadd.s32 $0xFFFFFFFF, v6;
	v6 =	vld [tilespmem:$0x170]  }
0x2a: {  	[tilespmem:$0x110] =	vst v4;
	v4 =	vand.u32 $0x1F, v5;
	v5 =	vadd.s32 $0xFFFFFFFF, v7  }
0x2b: {  	[tilespmem:$0x120] =	vst v4;
	v4 =	vand.u32 $0x1F, v5;
	v5 =	vadd.s32 $0xFFFFFFFF, v8  }
0x2c: {  	[tilespmem:$0x130] =	vst v4;
	v4 =	vand.u32 $0x1F, v5;
	v5 =	vadd.s32 $0xFFFFFFFF, v9  }
0x2d: {  	[tilespmem:$0x140] =	vst v4;
	v4 =	vand.u32 $0x1F, v5;
	v5 =	vadd.s32 $0xFFFFFFFF, v10  }
0x2e: {  	[tilespmem:$0x150] =	vst v4;
	v4 =	vand.u32 $0x1F, v5;
	v5 =	vadd.s32 $0xFFFFFFFF, v6  }
0x2f: {  	[tilespmem:$0x160] =	vst v4;
	v4 =	vand.u32 $0x1F, v5  }
0x30: {  	[tilespmem:$0x170] =	vst v4  }
0x31: {  	[tilespmem:s15], [sflag:$0x1] =	stream.indirect.gather [hbm4b:s0+s13], $0x80, s28, s13, $0xb8;
	[tilespmem:$0x10180] =	vst v63  }
0x32: {  	_ = 	snop  }
0x33: {  	[tilespmem:s16], [sflag:$0x2] =	stream.indirect.gather [hbm4b:s0+s13], $0x80, s13, s13, $0xb8;
	[tilespmem:$0x10180] =	vst v63  }
0x34: {  	_ = 	snop  }
0x35: {  	[tilespmem:s17], [sflag:$0x3] =	stream.indirect.gather [hbm4b:s1+s13], $0x80, s14, s13, $0xb8;
	[tilespmem:$0x10180] =	vst v63  }
0x36: {  	_ =	swait.ge [sflag:s18], $0x4000  }
0x37: {  	[sflag:s18] =	ssyncset.done $0x0  }
0x38: {  	[sflag:s18] =	ssyncadd.s32 $0xFFFFC000  }
0x39: {  	_ =	swait.ge [sflag:s19], $0x4000  }
0x3a: {  	[sflag:s19] =	ssyncset.done $0x0  }
0x3b: {  	[sflag:s19] =	ssyncadd.s32 $0xFFFFC000  }
0x3c: {  	_ =	swait.ge [sflag:s20], $0x4000  }
0x3d: {  	[sflag:s20] =	ssyncset.done $0x0  }
0x3e: {  	s26 =	simm.s32 $0x0;
	[sflag:s20] =	ssyncadd.s32 $0xFFFFC000  }
0x3f: {  	v4 =	vld [tilespmem:s26+$0x81F0]  }
0x40: {  	v5 =	vld [tilespmem:s26+$0x81E0]  }
0x41: {  	v6 =	vld [tilespmem:s26+$0x81D0]  }
0x42: {  	v7 =	vld [tilespmem:s26+$0x81C0]  }
0x43: {  	v8 =	vld [tilespmem:s26+$0x81B0]  }
0x44: {  	v9 =	vld [tilespmem:s26+$0x81A0]  }
0x45: {  	v10 =	vld [tilespmem:s26+$0x180]  }
0x46: {  	v11 =	vld [tilespmem:s26+$0x8180]  }
0x47: {  	v12 =	vld [tilespmem:s26+$0x4180]  }
0x48: {  	v13 =	vld [tilespmem:s26+$0x8190]  }
0x49: {  	v14 =	vld [tilespmem:s26+$0x4190]  }
0x4a: {  	v15 =	vld [tilespmem:s26+$0x41A0]  }
0x4b: {  	v16 =	vld [tilespmem:s26+$0x190]  }
0x4c: {  	v17 =	vld [tilespmem:s26+$0x41B0];
	v11 =	vmul.f32 v12, v11  }
0x4d: {  	v12 =	vld [tilespmem:s26+$0x1A0]  }
0x4e: {  	v18 =	vld [tilespmem:s26+$0x41C0];
	v10 =	vmul.f32 v11, v10;
	v11 =	vmul.f32 v14, v13  }
0x4f: {  	v13 =	vld [tilespmem:s26+$0x1B0]  }
0x50: {  	v9 =	vmul.f32 v15, v9;
	v15 =	vld [tilespmem:s26+$0x1C0];
	v10 =	vadd.f32 $0.0e+00, v10;
	v11 =	vmul.f32 v11, v16  }
0x51: {  	v14 =	vld [tilespmem:s26+$0x41D0]  }
0x52: {  	v56 =	vld [tilespmem:s26+$0x41E0];
	v8 =	vmul.f32 v17, v8;
	v9 =	vmul.f32 v9, v12;
	v10 =	vadd.f32 v11, v10  }
0x53: {  	v11 =	vld [tilespmem:s26+$0x1D0]  }
0x54: {  	v7 =	vmul.f32 v18, v7;
	v12 =	vld [tilespmem:s26+$0x41F0];
	v8 =	vmul.f32 v8, v13;
	v9 =	vadd.f32 v9, v10  }
0x55: {  	s25 =	simm.s32 $0x80;
	v10 =	vld [tilespmem:s26+$0x1E0]  }
0x56: {  	v57 =	vld [tilespmem:s25+$0x4190];
	v7 =	vmul.f32 v7, v15;
	v6 =	vmul.f32 v14, v6;
	v8 =	vadd.f32 v8, v9  }
0x57: {  	v13 =	vld [tilespmem:s26+$0x1F0]  }
0x58: {  	v58 =	vld [tilespmem:s25+$0x41A0];
	v5 =	vmul.f32 v56, v5;
	v6 =	vmul.f32 v6, v11;
	v7 =	vadd.f32 v7, v8  }
0x59: {  	v19 =	vld [tilespmem:s25+$0x1A0]  }
0x5a: {  	v60 =	vld [tilespmem:s25+$0x1B0];
	v4 =	vmul.f32 v12, v4;
	v5 =	vmul.f32 v5, v10;
	v6 =	vadd.f32 v6, v7  }
0x5b: {  	v62 =	vld [tilespmem:s25+$0x1C0]  }
0x5c: {  	v14 =	vld [tilespmem:s25+$0x81E0];
	v4 =	vmul.f32 v4, v13;
	v5 =	vadd.f32 v5, v6  }
0x5d: {  	v12 =	vld [tilespmem:s25+$0x8180]  }
0x5e: {  	v13 =	vld [tilespmem:s25+$0x8190];
	v4 =	vadd.f32 v4, v5  }
0x5f: {  	v5 =	vld [tilespmem:s25+$0x4180]  }
0x60: {  	v10 =	vld [tilespmem:s25+$0x81A0];
	v15 =	vperm.xlane v4, v0  }
0x61: {  	v6 =	vld [tilespmem:s25+$0x180]  }
0x62: {  	v7 =	vld [tilespmem:s25+$0x81B0];
	v4 =	vadd.f32 v4, v15  }
0x63: {  	v15 =	vld [tilespmem:s25+$0x190]  }
0x64: {  	v5 =	vmul.f32 v5, v12;
	v12 =	vld [tilespmem:s25+$0x41B0];
	v59 =	vperm.xlane v4, v1  }
0x65: {  	v11 =	vld [tilespmem:s25+$0x81C0]  }
0x66: {  	v5 =	vmul.f32 v5, v6;
	v6 =	vmul.f32 v57, v13;
	v13 =	vld [tilespmem:s25+$0x41C0];
	v4 =	vadd.f32 v4, v59  }
0x67: {  	v8 =	vld [tilespmem:s25+$0x81D0];
	v10 =	vmul.f32 v58, v10  }
0x68: {  	v5 =	vadd.f32 $0.0e+00, v5;
	v6 =	vmul.f32 v6, v15;
	v15 =	vld [tilespmem:s25+$0x41D0];
	v61 =	vperm.xlane v4, v2  }
0x69: {  	v9 =	vld [tilespmem:s25+$0x81F0];
	v7 =	vmul.f32 v12, v7  }
0x6a: {  	v5 =	vadd.f32 v6, v5;
	v6 =	vmul.f32 v10, v19;
	v10 =	vld [tilespmem:s25+$0x41E0];
	v4 =	vadd.f32 v4, v61  }
0x6b: {  	v12 =	vld [tilespmem:s25+$0x1D0];
	v11 =	vmul.f32 v13, v11  }
0x6c: {  	v5 =	vadd.f32 v6, v5;
	v6 =	vmul.f32 v7, v60;
	v7 =	vld [tilespmem:s25+$0x41F0];
	v13 =	vperm.xlane v4, v3  }
0x6d: {  	v63 =	vld [tilespmem:s25+$0x1E0];
	v8 =	vmul.f32 v15, v8  }
0x6e: {  	s28 =	simm.s32 $0x100;
	v11 =	vmul.f32 v11, v62;
	v15 =	vld [tilespmem:s25+$0x1F0];
	v6 =	vadd.f32 v6, v5;
	v13 =	vadd.f32 v4, v13  }
0x6f: {  	v5 =	vld [tilespmem:s28+$0x81F0];
	v10 =	vmul.f32 v10, v14  }
0x70: {  	v4 =	vld [tilespmem:s28+$0x81E0];
	v8 =	vmul.f32 v8, v12;
	v11 =	vadd.f32 v11, v6;
	v12 =	vmax.f32 v13, $-7.500000000e+01  }
0x71: {  	v6 =	vld [tilespmem:s28+$0x81D0];
	v13 =	vmul.f32 v7, v9;
	v9 =	vmin.f32 v12, $7.500000000e+01  }
0x72: {  	v7 =	vld [tilespmem:s28+$0x81C0];
	v10 =	vmul.f32 v10, v63;
	v11 =	vadd.f32 v8, v11;
	v12 =	vmul.f32 $1.442695020e+00, v9  }
0x73: {  	v8 =	vld [tilespmem:s28+$0x81B0]  }
0x74: {  	v9 =	vld [tilespmem:s28+$0x81A0];
	v13 =	vmul.f32 v13, v15;
	v10 =	vadd.f32 v10, v11;
	(erf) = vpow2.f32 v12  }
0x75: {  	v11 =	vld [tilespmem:s28+$0x180]  }
0x76: {  	s29 =	simm.s32 $0x600;
	v12 =	vld [tilespmem:s28+$0x8180];
	v10 =	vadd.f32 v13, v10  }
.LBB2_3:
0x77: {  	p0 =	sne.s32 s29, $0xFE00;
	v13 =	vld [tilespmem:s28+$0x4180]  }
0x78: {  	v14 =	vld [tilespmem:s28+$0x8190];
	v15 =	vperm.xlane v10, v0  }
0x79: {  	v16 =	vld [tilespmem:s28+$0x4190]  }
0x7a: {  	v17 =	vld [tilespmem:s28+$0x41A0];
	v10 =	vadd.f32 v10, v15  }
0x7b: {  	v15 =	vld [tilespmem:s28+$0x190]  }
0x7c: {  	v12 =	vmul.f32 v13, v12;
	v13 =	vld [tilespmem:s28+$0x41B0];
	v18 =	vperm.xlane v10, v1  }
0x7d: {  	v19 =	vld [tilespmem:s28+$0x1A0];
	v20 =	vpop (erf)  }
0x7e: {  	v11 =	vmul.f32 v12, v11;
	v12 =	vmul.f32 v16, v14;
	v14 =	vld [tilespmem:s28+$0x41C0];
	v10 =	vadd.f32 v10, v18;
	[tilespmem:s26+$0xC180] =	vst v20;
	s26 =	smov.u32 s25;
	s25 =	smov.u32 s28  }
0x7f: {  	v9 =	vmul.f32 v17, v9;
	v16 =	vld [tilespmem:s25+$0x1B0]  }
0x80: {  	v11 =	vadd.f32 $0.0e+00, v11;
	v12 =	vmul.f32 v12, v15;
	v15 =	vld [tilespmem:s25+$0x41D0];
	v17 =	vperm.xlane v10, v2  }
0x81: {  	v8 =	vmul.f32 v13, v8;
	v13 =	vld [tilespmem:s25+$0x1C0]  }
0x82: {  	v11 =	vadd.f32 v12, v11;
	v9 =	vmul.f32 v9, v19;
	v12 =	vld [tilespmem:s25+$0x41E0];
	v10 =	vadd.f32 v10, v17  }
0x83: {  	v7 =	vmul.f32 v14, v7;
	v14 =	vld [tilespmem:s25+$0x1D0]  }
0x84: {  	v9 =	vadd.f32 v9, v11;
	v8 =	vmul.f32 v8, v16;
	v11 =	vld [tilespmem:s25+$0x41F0];
	v16 =	vperm.xlane v10, v3  }
0x85: {  	v6 =	vmul.f32 v15, v6;
	v15 =	vld [tilespmem:s25+$0x1E0]  }
0x86: {  	s28 =	sshra.s32 s29, $0x2;
	v8 =	vadd.f32 v8, v9;
	v7 =	vmul.f32 v7, v13;
	v13 =	vld [tilespmem:s25+$0x1F0];
	v9 =	vadd.f32 v10, v16  }
0x87: {  	v10 =	vld [tilespmem:s28+$0x81F0];
	v12 =	vmul.f32 v12, v4  }
0x88: {  	v4 =	vld [tilespmem:s28+$0x81E0];
	v8 =	vadd.f32 v7, v8;
	v14 =	vmul.f32 v6, v14;
	v7 =	vmax.f32 v9, $-7.500000000e+01  }
0x89: {  	v6 =	vld [tilespmem:s28+$0x81D0];
	v16 =	vmul.f32 v11, v5;
	v9 =	vmin.f32 v7, $7.500000000e+01  }
.Ltmp0:
0x8a: {  	v7 =	vld [tilespmem:s28+$0x81C0];
	v11 =	vadd.f32 v14, v8;
	v12 =	vmul.f32 v12, v15;
	v14 =	vmul.f32 $1.442695020e+00, v9;
	(pc) =	sbr.rel @p0 .LBB2_3-.Ltmp0, $4  }
0x8b: {  	v8 =	vld [tilespmem:s28+$0x81B0]  }
0x8c: {  	v13 =	vmul.f32 v16, v13;
	v9 =	vld [tilespmem:s28+$0x81A0];
	v15 =	vadd.f32 v12, v11;
	(erf) = vpow2.f32 v14;
	v5 =	vmovc v10  }
0x8d: {  	v11 =	vld [tilespmem:s28+$0x180]  }
0x8e: {  	s29 =	sadd.s32 $0x200, s29;
	v12 =	vld [tilespmem:s28+$0x8180];
	v10 =	vadd.f32 v13, v15  }
0x8f: {  	v13 =	vld [tilespmem:s28+$0x4180]  }
0x90: {  	v14 =	vld [tilespmem:s28+$0x8190]  }
0x91: {  	v15 =	vld [tilespmem:s28+$0x4190]  }
0x92: {  	v16 =	vld [tilespmem:s28+$0x41A0]  }
0x93: {  	v17 =	vld [tilespmem:s28+$0x190]  }
0x94: {  	v18 =	vld [tilespmem:s28+$0x41B0];
	v12 =	vmul.f32 v13, v12  }
0x95: {  	v51 =	vld [tilespmem:s28+$0x1A0];
	v19 =	vpop (erf)  }
0x96: {  	v20 =	vld [tilespmem:s28+$0x41C0];
	v52 =	vmul.f32 v15, v14;
	v11 =	vmul.f32 v12, v11;
	[tilespmem:s26+$0xC180] =	vst v19  }
0x97: {  	v53 =	vld [tilespmem:s28+$0x1B0]  }
0x98: {  	v9 =	vmul.f32 v16, v9;
	v12 =	vmul.f32 v52, v17;
	v54 =	vld [tilespmem:s28+$0x41D0];
	v11 =	vadd.f32 $0.0e+00, v11  }
0x99: {  	v55 =	vld [tilespmem:s28+$0x1C0]  }
0x9a: {  	v8 =	vmul.f32 v18, v8;
	v9 =	vmul.f32 v9, v51;
	v56 =	vld [tilespmem:s28+$0x41E0];
	v11 =	vadd.f32 v12, v11  }
0x9b: {  	v57 =	vld [tilespmem:s28+$0x1D0]  }
0x9c: {  	v7 =	vmul.f32 v20, v7;
	v58 =	vld [tilespmem:s28+$0x41F0];
	v9 =	vadd.f32 v9, v11;
	v8 =	vmul.f32 v8, v53  }
0x9d: {  	v59 =	vld [tilespmem:s28+$0x1E0]  }
0x9e: {  	v6 =	vmul.f32 v54, v6;
	v7 =	vmul.f32 v7, v55;
	v8 =	vadd.f32 v8, v9  }
0x9f: {  	v60 =	vld [tilespmem:s28+$0x1F0]  }
0xa0: {  	v4 =	vmul.f32 v56, v4;
	v6 =	vmul.f32 v6, v57;
	v7 =	vadd.f32 v7, v8;
	_ =	sdelay $0x1  }
0xa1: {  	v5 =	vmul.f32 v58, v5;
	v4 =	vmul.f32 v4, v59;
	v6 =	vadd.f32 v6, v7;
	_ =	sdelay $0x1  }
0xa2: {  	v5 =	vmul.f32 v5, v60;
	v4 =	vadd.f32 v4, v6;
	_ =	sdelay $0x1  }
0xa3: {  	v4 =	vadd.f32 v5, v4  }
0xa4: {  	v5 =	vperm.xlane v10, v0  }
0xa5: {  	v61 =	vperm.xlane v4, v0  }
0xa6: {  	v5 =	vadd.f32 v10, v5  }
0xa7: {  	v4 =	vadd.f32 v4, v61  }
0xa8: {  	v62 =	vperm.xlane v5, v1  }
0xa9: {  	v63 =	vperm.xlane v4, v1  }
0xaa: {  	v5 =	vadd.f32 v5, v62  }
0xab: {  	v4 =	vadd.f32 v4, v63  }
0xac: {  	v6 =	vperm.xlane v5, v2  }
0xad: {  	v7 =	vperm.xlane v4, v2  }
0xae: {  	v5 =	vadd.f32 v5, v6  }
0xaf: {  	v4 =	vadd.f32 v4, v7  }
0xb0: {  	v6 =	vperm.xlane v5, v3  }
0xb1: {  	v7 =	vperm.xlane v4, v3  }
0xb2: {  	v5 =	vadd.f32 v5, v6  }
0xb3: {  	v4 =	vadd.f32 v4, v7  }
0xb4: {  	v5 =	vmax.f32 v5, $-7.500000000e+01  }
0xb5: {  	v5 =	vmin.f32 v5, $7.500000000e+01;
	v4 =	vmax.f32 v4, $-7.500000000e+01  }
0xb6: {  	v5 =	vmul.f32 $1.442695020e+00, v5;
	v4 =	vmin.f32 v4, $7.500000000e+01  }
0xb7: {  	v4 =	vmul.f32 $1.442695020e+00, v4  }
0xb8: {  	(erf) = vpow2.f32 v5  }
0xb9: {  	(erf) = vpow2.f32 v4;
	_ =	sdelay $0x7  }
0xba: {  	s23 =	sadd.s32 $0x1, s23;
	v4 =	vpop (erf)  }
0xbb: {  	s24 =	sshll.u32 s24, $0x4;
	p0 =	sne.s32 s23, s10;
	[tilespmem:s25+$0xC180] =	vst v4;
	v4 =	vpop (erf)  }
.Ltmp1:
0xbc: {  	s24 =	sadd.s32 s7, s24;
	[tilespmem:s28+$0xC180] =	vst v4;
	(pc) =	sbr.rel @p0 .LBB2_2-.Ltmp1, $4  }
0xbd: {  	[hbm4b:s24+s6] =	stream.linear.scatter [tilespmem:s21], [sflag:$0x4], $0x4000, $0x38;
	[tilespmem:$0x10180] =	vst v63  }
0xbe: {  	_ =	swait.ge [sflag:s12], $0x4000  }
0xbf: {  	[sflag:s12] =	ssyncset.done $0x0  }
0xc0: {  	[sflag:s12] =	ssyncadd.s32 $0xFFFFC000  }
0xc1: {  	s22 =	sadd.s32 $0x1, s22  }
0xc2: {  	p0 =	sne.s32 s22, s11  }
.Ltmp2:
0xc3: {  	_ = 	snop;
	(pc) =	sbr.rel @p0 .LBB2_1-.Ltmp2, $1  }
0xc4: {  	_ =	sdelay $0x3  }
0xc5: {  	_ =	sfence.sel $0x180000  }
0xc6: {  	[bflag:$0x0] =	sbarrier.arrive $0xFFFF  }
0xc7: {  	p0 =	sne.s32 s5, $0x0;
	_ =	strace $0x90000047  }
0xc8: {  	s0 =	sadd.s32 @!p0 $0x100000, s2;
	[bflag:$0x2] =	sbarrier.arrive $0xFFFF  }
0xc9: {  	[sflag:s0] =	ssyncadd.tile.s32 @!p0 $0x1;
	_ =	shalt  }
.Lfunc_end2:
_tile_overlayer_lowered:
.L_overlay_start_2:
0xca: {  	(tag) =	ssettag $0x2  }
0xcb: {  	s0 =	rddreg [dreg:$0x0];
	s2 =	stileid.u32  }
0xcc: {  	s1 =	rddreg [dreg:$0x1];
	p0 =	sne.s32 s2, $0x0  }
0xcd: {  	s3 =	rddreg [dreg:$0x2];
	[bflag:$0x3] =	sbarrier.arrive $0xFFFF;
	s2 =	simm.s32 @!p0 $0x1C04  }
0xce: {  	[timem:s3], [sflag:s2] =	dma.local @!p0 [hbm:s0], s1  }
0xcf: {  	s0 =	simm.s32 @!p0 $0x4  }
0xd0: {  	_ =	swait.ge @!p0 [sflag:s0], s1  }
0xd1: {  	s1 =	ssub.s32 @!p0 $0x0, s1;
	[sflag:s0] =	ssyncset.done @!p0 $0x0  }
0xd2: {  	[sflag:s0] =	ssyncadd.s32 @!p0 s1  }
0xd3: {  	[bflag:$0x3] =	sbarrier.arrive $0xFFFF  }
0xd4: {  	_ =	shalt  }

</sc_bundles>
